<compile_context>
chip_gen: v7x
topology: tpu7x:2x2x1
jax: 0.10.2.dev20260603
libtpu: 0.0.44.dev20260713+nightly
codegen_flags: <defaults>
</compile_context>

<pallas_src>
import functools
import math

import jax
import jax.numpy as jnp
from jax import lax
from jax.experimental import pallas as pl
from jax.experimental.pallas import tpu as pltpu
from jax.experimental.pallas import tpu_sc as plsc

N = 10000
IN_DIM = 128
H = 64
NCLS = 6
NG = 16
EPS = 1e-5

SC_CORES = 2
SC_TILES = 16
NW = SC_CORES * SC_TILES
CL = 128
E = 320000
NBUF = 8
NCH = -(-(-(-(E // NW) // CL)) // NBUF) * NBUF
NT = NCH // NBUF
EP = NW * NCH * CL
NP = 10240
RP = NP // SC_TILES
DEGW = 16

BR = 1024
GRID = NP // BR

_INV_BN = 1.0 / math.sqrt(1.0 + EPS)


def _sc_mesh():
    return plsc.VectorSubcoreMesh(
        core_axis_name="c", subcore_axis_name="s",
        num_cores=SC_CORES, num_subcores=SC_TILES)


def _deg_call(dstp, ones_h, zeros_h):
    @functools.partial(
        pl.kernel,
        out_type=jax.ShapeDtypeStruct((SC_CORES, NP, DEGW), jnp.float32),
        mesh=_sc_mesh(),
        scratch_types=[
            pltpu.VMEM((NCH, CL), jnp.int32),
            pltpu.VMEM((CL, DEGW), jnp.float32),
            pltpu.VMEM_SHARED((NP, DEGW), jnp.float32),
        ],
        compiler_params=pltpu.CompilerParams(use_tc_tiling_on_sc=False),
    )
    def k(dst_hbm, ones_hbm, zeros_hbm, out_hbm, didx, ones_v, acc):
        c = lax.axis_index("c")
        s = lax.axis_index("s")
        wid = c * SC_TILES + s
        for b in range(NBUF):
            pltpu.sync_copy(dst_hbm.at[b, wid], didx.at[pl.ds(b * NT, NT)])
        pltpu.sync_copy(ones_hbm, ones_v)
        pltpu.sync_copy(zeros_hbm, acc.at[pl.ds(s * RP, RP)])
        plsc.subcore_barrier()

        def step(j, carry):
            pltpu.sync_copy(ones_v, acc.at[didx.at[j]], add=True)
            return carry
        lax.fori_loop(0, NCH, step, 0)
        plsc.subcore_barrier()
        pltpu.sync_copy(acc.at[pl.ds(s * RP, RP)],
                        out_hbm.at[c, pl.ds(s * RP, RP)])

    return k(dstp, ones_h, zeros_h)


def _scatter_call(hp, srcp, dstp, zeros_h):
    @functools.partial(
        pl.kernel,
        out_type=jax.ShapeDtypeStruct((SC_CORES, NP, H), jnp.float32),
        mesh=_sc_mesh(),
        scratch_types=(
            [pltpu.VMEM((NT, CL), jnp.int32) for _ in range(2 * NBUF)]
            + [pltpu.VMEM((CL, H), jnp.float32) for _ in range(NBUF)]
            + [pltpu.VMEM_SHARED((NP, H), jnp.float32),
               pltpu.SemaphoreType.DMA]
        ),
        compiler_params=pltpu.CompilerParams(use_tc_tiling_on_sc=False),
    )
    def k(hp_hbm, src_hbm, dst_hbm, zeros_hbm, out_hbm, *rest):
        sidx = rest[:NBUF]
        didx = rest[NBUF:2 * NBUF]
        rows = rest[2 * NBUF:3 * NBUF]
        acc = rest[3 * NBUF]
        sem = rest[3 * NBUF + 1]
        c = lax.axis_index("c")
        s = lax.axis_index("s")
        wid = c * SC_TILES + s
        for b in range(NBUF):
            pltpu.sync_copy(src_hbm.at[b, wid], sidx[b])
            pltpu.sync_copy(dst_hbm.at[b, wid], didx[b])
        pltpu.sync_copy(zeros_hbm, acc.at[pl.ds(s * RP, RP)])
        plsc.subcore_barrier()

        def outer(t, carry):
            hs = [pltpu.async_copy(
                hp_hbm.at[sidx[b].at[t]], rows[b], sem)
                for b in range(NBUF)]
            for b in range(NBUF):
                hs[b].wait()
            for b in range(NBUF):
                pltpu.sync_copy(rows[b], acc.at[didx[b].at[t]], add=True)
            return carry
        lax.fori_loop(0, NT, outer, 0)
        plsc.subcore_barrier()
        pltpu.sync_copy(acc.at[pl.ds(s * RP, RP)],
                        out_hbm.at[c, pl.ds(s * RP, RP)])

    return k(hp, srcp, dstp, zeros_h)


def _lead_call(xp, deg0, deg1, W0, b0, Wc0):
    def body(x_ref, d0_ref, d1_ref, w0_ref, b0_ref, wc_ref, hp_ref, dinv_ref):
        dinv = lax.rsqrt(d0_ref[...] + d1_ref[...] + 1.0)
        h = jnp.dot(x_ref[...], w0_ref[...], preferred_element_type=jnp.float32)
        h = jnp.maximum(h + b0_ref[...], 0.0)
        hp = jnp.dot(h, wc_ref[...], preferred_element_type=jnp.float32)
        hp_ref[...] = hp * dinv
        dinv_ref[...] = dinv

    return pl.pallas_call(
        body,
        grid=(GRID,),
        in_specs=[
            pl.BlockSpec((BR, IN_DIM), lambda i: (i, 0)),
            pl.BlockSpec((BR, 1), lambda i: (i, 0)),
            pl.BlockSpec((BR, 1), lambda i: (i, 0)),
            pl.BlockSpec((IN_DIM, H), lambda i: (0, 0)),
            pl.BlockSpec((1, H), lambda i: (0, 0)),
            pl.BlockSpec((H, H), lambda i: (0, 0)),
        ],
        out_specs=[
            pl.BlockSpec((BR, H), lambda i: (i, 0)),
            pl.BlockSpec((BR, 1), lambda i: (i, 0)),
        ],
        out_shape=[
            jax.ShapeDtypeStruct((NP, H), jnp.float32),
            jax.ShapeDtypeStruct((NP, 1), jnp.float32),
        ],
    )(xp, deg0, deg1, W0, b0, Wc0)


def _mid_call(acc0, acc1, hp, dinv, g, be, bc, Wc):
    def body(a0, a1, hp_ref, dv, g_ref, be_ref, bc_ref, wc_ref, out_ref):
        alpha = g_ref[...] * _INV_BN
        beta = bc_ref[...] * alpha + be_ref[...]
        dinv = dv[...]
        h = (a0[...] + a1[...] + hp_ref[...]) * dinv * alpha + beta
        h = jnp.maximum(h, 0.0)
        out_ref[...] = jnp.dot(
            h, wc_ref[...], preferred_element_type=jnp.float32) * dinv

    return pl.pallas_call(
        body,
        grid=(GRID,),
        in_specs=[
            pl.BlockSpec((BR, H), lambda i: (i, 0)),
            pl.BlockSpec((BR, H), lambda i: (i, 0)),
            pl.BlockSpec((BR, H), lambda i: (i, 0)),
            pl.BlockSpec((BR, 1), lambda i: (i, 0)),
            pl.BlockSpec((1, H), lambda i: (0, 0)),
            pl.BlockSpec((1, H), lambda i: (0, 0)),
            pl.BlockSpec((1, H), lambda i: (0, 0)),
            pl.BlockSpec((H, H), lambda i: (0, 0)),
        ],
        out_specs=pl.BlockSpec((BR, H), lambda i: (i, 0)),
        out_shape=jax.ShapeDtypeStruct((NP, H), jnp.float32),
    )(acc0, acc1, hp, dinv, g, be, bc, Wc)


def _final_call(acc0, acc1, hp, dinv, g, be, bc, batchp, W1, b1, W2, b2):
    def body(a0, a1, hp_ref, dv, g_ref, be_ref, bc_ref, b_ref,
             w1_ref, b1_ref, w2_ref, b2_ref, out_ref, sums, cnts):
        i = pl.program_id(0)

        @pl.when(i == 0)
        def _init():
            sums[...] = jnp.zeros_like(sums)
            cnts[...] = jnp.zeros_like(cnts)

        alpha = g_ref[...] * _INV_BN
        beta = bc_ref[...] * alpha + be_ref[...]
        dinv = dv[...]
        h = (a0[...] + a1[...] + hp_ref[...]) * dinv * alpha + beta
        h = jnp.maximum(h, 0.0)
        ids = lax.broadcasted_iota(jnp.int32, (BR, NG), 1)
        oh = (ids == b_ref[...]).astype(jnp.float32)
        sums[...] += lax.dot_general(
            oh, h, (((0,), (0,)), ((), ())), preferred_element_type=jnp.float32)
        cnts[...] += lax.dot_general(
            oh, jnp.ones((BR, 1), jnp.float32), (((0,), (0,)), ((), ())),
            preferred_element_type=jnp.float32)

        @pl.when(i == GRID - 1)
        def _fin():
            pooled = sums[...] / jnp.maximum(cnts[...], 1.0)
            z = jnp.dot(pooled, w1_ref[...], preferred_element_type=jnp.float32)
            z = jnp.maximum(z + b1_ref[...], 0.0)
            out_ref[...] = jnp.dot(
                z, w2_ref[...], preferred_element_type=jnp.float32) + b2_ref[...]

    return pl.pallas_call(
        body,
        grid=(GRID,),
        in_specs=[
            pl.BlockSpec((BR, H), lambda i: (i, 0)),
            pl.BlockSpec((BR, H), lambda i: (i, 0)),
            pl.BlockSpec((BR, H), lambda i: (i, 0)),
            pl.BlockSpec((BR, 1), lambda i: (i, 0)),
            pl.BlockSpec((1, H), lambda i: (0, 0)),
            pl.BlockSpec((1, H), lambda i: (0, 0)),
            pl.BlockSpec((1, H), lambda i: (0, 0)),
            pl.BlockSpec((BR, 1), lambda i: (i, 0)),
            pl.BlockSpec((H, H // 2), lambda i: (0, 0)),
            pl.BlockSpec((1, H // 2), lambda i: (0, 0)),
            pl.BlockSpec((H // 2, NCLS), lambda i: (0, 0)),
            pl.BlockSpec((1, NCLS), lambda i: (0, 0)),
        ],
        out_specs=pl.BlockSpec((NG, NCLS), lambda i: (0, 0)),
        out_shape=jax.ShapeDtypeStruct((NG, NCLS), jnp.float32),
        scratch_shapes=[
            pltpu.VMEM((NG, H), jnp.float32),
            pltpu.VMEM((NG, 1), jnp.float32),
        ],
    )(acc0, acc1, hp, dinv, g, be, bc, batchp, W1, b1, W2, b2)


def kernel(x, edge_index, batch, W0, b0, Wc0, bc0, Wc1, bc1, Wc2, bc2,
           g0, be0, g1, be1, g2, be2, W1, b1, W2, b2):
    f32 = jnp.float32
    xp = jnp.zeros((NP, IN_DIM), f32).at[:N].set(x)
    src = edge_index[0]
    dst = edge_index[1]
    pad = (N + (jnp.arange(EP - E, dtype=jnp.int32) % (NP - N))).astype(jnp.int32)
    srcp = jnp.concatenate([src, pad]).reshape(NW, NT, NBUF, CL).transpose(2, 0, 1, 3)
    dstp = jnp.concatenate([dst, pad]).reshape(NW, NT, NBUF, CL).transpose(2, 0, 1, 3)
    batchp = jnp.concatenate(
        [batch, jnp.full((NP - N,), NG, jnp.int32)]).reshape(NP, 1)

    ones_h = jnp.ones((CL, DEGW), f32)
    zerosd_h = jnp.zeros((RP, DEGW), f32)
    zeros_h = jnp.zeros((RP, H), f32)

    deg2 = _deg_call(dstp, ones_h, zerosd_h)
    deg0 = deg2[0, :, 0:1]
    deg1 = deg2[1, :, 0:1]

    hp0, dinv = _lead_call(xp, deg0, deg1, W0, b0.reshape(1, H), Wc0)
    accA = _scatter_call(hp0, srcp, dstp, zeros_h)
    hp1 = _mid_call(accA[0], accA[1], hp0, dinv,
                    g0.reshape(1, H), be0.reshape(1, H), bc0.reshape(1, H), Wc1)
    accB = _scatter_call(hp1, srcp, dstp, zeros_h)
    hp2 = _mid_call(accB[0], accB[1], hp1, dinv,
                    g1.reshape(1, H), be1.reshape(1, H), bc1.reshape(1, H), Wc2)
    accC = _scatter_call(hp2, srcp, dstp, zeros_h)
    out = _final_call(accC[0], accC[1], hp2, dinv,
                      g2.reshape(1, H), be2.reshape(1, H), bc2.reshape(1, H),
                      batchp, W1, b1.reshape(1, H // 2), W2, b2.reshape(1, NCLS))
    return out

# --- scband reference (transcript-rebuilt; emitter-appended) ---
"""Pipeline reference for scband-my-gnn-43654047596744 (READ-ONLY COPY).

The authoritative reference and input builder live on the scoring server;
editing this copy changes nothing except your own understanding.
"""

import jax, jax.numpy as jnp
import numpy as np

N = 10000
E = 320000
IN_DIM = 128
H = 64
NC = 6
NG = 16
EPS = 1e-5


def _gcn_conv(x, src, dst, W, b):
    n = x.shape[0]
    h = x @ W
    loop = jnp.arange(n, dtype=src.dtype)
    s = jnp.concatenate([src, loop])
    d = jnp.concatenate([dst, loop])
    deg = jnp.zeros((n,), dtype=h.dtype).at[d].add(1.0)
    dinv = jnp.where(deg > 0, 1.0 / jnp.sqrt(deg), 0.0)
    norm = dinv[s] * dinv[d]
    msg = h[s] * norm[:, None]
    out = jnp.zeros_like(h).at[d].add(msg)
    return out + b


def _bn_eval(h, g, b):
    # BatchNorm1d in eval mode with default running stats (mean=0, var=1)
    return h / jnp.sqrt(1.0 + EPS) * g + b


def setup_inputs(seed: int = 0) -> dict:
    key = jax.random.key(seed)
    ks = jax.random.split(key, 12)
    x = jax.random.normal(ks[0], (N, IN_DIM), dtype=jnp.float32)
    edge_index = jax.random.randint(ks[1], (2, E), 0, N, dtype=jnp.int32)
    batch = jnp.sort(jax.random.randint(ks[2], (N,), 0, NG, dtype=jnp.int32))
    def w(k, shape):
        return jax.random.normal(k, shape, dtype=jnp.float32) * 0.05
    return {
        "x": x, "edge_index": edge_index, "batch": batch,
        "W0": w(ks[3], (IN_DIM, H)), "b0": jnp.zeros((H,), jnp.float32),
        "Wc0": w(ks[4], (H, H)), "bc0": jnp.zeros((H,), jnp.float32),
        "Wc1": w(ks[5], (H, H)), "bc1": jnp.zeros((H,), jnp.float32),
        "Wc2": w(ks[6], (H, H)), "bc2": jnp.zeros((H,), jnp.float32),
        "g0": jnp.ones((H,), jnp.float32), "be0": jnp.zeros((H,), jnp.float32),
        "g1": jnp.ones((H,), jnp.float32), "be1": jnp.zeros((H,), jnp.float32),
        "g2": jnp.ones((H,), jnp.float32), "be2": jnp.zeros((H,), jnp.float32),
        "W1": w(ks[7], (H, H // 2)), "b1": jnp.zeros((H // 2,), jnp.float32),
        "W2": w(ks[8], (H // 2, NC)), "b2": jnp.zeros((NC,), jnp.float32),
    }


def reference(x, edge_index, batch, W0, b0, Wc0, bc0, Wc1, bc1, Wc2, bc2,
              g0, be0, g1, be1, g2, be2, W1, b1, W2, b2):
    src, dst = edge_index[0], edge_index[1]
    h = jax.nn.relu(x @ W0 + b0)  # dropout is identity in eval mode
    for (Wc, bc, g, be) in ((Wc0, bc0, g0, be0), (Wc1, bc1, g1, be1), (Wc2, bc2, g2, be2)):
        h = _gcn_conv(h, src, dst, Wc, bc)
        h = _bn_eval(h, g, be)
        h = jax.nn.relu(h)
    sums = jax.ops.segment_sum(h, batch, num_segments=NG)
    counts = jax.ops.segment_sum(jnp.ones((h.shape[0],), dtype=h.dtype), batch, num_segments=NG)
    pooled = sums / jnp.maximum(counts, 1.0)[:, None]
    z = jax.nn.relu(pooled @ W1 + b1)
    out = z @ W2 + b2
    return out

if __name__ == "__main__":
    import jax
    _d = setup_inputs()
    print(jax.jit(kernel)(*tuple(_d.values())))

</pallas_src>

<mosaic_0001>
#map = affine_map<(d0, d1) -> (0, 0, 0, 0)>
#map1 = affine_map<(d0, d1) -> (0, 0)>
#map2 = affine_map<(d0, d1) -> (0, 0, 0)>
module attributes {stable_mosaic.version = 14 : i64} {
  func.func @k(%arg0: i32, %arg1: i32, %arg2: memref<8x32x10x128xi32, #tpu.memory_space<hbm>>, %arg3: memref<128x16xf32, #tpu.memory_space<hbm>>, %arg4: memref<640x16xf32, #tpu.memory_space<hbm>>, %arg5: memref<2x10240x16xf32, #tpu.memory_space<hbm>>, %arg6: memref<80x128xi32, #tpu.memory_space<vmem>>, %arg7: memref<128x16xf32, #tpu.memory_space<vmem>>, %arg8: memref<10240x16xf32, #tpu.memory_space<vmem_shared>>) attributes {dimension_semantics = [#tpu.dimension_semantics<core_parallel>, #tpu.dimension_semantics<subcore_parallel>], iteration_bounds = array<i64: 2, 16>, scalar_prefetch = 0 : i64, scratch_operands = 3 : i64, tpu.core_type = #tpu.core_type<sc_vector_subcore>, window_params = [{transform_indices = #map}, {transform_indices = #map1}, {transform_indices = #map1}, {transform_indices = #map2}]} {
    %mul3A = arith.constant 16 : i32
    %mul3A_0 = arith.muli %arg0, %mul3A : i32
    %add3A = arith.addi %mul3A_0, %arg1 : i32
    %run_scoped3A = arith.constant 0 : i32
    "tpu.region"() ({
      %run_scoped3A_20 = tpu.sem_alloc : memref<!tpu.dma_semaphore, #tpu.memory_space<semaphore_mem>>
      %dma_start3A = arith.constant 0 : i32
      %dma_start3A_21 = arith.constant 0 : i32
      %dma_start3A_22 = tpu.memref_slice %arg6[%dma_start3A, %dma_start3A_21] : memref<80x128xi32, #tpu.memory_space<vmem>> -> memref<10x128xi32, #tpu.memory_space<vmem>>
      %dma_start3A_23 = arith.constant 0 : i32
      %dma_start3A_24 = arith.constant 0 : i32
      %dma_start3A_25 = tpu.memref_slice %arg2[%run_scoped3A, %add3A, %dma_start3A_23, %dma_start3A_24] : memref<8x32x10x128xi32, #tpu.memory_space<hbm>> -> memref<1x1x10x128xi32, #tpu.memory_space<hbm>>
      %dma_start3A_26 = tpu.memref_squeeze %dma_start3A_25 : memref<1x1x10x128xi32, #tpu.memory_space<hbm>> -> memref<10x128xi32, #tpu.memory_space<hbm>>
      %dma_start3A_27 = arith.constant 0 : i32
      %dma_start3A_28 = arith.constant 0 : i32
      %dma_start3A_29 = tpu.memref_slice %arg6[%dma_start3A_27, %dma_start3A_28] : memref<80x128xi32, #tpu.memory_space<vmem>> -> memref<10x128xi32, #tpu.memory_space<vmem>>
      %dma_start3A_30 = arith.constant 0 : i32
      %dma_start3A_31 = arith.constant 0 : i32
      %dma_start3A_32 = tpu.memref_slice %arg2[%run_scoped3A, %add3A, %dma_start3A_30, %dma_start3A_31] : memref<8x32x10x128xi32, #tpu.memory_space<hbm>> -> memref<1x1x10x128xi32, #tpu.memory_space<hbm>>
      %dma_start3A_33 = tpu.memref_squeeze %dma_start3A_32 : memref<1x1x10x128xi32, #tpu.memory_space<hbm>> -> memref<10x128xi32, #tpu.memory_space<hbm>>
      tpu.enqueue_dma source(%dma_start3A_33 : memref<10x128xi32, #tpu.memory_space<hbm>>) target(%dma_start3A_29 : memref<10x128xi32, #tpu.memory_space<vmem>>) target_semaphore(%run_scoped3A_20 : memref<!tpu.dma_semaphore, #tpu.memory_space<semaphore_mem>>)
      %dma_wait3A = arith.constant 0 : i32
      %dma_wait3A_34 = arith.constant 0 : i32
      %dma_wait3A_35 = tpu.memref_slice %arg6[%dma_wait3A, %dma_wait3A_34] : memref<80x128xi32, #tpu.memory_space<vmem>> -> memref<10x128xi32, #tpu.memory_space<vmem>>
      %dma_wait3A_36 = arith.constant 0 : i32
      %dma_wait3A_37 = arith.constant 0 : i32
      %dma_wait3A_38 = tpu.memref_slice %arg2[%run_scoped3A, %add3A, %dma_wait3A_36, %dma_wait3A_37] : memref<8x32x10x128xi32, #tpu.memory_space<hbm>> -> memref<1x1x10x128xi32, #tpu.memory_space<hbm>>
      %dma_wait3A_39 = tpu.memref_squeeze %dma_wait3A_38 : memref<1x1x10x128xi32, #tpu.memory_space<hbm>> -> memref<10x128xi32, #tpu.memory_space<hbm>>
      %dma_wait3A_40 = arith.constant 0 : i32
      %dma_wait3A_41 = arith.constant 0 : i32
      %dma_wait3A_42 = tpu.memref_slice %arg6[%dma_wait3A_40, %dma_wait3A_41] : memref<80x128xi32, #tpu.memory_space<vmem>> -> memref<10x128xi32, #tpu.memory_space<vmem>>
      %dma_wait3A_43 = arith.constant 0 : i32
      %dma_wait3A_44 = arith.constant 0 : i32
      %dma_wait3A_45 = tpu.memref_slice %arg2[%run_scoped3A, %add3A, %dma_wait3A_43, %dma_wait3A_44] : memref<8x32x10x128xi32, #tpu.memory_space<hbm>> -> memref<1x1x10x128xi32, #tpu.memory_space<hbm>>
      %dma_wait3A_46 = tpu.memref_squeeze %dma_wait3A_45 : memref<1x1x10x128xi32, #tpu.memory_space<hbm>> -> memref<10x128xi32, #tpu.memory_space<hbm>>
      tpu.wait_dma2 semaphore(%run_scoped3A_20 : memref<!tpu.dma_semaphore, #tpu.memory_space<semaphore_mem>>) src(%dma_wait3A_46 : memref<10x128xi32, #tpu.memory_space<hbm>>) dst(%dma_wait3A_42 : memref<10x128xi32, #tpu.memory_space<vmem>>)
      tpu.yield
    }) : () -> ()
    %run_scoped3A_1 = arith.constant 1 : i32
    "tpu.region"() ({
      %run_scoped3A_20 = tpu.sem_alloc : memref<!tpu.dma_semaphore, #tpu.memory_space<semaphore_mem>>
      %dma_start3A = arith.constant 10 : i32
      %dma_start3A_21 = arith.constant 0 : i32
      %dma_start3A_22 = tpu.memref_slice %arg6[%dma_start3A, %dma_start3A_21] : memref<80x128xi32, #tpu.memory_space<vmem>> -> memref<10x128xi32, #tpu.memory_space<vmem>>
      %dma_start3A_23 = arith.constant 0 : i32
      %dma_start3A_24 = arith.constant 0 : i32
      %dma_start3A_25 = tpu.memref_slice %arg2[%run_scoped3A_1, %add3A, %dma_start3A_23, %dma_start3A_24] : memref<8x32x10x128xi32, #tpu.memory_space<hbm>> -> memref<1x1x10x128xi32, #tpu.memory_space<hbm>>
      %dma_start3A_26 = tpu.memref_squeeze %dma_start3A_25 : memref<1x1x10x128xi32, #tpu.memory_space<hbm>> -> memref<10x128xi32, #tpu.memory_space<hbm>>
      %dma_start3A_27 = arith.constant 10 : i32
      %dma_start3A_28 = arith.constant 0 : i32
      %dma_start3A_29 = tpu.memref_slice %arg6[%dma_start3A_27, %dma_start3A_28] : memref<80x128xi32, #tpu.memory_space<vmem>> -> memref<10x128xi32, #tpu.memory_space<vmem>>
      %dma_start3A_30 = arith.constant 0 : i32
      %dma_start3A_31 = arith.constant 0 : i32
      %dma_start3A_32 = tpu.memref_slice %arg2[%run_scoped3A_1, %add3A, %dma_start3A_30, %dma_start3A_31] : memref<8x32x10x128xi32, #tpu.memory_space<hbm>> -> memref<1x1x10x128xi32, #tpu.memory_space<hbm>>
      %dma_start3A_33 = tpu.memref_squeeze %dma_start3A_32 : memref<1x1x10x128xi32, #tpu.memory_space<hbm>> -> memref<10x128xi32, #tpu.memory_space<hbm>>
      tpu.enqueue_dma source(%dma_start3A_33 : memref<10x128xi32, #tpu.memory_space<hbm>>) target(%dma_start3A_29 : memref<10x128xi32, #tpu.memory_space<vmem>>) target_semaphore(%run_scoped3A_20 : memref<!tpu.dma_semaphore, #tpu.memory_space<semaphore_mem>>)
      %dma_wait3A = arith.constant 10 : i32
      %dma_wait3A_34 = arith.constant 0 : i32
      %dma_wait3A_35 = tpu.memref_slice %arg6[%dma_wait3A, %dma_wait3A_34] : memref<80x128xi32, #tpu.memory_space<vmem>> -> memref<10x128xi32, #tpu.memory_space<vmem>>
      %dma_wait3A_36 = arith.constant 0 : i32
      %dma_wait3A_37 = arith.constant 0 : i32
      %dma_wait3A_38 = tpu.memref_slice %arg2[%run_scoped3A_1, %add3A, %dma_wait3A_36, %dma_wait3A_37] : memref<8x32x10x128xi32, #tpu.memory_space<hbm>> -> memref<1x1x10x128xi32, #tpu.memory_space<hbm>>
      %dma_wait3A_39 = tpu.memref_squeeze %dma_wait3A_38 : memref<1x1x10x128xi32, #tpu.memory_space<hbm>> -> memref<10x128xi32, #tpu.memory_space<hbm>>
      %dma_wait3A_40 = arith.constant 10 : i32
      %dma_wait3A_41 = arith.constant 0 : i32
      %dma_wait3A_42 = tpu.memref_slice %arg6[%dma_wait3A_40, %dma_wait3A_41] : memref<80x128xi32, #tpu.memory_space<vmem>> -> memref<10x128xi32, #tpu.memory_space<vmem>>
      %dma_wait3A_43 = arith.constant 0 : i32
      %dma_wait3A_44 = arith.constant 0 : i32
      %dma_wait3A_45 = tpu.memref_slice %arg2[%run_scoped3A_1, %add3A, %dma_wait3A_43, %dma_wait3A_44] : memref<8x32x10x128xi32, #tpu.memory_space<hbm>> -> memref<1x1x10x128xi32, #tpu.memory_space<hbm>>
      %dma_wait3A_46 = tpu.memref_squeeze %dma_wait3A_45 : memref<1x1x10x128xi32, #tpu.memory_space<hbm>> -> memref<10x128xi32, #tpu.memory_space<hbm>>
      tpu.wait_dma2 semaphore(%run_scoped3A_20 : memref<!tpu.dma_semaphore, #tpu.memory_space<semaphore_mem>>) src(%dma_wait3A_46 : memref<10x128xi32, #tpu.memory_space<hbm>>) dst(%dma_wait3A_42 : memref<10x128xi32, #tpu.memory_space<vmem>>)
      tpu.yield
    }) : () -> ()
    %run_scoped3A_2 = arith.constant 2 : i32
    "tpu.region"() ({
      %run_scoped3A_20 = tpu.sem_alloc : memref<!tpu.dma_semaphore, #tpu.memory_space<semaphore_mem>>
      %dma_start3A = arith.constant 20 : i32
      %dma_start3A_21 = arith.constant 0 : i32
      %dma_start3A_22 = tpu.memref_slice %arg6[%dma_start3A, %dma_start3A_21] : memref<80x128xi32, #tpu.memory_space<vmem>> -> memref<10x128xi32, #tpu.memory_space<vmem>>
      %dma_start3A_23 = arith.constant 0 : i32
      %dma_start3A_24 = arith.constant 0 : i32
      %dma_start3A_25 = tpu.memref_slice %arg2[%run_scoped3A_2, %add3A, %dma_start3A_23, %dma_start3A_24] : memref<8x32x10x128xi32, #tpu.memory_space<hbm>> -> memref<1x1x10x128xi32, #tpu.memory_space<hbm>>
      %dma_start3A_26 = tpu.memref_squeeze %dma_start3A_25 : memref<1x1x10x128xi32, #tpu.memory_space<hbm>> -> memref<10x128xi32, #tpu.memory_space<hbm>>
      %dma_start3A_27 = arith.constant 20 : i32
      %dma_start3A_28 = arith.constant 0 : i32
      %dma_start3A_29 = tpu.memref_slice %arg6[%dma_start3A_27, %dma_start3A_28] : memref<80x128xi32, #tpu.memory_space<vmem>> -> memref<10x128xi32, #tpu.memory_space<vmem>>
      %dma_start3A_30 = arith.constant 0 : i32
      %dma_start3A_31 = arith.constant 0 : i32
      %dma_start3A_32 = tpu.memref_slice %arg2[%run_scoped3A_2, %add3A, %dma_start3A_30, %dma_start3A_31] : memref<8x32x10x128xi32, #tpu.memory_space<hbm>> -> memref<1x1x10x128xi32, #tpu.memory_space<hbm>>
      %dma_start3A_33 = tpu.memref_squeeze %dma_start3A_32 : memref<1x1x10x128xi32, #tpu.memory_space<hbm>> -> memref<10x128xi32, #tpu.memory_space<hbm>>
      tpu.enqueue_dma source(%dma_start3A_33 : memref<10x128xi32, #tpu.memory_space<hbm>>) target(%dma_start3A_29 : memref<10x128xi32, #tpu.memory_space<vmem>>) target_semaphore(%run_scoped3A_20 : memref<!tpu.dma_semaphore, #tpu.memory_space<semaphore_mem>>)
      %dma_wait3A = arith.constant 20 : i32
      %dma_wait3A_34 = arith.constant 0 : i32
      %dma_wait3A_35 = tpu.memref_slice %arg6[%dma_wait3A, %dma_wait3A_34] : memref<80x128xi32, #tpu.memory_space<vmem>> -> memref<10x128xi32, #tpu.memory_space<vmem>>
      %dma_wait3A_36 = arith.constant 0 : i32
      %dma_wait3A_37 = arith.constant 0 : i32
      %dma_wait3A_38 = tpu.memref_slice %arg2[%run_scoped3A_2, %add3A, %dma_wait3A_36, %dma_wait3A_37] : memref<8x32x10x128xi32, #tpu.memory_space<hbm>> -> memref<1x1x10x128xi32, #tpu.memory_space<hbm>>
      %dma_wait3A_39 = tpu.memref_squeeze %dma_wait3A_38 : memref<1x1x10x128xi32, #tpu.memory_space<hbm>> -> memref<10x128xi32, #tpu.memory_space<hbm>>
      %dma_wait3A_40 = arith.constant 20 : i32
      %dma_wait3A_41 = arith.constant 0 : i32
      %dma_wait3A_42 = tpu.memref_slice %arg6[%dma_wait3A_40, %dma_wait3A_41] : memref<80x128xi32, #tpu.memory_space<vmem>> -> memref<10x128xi32, #tpu.memory_space<vmem>>
      %dma_wait3A_43 = arith.constant 0 : i32
      %dma_wait3A_44 = arith.constant 0 : i32
      %dma_wait3A_45 = tpu.memref_slice %arg2[%run_scoped3A_2, %add3A, %dma_wait3A_43, %dma_wait3A_44] : memref<8x32x10x128xi32, #tpu.memory_space<hbm>> -> memref<1x1x10x128xi32, #tpu.memory_space<hbm>>
      %dma_wait3A_46 = tpu.memref_squeeze %dma_wait3A_45 : memref<1x1x10x128xi32, #tpu.memory_space<hbm>> -> memref<10x128xi32, #tpu.memory_space<hbm>>
      tpu.wait_dma2 semaphore(%run_scoped3A_20 : memref<!tpu.dma_semaphore, #tpu.memory_space<semaphore_mem>>) src(%dma_wait3A_46 : memref<10x128xi32, #tpu.memory_space<hbm>>) dst(%dma_wait3A_42 : memref<10x128xi32, #tpu.memory_space<vmem>>)
      tpu.yield
    }) : () -> ()
    %run_scoped3A_3 = arith.constant 3 : i32
    "tpu.region"() ({
      %run_scoped3A_20 = tpu.sem_alloc : memref<!tpu.dma_semaphore, #tpu.memory_space<semaphore_mem>>
      %dma_start3A = arith.constant 30 : i32
      %dma_start3A_21 = arith.constant 0 : i32
      %dma_start3A_22 = tpu.memref_slice %arg6[%dma_start3A, %dma_start3A_21] : memref<80x128xi32, #tpu.memory_space<vmem>> -> memref<10x128xi32, #tpu.memory_space<vmem>>
      %dma_start3A_23 = arith.constant 0 : i32
      %dma_start3A_24 = arith.constant 0 : i32
      %dma_start3A_25 = tpu.memref_slice %arg2[%run_scoped3A_3, %add3A, %dma_start3A_23, %dma_start3A_24] : memref<8x32x10x128xi32, #tpu.memory_space<hbm>> -> memref<1x1x10x128xi32, #tpu.memory_space<hbm>>
      %dma_start3A_26 = tpu.memref_squeeze %dma_start3A_25 : memref<1x1x10x128xi32, #tpu.memory_space<hbm>> -> memref<10x128xi32, #tpu.memory_space<hbm>>
      %dma_start3A_27 = arith.constant 30 : i32
      %dma_start3A_28 = arith.constant 0 : i32
      %dma_start3A_29 = tpu.memref_slice %arg6[%dma_start3A_27, %dma_start3A_28] : memref<80x128xi32, #tpu.memory_space<vmem>> -> memref<10x128xi32, #tpu.memory_space<vmem>>
      %dma_start3A_30 = arith.constant 0 : i32
      %dma_start3A_31 = arith.constant 0 : i32
      %dma_start3A_32 = tpu.memref_slice %arg2[%run_scoped3A_3, %add3A, %dma_start3A_30, %dma_start3A_31] : memref<8x32x10x128xi32, #tpu.memory_space<hbm>> -> memref<1x1x10x128xi32, #tpu.memory_space<hbm>>
      %dma_start3A_33 = tpu.memref_squeeze %dma_start3A_32 : memref<1x1x10x128xi32, #tpu.memory_space<hbm>> -> memref<10x128xi32, #tpu.memory_space<hbm>>
      tpu.enqueue_dma source(%dma_start3A_33 : memref<10x128xi32, #tpu.memory_space<hbm>>) target(%dma_start3A_29 : memref<10x128xi32, #tpu.memory_space<vmem>>) target_semaphore(%run_scoped3A_20 : memref<!tpu.dma_semaphore, #tpu.memory_space<semaphore_mem>>)
      %dma_wait3A = arith.constant 30 : i32
      %dma_wait3A_34 = arith.constant 0 : i32
      %dma_wait3A_35 = tpu.memref_slice %arg6[%dma_wait3A, %dma_wait3A_34] : memref<80x128xi32, #tpu.memory_space<vmem>> -> memref<10x128xi32, #tpu.memory_space<vmem>>
      %dma_wait3A_36 = arith.constant 0 : i32
      %dma_wait3A_37 = arith.constant 0 : i32
      %dma_wait3A_38 = tpu.memref_slice %arg2[%run_scoped3A_3, %add3A, %dma_wait3A_36, %dma_wait3A_37] : memref<8x32x10x128xi32, #tpu.memory_space<hbm>> -> memref<1x1x10x128xi32, #tpu.memory_space<hbm>>
      %dma_wait3A_39 = tpu.memref_squeeze %dma_wait3A_38 : memref<1x1x10x128xi32, #tpu.memory_space<hbm>> -> memref<10x128xi32, #tpu.memory_space<hbm>>
      %dma_wait3A_40 = arith.constant 30 : i32
      %dma_wait3A_41 = arith.constant 0 : i32
      %dma_wait3A_42 = tpu.memref_slice %arg6[%dma_wait3A_40, %dma_wait3A_41] : memref<80x128xi32, #tpu.memory_space<vmem>> -> memref<10x128xi32, #tpu.memory_space<vmem>>
      %dma_wait3A_43 = arith.constant 0 : i32
      %dma_wait3A_44 = arith.constant 0 : i32
      %dma_wait3A_45 = tpu.memref_slice %arg2[%run_scoped3A_3, %add3A, %dma_wait3A_43, %dma_wait3A_44] : memref<8x32x10x128xi32, #tpu.memory_space<hbm>> -> memref<1x1x10x128xi32, #tpu.memory_space<hbm>>
      %dma_wait3A_46 = tpu.memref_squeeze %dma_wait3A_45 : memref<1x1x10x128xi32, #tpu.memory_space<hbm>> -> memref<10x128xi32, #tpu.memory_space<hbm>>
      tpu.wait_dma2 semaphore(%run_scoped3A_20 : memref<!tpu.dma_semaphore, #tpu.memory_space<semaphore_mem>>) src(%dma_wait3A_46 : memref<10x128xi32, #tpu.memory_space<hbm>>) dst(%dma_wait3A_42 : memref<10x128xi32, #tpu.memory_space<vmem>>)
      tpu.yield
    }) : () -> ()
    %run_scoped3A_4 = arith.constant 4 : i32
    "tpu.region"() ({
      %run_scoped3A_20 = tpu.sem_alloc : memref<!tpu.dma_semaphore, #tpu.memory_space<semaphore_mem>>
      %dma_start3A = arith.constant 40 : i32
      %dma_start3A_21 = arith.constant 0 : i32
      %dma_start3A_22 = tpu.memref_slice %arg6[%dma_start3A, %dma_start3A_21] : memref<80x128xi32, #tpu.memory_space<vmem>> -> memref<10x128xi32, #tpu.memory_space<vmem>>
      %dma_start3A_23 = arith.constant 0 : i32
      %dma_start3A_24 = arith.constant 0 : i32
      %dma_start3A_25 = tpu.memref_slice %arg2[%run_scoped3A_4, %add3A, %dma_start3A_23, %dma_start3A_24] : memref<8x32x10x128xi32, #tpu.memory_space<hbm>> -> memref<1x1x10x128xi32, #tpu.memory_space<hbm>>
      %dma_start3A_26 = tpu.memref_squeeze %dma_start3A_25 : memref<1x1x10x128xi32, #tpu.memory_space<hbm>> -> memref<10x128xi32, #tpu.memory_space<hbm>>
      %dma_start3A_27 = arith.constant 40 : i32
      %dma_start3A_28 = arith.constant 0 : i32
      %dma_start3A_29 = tpu.memref_slice %arg6[%dma_start3A_27, %dma_start3A_28] : memref<80x128xi32, #tpu.memory_space<vmem>> -> memref<10x128xi32, #tpu.memory_space<vmem>>
      %dma_start3A_30 = arith.constant 0 : i32
      %dma_start3A_31 = arith.constant 0 : i32
      %dma_start3A_32 = tpu.memref_slice %arg2[%run_scoped3A_4, %add3A, %dma_start3A_30, %dma_start3A_31] : memref<8x32x10x128xi32, #tpu.memory_space<hbm>> -> memref<1x1x10x128xi32, #tpu.memory_space<hbm>>
      %dma_start3A_33 = tpu.memref_squeeze %dma_start3A_32 : memref<1x1x10x128xi32, #tpu.memory_space<hbm>> -> memref<10x128xi32, #tpu.memory_space<hbm>>
      tpu.enqueue_dma source(%dma_start3A_33 : memref<10x128xi32, #tpu.memory_space<hbm>>) target(%dma_start3A_29 : memref<10x128xi32, #tpu.memory_space<vmem>>) target_semaphore(%run_scoped3A_20 : memref<!tpu.dma_semaphore, #tpu.memory_space<semaphore_mem>>)
      %dma_wait3A = arith.constant 40 : i32
      %dma_wait3A_34 = arith.constant 0 : i32
      %dma_wait3A_35 = tpu.memref_slice %arg6[%dma_wait3A, %dma_wait3A_34] : memref<80x128xi32, #tpu.memory_space<vmem>> -> memref<10x128xi32, #tpu.memory_space<vmem>>
      %dma_wait3A_36 = arith.constant 0 : i32
      %dma_wait3A_37 = arith.constant 0 : i32
      %dma_wait3A_38 = tpu.memref_slice %arg2[%run_scoped3A_4, %add3A, %dma_wait3A_36, %dma_wait3A_37] : memref<8x32x10x128xi32, #tpu.memory_space<hbm>> -> memref<1x1x10x128xi32, #tpu.memory_space<hbm>>
      %dma_wait3A_39 = tpu.memref_squeeze %dma_wait3A_38 : memref<1x1x10x128xi32, #tpu.memory_space<hbm>> -> memref<10x128xi32, #tpu.memory_space<hbm>>
      %dma_wait3A_40 = arith.constant 40 : i32
      %dma_wait3A_41 = arith.constant 0 : i32
      %dma_wait3A_42 = tpu.memref_slice %arg6[%dma_wait3A_40, %dma_wait3A_41] : memref<80x128xi32, #tpu.memory_space<vmem>> -> memref<10x128xi32, #tpu.memory_space<vmem>>
      %dma_wait3A_43 = arith.constant 0 : i32
      %dma_wait3A_44 = arith.constant 0 : i32
      %dma_wait3A_45 = tpu.memref_slice %arg2[%run_scoped3A_4, %add3A, %dma_wait3A_43, %dma_wait3A_44] : memref<8x32x10x128xi32, #tpu.memory_space<hbm>> -> memref<1x1x10x128xi32, #tpu.memory_space<hbm>>
      %dma_wait3A_46 = tpu.memref_squeeze %dma_wait3A_45 : memref<1x1x10x128xi32, #tpu.memory_space<hbm>> -> memref<10x128xi32, #tpu.memory_space<hbm>>
      tpu.wait_dma2 semaphore(%run_scoped3A_20 : memref<!tpu.dma_semaphore, #tpu.memory_space<semaphore_mem>>) src(%dma_wait3A_46 : memref<10x128xi32, #tpu.memory_space<hbm>>) dst(%dma_wait3A_42 : memref<10x128xi32, #tpu.memory_space<vmem>>)
      tpu.yield
    }) : () -> ()
    %run_scoped3A_5 = arith.constant 5 : i32
    "tpu.region"() ({
      %run_scoped3A_20 = tpu.sem_alloc : memref<!tpu.dma_semaphore, #tpu.memory_space<semaphore_mem>>
      %dma_start3A = arith.constant 50 : i32
      %dma_start3A_21 = arith.constant 0 : i32
      %dma_start3A_22 = tpu.memref_slice %arg6[%dma_start3A, %dma_start3A_21] : memref<80x128xi32, #tpu.memory_space<vmem>> -> memref<10x128xi32, #tpu.memory_space<vmem>>
      %dma_start3A_23 = arith.constant 0 : i32
      %dma_start3A_24 = arith.constant 0 : i32
      %dma_start3A_25 = tpu.memref_slice %arg2[%run_scoped3A_5, %add3A, %dma_start3A_23, %dma_start3A_24] : memref<8x32x10x128xi32, #tpu.memory_space<hbm>> -> memref<1x1x10x128xi32, #tpu.memory_space<hbm>>
      %dma_start3A_26 = tpu.memref_squeeze %dma_start3A_25 : memref<1x1x10x128xi32, #tpu.memory_space<hbm>> -> memref<10x128xi32, #tpu.memory_space<hbm>>
      %dma_start3A_27 = arith.constant 50 : i32
      %dma_start3A_28 = arith.constant 0 : i32
      %dma_start3A_29 = tpu.memref_slice %arg6[%dma_start3A_27, %dma_start3A_28] : memref<80x128xi32, #tpu.memory_space<vmem>> -> memref<10x128xi32, #tpu.memory_space<vmem>>
      %dma_start3A_30 = arith.constant 0 : i32
      %dma_start3A_31 = arith.constant 0 : i32
      %dma_start3A_32 = tpu.memref_slice %arg2[%run_scoped3A_5, %add3A, %dma_start3A_30, %dma_start3A_31] : memref<8x32x10x128xi32, #tpu.memory_space<hbm>> -> memref<1x1x10x128xi32, #tpu.memory_space<hbm>>
      %dma_start3A_33 = tpu.memref_squeeze %dma_start3A_32 : memref<1x1x10x128xi32, #tpu.memory_space<hbm>> -> memref<10x128xi32, #tpu.memory_space<hbm>>
      tpu.enqueue_dma source(%dma_start3A_33 : memref<10x128xi32, #tpu.memory_space<hbm>>) target(%dma_start3A_29 : memref<10x128xi32, #tpu.memory_space<vmem>>) target_semaphore(%run_scoped3A_20 : memref<!tpu.dma_semaphore, #tpu.memory_space<semaphore_mem>>)
      %dma_wait3A = arith.constant 50 : i32
      %dma_wait3A_34 = arith.constant 0 : i32
      %dma_wait3A_35 = tpu.memref_slice %arg6[%dma_wait3A, %dma_wait3A_34] : memref<80x128xi32, #tpu.memory_space<vmem>> -> memref<10x128xi32, #tpu.memory_space<vmem>>
      %dma_wait3A_36 = arith.constant 0 : i32
      %dma_wait3A_37 = arith.constant 0 : i32
      %dma_wait3A_38 = tpu.memref_slice %arg2[%run_scoped3A_5, %add3A, %dma_wait3A_36, %dma_wait3A_37] : memref<8x32x10x128xi32, #tpu.memory_space<hbm>> -> memref<1x1x10x128xi32, #tpu.memory_space<hbm>>
      %dma_wait3A_39 = tpu.memref_squeeze %dma_wait3A_38 : memref<1x1x10x128xi32, #tpu.memory_space<hbm>> -> memref<10x128xi32, #tpu.memory_space<hbm>>
      %dma_wait3A_40 = arith.constant 50 : i32
      %dma_wait3A_41 = arith.constant 0 : i32
      %dma_wait3A_42 = tpu.memref_slice %arg6[%dma_wait3A_40, %dma_wait3A_41] : memref<80x128xi32, #tpu.memory_space<vmem>> -> memref<10x128xi32, #tpu.memory_space<vmem>>
      %dma_wait3A_43 = arith.constant 0 : i32
      %dma_wait3A_44 = arith.constant 0 : i32
      %dma_wait3A_45 = tpu.memref_slice %arg2[%run_scoped3A_5, %add3A, %dma_wait3A_43, %dma_wait3A_44] : memref<8x32x10x128xi32, #tpu.memory_space<hbm>> -> memref<1x1x10x128xi32, #tpu.memory_space<hbm>>
      %dma_wait3A_46 = tpu.memref_squeeze %dma_wait3A_45 : memref<1x1x10x128xi32, #tpu.memory_space<hbm>> -> memref<10x128xi32, #tpu.memory_space<hbm>>
      tpu.wait_dma2 semaphore(%run_scoped3A_20 : memref<!tpu.dma_semaphore, #tpu.memory_space<semaphore_mem>>) src(%dma_wait3A_46 : memref<10x128xi32, #tpu.memory_space<hbm>>) dst(%dma_wait3A_42 : memref<10x128xi32, #tpu.memory_space<vmem>>)
      tpu.yield
    }) : () -> ()
    %run_scoped3A_6 = arith.constant 6 : i32
    "tpu.region"() ({
      %run_scoped3A_20 = tpu.sem_alloc : memref<!tpu.dma_semaphore, #tpu.memory_space<semaphore_mem>>
      %dma_start3A = arith.constant 60 : i32
      %dma_start3A_21 = arith.constant 0 : i32
      %dma_start3A_22 = tpu.memref_slice %arg6[%dma_start3A, %dma_start3A_21] : memref<80x128xi32, #tpu.memory_space<vmem>> -> memref<10x128xi32, #tpu.memory_space<vmem>>
      %dma_start3A_23 = arith.constant 0 : i32
      %dma_start3A_24 = arith.constant 0 : i32
      %dma_start3A_25 = tpu.memref_slice %arg2[%run_scoped3A_6, %add3A, %dma_start3A_23, %dma_start3A_24] : memref<8x32x10x128xi32, #tpu.memory_space<hbm>> -> memref<1x1x10x128xi32, #tpu.memory_space<hbm>>
      %dma_start3A_26 = tpu.memref_squeeze %dma_start3A_25 : memref<1x1x10x128xi32, #tpu.memory_space<hbm>> -> memref<10x128xi32, #tpu.memory_space<hbm>>
      %dma_start3A_27 = arith.constant 60 : i32
      %dma_start3A_28 = arith.constant 0 : i32
      %dma_start3A_29 = tpu.memref_slice %arg6[%dma_start3A_27, %dma_start3A_28] : memref<80x128xi32, #tpu.memory_space<vmem>> -> memref<10x128xi32, #tpu.memory_space<vmem>>
      %dma_start3A_30 = arith.constant 0 : i32
      %dma_start3A_31 = arith.constant 0 : i32
      %dma_start3A_32 = tpu.memref_slice %arg2[%run_scoped3A_6, %add3A, %dma_start3A_30, %dma_start3A_31] : memref<8x32x10x128xi32, #tpu.memory_space<hbm>> -> memref<1x1x10x128xi32, #tpu.memory_space<hbm>>
      %dma_start3A_33 = tpu.memref_squeeze %dma_start3A_32 : memref<1x1x10x128xi32, #tpu.memory_space<hbm>> -> memref<10x128xi32, #tpu.memory_space<hbm>>
      tpu.enqueue_dma source(%dma_start3A_33 : memref<10x128xi32, #tpu.memory_space<hbm>>) target(%dma_start3A_29 : memref<10x128xi32, #tpu.memory_space<vmem>>) target_semaphore(%run_scoped3A_20 : memref<!tpu.dma_semaphore, #tpu.memory_space<semaphore_mem>>)
      %dma_wait3A = arith.constant 60 : i32
      %dma_wait3A_34 = arith.constant 0 : i32
      %dma_wait3A_35 = tpu.memref_slice %arg6[%dma_wait3A, %dma_wait3A_34] : memref<80x128xi32, #tpu.memory_space<vmem>> -> memref<10x128xi32, #tpu.memory_space<vmem>>
      %dma_wait3A_36 = arith.constant 0 : i32
      %dma_wait3A_37 = arith.constant 0 : i32
      %dma_wait3A_38 = tpu.memref_slice %arg2[%run_scoped3A_6, %add3A, %dma_wait3A_36, %dma_wait3A_37] : memref<8x32x10x128xi32, #tpu.memory_space<hbm>> -> memref<1x1x10x128xi32, #tpu.memory_space<hbm>>
      %dma_wait3A_39 = tpu.memref_squeeze %dma_wait3A_38 : memref<1x1x10x128xi32, #tpu.memory_space<hbm>> -> memref<10x128xi32, #tpu.memory_space<hbm>>
      %dma_wait3A_40 = arith.constant 60 : i32
      %dma_wait3A_41 = arith.constant 0 : i32
      %dma_wait3A_42 = tpu.memref_slice %arg6[%dma_wait3A_40, %dma_wait3A_41] : memref<80x128xi32, #tpu.memory_space<vmem>> -> memref<10x128xi32, #tpu.memory_space<vmem>>
      %dma_wait3A_43 = arith.constant 0 : i32
      %dma_wait3A_44 = arith.constant 0 : i32
      %dma_wait3A_45 = tpu.memref_slice %arg2[%run_scoped3A_6, %add3A, %dma_wait3A_43, %dma_wait3A_44] : memref<8x32x10x128xi32, #tpu.memory_space<hbm>> -> memref<1x1x10x128xi32, #tpu.memory_space<hbm>>
      %dma_wait3A_46 = tpu.memref_squeeze %dma_wait3A_45 : memref<1x1x10x128xi32, #tpu.memory_space<hbm>> -> memref<10x128xi32, #tpu.memory_space<hbm>>
      tpu.wait_dma2 semaphore(%run_scoped3A_20 : memref<!tpu.dma_semaphore, #tpu.memory_space<semaphore_mem>>) src(%dma_wait3A_46 : memref<10x128xi32, #tpu.memory_space<hbm>>) dst(%dma_wait3A_42 : memref<10x128xi32, #tpu.memory_space<vmem>>)
      tpu.yield
    }) : () -> ()
    %run_scoped3A_7 = arith.constant 7 : i32
    "tpu.region"() ({
      %run_scoped3A_20 = tpu.sem_alloc : memref<!tpu.dma_semaphore, #tpu.memory_space<semaphore_mem>>
      %dma_start3A = arith.constant 70 : i32
      %dma_start3A_21 = arith.constant 0 : i32
      %dma_start3A_22 = tpu.memref_slice %arg6[%dma_start3A, %dma_start3A_21] : memref<80x128xi32, #tpu.memory_space<vmem>> -> memref<10x128xi32, #tpu.memory_space<vmem>>
      %dma_start3A_23 = arith.constant 0 : i32
      %dma_start3A_24 = arith.constant 0 : i32
      %dma_start3A_25 = tpu.memref_slice %arg2[%run_scoped3A_7, %add3A, %dma_start3A_23, %dma_start3A_24] : memref<8x32x10x128xi32, #tpu.memory_space<hbm>> -> memref<1x1x10x128xi32, #tpu.memory_space<hbm>>
      %dma_start3A_26 = tpu.memref_squeeze %dma_start3A_25 : memref<1x1x10x128xi32, #tpu.memory_space<hbm>> -> memref<10x128xi32, #tpu.memory_space<hbm>>
      %dma_start3A_27 = arith.constant 70 : i32
      %dma_start3A_28 = arith.constant 0 : i32
      %dma_start3A_29 = tpu.memref_slice %arg6[%dma_start3A_27, %dma_start3A_28] : memref<80x128xi32, #tpu.memory_space<vmem>> -> memref<10x128xi32, #tpu.memory_space<vmem>>
      %dma_start3A_30 = arith.constant 0 : i32
      %dma_start3A_31 = arith.constant 0 : i32
      %dma_start3A_32 = tpu.memref_slice %arg2[%run_scoped3A_7, %add3A, %dma_start3A_30, %dma_start3A_31] : memref<8x32x10x128xi32, #tpu.memory_space<hbm>> -> memref<1x1x10x128xi32, #tpu.memory_space<hbm>>
      %dma_start3A_33 = tpu.memref_squeeze %dma_start3A_32 : memref<1x1x10x128xi32, #tpu.memory_space<hbm>> -> memref<10x128xi32, #tpu.memory_space<hbm>>
      tpu.enqueue_dma source(%dma_start3A_33 : memref<10x128xi32, #tpu.memory_space<hbm>>) target(%dma_start3A_29 : memref<10x128xi32, #tpu.memory_space<vmem>>) target_semaphore(%run_scoped3A_20 : memref<!tpu.dma_semaphore, #tpu.memory_space<semaphore_mem>>)
      %dma_wait3A = arith.constant 70 : i32
      %dma_wait3A_34 = arith.constant 0 : i32
      %dma_wait3A_35 = tpu.memref_slice %arg6[%dma_wait3A, %dma_wait3A_34] : memref<80x128xi32, #tpu.memory_space<vmem>> -> memref<10x128xi32, #tpu.memory_space<vmem>>
      %dma_wait3A_36 = arith.constant 0 : i32
      %dma_wait3A_37 = arith.constant 0 : i32
      %dma_wait3A_38 = tpu.memref_slice %arg2[%run_scoped3A_7, %add3A, %dma_wait3A_36, %dma_wait3A_37] : memref<8x32x10x128xi32, #tpu.memory_space<hbm>> -> memref<1x1x10x128xi32, #tpu.memory_space<hbm>>
      %dma_wait3A_39 = tpu.memref_squeeze %dma_wait3A_38 : memref<1x1x10x128xi32, #tpu.memory_space<hbm>> -> memref<10x128xi32, #tpu.memory_space<hbm>>
      %dma_wait3A_40 = arith.constant 70 : i32
      %dma_wait3A_41 = arith.constant 0 : i32
      %dma_wait3A_42 = tpu.memref_slice %arg6[%dma_wait3A_40, %dma_wait3A_41] : memref<80x128xi32, #tpu.memory_space<vmem>> -> memref<10x128xi32, #tpu.memory_space<vmem>>
      %dma_wait3A_43 = arith.constant 0 : i32
      %dma_wait3A_44 = arith.constant 0 : i32
      %dma_wait3A_45 = tpu.memref_slice %arg2[%run_scoped3A_7, %add3A, %dma_wait3A_43, %dma_wait3A_44] : memref<8x32x10x128xi32, #tpu.memory_space<hbm>> -> memref<1x1x10x128xi32, #tpu.memory_space<hbm>>
      %dma_wait3A_46 = tpu.memref_squeeze %dma_wait3A_45 : memref<1x1x10x128xi32, #tpu.memory_space<hbm>> -> memref<10x128xi32, #tpu.memory_space<hbm>>
      tpu.wait_dma2 semaphore(%run_scoped3A_20 : memref<!tpu.dma_semaphore, #tpu.memory_space<semaphore_mem>>) src(%dma_wait3A_46 : memref<10x128xi32, #tpu.memory_space<hbm>>) dst(%dma_wait3A_42 : memref<10x128xi32, #tpu.memory_space<vmem>>)
      tpu.yield
    }) : () -> ()
    "tpu.region"() ({
      %run_scoped3A_20 = tpu.sem_alloc : memref<!tpu.dma_semaphore, #tpu.memory_space<semaphore_mem>>
      tpu.enqueue_dma source(%arg3 : memref<128x16xf32, #tpu.memory_space<hbm>>) target(%arg7 : memref<128x16xf32, #tpu.memory_space<vmem>>) target_semaphore(%run_scoped3A_20 : memref<!tpu.dma_semaphore, #tpu.memory_space<semaphore_mem>>)
      tpu.wait_dma2 semaphore(%run_scoped3A_20 : memref<!tpu.dma_semaphore, #tpu.memory_space<semaphore_mem>>) src(%arg3 : memref<128x16xf32, #tpu.memory_space<hbm>>) dst(%arg7 : memref<128x16xf32, #tpu.memory_space<vmem>>)
      tpu.yield
    }) : () -> ()
    %mul3A_8 = arith.constant 640 : i32
    %mul3A_9 = arith.muli %arg1, %mul3A_8 : i32
    "tpu.region"() ({
      %run_scoped3A_20 = tpu.sem_alloc : memref<!tpu.dma_semaphore, #tpu.memory_space<semaphore_mem>>
      %dma_start3A = arith.constant 0 : i32
      %dma_start3A_21 = tpu.memref_slice %arg8[%mul3A_9, %dma_start3A] : memref<10240x16xf32, #tpu.memory_space<vmem_shared>> -> memref<640x16xf32, #tpu.memory_space<vmem_shared>>
      tpu.enqueue_dma source(%arg4 : memref<640x16xf32, #tpu.memory_space<hbm>>) target(%dma_start3A_21 : memref<640x16xf32, #tpu.memory_space<vmem_shared>>) target_semaphore(%run_scoped3A_20 : memref<!tpu.dma_semaphore, #tpu.memory_space<semaphore_mem>>)
      %dma_wait3A = arith.constant 0 : i32
      %dma_wait3A_22 = tpu.memref_slice %arg8[%mul3A_9, %dma_wait3A] : memref<10240x16xf32, #tpu.memory_space<vmem_shared>> -> memref<640x16xf32, #tpu.memory_space<vmem_shared>>
      tpu.wait_dma2 semaphore(%run_scoped3A_20 : memref<!tpu.dma_semaphore, #tpu.memory_space<semaphore_mem>>) src(%arg4 : memref<640x16xf32, #tpu.memory_space<hbm>>) dst(%dma_wait3A_22 : memref<640x16xf32, #tpu.memory_space<vmem_shared>>)
      tpu.yield
    }) : () -> ()
    %barrier3A = arith.constant 0 : index
    tpu.barrier barrier_id(%barrier3A)
    %scan3A = arith.constant 0 : i32
    %scan3A_10 = arith.constant 0 : i32
    %scan3A_11 = arith.constant 80 : i32
    %scan3A_12 = arith.addi %scan3A_10, %scan3A_11 : i32
    %scan3A_13 = arith.constant 1 : i32
    scf.for %scan3A_20 = %scan3A_10 to %scan3A_12 step %scan3A_13  : i32 {
      "tpu.region"() ({
        %run_scoped3A_21 = tpu.sem_alloc : memref<!tpu.dma_semaphore, #tpu.memory_space<semaphore_mem>>
        %dma_start3A = arith.constant 0 : i32
        %dma_start3A_22 = tpu.memref_slice %arg6[%scan3A_20, %dma_start3A] : memref<80x128xi32, #tpu.memory_space<vmem>> -> memref<1x128xi32, #tpu.memory_space<vmem>>
        %dma_start3A_23 = tpu.memref_squeeze %dma_start3A_22 : memref<1x128xi32, #tpu.memory_space<vmem>> -> memref<128xi32, #tpu.memory_space<vmem>>
        %dma_start3A_24 = arith.constant 0 : i32
        %dma_start3A_25 = arith.constant 0 : i32
        %dma_start3A_26 = tpu.memref_slice %arg8[%dma_start3A_24, %dma_start3A_25] : memref<10240x16xf32, #tpu.memory_space<vmem_shared>> -> memref<10240x16xf32, #tpu.memory_space<vmem_shared>>
        tpu.enqueue_indirect_dma source(%arg7 : memref<128x16xf32, #tpu.memory_space<vmem>>) target(%dma_start3A_26 : memref<10240x16xf32, #tpu.memory_space<vmem_shared>>) offsets(%dma_start3A_23 : memref<128xi32, #tpu.memory_space<vmem>>) semaphore(%run_scoped3A_21 : memref<!tpu.dma_semaphore, #tpu.memory_space<semaphore_mem>>) {add = true}
        %dma_wait3A = arith.constant 0 : i32
        %dma_wait3A_27 = tpu.memref_slice %arg6[%scan3A_20, %dma_wait3A] : memref<80x128xi32, #tpu.memory_space<vmem>> -> memref<1x128xi32, #tpu.memory_space<vmem>>
        %dma_wait3A_28 = tpu.memref_squeeze %dma_wait3A_27 : memref<1x128xi32, #tpu.memory_space<vmem>> -> memref<128xi32, #tpu.memory_space<vmem>>
        %dma_wait3A_29 = arith.constant 0 : i32
        %dma_wait3A_30 = arith.constant 0 : i32
        %dma_wait3A_31 = tpu.memref_slice %arg8[%dma_wait3A_29, %dma_wait3A_30] : memref<10240x16xf32, #tpu.memory_space<vmem_shared>> -> memref<10240x16xf32, #tpu.memory_space<vmem_shared>>
        tpu.wait_indirect_dma semaphore(%run_scoped3A_21 : memref<!tpu.dma_semaphore, #tpu.memory_space<semaphore_mem>>) src(%arg7 : memref<128x16xf32, #tpu.memory_space<vmem>>) dst(%dma_wait3A_31 : memref<10240x16xf32, #tpu.memory_space<vmem_shared>>)
        tpu.yield
      }) : () -> ()
    }
    %scan3A_14 = arith.constant 80 : i32
    %barrier3A_15 = arith.constant 0 : index
    tpu.barrier barrier_id(%barrier3A_15)
    %mul3A_16 = arith.constant 640 : i32
    %mul3A_17 = arith.muli %arg1, %mul3A_16 : i32
    %mul3A_18 = arith.constant 640 : i32
    %mul3A_19 = arith.muli %arg1, %mul3A_18 : i32
    "tpu.region"() ({
      %run_scoped3A_20 = tpu.sem_alloc : memref<!tpu.dma_semaphore, #tpu.memory_space<semaphore_mem>>
      %dma_start3A = arith.constant 0 : i32
      %dma_start3A_21 = tpu.memref_slice %arg5[%arg0, %mul3A_19, %dma_start3A] : memref<2x10240x16xf32, #tpu.memory_space<hbm>> -> memref<1x640x16xf32, #tpu.memory_space<hbm>>
      %dma_start3A_22 = tpu.memref_squeeze %dma_start3A_21 : memref<1x640x16xf32, #tpu.memory_space<hbm>> -> memref<640x16xf32, #tpu.memory_space<hbm>>
      %dma_start3A_23 = arith.constant 0 : i32
      %dma_start3A_24 = tpu.memref_slice %arg8[%mul3A_17, %dma_start3A_23] : memref<10240x16xf32, #tpu.memory_space<vmem_shared>> -> memref<640x16xf32, #tpu.memory_space<vmem_shared>>
      tpu.enqueue_dma source(%dma_start3A_24 : memref<640x16xf32, #tpu.memory_space<vmem_shared>>) target(%dma_start3A_22 : memref<640x16xf32, #tpu.memory_space<hbm>>) target_semaphore(%run_scoped3A_20 : memref<!tpu.dma_semaphore, #tpu.memory_space<semaphore_mem>>)
      %dma_wait3A = arith.constant 0 : i32
      %dma_wait3A_25 = tpu.memref_slice %arg5[%arg0, %mul3A_19, %dma_wait3A] : memref<2x10240x16xf32, #tpu.memory_space<hbm>> -> memref<1x640x16xf32, #tpu.memory_space<hbm>>
      %dma_wait3A_26 = tpu.memref_squeeze %dma_wait3A_25 : memref<1x640x16xf32, #tpu.memory_space<hbm>> -> memref<640x16xf32, #tpu.memory_space<hbm>>
      %dma_wait3A_27 = arith.constant 0 : i32
      %dma_wait3A_28 = tpu.memref_slice %arg8[%mul3A_17, %dma_wait3A_27] : memref<10240x16xf32, #tpu.memory_space<vmem_shared>> -> memref<640x16xf32, #tpu.memory_space<vmem_shared>>
      tpu.wait_dma2 semaphore(%run_scoped3A_20 : memref<!tpu.dma_semaphore, #tpu.memory_space<semaphore_mem>>) src(%dma_wait3A_28 : memref<640x16xf32, #tpu.memory_space<vmem_shared>>) dst(%dma_wait3A_26 : memref<640x16xf32, #tpu.memory_space<hbm>>)
      tpu.yield
    }) : () -> ()
    return
  }
}

#map = affine_map<(d0, d1) -> (0, 0)>
#map1 = affine_map<(d0, d1) -> (0, 0, 0, 0)>
#map2 = affine_map<(d0, d1) -> (0, 0, 0)>
module attributes {stable_mosaic.version = 14 : i64} {
  func.func @k(%arg0: i32, %arg1: i32, %arg2: memref<10240x64xf32, #tpu.memory_space<hbm>>, %arg3: memref<8x32x10x128xi32, #tpu.memory_space<hbm>>, %arg4: memref<8x32x10x128xi32, #tpu.memory_space<hbm>>, %arg5: memref<640x64xf32, #tpu.memory_space<hbm>>, %arg6: memref<2x10240x64xf32, #tpu.memory_space<hbm>>, %arg7: memref<10x128xi32, #tpu.memory_space<vmem>>, %arg8: memref<10x128xi32, #tpu.memory_space<vmem>>, %arg9: memref<10x128xi32, #tpu.memory_space<vmem>>, %arg10: memref<10x128xi32, #tpu.memory_space<vmem>>, %arg11: memref<10x128xi32, #tpu.memory_space<vmem>>, %arg12: memref<10x128xi32, #tpu.memory_space<vmem>>, %arg13: memref<10x128xi32, #tpu.memory_space<vmem>>, %arg14: memref<10x128xi32, #tpu.memory_space<vmem>>, %arg15: memref<10x128xi32, #tpu.memory_space<vmem>>, %arg16: memref<10x128xi32, #tpu.memory_space<vmem>>, %arg17: memref<10x128xi32, #tpu.memory_space<vmem>>, %arg18: memref<10x128xi32, #tpu.memory_space<vmem>>, %arg19: memref<10x128xi32, #tpu.memory_space<vmem>>, %arg20: memref<10x128xi32, #tpu.memory_space<vmem>>, %arg21: memref<10x128xi32, #tpu.memory_space<vmem>>, %arg22: memref<10x128xi32, #tpu.memory_space<vmem>>, %arg23: memref<128x64xf32, #tpu.memory_space<vmem>>, %arg24: memref<128x64xf32, #tpu.memory_space<vmem>>, %arg25: memref<128x64xf32, #tpu.memory_space<vmem>>, %arg26: memref<128x64xf32, #tpu.memory_space<vmem>>, %arg27: memref<128x64xf32, #tpu.memory_space<vmem>>, %arg28: memref<128x64xf32, #tpu.memory_space<vmem>>, %arg29: memref<128x64xf32, #tpu.memory_space<vmem>>, %arg30: memref<128x64xf32, #tpu.memory_space<vmem>>, %arg31: memref<10240x64xf32, #tpu.memory_space<vmem_shared>>, %arg32: memref<!tpu.dma_semaphore, #tpu.memory_space<semaphore_mem>>) attributes {dimension_semantics = [#tpu.dimension_semantics<core_parallel>, #tpu.dimension_semantics<subcore_parallel>], iteration_bounds = array<i64: 2, 16>, scalar_prefetch = 0 : i64, scratch_operands = 26 : i64, tpu.core_type = #tpu.core_type<sc_vector_subcore>, window_params = [{transform_indices = #map}, {transform_indices = #map1}, {transform_indices = #map1}, {transform_indices = #map}, {transform_indices = #map2}]} {
    %mul3A = arith.constant 16 : i32
    %mul3A_0 = arith.muli %arg0, %mul3A : i32
    %add3A = arith.addi %mul3A_0, %arg1 : i32
    %run_scoped3A = arith.constant 0 : i32
    "tpu.region"() ({
      %run_scoped3A_28 = tpu.sem_alloc : memref<!tpu.dma_semaphore, #tpu.memory_space<semaphore_mem>>
      %dma_start3A = arith.constant 0 : i32
      %dma_start3A_29 = arith.constant 0 : i32
      %dma_start3A_30 = tpu.memref_slice %arg3[%run_scoped3A, %add3A, %dma_start3A, %dma_start3A_29] : memref<8x32x10x128xi32, #tpu.memory_space<hbm>> -> memref<1x1x10x128xi32, #tpu.memory_space<hbm>>
      %dma_start3A_31 = tpu.memref_squeeze %dma_start3A_30 : memref<1x1x10x128xi32, #tpu.memory_space<hbm>> -> memref<10x128xi32, #tpu.memory_space<hbm>>
      %dma_start3A_32 = arith.constant 0 : i32
      %dma_start3A_33 = arith.constant 0 : i32
      %dma_start3A_34 = tpu.memref_slice %arg3[%run_scoped3A, %add3A, %dma_start3A_32, %dma_start3A_33] : memref<8x32x10x128xi32, #tpu.memory_space<hbm>> -> memref<1x1x10x128xi32, #tpu.memory_space<hbm>>
      %dma_start3A_35 = tpu.memref_squeeze %dma_start3A_34 : memref<1x1x10x128xi32, #tpu.memory_space<hbm>> -> memref<10x128xi32, #tpu.memory_space<hbm>>
      tpu.enqueue_dma source(%dma_start3A_35 : memref<10x128xi32, #tpu.memory_space<hbm>>) target(%arg7 : memref<10x128xi32, #tpu.memory_space<vmem>>) target_semaphore(%run_scoped3A_28 : memref<!tpu.dma_semaphore, #tpu.memory_space<semaphore_mem>>)
      %dma_wait3A = arith.constant 0 : i32
      %dma_wait3A_36 = arith.constant 0 : i32
      %dma_wait3A_37 = tpu.memref_slice %arg3[%run_scoped3A, %add3A, %dma_wait3A, %dma_wait3A_36] : memref<8x32x10x128xi32, #tpu.memory_space<hbm>> -> memref<1x1x10x128xi32, #tpu.memory_space<hbm>>
      %dma_wait3A_38 = tpu.memref_squeeze %dma_wait3A_37 : memref<1x1x10x128xi32, #tpu.memory_space<hbm>> -> memref<10x128xi32, #tpu.memory_space<hbm>>
      %dma_wait3A_39 = arith.constant 0 : i32
      %dma_wait3A_40 = arith.constant 0 : i32
      %dma_wait3A_41 = tpu.memref_slice %arg3[%run_scoped3A, %add3A, %dma_wait3A_39, %dma_wait3A_40] : memref<8x32x10x128xi32, #tpu.memory_space<hbm>> -> memref<1x1x10x128xi32, #tpu.memory_space<hbm>>
      %dma_wait3A_42 = tpu.memref_squeeze %dma_wait3A_41 : memref<1x1x10x128xi32, #tpu.memory_space<hbm>> -> memref<10x128xi32, #tpu.memory_space<hbm>>
      tpu.wait_dma2 semaphore(%run_scoped3A_28 : memref<!tpu.dma_semaphore, #tpu.memory_space<semaphore_mem>>) src(%dma_wait3A_42 : memref<10x128xi32, #tpu.memory_space<hbm>>) dst(%arg7 : memref<10x128xi32, #tpu.memory_space<vmem>>)
      tpu.yield
    }) : () -> ()
    %run_scoped3A_1 = arith.constant 0 : i32
    "tpu.region"() ({
      %run_scoped3A_28 = tpu.sem_alloc : memref<!tpu.dma_semaphore, #tpu.memory_space<semaphore_mem>>
      %dma_start3A = arith.constant 0 : i32
      %dma_start3A_29 = arith.constant 0 : i32
      %dma_start3A_30 = tpu.memref_slice %arg4[%run_scoped3A_1, %add3A, %dma_start3A, %dma_start3A_29] : memref<8x32x10x128xi32, #tpu.memory_space<hbm>> -> memref<1x1x10x128xi32, #tpu.memory_space<hbm>>
      %dma_start3A_31 = tpu.memref_squeeze %dma_start3A_30 : memref<1x1x10x128xi32, #tpu.memory_space<hbm>> -> memref<10x128xi32, #tpu.memory_space<hbm>>
      %dma_start3A_32 = arith.constant 0 : i32
      %dma_start3A_33 = arith.constant 0 : i32
      %dma_start3A_34 = tpu.memref_slice %arg4[%run_scoped3A_1, %add3A, %dma_start3A_32, %dma_start3A_33] : memref<8x32x10x128xi32, #tpu.memory_space<hbm>> -> memref<1x1x10x128xi32, #tpu.memory_space<hbm>>
      %dma_start3A_35 = tpu.memref_squeeze %dma_start3A_34 : memref<1x1x10x128xi32, #tpu.memory_space<hbm>> -> memref<10x128xi32, #tpu.memory_space<hbm>>
      tpu.enqueue_dma source(%dma_start3A_35 : memref<10x128xi32, #tpu.memory_space<hbm>>) target(%arg15 : memref<10x128xi32, #tpu.memory_space<vmem>>) target_semaphore(%run_scoped3A_28 : memref<!tpu.dma_semaphore, #tpu.memory_space<semaphore_mem>>)
      %dma_wait3A = arith.constant 0 : i32
      %dma_wait3A_36 = arith.constant 0 : i32
      %dma_wait3A_37 = tpu.memref_slice %arg4[%run_scoped3A_1, %add3A, %dma_wait3A, %dma_wait3A_36] : memref<8x32x10x128xi32, #tpu.memory_space<hbm>> -> memref<1x1x10x128xi32, #tpu.memory_space<hbm>>
      %dma_wait3A_38 = tpu.memref_squeeze %dma_wait3A_37 : memref<1x1x10x128xi32, #tpu.memory_space<hbm>> -> memref<10x128xi32, #tpu.memory_space<hbm>>
      %dma_wait3A_39 = arith.constant 0 : i32
      %dma_wait3A_40 = arith.constant 0 : i32
      %dma_wait3A_41 = tpu.memref_slice %arg4[%run_scoped3A_1, %add3A, %dma_wait3A_39, %dma_wait3A_40] : memref<8x32x10x128xi32, #tpu.memory_space<hbm>> -> memref<1x1x10x128xi32, #tpu.memory_space<hbm>>
      %dma_wait3A_42 = tpu.memref_squeeze %dma_wait3A_41 : memref<1x1x10x128xi32, #tpu.memory_space<hbm>> -> memref<10x128xi32, #tpu.memory_space<hbm>>
      tpu.wait_dma2 semaphore(%run_scoped3A_28 : memref<!tpu.dma_semaphore, #tpu.memory_space<semaphore_mem>>) src(%dma_wait3A_42 : memref<10x128xi32, #tpu.memory_space<hbm>>) dst(%arg15 : memref<10x128xi32, #tpu.memory_space<vmem>>)
      tpu.yield
    }) : () -> ()
    %run_scoped3A_2 = arith.constant 1 : i32
    "tpu.region"() ({
      %run_scoped3A_28 = tpu.sem_alloc : memref<!tpu.dma_semaphore, #tpu.memory_space<semaphore_mem>>
      %dma_start3A = arith.constant 0 : i32
      %dma_start3A_29 = arith.constant 0 : i32
      %dma_start3A_30 = tpu.memref_slice %arg3[%run_scoped3A_2, %add3A, %dma_start3A, %dma_start3A_29] : memref<8x32x10x128xi32, #tpu.memory_space<hbm>> -> memref<1x1x10x128xi32, #tpu.memory_space<hbm>>
      %dma_start3A_31 = tpu.memref_squeeze %dma_start3A_30 : memref<1x1x10x128xi32, #tpu.memory_space<hbm>> -> memref<10x128xi32, #tpu.memory_space<hbm>>
      %dma_start3A_32 = arith.constant 0 : i32
      %dma_start3A_33 = arith.constant 0 : i32
      %dma_start3A_34 = tpu.memref_slice %arg3[%run_scoped3A_2, %add3A, %dma_start3A_32, %dma_start3A_33] : memref<8x32x10x128xi32, #tpu.memory_space<hbm>> -> memref<1x1x10x128xi32, #tpu.memory_space<hbm>>
      %dma_start3A_35 = tpu.memref_squeeze %dma_start3A_34 : memref<1x1x10x128xi32, #tpu.memory_space<hbm>> -> memref<10x128xi32, #tpu.memory_space<hbm>>
      tpu.enqueue_dma source(%dma_start3A_35 : memref<10x128xi32, #tpu.memory_space<hbm>>) target(%arg8 : memref<10x128xi32, #tpu.memory_space<vmem>>) target_semaphore(%run_scoped3A_28 : memref<!tpu.dma_semaphore, #tpu.memory_space<semaphore_mem>>)
      %dma_wait3A = arith.constant 0 : i32
      %dma_wait3A_36 = arith.constant 0 : i32
      %dma_wait3A_37 = tpu.memref_slice %arg3[%run_scoped3A_2, %add3A, %dma_wait3A, %dma_wait3A_36] : memref<8x32x10x128xi32, #tpu.memory_space<hbm>> -> memref<1x1x10x128xi32, #tpu.memory_space<hbm>>
      %dma_wait3A_38 = tpu.memref_squeeze %dma_wait3A_37 : memref<1x1x10x128xi32, #tpu.memory_space<hbm>> -> memref<10x128xi32, #tpu.memory_space<hbm>>
      %dma_wait3A_39 = arith.constant 0 : i32
      %dma_wait3A_40 = arith.constant 0 : i32
      %dma_wait3A_41 = tpu.memref_slice %arg3[%run_scoped3A_2, %add3A, %dma_wait3A_39, %dma_wait3A_40] : memref<8x32x10x128xi32, #tpu.memory_space<hbm>> -> memref<1x1x10x128xi32, #tpu.memory_space<hbm>>
      %dma_wait3A_42 = tpu.memref_squeeze %dma_wait3A_41 : memref<1x1x10x128xi32, #tpu.memory_space<hbm>> -> memref<10x128xi32, #tpu.memory_space<hbm>>
      tpu.wait_dma2 semaphore(%run_scoped3A_28 : memref<!tpu.dma_semaphore, #tpu.memory_space<semaphore_mem>>) src(%dma_wait3A_42 : memref<10x128xi32, #tpu.memory_space<hbm>>) dst(%arg8 : memref<10x128xi32, #tpu.memory_space<vmem>>)
      tpu.yield
    }) : () -> ()
    %run_scoped3A_3 = arith.constant 1 : i32
    "tpu.region"() ({
      %run_scoped3A_28 = tpu.sem_alloc : memref<!tpu.dma_semaphore, #tpu.memory_space<semaphore_mem>>
      %dma_start3A = arith.constant 0 : i32
      %dma_start3A_29 = arith.constant 0 : i32
      %dma_start3A_30 = tpu.memref_slice %arg4[%run_scoped3A_3, %add3A, %dma_start3A, %dma_start3A_29] : memref<8x32x10x128xi32, #tpu.memory_space<hbm>> -> memref<1x1x10x128xi32, #tpu.memory_space<hbm>>
      %dma_start3A_31 = tpu.memref_squeeze %dma_start3A_30 : memref<1x1x10x128xi32, #tpu.memory_space<hbm>> -> memref<10x128xi32, #tpu.memory_space<hbm>>
      %dma_start3A_32 = arith.constant 0 : i32
      %dma_start3A_33 = arith.constant 0 : i32
      %dma_start3A_34 = tpu.memref_slice %arg4[%run_scoped3A_3, %add3A, %dma_start3A_32, %dma_start3A_33] : memref<8x32x10x128xi32, #tpu.memory_space<hbm>> -> memref<1x1x10x128xi32, #tpu.memory_space<hbm>>
      %dma_start3A_35 = tpu.memref_squeeze %dma_start3A_34 : memref<1x1x10x128xi32, #tpu.memory_space<hbm>> -> memref<10x128xi32, #tpu.memory_space<hbm>>
      tpu.enqueue_dma source(%dma_start3A_35 : memref<10x128xi32, #tpu.memory_space<hbm>>) target(%arg16 : memref<10x128xi32, #tpu.memory_space<vmem>>) target_semaphore(%run_scoped3A_28 : memref<!tpu.dma_semaphore, #tpu.memory_space<semaphore_mem>>)
      %dma_wait3A = arith.constant 0 : i32
      %dma_wait3A_36 = arith.constant 0 : i32
      %dma_wait3A_37 = tpu.memref_slice %arg4[%run_scoped3A_3, %add3A, %dma_wait3A, %dma_wait3A_36] : memref<8x32x10x128xi32, #tpu.memory_space<hbm>> -> memref<1x1x10x128xi32, #tpu.memory_space<hbm>>
      %dma_wait3A_38 = tpu.memref_squeeze %dma_wait3A_37 : memref<1x1x10x128xi32, #tpu.memory_space<hbm>> -> memref<10x128xi32, #tpu.memory_space<hbm>>
      %dma_wait3A_39 = arith.constant 0 : i32
      %dma_wait3A_40 = arith.constant 0 : i32
      %dma_wait3A_41 = tpu.memref_slice %arg4[%run_scoped3A_3, %add3A, %dma_wait3A_39, %dma_wait3A_40] : memref<8x32x10x128xi32, #tpu.memory_space<hbm>> -> memref<1x1x10x128xi32, #tpu.memory_space<hbm>>
      %dma_wait3A_42 = tpu.memref_squeeze %dma_wait3A_41 : memref<1x1x10x128xi32, #tpu.memory_space<hbm>> -> memref<10x128xi32, #tpu.memory_space<hbm>>
      tpu.wait_dma2 semaphore(%run_scoped3A_28 : memref<!tpu.dma_semaphore, #tpu.memory_space<semaphore_mem>>) src(%dma_wait3A_42 : memref<10x128xi32, #tpu.memory_space<hbm>>) dst(%arg16 : memref<10x128xi32, #tpu.memory_space<vmem>>)
      tpu.yield
    }) : () -> ()
    %run_scoped3A_4 = arith.constant 2 : i32
    "tpu.region"() ({
      %run_scoped3A_28 = tpu.sem_alloc : memref<!tpu.dma_semaphore, #tpu.memory_space<semaphore_mem>>
      %dma_start3A = arith.constant 0 : i32
      %dma_start3A_29 = arith.constant 0 : i32
      %dma_start3A_30 = tpu.memref_slice %arg3[%run_scoped3A_4, %add3A, %dma_start3A, %dma_start3A_29] : memref<8x32x10x128xi32, #tpu.memory_space<hbm>> -> memref<1x1x10x128xi32, #tpu.memory_space<hbm>>
      %dma_start3A_31 = tpu.memref_squeeze %dma_start3A_30 : memref<1x1x10x128xi32, #tpu.memory_space<hbm>> -> memref<10x128xi32, #tpu.memory_space<hbm>>
      %dma_start3A_32 = arith.constant 0 : i32
      %dma_start3A_33 = arith.constant 0 : i32
      %dma_start3A_34 = tpu.memref_slice %arg3[%run_scoped3A_4, %add3A, %dma_start3A_32, %dma_start3A_33] : memref<8x32x10x128xi32, #tpu.memory_space<hbm>> -> memref<1x1x10x128xi32, #tpu.memory_space<hbm>>
      %dma_start3A_35 = tpu.memref_squeeze %dma_start3A_34 : memref<1x1x10x128xi32, #tpu.memory_space<hbm>> -> memref<10x128xi32, #tpu.memory_space<hbm>>
      tpu.enqueue_dma source(%dma_start3A_35 : memref<10x128xi32, #tpu.memory_space<hbm>>) target(%arg9 : memref<10x128xi32, #tpu.memory_space<vmem>>) target_semaphore(%run_scoped3A_28 : memref<!tpu.dma_semaphore, #tpu.memory_space<semaphore_mem>>)
      %dma_wait3A = arith.constant 0 : i32
      %dma_wait3A_36 = arith.constant 0 : i32
      %dma_wait3A_37 = tpu.memref_slice %arg3[%run_scoped3A_4, %add3A, %dma_wait3A, %dma_wait3A_36] : memref<8x32x10x128xi32, #tpu.memory_space<hbm>> -> memref<1x1x10x128xi32, #tpu.memory_space<hbm>>
      %dma_wait3A_38 = tpu.memref_squeeze %dma_wait3A_37 : memref<1x1x10x128xi32, #tpu.memory_space<hbm>> -> memref<10x128xi32, #tpu.memory_space<hbm>>
      %dma_wait3A_39 = arith.constant 0 : i32
      %dma_wait3A_40 = arith.constant 0 : i32
      %dma_wait3A_41 = tpu.memref_slice %arg3[%run_scoped3A_4, %add3A, %dma_wait3A_39, %dma_wait3A_40] : memref<8x32x10x128xi32, #tpu.memory_space<hbm>> -> memref<1x1x10x128xi32, #tpu.memory_space<hbm>>
      %dma_wait3A_42 = tpu.memref_squeeze %dma_wait3A_41 : memref<1x1x10x128xi32, #tpu.memory_space<hbm>> -> memref<10x128xi32, #tpu.memory_space<hbm>>
      tpu.wait_dma2 semaphore(%run_scoped3A_28 : memref<!tpu.dma_semaphore, #tpu.memory_space<semaphore_mem>>) src(%dma_wait3A_42 : memref<10x128xi32, #tpu.memory_space<hbm>>) dst(%arg9 : memref<10x128xi32, #tpu.memory_space<vmem>>)
      tpu.yield
    }) : () -> ()
    %run_scoped3A_5 = arith.constant 2 : i32
    "tpu.region"() ({
      %run_scoped3A_28 = tpu.sem_alloc : memref<!tpu.dma_semaphore, #tpu.memory_space<semaphore_mem>>
      %dma_start3A = arith.constant 0 : i32
      %dma_start3A_29 = arith.constant 0 : i32
      %dma_start3A_30 = tpu.memref_slice %arg4[%run_scoped3A_5, %add3A, %dma_start3A, %dma_start3A_29] : memref<8x32x10x128xi32, #tpu.memory_space<hbm>> -> memref<1x1x10x128xi32, #tpu.memory_space<hbm>>
      %dma_start3A_31 = tpu.memref_squeeze %dma_start3A_30 : memref<1x1x10x128xi32, #tpu.memory_space<hbm>> -> memref<10x128xi32, #tpu.memory_space<hbm>>
      %dma_start3A_32 = arith.constant 0 : i32
      %dma_start3A_33 = arith.constant 0 : i32
      %dma_start3A_34 = tpu.memref_slice %arg4[%run_scoped3A_5, %add3A, %dma_start3A_32, %dma_start3A_33] : memref<8x32x10x128xi32, #tpu.memory_space<hbm>> -> memref<1x1x10x128xi32, #tpu.memory_space<hbm>>
      %dma_start3A_35 = tpu.memref_squeeze %dma_start3A_34 : memref<1x1x10x128xi32, #tpu.memory_space<hbm>> -> memref<10x128xi32, #tpu.memory_space<hbm>>
      tpu.enqueue_dma source(%dma_start3A_35 : memref<10x128xi32, #tpu.memory_space<hbm>>) target(%arg17 : memref<10x128xi32, #tpu.memory_space<vmem>>) target_semaphore(%run_scoped3A_28 : memref<!tpu.dma_semaphore, #tpu.memory_space<semaphore_mem>>)
      %dma_wait3A = arith.constant 0 : i32
      %dma_wait3A_36 = arith.constant 0 : i32
      %dma_wait3A_37 = tpu.memref_slice %arg4[%run_scoped3A_5, %add3A, %dma_wait3A, %dma_wait3A_36] : memref<8x32x10x128xi32, #tpu.memory_space<hbm>> -> memref<1x1x10x128xi32, #tpu.memory_space<hbm>>
      %dma_wait3A_38 = tpu.memref_squeeze %dma_wait3A_37 : memref<1x1x10x128xi32, #tpu.memory_space<hbm>> -> memref<10x128xi32, #tpu.memory_space<hbm>>
      %dma_wait3A_39 = arith.constant 0 : i32
      %dma_wait3A_40 = arith.constant 0 : i32
      %dma_wait3A_41 = tpu.memref_slice %arg4[%run_scoped3A_5, %add3A, %dma_wait3A_39, %dma_wait3A_40] : memref<8x32x10x128xi32, #tpu.memory_space<hbm>> -> memref<1x1x10x128xi32, #tpu.memory_space<hbm>>
      %dma_wait3A_42 = tpu.memref_squeeze %dma_wait3A_41 : memref<1x1x10x128xi32, #tpu.memory_space<hbm>> -> memref<10x128xi32, #tpu.memory_space<hbm>>
      tpu.wait_dma2 semaphore(%run_scoped3A_28 : memref<!tpu.dma_semaphore, #tpu.memory_space<semaphore_mem>>) src(%dma_wait3A_42 : memref<10x128xi32, #tpu.memory_space<hbm>>) dst(%arg17 : memref<10x128xi32, #tpu.memory_space<vmem>>)
      tpu.yield
    }) : () -> ()
    %run_scoped3A_6 = arith.constant 3 : i32
    "tpu.region"() ({
      %run_scoped3A_28 = tpu.sem_alloc : memref<!tpu.dma_semaphore, #tpu.memory_space<semaphore_mem>>
      %dma_start3A = arith.constant 0 : i32
      %dma_start3A_29 = arith.constant 0 : i32
      %dma_start3A_30 = tpu.memref_slice %arg3[%run_scoped3A_6, %add3A, %dma_start3A, %dma_start3A_29] : memref<8x32x10x128xi32, #tpu.memory_space<hbm>> -> memref<1x1x10x128xi32, #tpu.memory_space<hbm>>
      %dma_start3A_31 = tpu.memref_squeeze %dma_start3A_30 : memref<1x1x10x128xi32, #tpu.memory_space<hbm>> -> memref<10x128xi32, #tpu.memory_space<hbm>>
      %dma_start3A_32 = arith.constant 0 : i32
      %dma_start3A_33 = arith.constant 0 : i32
      %dma_start3A_34 = tpu.memref_slice %arg3[%run_scoped3A_6, %add3A, %dma_start3A_32, %dma_start3A_33] : memref<8x32x10x128xi32, #tpu.memory_space<hbm>> -> memref<1x1x10x128xi32, #tpu.memory_space<hbm>>
      %dma_start3A_35 = tpu.memref_squeeze %dma_start3A_34 : memref<1x1x10x128xi32, #tpu.memory_space<hbm>> -> memref<10x128xi32, #tpu.memory_space<hbm>>
      tpu.enqueue_dma source(%dma_start3A_35 : memref<10x128xi32, #tpu.memory_space<hbm>>) target(%arg10 : memref<10x128xi32, #tpu.memory_space<vmem>>) target_semaphore(%run_scoped3A_28 : memref<!tpu.dma_semaphore, #tpu.memory_space<semaphore_mem>>)
      %dma_wait3A = arith.constant 0 : i32
      %dma_wait3A_36 = arith.constant 0 : i32
      %dma_wait3A_37 = tpu.memref_slice %arg3[%run_scoped3A_6, %add3A, %dma_wait3A, %dma_wait3A_36] : memref<8x32x10x128xi32, #tpu.memory_space<hbm>> -> memref<1x1x10x128xi32, #tpu.memory_space<hbm>>
      %dma_wait3A_38 = tpu.memref_squeeze %dma_wait3A_37 : memref<1x1x10x128xi32, #tpu.memory_space<hbm>> -> memref<10x128xi32, #tpu.memory_space<hbm>>
      %dma_wait3A_39 = arith.constant 0 : i32
      %dma_wait3A_40 = arith.constant 0 : i32
      %dma_wait3A_41 = tpu.memref_slice %arg3[%run_scoped3A_6, %add3A, %dma_wait3A_39, %dma_wait3A_40] : memref<8x32x10x128xi32, #tpu.memory_space<hbm>> -> memref<1x1x10x128xi32, #tpu.memory_space<hbm>>
      %dma_wait3A_42 = tpu.memref_squeeze %dma_wait3A_41 : memref<1x1x10x128xi32, #tpu.memory_space<hbm>> -> memref<10x128xi32, #tpu.memory_space<hbm>>
      tpu.wait_dma2 semaphore(%run_scoped3A_28 : memref<!tpu.dma_semaphore, #tpu.memory_space<semaphore_mem>>) src(%dma_wait3A_42 : memref<10x128xi32, #tpu.memory_space<hbm>>) dst(%arg10 : memref<10x128xi32, #tpu.memory_space<vmem>>)
      tpu.yield
    }) : () -> ()
    %run_scoped3A_7 = arith.constant 3 : i32
    "tpu.region"() ({
      %run_scoped3A_28 = tpu.sem_alloc : memref<!tpu.dma_semaphore, #tpu.memory_space<semaphore_mem>>
      %dma_start3A = arith.constant 0 : i32
      %dma_start3A_29 = arith.constant 0 : i32
      %dma_start3A_30 = tpu.memref_slice %arg4[%run_scoped3A_7, %add3A, %dma_start3A, %dma_start3A_29] : memref<8x32x10x128xi32, #tpu.memory_space<hbm>> -> memref<1x1x10x128xi32, #tpu.memory_space<hbm>>
      %dma_start3A_31 = tpu.memref_squeeze %dma_start3A_30 : memref<1x1x10x128xi32, #tpu.memory_space<hbm>> -> memref<10x128xi32, #tpu.memory_space<hbm>>
      %dma_start3A_32 = arith.constant 0 : i32
      %dma_start3A_33 = arith.constant 0 : i32
      %dma_start3A_34 = tpu.memref_slice %arg4[%run_scoped3A_7, %add3A, %dma_start3A_32, %dma_start3A_33] : memref<8x32x10x128xi32, #tpu.memory_space<hbm>> -> memref<1x1x10x128xi32, #tpu.memory_space<hbm>>
      %dma_start3A_35 = tpu.memref_squeeze %dma_start3A_34 : memref<1x1x10x128xi32, #tpu.memory_space<hbm>> -> memref<10x128xi32, #tpu.memory_space<hbm>>
      tpu.enqueue_dma source(%dma_start3A_35 : memref<10x128xi32, #tpu.memory_space<hbm>>) target(%arg18 : memref<10x128xi32, #tpu.memory_space<vmem>>) target_semaphore(%run_scoped3A_28 : memref<!tpu.dma_semaphore, #tpu.memory_space<semaphore_mem>>)
      %dma_wait3A = arith.constant 0 : i32
      %dma_wait3A_36 = arith.constant 0 : i32
      %dma_wait3A_37 = tpu.memref_slice %arg4[%run_scoped3A_7, %add3A, %dma_wait3A, %dma_wait3A_36] : memref<8x32x10x128xi32, #tpu.memory_space<hbm>> -> memref<1x1x10x128xi32, #tpu.memory_space<hbm>>
      %dma_wait3A_38 = tpu.memref_squeeze %dma_wait3A_37 : memref<1x1x10x128xi32, #tpu.memory_space<hbm>> -> memref<10x128xi32, #tpu.memory_space<hbm>>
      %dma_wait3A_39 = arith.constant 0 : i32
      %dma_wait3A_40 = arith.constant 0 : i32
      %dma_wait3A_41 = tpu.memref_slice %arg4[%run_scoped3A_7, %add3A, %dma_wait3A_39, %dma_wait3A_40] : memref<8x32x10x128xi32, #tpu.memory_space<hbm>> -> memref<1x1x10x128xi32, #tpu.memory_space<hbm>>
      %dma_wait3A_42 = tpu.memref_squeeze %dma_wait3A_41 : memref<1x1x10x128xi32, #tpu.memory_space<hbm>> -> memref<10x128xi32, #tpu.memory_space<hbm>>
      tpu.wait_dma2 semaphore(%run_scoped3A_28 : memref<!tpu.dma_semaphore, #tpu.memory_space<semaphore_mem>>) src(%dma_wait3A_42 : memref<10x128xi32, #tpu.memory_space<hbm>>) dst(%arg18 : memref<10x128xi32, #tpu.memory_space<vmem>>)
      tpu.yield
    }) : () -> ()
    %run_scoped3A_8 = arith.constant 4 : i32
    "tpu.region"() ({
      %run_scoped3A_28 = tpu.sem_alloc : memref<!tpu.dma_semaphore, #tpu.memory_space<semaphore_mem>>
      %dma_start3A = arith.constant 0 : i32
      %dma_start3A_29 = arith.constant 0 : i32
      %dma_start3A_30 = tpu.memref_slice %arg3[%run_scoped3A_8, %add3A, %dma_start3A, %dma_start3A_29] : memref<8x32x10x128xi32, #tpu.memory_space<hbm>> -> memref<1x1x10x128xi32, #tpu.memory_space<hbm>>
      %dma_start3A_31 = tpu.memref_squeeze %dma_start3A_30 : memref<1x1x10x128xi32, #tpu.memory_space<hbm>> -> memref<10x128xi32, #tpu.memory_space<hbm>>
      %dma_start3A_32 = arith.constant 0 : i32
      %dma_start3A_33 = arith.constant 0 : i32
      %dma_start3A_34 = tpu.memref_slice %arg3[%run_scoped3A_8, %add3A, %dma_start3A_32, %dma_start3A_33] : memref<8x32x10x128xi32, #tpu.memory_space<hbm>> -> memref<1x1x10x128xi32, #tpu.memory_space<hbm>>
      %dma_start3A_35 = tpu.memref_squeeze %dma_start3A_34 : memref<1x1x10x128xi32, #tpu.memory_space<hbm>> -> memref<10x128xi32, #tpu.memory_space<hbm>>
      tpu.enqueue_dma source(%dma_start3A_35 : memref<10x128xi32, #tpu.memory_space<hbm>>) target(%arg11 : memref<10x128xi32, #tpu.memory_space<vmem>>) target_semaphore(%run_scoped3A_28 : memref<!tpu.dma_semaphore, #tpu.memory_space<semaphore_mem>>)
      %dma_wait3A = arith.constant 0 : i32
      %dma_wait3A_36 = arith.constant 0 : i32
      %dma_wait3A_37 = tpu.memref_slice %arg3[%run_scoped3A_8, %add3A, %dma_wait3A, %dma_wait3A_36] : memref<8x32x10x128xi32, #tpu.memory_space<hbm>> -> memref<1x1x10x128xi32, #tpu.memory_space<hbm>>
      %dma_wait3A_38 = tpu.memref_squeeze %dma_wait3A_37 : memref<1x1x10x128xi32, #tpu.memory_space<hbm>> -> memref<10x128xi32, #tpu.memory_space<hbm>>
      %dma_wait3A_39 = arith.constant 0 : i32
      %dma_wait3A_40 = arith.constant 0 : i32
      %dma_wait3A_41 = tpu.memref_slice %arg3[%run_scoped3A_8, %add3A, %dma_wait3A_39, %dma_wait3A_40] : memref<8x32x10x128xi32, #tpu.memory_space<hbm>> -> memref<1x1x10x128xi32, #tpu.memory_space<hbm>>
      %dma_wait3A_42 = tpu.memref_squeeze %dma_wait3A_41 : memref<1x1x10x128xi32, #tpu.memory_space<hbm>> -> memref<10x128xi32, #tpu.memory_space<hbm>>
      tpu.wait_dma2 semaphore(%run_scoped3A_28 : memref<!tpu.dma_semaphore, #tpu.memory_space<semaphore_mem>>) src(%dma_wait3A_42 : memref<10x128xi32, #tpu.memory_space<hbm>>) dst(%arg11 : memref<10x128xi32, #tpu.memory_space<vmem>>)
      tpu.yield
    }) : () -> ()
    %run_scoped3A_9 = arith.constant 4 : i32
    "tpu.region"() ({
      %run_scoped3A_28 = tpu.sem_alloc : memref<!tpu.dma_semaphore, #tpu.memory_space<semaphore_mem>>
      %dma_start3A = arith.constant 0 : i32
      %dma_start3A_29 = arith.constant 0 : i32
      %dma_start3A_30 = tpu.memref_slice %arg4[%run_scoped3A_9, %add3A, %dma_start3A, %dma_start3A_29] : memref<8x32x10x128xi32, #tpu.memory_space<hbm>> -> memref<1x1x10x128xi32, #tpu.memory_space<hbm>>
      %dma_start3A_31 = tpu.memref_squeeze %dma_start3A_30 : memref<1x1x10x128xi32, #tpu.memory_space<hbm>> -> memref<10x128xi32, #tpu.memory_space<hbm>>
      %dma_start3A_32 = arith.constant 0 : i32
      %dma_start3A_33 = arith.constant 0 : i32
      %dma_start3A_34 = tpu.memref_slice %arg4[%run_scoped3A_9, %add3A, %dma_start3A_32, %dma_start3A_33] : memref<8x32x10x128xi32, #tpu.memory_space<hbm>> -> memref<1x1x10x128xi32, #tpu.memory_space<hbm>>
      %dma_start3A_35 = tpu.memref_squeeze %dma_start3A_34 : memref<1x1x10x128xi32, #tpu.memory_space<hbm>> -> memref<10x128xi32, #tpu.memory_space<hbm>>
      tpu.enqueue_dma source(%dma_start3A_35 : memref<10x128xi32, #tpu.memory_space<hbm>>) target(%arg19 : memref<10x128xi32, #tpu.memory_space<vmem>>) target_semaphore(%run_scoped3A_28 : memref<!tpu.dma_semaphore, #tpu.memory_space<semaphore_mem>>)
      %dma_wait3A = arith.constant 0 : i32
      %dma_wait3A_36 = arith.constant 0 : i32
      %dma_wait3A_37 = tpu.memref_slice %arg4[%run_scoped3A_9, %add3A, %dma_wait3A, %dma_wait3A_36] : memref<8x32x10x128xi32, #tpu.memory_space<hbm>> -> memref<1x1x10x128xi32, #tpu.memory_space<hbm>>
      %dma_wait3A_38 = tpu.memref_squeeze %dma_wait3A_37 : memref<1x1x10x128xi32, #tpu.memory_space<hbm>> -> memref<10x128xi32, #tpu.memory_space<hbm>>
      %dma_wait3A_39 = arith.constant 0 : i32
      %dma_wait3A_40 = arith.constant 0 : i32
      %dma_wait3A_41 = tpu.memref_slice %arg4[%run_scoped3A_9, %add3A, %dma_wait3A_39, %dma_wait3A_40] : memref<8x32x10x128xi32, #tpu.memory_space<hbm>> -> memref<1x1x10x128xi32, #tpu.memory_space<hbm>>
      %dma_wait3A_42 = tpu.memref_squeeze %dma_wait3A_41 : memref<1x1x10x128xi32, #tpu.memory_space<hbm>> -> memref<10x128xi32, #tpu.memory_space<hbm>>
      tpu.wait_dma2 semaphore(%run_scoped3A_28 : memref<!tpu.dma_semaphore, #tpu.memory_space<semaphore_mem>>) src(%dma_wait3A_42 : memref<10x128xi32, #tpu.memory_space<hbm>>) dst(%arg19 : memref<10x128xi32, #tpu.memory_space<vmem>>)
      tpu.yield
    }) : () -> ()
    %run_scoped3A_10 = arith.constant 5 : i32
    "tpu.region"() ({
      %run_scoped3A_28 = tpu.sem_alloc : memref<!tpu.dma_semaphore, #tpu.memory_space<semaphore_mem>>
      %dma_start3A = arith.constant 0 : i32
      %dma_start3A_29 = arith.constant 0 : i32
      %dma_start3A_30 = tpu.memref_slice %arg3[%run_scoped3A_10, %add3A, %dma_start3A, %dma_start3A_29] : memref<8x32x10x128xi32, #tpu.memory_space<hbm>> -> memref<1x1x10x128xi32, #tpu.memory_space<hbm>>
      %dma_start3A_31 = tpu.memref_squeeze %dma_start3A_30 : memref<1x1x10x128xi32, #tpu.memory_space<hbm>> -> memref<10x128xi32, #tpu.memory_space<hbm>>
      %dma_start3A_32 = arith.constant 0 : i32
      %dma_start3A_33 = arith.constant 0 : i32
      %dma_start3A_34 = tpu.memref_slice %arg3[%run_scoped3A_10, %add3A, %dma_start3A_32, %dma_start3A_33] : memref<8x32x10x128xi32, #tpu.memory_space<hbm>> -> memref<1x1x10x128xi32, #tpu.memory_space<hbm>>
      %dma_start3A_35 = tpu.memref_squeeze %dma_start3A_34 : memref<1x1x10x128xi32, #tpu.memory_space<hbm>> -> memref<10x128xi32, #tpu.memory_space<hbm>>
      tpu.enqueue_dma source(%dma_start3A_35 : memref<10x128xi32, #tpu.memory_space<hbm>>) target(%arg12 : memref<10x128xi32, #tpu.memory_space<vmem>>) target_semaphore(%run_scoped3A_28 : memref<!tpu.dma_semaphore, #tpu.memory_space<semaphore_mem>>)
      %dma_wait3A = arith.constant 0 : i32
      %dma_wait3A_36 = arith.constant 0 : i32
      %dma_wait3A_37 = tpu.memref_slice %arg3[%run_scoped3A_10, %add3A, %dma_wait3A, %dma_wait3A_36] : memref<8x32x10x128xi32, #tpu.memory_space<hbm>> -> memref<1x1x10x128xi32, #tpu.memory_space<hbm>>
      %dma_wait3A_38 = tpu.memref_squeeze %dma_wait3A_37 : memref<1x1x10x128xi32, #tpu.memory_space<hbm>> -> memref<10x128xi32, #tpu.memory_space<hbm>>
      %dma_wait3A_39 = arith.constant 0 : i32
      %dma_wait3A_40 = arith.constant 0 : i32
      %dma_wait3A_41 = tpu.memref_slice %arg3[%run_scoped3A_10, %add3A, %dma_wait3A_39, %dma_wait3A_40] : memref<8x32x10x128xi32, #tpu.memory_space<hbm>> -> memref<1x1x10x128xi32, #tpu.memory_space<hbm>>
      %dma_wait3A_42 = tpu.memref_squeeze %dma_wait3A_41 : memref<1x1x10x128xi32, #tpu.memory_space<hbm>> -> memref<10x128xi32, #tpu.memory_space<hbm>>
      tpu.wait_dma2 semaphore(%run_scoped3A_28 : memref<!tpu.dma_semaphore, #tpu.memory_space<semaphore_mem>>) src(%dma_wait3A_42 : memref<10x128xi32, #tpu.memory_space<hbm>>) dst(%arg12 : memref<10x128xi32, #tpu.memory_space<vmem>>)
      tpu.yield
    }) : () -> ()
    %run_scoped3A_11 = arith.constant 5 : i32
    "tpu.region"() ({
      %run_scoped3A_28 = tpu.sem_alloc : memref<!tpu.dma_semaphore, #tpu.memory_space<semaphore_mem>>
      %dma_start3A = arith.constant 0 : i32
      %dma_start3A_29 = arith.constant 0 : i32
      %dma_start3A_30 = tpu.memref_slice %arg4[%run_scoped3A_11, %add3A, %dma_start3A, %dma_start3A_29] : memref<8x32x10x128xi32, #tpu.memory_space<hbm>> -> memref<1x1x10x128xi32, #tpu.memory_space<hbm>>
      %dma_start3A_31 = tpu.memref_squeeze %dma_start3A_30 : memref<1x1x10x128xi32, #tpu.memory_space<hbm>> -> memref<10x128xi32, #tpu.memory_space<hbm>>
      %dma_start3A_32 = arith.constant 0 : i32
      %dma_start3A_33 = arith.constant 0 : i32
      %dma_start3A_34 = tpu.memref_slice %arg4[%run_scoped3A_11, %add3A, %dma_start3A_32, %dma_start3A_33] : memref<8x32x10x128xi32, #tpu.memory_space<hbm>> -> memref<1x1x10x128xi32, #tpu.memory_space<hbm>>
      %dma_start3A_35 = tpu.memref_squeeze %dma_start3A_34 : memref<1x1x10x128xi32, #tpu.memory_space<hbm>> -> memref<10x128xi32, #tpu.memory_space<hbm>>
      tpu.enqueue_dma source(%dma_start3A_35 : memref<10x128xi32, #tpu.memory_space<hbm>>) target(%arg20 : memref<10x128xi32, #tpu.memory_space<vmem>>) target_semaphore(%run_scoped3A_28 : memref<!tpu.dma_semaphore, #tpu.memory_space<semaphore_mem>>)
      %dma_wait3A = arith.constant 0 : i32
      %dma_wait3A_36 = arith.constant 0 : i32
      %dma_wait3A_37 = tpu.memref_slice %arg4[%run_scoped3A_11, %add3A, %dma_wait3A, %dma_wait3A_36] : memref<8x32x10x128xi32, #tpu.memory_space<hbm>> -> memref<1x1x10x128xi32, #tpu.memory_space<hbm>>
      %dma_wait3A_38 = tpu.memref_squeeze %dma_wait3A_37 : memref<1x1x10x128xi32, #tpu.memory_space<hbm>> -> memref<10x128xi32, #tpu.memory_space<hbm>>
      %dma_wait3A_39 = arith.constant 0 : i32
      %dma_wait3A_40 = arith.constant 0 : i32
      %dma_wait3A_41 = tpu.memref_slice %arg4[%run_scoped3A_11, %add3A, %dma_wait3A_39, %dma_wait3A_40] : memref<8x32x10x128xi32, #tpu.memory_space<hbm>> -> memref<1x1x10x128xi32, #tpu.memory_space<hbm>>
      %dma_wait3A_42 = tpu.memref_squeeze %dma_wait3A_41 : memref<1x1x10x128xi32, #tpu.memory_space<hbm>> -> memref<10x128xi32, #tpu.memory_space<hbm>>
      tpu.wait_dma2 semaphore(%run_scoped3A_28 : memref<!tpu.dma_semaphore, #tpu.memory_space<semaphore_mem>>) src(%dma_wait3A_42 : memref<10x128xi32, #tpu.memory_space<hbm>>) dst(%arg20 : memref<10x128xi32, #tpu.memory_space<vmem>>)
      tpu.yield
    }) : () -> ()
    %run_scoped3A_12 = arith.constant 6 : i32
    "tpu.region"() ({
      %run_scoped3A_28 = tpu.sem_alloc : memref<!tpu.dma_semaphore, #tpu.memory_space<semaphore_mem>>
      %dma_start3A = arith.constant 0 : i32
      %dma_start3A_29 = arith.constant 0 : i32
      %dma_start3A_30 = tpu.memref_slice %arg3[%run_scoped3A_12, %add3A, %dma_start3A, %dma_start3A_29] : memref<8x32x10x128xi32, #tpu.memory_space<hbm>> -> memref<1x1x10x128xi32, #tpu.memory_space<hbm>>
      %dma_start3A_31 = tpu.memref_squeeze %dma_start3A_30 : memref<1x1x10x128xi32, #tpu.memory_space<hbm>> -> memref<10x128xi32, #tpu.memory_space<hbm>>
      %dma_start3A_32 = arith.constant 0 : i32
      %dma_start3A_33 = arith.constant 0 : i32
      %dma_start3A_34 = tpu.memref_slice %arg3[%run_scoped3A_12, %add3A, %dma_start3A_32, %dma_start3A_33] : memref<8x32x10x128xi32, #tpu.memory_space<hbm>> -> memref<1x1x10x128xi32, #tpu.memory_space<hbm>>
      %dma_start3A_35 = tpu.memref_squeeze %dma_start3A_34 : memref<1x1x10x128xi32, #tpu.memory_space<hbm>> -> memref<10x128xi32, #tpu.memory_space<hbm>>
      tpu.enqueue_dma source(%dma_start3A_35 : memref<10x128xi32, #tpu.memory_space<hbm>>) target(%arg13 : memref<10x128xi32, #tpu.memory_space<vmem>>) target_semaphore(%run_scoped3A_28 : memref<!tpu.dma_semaphore, #tpu.memory_space<semaphore_mem>>)
      %dma_wait3A = arith.constant 0 : i32
      %dma_wait3A_36 = arith.constant 0 : i32
      %dma_wait3A_37 = tpu.memref_slice %arg3[%run_scoped3A_12, %add3A, %dma_wait3A, %dma_wait3A_36] : memref<8x32x10x128xi32, #tpu.memory_space<hbm>> -> memref<1x1x10x128xi32, #tpu.memory_space<hbm>>
      %dma_wait3A_38 = tpu.memref_squeeze %dma_wait3A_37 : memref<1x1x10x128xi32, #tpu.memory_space<hbm>> -> memref<10x128xi32, #tpu.memory_space<hbm>>
      %dma_wait3A_39 = arith.constant 0 : i32
      %dma_wait3A_40 = arith.constant 0 : i32
      %dma_wait3A_41 = tpu.memref_slice %arg3[%run_scoped3A_12, %add3A, %dma_wait3A_39, %dma_wait3A_40] : memref<8x32x10x128xi32, #tpu.memory_space<hbm>> -> memref<1x1x10x128xi32, #tpu.memory_space<hbm>>
      %dma_wait3A_42 = tpu.memref_squeeze %dma_wait3A_41 : memref<1x1x10x128xi32, #tpu.memory_space<hbm>> -> memref<10x128xi32, #tpu.memory_space<hbm>>
      tpu.wait_dma2 semaphore(%run_scoped3A_28 : memref<!tpu.dma_semaphore, #tpu.memory_space<semaphore_mem>>) src(%dma_wait3A_42 : memref<10x128xi32, #tpu.memory_space<hbm>>) dst(%arg13 : memref<10x128xi32, #tpu.memory_space<vmem>>)
      tpu.yield
    }) : () -> ()
    %run_scoped3A_13 = arith.constant 6 : i32
    "tpu.region"() ({
      %run_scoped3A_28 = tpu.sem_alloc : memref<!tpu.dma_semaphore, #tpu.memory_space<semaphore_mem>>
      %dma_start3A = arith.constant 0 : i32
      %dma_start3A_29 = arith.constant 0 : i32
      %dma_start3A_30 = tpu.memref_slice %arg4[%run_scoped3A_13, %add3A, %dma_start3A, %dma_start3A_29] : memref<8x32x10x128xi32, #tpu.memory_space<hbm>> -> memref<1x1x10x128xi32, #tpu.memory_space<hbm>>
      %dma_start3A_31 = tpu.memref_squeeze %dma_start3A_30 : memref<1x1x10x128xi32, #tpu.memory_space<hbm>> -> memref<10x128xi32, #tpu.memory_space<hbm>>
      %dma_start3A_32 = arith.constant 0 : i32
      %dma_start3A_33 = arith.constant 0 : i32
      %dma_start3A_34 = tpu.memref_slice %arg4[%run_scoped3A_13, %add3A, %dma_start3A_32, %dma_start3A_33] : memref<8x32x10x128xi32, #tpu.memory_space<hbm>> -> memref<1x1x10x128xi32, #tpu.memory_space<hbm>>
      %dma_start3A_35 = tpu.memref_squeeze %dma_start3A_34 : memref<1x1x10x128xi32, #tpu.memory_space<hbm>> -> memref<10x128xi32, #tpu.memory_space<hbm>>
      tpu.enqueue_dma source(%dma_start3A_35 : memref<10x128xi32, #tpu.memory_space<hbm>>) target(%arg21 : memref<10x128xi32, #tpu.memory_space<vmem>>) target_semaphore(%run_scoped3A_28 : memref<!tpu.dma_semaphore, #tpu.memory_space<semaphore_mem>>)
      %dma_wait3A = arith.constant 0 : i32
      %dma_wait3A_36 = arith.constant 0 : i32
      %dma_wait3A_37 = tpu.memref_slice %arg4[%run_scoped3A_13, %add3A, %dma_wait3A, %dma_wait3A_36] : memref<8x32x10x128xi32, #tpu.memory_space<hbm>> -> memref<1x1x10x128xi32, #tpu.memory_space<hbm>>
      %dma_wait3A_38 = tpu.memref_squeeze %dma_wait3A_37 : memref<1x1x10x128xi32, #tpu.memory_space<hbm>> -> memref<10x128xi32, #tpu.memory_space<hbm>>
      %dma_wait3A_39 = arith.constant 0 : i32
      %dma_wait3A_40 = arith.constant 0 : i32
      %dma_wait3A_41 = tpu.memref_slice %arg4[%run_scoped3A_13, %add3A, %dma_wait3A_39, %dma_wait3A_40] : memref<8x32x10x128xi32, #tpu.memory_space<hbm>> -> memref<1x1x10x128xi32, #tpu.memory_space<hbm>>
      %dma_wait3A_42 = tpu.memref_squeeze %dma_wait3A_41 : memref<1x1x10x128xi32, #tpu.memory_space<hbm>> -> memref<10x128xi32, #tpu.memory_space<hbm>>
      tpu.wait_dma2 semaphore(%run_scoped3A_28 : memref<!tpu.dma_semaphore, #tpu.memory_space<semaphore_mem>>) src(%dma_wait3A_42 : memref<10x128xi32, #tpu.memory_space<hbm>>) dst(%arg21 : memref<10x128xi32, #tpu.memory_space<vmem>>)
      tpu.yield
    }) : () -> ()
    %run_scoped3A_14 = arith.constant 7 : i32
    "tpu.region"() ({
      %run_scoped3A_28 = tpu.sem_alloc : memref<!tpu.dma_semaphore, #tpu.memory_space<semaphore_mem>>
      %dma_start3A = arith.constant 0 : i32
      %dma_start3A_29 = arith.constant 0 : i32
      %dma_start3A_30 = tpu.memref_slice %arg3[%run_scoped3A_14, %add3A, %dma_start3A, %dma_start3A_29] : memref<8x32x10x128xi32, #tpu.memory_space<hbm>> -> memref<1x1x10x128xi32, #tpu.memory_space<hbm>>
      %dma_start3A_31 = tpu.memref_squeeze %dma_start3A_30 : memref<1x1x10x128xi32, #tpu.memory_space<hbm>> -> memref<10x128xi32, #tpu.memory_space<hbm>>
      %dma_start3A_32 = arith.constant 0 : i32
      %dma_start3A_33 = arith.constant 0 : i32
      %dma_start3A_34 = tpu.memref_slice %arg3[%run_scoped3A_14, %add3A, %dma_start3A_32, %dma_start3A_33] : memref<8x32x10x128xi32, #tpu.memory_space<hbm>> -> memref<1x1x10x128xi32, #tpu.memory_space<hbm>>
      %dma_start3A_35 = tpu.memref_squeeze %dma_start3A_34 : memref<1x1x10x128xi32, #tpu.memory_space<hbm>> -> memref<10x128xi32, #tpu.memory_space<hbm>>
      tpu.enqueue_dma source(%dma_start3A_35 : memref<10x128xi32, #tpu.memory_space<hbm>>) target(%arg14 : memref<10x128xi32, #tpu.memory_space<vmem>>) target_semaphore(%run_scoped3A_28 : memref<!tpu.dma_semaphore, #tpu.memory_space<semaphore_mem>>)
      %dma_wait3A = arith.constant 0 : i32
      %dma_wait3A_36 = arith.constant 0 : i32
      %dma_wait3A_37 = tpu.memref_slice %arg3[%run_scoped3A_14, %add3A, %dma_wait3A, %dma_wait3A_36] : memref<8x32x10x128xi32, #tpu.memory_space<hbm>> -> memref<1x1x10x128xi32, #tpu.memory_space<hbm>>
      %dma_wait3A_38 = tpu.memref_squeeze %dma_wait3A_37 : memref<1x1x10x128xi32, #tpu.memory_space<hbm>> -> memref<10x128xi32, #tpu.memory_space<hbm>>
      %dma_wait3A_39 = arith.constant 0 : i32
      %dma_wait3A_40 = arith.constant 0 : i32
      %dma_wait3A_41 = tpu.memref_slice %arg3[%run_scoped3A_14, %add3A, %dma_wait3A_39, %dma_wait3A_40] : memref<8x32x10x128xi32, #tpu.memory_space<hbm>> -> memref<1x1x10x128xi32, #tpu.memory_space<hbm>>
      %dma_wait3A_42 = tpu.memref_squeeze %dma_wait3A_41 : memref<1x1x10x128xi32, #tpu.memory_space<hbm>> -> memref<10x128xi32, #tpu.memory_space<hbm>>
      tpu.wait_dma2 semaphore(%run_scoped3A_28 : memref<!tpu.dma_semaphore, #tpu.memory_space<semaphore_mem>>) src(%dma_wait3A_42 : memref<10x128xi32, #tpu.memory_space<hbm>>) dst(%arg14 : memref<10x128xi32, #tpu.memory_space<vmem>>)
      tpu.yield
    }) : () -> ()
    %run_scoped3A_15 = arith.constant 7 : i32
    "tpu.region"() ({
      %run_scoped3A_28 = tpu.sem_alloc : memref<!tpu.dma_semaphore, #tpu.memory_space<semaphore_mem>>
      %dma_start3A = arith.constant 0 : i32
      %dma_start3A_29 = arith.constant 0 : i32
      %dma_start3A_30 = tpu.memref_slice %arg4[%run_scoped3A_15, %add3A, %dma_start3A, %dma_start3A_29] : memref<8x32x10x128xi32, #tpu.memory_space<hbm>> -> memref<1x1x10x128xi32, #tpu.memory_space<hbm>>
      %dma_start3A_31 = tpu.memref_squeeze %dma_start3A_30 : memref<1x1x10x128xi32, #tpu.memory_space<hbm>> -> memref<10x128xi32, #tpu.memory_space<hbm>>
      %dma_start3A_32 = arith.constant 0 : i32
      %dma_start3A_33 = arith.constant 0 : i32
      %dma_start3A_34 = tpu.memref_slice %arg4[%run_scoped3A_15, %add3A, %dma_start3A_32, %dma_start3A_33] : memref<8x32x10x128xi32, #tpu.memory_space<hbm>> -> memref<1x1x10x128xi32, #tpu.memory_space<hbm>>
      %dma_start3A_35 = tpu.memref_squeeze %dma_start3A_34 : memref<1x1x10x128xi32, #tpu.memory_space<hbm>> -> memref<10x128xi32, #tpu.memory_space<hbm>>
      tpu.enqueue_dma source(%dma_start3A_35 : memref<10x128xi32, #tpu.memory_space<hbm>>) target(%arg22 : memref<10x128xi32, #tpu.memory_space<vmem>>) target_semaphore(%run_scoped3A_28 : memref<!tpu.dma_semaphore, #tpu.memory_space<semaphore_mem>>)
      %dma_wait3A = arith.constant 0 : i32
      %dma_wait3A_36 = arith.constant 0 : i32
      %dma_wait3A_37 = tpu.memref_slice %arg4[%run_scoped3A_15, %add3A, %dma_wait3A, %dma_wait3A_36] : memref<8x32x10x128xi32, #tpu.memory_space<hbm>> -> memref<1x1x10x128xi32, #tpu.memory_space<hbm>>
      %dma_wait3A_38 = tpu.memref_squeeze %dma_wait3A_37 : memref<1x1x10x128xi32, #tpu.memory_space<hbm>> -> memref<10x128xi32, #tpu.memory_space<hbm>>
      %dma_wait3A_39 = arith.constant 0 : i32
      %dma_wait3A_40 = arith.constant 0 : i32
      %dma_wait3A_41 = tpu.memref_slice %arg4[%run_scoped3A_15, %add3A, %dma_wait3A_39, %dma_wait3A_40] : memref<8x32x10x128xi32, #tpu.memory_space<hbm>> -> memref<1x1x10x128xi32, #tpu.memory_space<hbm>>
      %dma_wait3A_42 = tpu.memref_squeeze %dma_wait3A_41 : memref<1x1x10x128xi32, #tpu.memory_space<hbm>> -> memref<10x128xi32, #tpu.memory_space<hbm>>
      tpu.wait_dma2 semaphore(%run_scoped3A_28 : memref<!tpu.dma_semaphore, #tpu.memory_space<semaphore_mem>>) src(%dma_wait3A_42 : memref<10x128xi32, #tpu.memory_space<hbm>>) dst(%arg22 : memref<10x128xi32, #tpu.memory_space<vmem>>)
      tpu.yield
    }) : () -> ()
    %mul3A_16 = arith.constant 640 : i32
    %mul3A_17 = arith.muli %arg1, %mul3A_16 : i32
    "tpu.region"() ({
      %run_scoped3A_28 = tpu.sem_alloc : memref<!tpu.dma_semaphore, #tpu.memory_space<semaphore_mem>>
      %dma_start3A = arith.constant 0 : i32
      %dma_start3A_29 = tpu.memref_slice %arg31[%mul3A_17, %dma_start3A] : memref<10240x64xf32, #tpu.memory_space<vmem_shared>> -> memref<640x64xf32, #tpu.memory_space<vmem_shared>>
      tpu.enqueue_dma source(%arg5 : memref<640x64xf32, #tpu.memory_space<hbm>>) target(%dma_start3A_29 : memref<640x64xf32, #tpu.memory_space<vmem_shared>>) target_semaphore(%run_scoped3A_28 : memref<!tpu.dma_semaphore, #tpu.memory_space<semaphore_mem>>)
      %dma_wait3A = arith.constant 0 : i32
      %dma_wait3A_30 = tpu.memref_slice %arg31[%mul3A_17, %dma_wait3A] : memref<10240x64xf32, #tpu.memory_space<vmem_shared>> -> memref<640x64xf32, #tpu.memory_space<vmem_shared>>
      tpu.wait_dma2 semaphore(%run_scoped3A_28 : memref<!tpu.dma_semaphore, #tpu.memory_space<semaphore_mem>>) src(%arg5 : memref<640x64xf32, #tpu.memory_space<hbm>>) dst(%dma_wait3A_30 : memref<640x64xf32, #tpu.memory_space<vmem_shared>>)
      tpu.yield
    }) : () -> ()
    %barrier3A = arith.constant 0 : index
    tpu.barrier barrier_id(%barrier3A)
    %scan3A = arith.constant 0 : i32
    %scan3A_18 = arith.constant 0 : i32
    %scan3A_19 = arith.constant 10 : i32
    %scan3A_20 = arith.addi %scan3A_18, %scan3A_19 : i32
    %scan3A_21 = arith.constant 1 : i32
    scf.for %scan3A_28 = %scan3A_18 to %scan3A_20 step %scan3A_21  : i32 {
      %dma_start3A = arith.constant 0 : i32
      %dma_start3A_29 = tpu.memref_slice %arg7[%scan3A_28, %dma_start3A] : memref<10x128xi32, #tpu.memory_space<vmem>> -> memref<1x128xi32, #tpu.memory_space<vmem>>
      %dma_start3A_30 = tpu.memref_squeeze %dma_start3A_29 : memref<1x128xi32, #tpu.memory_space<vmem>> -> memref<128xi32, #tpu.memory_space<vmem>>
      %dma_start3A_31 = arith.constant 0 : i32
      %dma_start3A_32 = arith.constant 0 : i32
      %dma_start3A_33 = tpu.memref_slice %arg2[%dma_start3A_31, %dma_start3A_32] : memref<10240x64xf32, #tpu.memory_space<hbm>> -> memref<10240x64xf32, #tpu.memory_space<hbm>>
      tpu.enqueue_indirect_dma source(%dma_start3A_33 : memref<10240x64xf32, #tpu.memory_space<hbm>>) target(%arg23 : memref<128x64xf32, #tpu.memory_space<vmem>>) offsets(%dma_start3A_30 : memref<128xi32, #tpu.memory_space<vmem>>) semaphore(%arg32 : memref<!tpu.dma_semaphore, #tpu.memory_space<semaphore_mem>>)
      %dma_start3A_34 = arith.constant 0 : i32
      %dma_start3A_35 = tpu.memref_slice %arg8[%scan3A_28, %dma_start3A_34] : memref<10x128xi32, #tpu.memory_space<vmem>> -> memref<1x128xi32, #tpu.memory_space<vmem>>
      %dma_start3A_36 = tpu.memref_squeeze %dma_start3A_35 : memref<1x128xi32, #tpu.memory_space<vmem>> -> memref<128xi32, #tpu.memory_space<vmem>>
      %dma_start3A_37 = arith.constant 0 : i32
      %dma_start3A_38 = arith.constant 0 : i32
      %dma_start3A_39 = tpu.memref_slice %arg2[%dma_start3A_37, %dma_start3A_38] : memref<10240x64xf32, #tpu.memory_space<hbm>> -> memref<10240x64xf32, #tpu.memory_space<hbm>>
      tpu.enqueue_indirect_dma source(%dma_start3A_39 : memref<10240x64xf32, #tpu.memory_space<hbm>>) target(%arg24 : memref<128x64xf32, #tpu.memory_space<vmem>>) offsets(%dma_start3A_36 : memref<128xi32, #tpu.memory_space<vmem>>) semaphore(%arg32 : memref<!tpu.dma_semaphore, #tpu.memory_space<semaphore_mem>>)
      %dma_start3A_40 = arith.constant 0 : i32
      %dma_start3A_41 = tpu.memref_slice %arg9[%scan3A_28, %dma_start3A_40] : memref<10x128xi32, #tpu.memory_space<vmem>> -> memref<1x128xi32, #tpu.memory_space<vmem>>
      %dma_start3A_42 = tpu.memref_squeeze %dma_start3A_41 : memref<1x128xi32, #tpu.memory_space<vmem>> -> memref<128xi32, #tpu.memory_space<vmem>>
      %dma_start3A_43 = arith.constant 0 : i32
      %dma_start3A_44 = arith.constant 0 : i32
      %dma_start3A_45 = tpu.memref_slice %arg2[%dma_start3A_43, %dma_start3A_44] : memref<10240x64xf32, #tpu.memory_space<hbm>> -> memref<10240x64xf32, #tpu.memory_space<hbm>>
      tpu.enqueue_indirect_dma source(%dma_start3A_45 : memref<10240x64xf32, #tpu.memory_space<hbm>>) target(%arg25 : memref<128x64xf32, #tpu.memory_space<vmem>>) offsets(%dma_start3A_42 : memref<128xi32, #tpu.memory_space<vmem>>) semaphore(%arg32 : memref<!tpu.dma_semaphore, #tpu.memory_space<semaphore_mem>>)
      %dma_start3A_46 = arith.constant 0 : i32
      %dma_start3A_47 = tpu.memref_slice %arg10[%scan3A_28, %dma_start3A_46] : memref<10x128xi32, #tpu.memory_space<vmem>> -> memref<1x128xi32, #tpu.memory_space<vmem>>
      %dma_start3A_48 = tpu.memref_squeeze %dma_start3A_47 : memref<1x128xi32, #tpu.memory_space<vmem>> -> memref<128xi32, #tpu.memory_space<vmem>>
      %dma_start3A_49 = arith.constant 0 : i32
      %dma_start3A_50 = arith.constant 0 : i32
      %dma_start3A_51 = tpu.memref_slice %arg2[%dma_start3A_49, %dma_start3A_50] : memref<10240x64xf32, #tpu.memory_space<hbm>> -> memref<10240x64xf32, #tpu.memory_space<hbm>>
      tpu.enqueue_indirect_dma source(%dma_start3A_51 : memref<10240x64xf32, #tpu.memory_space<hbm>>) target(%arg26 : memref<128x64xf32, #tpu.memory_space<vmem>>) offsets(%dma_start3A_48 : memref<128xi32, #tpu.memory_space<vmem>>) semaphore(%arg32 : memref<!tpu.dma_semaphore, #tpu.memory_space<semaphore_mem>>)
      %dma_start3A_52 = arith.constant 0 : i32
      %dma_start3A_53 = tpu.memref_slice %arg11[%scan3A_28, %dma_start3A_52] : memref<10x128xi32, #tpu.memory_space<vmem>> -> memref<1x128xi32, #tpu.memory_space<vmem>>
      %dma_start3A_54 = tpu.memref_squeeze %dma_start3A_53 : memref<1x128xi32, #tpu.memory_space<vmem>> -> memref<128xi32, #tpu.memory_space<vmem>>
      %dma_start3A_55 = arith.constant 0 : i32
      %dma_start3A_56 = arith.constant 0 : i32
      %dma_start3A_57 = tpu.memref_slice %arg2[%dma_start3A_55, %dma_start3A_56] : memref<10240x64xf32, #tpu.memory_space<hbm>> -> memref<10240x64xf32, #tpu.memory_space<hbm>>
      tpu.enqueue_indirect_dma source(%dma_start3A_57 : memref<10240x64xf32, #tpu.memory_space<hbm>>) target(%arg27 : memref<128x64xf32, #tpu.memory_space<vmem>>) offsets(%dma_start3A_54 : memref<128xi32, #tpu.memory_space<vmem>>) semaphore(%arg32 : memref<!tpu.dma_semaphore, #tpu.memory_space<semaphore_mem>>)
      %dma_start3A_58 = arith.constant 0 : i32
      %dma_start3A_59 = tpu.memref_slice %arg12[%scan3A_28, %dma_start3A_58] : memref<10x128xi32, #tpu.memory_space<vmem>> -> memref<1x128xi32, #tpu.memory_space<vmem>>
      %dma_start3A_60 = tpu.memref_squeeze %dma_start3A_59 : memref<1x128xi32, #tpu.memory_space<vmem>> -> memref<128xi32, #tpu.memory_space<vmem>>
      %dma_start3A_61 = arith.constant 0 : i32
      %dma_start3A_62 = arith.constant 0 : i32
      %dma_start3A_63 = tpu.memref_slice %arg2[%dma_start3A_61, %dma_start3A_62] : memref<10240x64xf32, #tpu.memory_space<hbm>> -> memref<10240x64xf32, #tpu.memory_space<hbm>>
      tpu.enqueue_indirect_dma source(%dma_start3A_63 : memref<10240x64xf32, #tpu.memory_space<hbm>>) target(%arg28 : memref<128x64xf32, #tpu.memory_space<vmem>>) offsets(%dma_start3A_60 : memref<128xi32, #tpu.memory_space<vmem>>) semaphore(%arg32 : memref<!tpu.dma_semaphore, #tpu.memory_space<semaphore_mem>>)
      %dma_start3A_64 = arith.constant 0 : i32
      %dma_start3A_65 = tpu.memref_slice %arg13[%scan3A_28, %dma_start3A_64] : memref<10x128xi32, #tpu.memory_space<vmem>> -> memref<1x128xi32, #tpu.memory_space<vmem>>
      %dma_start3A_66 = tpu.memref_squeeze %dma_start3A_65 : memref<1x128xi32, #tpu.memory_space<vmem>> -> memref<128xi32, #tpu.memory_space<vmem>>
      %dma_start3A_67 = arith.constant 0 : i32
      %dma_start3A_68 = arith.constant 0 : i32
      %dma_start3A_69 = tpu.memref_slice %arg2[%dma_start3A_67, %dma_start3A_68] : memref<10240x64xf32, #tpu.memory_space<hbm>> -> memref<10240x64xf32, #tpu.memory_space<hbm>>
      tpu.enqueue_indirect_dma source(%dma_start3A_69 : memref<10240x64xf32, #tpu.memory_space<hbm>>) target(%arg29 : memref<128x64xf32, #tpu.memory_space<vmem>>) offsets(%dma_start3A_66 : memref<128xi32, #tpu.memory_space<vmem>>) semaphore(%arg32 : memref<!tpu.dma_semaphore, #tpu.memory_space<semaphore_mem>>)
      %dma_start3A_70 = arith.constant 0 : i32
      %dma_start3A_71 = tpu.memref_slice %arg14[%scan3A_28, %dma_start3A_70] : memref<10x128xi32, #tpu.memory_space<vmem>> -> memref<1x128xi32, #tpu.memory_space<vmem>>
      %dma_start3A_72 = tpu.memref_squeeze %dma_start3A_71 : memref<1x128xi32, #tpu.memory_space<vmem>> -> memref<128xi32, #tpu.memory_space<vmem>>
      %dma_start3A_73 = arith.constant 0 : i32
      %dma_start3A_74 = arith.constant 0 : i32
      %dma_start3A_75 = tpu.memref_slice %arg2[%dma_start3A_73, %dma_start3A_74] : memref<10240x64xf32, #tpu.memory_space<hbm>> -> memref<10240x64xf32, #tpu.memory_space<hbm>>
      tpu.enqueue_indirect_dma source(%dma_start3A_75 : memref<10240x64xf32, #tpu.memory_space<hbm>>) target(%arg30 : memref<128x64xf32, #tpu.memory_space<vmem>>) offsets(%dma_start3A_72 : memref<128xi32, #tpu.memory_space<vmem>>) semaphore(%arg32 : memref<!tpu.dma_semaphore, #tpu.memory_space<semaphore_mem>>)
      %dma_wait3A = arith.constant 0 : i32
      %dma_wait3A_76 = tpu.memref_slice %arg7[%scan3A_28, %dma_wait3A] : memref<10x128xi32, #tpu.memory_space<vmem>> -> memref<1x128xi32, #tpu.memory_space<vmem>>
      %dma_wait3A_77 = tpu.memref_squeeze %dma_wait3A_76 : memref<1x128xi32, #tpu.memory_space<vmem>> -> memref<128xi32, #tpu.memory_space<vmem>>
      %dma_wait3A_78 = arith.constant 0 : i32
      %dma_wait3A_79 = arith.constant 0 : i32
      %dma_wait3A_80 = tpu.memref_slice %arg2[%dma_wait3A_78, %dma_wait3A_79] : memref<10240x64xf32, #tpu.memory_space<hbm>> -> memref<10240x64xf32, #tpu.memory_space<hbm>>
      tpu.wait_indirect_dma semaphore(%arg32 : memref<!tpu.dma_semaphore, #tpu.memory_space<semaphore_mem>>) src(%dma_wait3A_80 : memref<10240x64xf32, #tpu.memory_space<hbm>>) dst(%arg23 : memref<128x64xf32, #tpu.memory_space<vmem>>)
      %dma_wait3A_81 = arith.constant 0 : i32
      %dma_wait3A_82 = tpu.memref_slice %arg8[%scan3A_28, %dma_wait3A_81] : memref<10x128xi32, #tpu.memory_space<vmem>> -> memref<1x128xi32, #tpu.memory_space<vmem>>
      %dma_wait3A_83 = tpu.memref_squeeze %dma_wait3A_82 : memref<1x128xi32, #tpu.memory_space<vmem>> -> memref<128xi32, #tpu.memory_space<vmem>>
      %dma_wait3A_84 = arith.constant 0 : i32
      %dma_wait3A_85 = arith.constant 0 : i32
      %dma_wait3A_86 = tpu.memref_slice %arg2[%dma_wait3A_84, %dma_wait3A_85] : memref<10240x64xf32, #tpu.memory_space<hbm>> -> memref<10240x64xf32, #tpu.memory_space<hbm>>
      tpu.wait_indirect_dma semaphore(%arg32 : memref<!tpu.dma_semaphore, #tpu.memory_space<semaphore_mem>>) src(%dma_wait3A_86 : memref<10240x64xf32, #tpu.memory_space<hbm>>) dst(%arg24 : memref<128x64xf32, #tpu.memory_space<vmem>>)
      %dma_wait3A_87 = arith.constant 0 : i32
      %dma_wait3A_88 = tpu.memref_slice %arg9[%scan3A_28, %dma_wait3A_87] : memref<10x128xi32, #tpu.memory_space<vmem>> -> memref<1x128xi32, #tpu.memory_space<vmem>>
      %dma_wait3A_89 = tpu.memref_squeeze %dma_wait3A_88 : memref<1x128xi32, #tpu.memory_space<vmem>> -> memref<128xi32, #tpu.memory_space<vmem>>
      %dma_wait3A_90 = arith.constant 0 : i32
      %dma_wait3A_91 = arith.constant 0 : i32
      %dma_wait3A_92 = tpu.memref_slice %arg2[%dma_wait3A_90, %dma_wait3A_91] : memref<10240x64xf32, #tpu.memory_space<hbm>> -> memref<10240x64xf32, #tpu.memory_space<hbm>>
      tpu.wait_indirect_dma semaphore(%arg32 : memref<!tpu.dma_semaphore, #tpu.memory_space<semaphore_mem>>) src(%dma_wait3A_92 : memref<10240x64xf32, #tpu.memory_space<hbm>>) dst(%arg25 : memref<128x64xf32, #tpu.memory_space<vmem>>)
      %dma_wait3A_93 = arith.constant 0 : i32
      %dma_wait3A_94 = tpu.memref_slice %arg10[%scan3A_28, %dma_wait3A_93] : memref<10x128xi32, #tpu.memory_space<vmem>> -> memref<1x128xi32, #tpu.memory_space<vmem>>
      %dma_wait3A_95 = tpu.memref_squeeze %dma_wait3A_94 : memref<1x128xi32, #tpu.memory_space<vmem>> -> memref<128xi32, #tpu.memory_space<vmem>>
      %dma_wait3A_96 = arith.constant 0 : i32
      %dma_wait3A_97 = arith.constant 0 : i32
      %dma_wait3A_98 = tpu.memref_slice %arg2[%dma_wait3A_96, %dma_wait3A_97] : memref<10240x64xf32, #tpu.memory_space<hbm>> -> memref<10240x64xf32, #tpu.memory_space<hbm>>
      tpu.wait_indirect_dma semaphore(%arg32 : memref<!tpu.dma_semaphore, #tpu.memory_space<semaphore_mem>>) src(%dma_wait3A_98 : memref<10240x64xf32, #tpu.memory_space<hbm>>) dst(%arg26 : memref<128x64xf32, #tpu.memory_space<vmem>>)
      %dma_wait3A_99 = arith.constant 0 : i32
      %dma_wait3A_100 = tpu.memref_slice %arg11[%scan3A_28, %dma_wait3A_99] : memref<10x128xi32, #tpu.memory_space<vmem>> -> memref<1x128xi32, #tpu.memory_space<vmem>>
      %dma_wait3A_101 = tpu.memref_squeeze %dma_wait3A_100 : memref<1x128xi32, #tpu.memory_space<vmem>> -> memref<128xi32, #tpu.memory_space<vmem>>
      %dma_wait3A_102 = arith.constant 0 : i32
      %dma_wait3A_103 = arith.constant 0 : i32
      %dma_wait3A_104 = tpu.memref_slice %arg2[%dma_wait3A_102, %dma_wait3A_103] : memref<10240x64xf32, #tpu.memory_space<hbm>> -> memref<10240x64xf32, #tpu.memory_space<hbm>>
      tpu.wait_indirect_dma semaphore(%arg32 : memref<!tpu.dma_semaphore, #tpu.memory_space<semaphore_mem>>) src(%dma_wait3A_104 : memref<10240x64xf32, #tpu.memory_space<hbm>>) dst(%arg27 : memref<128x64xf32, #tpu.memory_space<vmem>>)
      %dma_wait3A_105 = arith.constant 0 : i32
      %dma_wait3A_106 = tpu.memref_slice %arg12[%scan3A_28, %dma_wait3A_105] : memref<10x128xi32, #tpu.memory_space<vmem>> -> memref<1x128xi32, #tpu.memory_space<vmem>>
      %dma_wait3A_107 = tpu.memref_squeeze %dma_wait3A_106 : memref<1x128xi32, #tpu.memory_space<vmem>> -> memref<128xi32, #tpu.memory_space<vmem>>
      %dma_wait3A_108 = arith.constant 0 : i32
      %dma_wait3A_109 = arith.constant 0 : i32
      %dma_wait3A_110 = tpu.memref_slice %arg2[%dma_wait3A_108, %dma_wait3A_109] : memref<10240x64xf32, #tpu.memory_space<hbm>> -> memref<10240x64xf32, #tpu.memory_space<hbm>>
      tpu.wait_indirect_dma semaphore(%arg32 : memref<!tpu.dma_semaphore, #tpu.memory_space<semaphore_mem>>) src(%dma_wait3A_110 : memref<10240x64xf32, #tpu.memory_space<hbm>>) dst(%arg28 : memref<128x64xf32, #tpu.memory_space<vmem>>)
      %dma_wait3A_111 = arith.constant 0 : i32
      %dma_wait3A_112 = tpu.memref_slice %arg13[%scan3A_28, %dma_wait3A_111] : memref<10x128xi32, #tpu.memory_space<vmem>> -> memref<1x128xi32, #tpu.memory_space<vmem>>
      %dma_wait3A_113 = tpu.memref_squeeze %dma_wait3A_112 : memref<1x128xi32, #tpu.memory_space<vmem>> -> memref<128xi32, #tpu.memory_space<vmem>>
      %dma_wait3A_114 = arith.constant 0 : i32
      %dma_wait3A_115 = arith.constant 0 : i32
      %dma_wait3A_116 = tpu.memref_slice %arg2[%dma_wait3A_114, %dma_wait3A_115] : memref<10240x64xf32, #tpu.memory_space<hbm>> -> memref<10240x64xf32, #tpu.memory_space<hbm>>
      tpu.wait_indirect_dma semaphore(%arg32 : memref<!tpu.dma_semaphore, #tpu.memory_space<semaphore_mem>>) src(%dma_wait3A_116 : memref<10240x64xf32, #tpu.memory_space<hbm>>) dst(%arg29 : memref<128x64xf32, #tpu.memory_space<vmem>>)
      %dma_wait3A_117 = arith.constant 0 : i32
      %dma_wait3A_118 = tpu.memref_slice %arg14[%scan3A_28, %dma_wait3A_117] : memref<10x128xi32, #tpu.memory_space<vmem>> -> memref<1x128xi32, #tpu.memory_space<vmem>>
      %dma_wait3A_119 = tpu.memref_squeeze %dma_wait3A_118 : memref<1x128xi32, #tpu.memory_space<vmem>> -> memref<128xi32, #tpu.memory_space<vmem>>
      %dma_wait3A_120 = arith.constant 0 : i32
      %dma_wait3A_121 = arith.constant 0 : i32
      %dma_wait3A_122 = tpu.memref_slice %arg2[%dma_wait3A_120, %dma_wait3A_121] : memref<10240x64xf32, #tpu.memory_space<hbm>> -> memref<10240x64xf32, #tpu.memory_space<hbm>>
      tpu.wait_indirect_dma semaphore(%arg32 : memref<!tpu.dma_semaphore, #tpu.memory_space<semaphore_mem>>) src(%dma_wait3A_122 : memref<10240x64xf32, #tpu.memory_space<hbm>>) dst(%arg30 : memref<128x64xf32, #tpu.memory_space<vmem>>)
      "tpu.region"() ({
        %run_scoped3A_123 = tpu.sem_alloc : memref<!tpu.dma_semaphore, #tpu.memory_space<semaphore_mem>>
        %dma_start3A_124 = arith.constant 0 : i32
        %dma_start3A_125 = tpu.memref_slice %arg15[%scan3A_28, %dma_start3A_124] : memref<10x128xi32, #tpu.memory_space<vmem>> -> memref<1x128xi32, #tpu.memory_space<vmem>>
        %dma_start3A_126 = tpu.memref_squeeze %dma_start3A_125 : memref<1x128xi32, #tpu.memory_space<vmem>> -> memref<128xi32, #tpu.memory_space<vmem>>
        %dma_start3A_127 = arith.constant 0 : i32
        %dma_start3A_128 = arith.constant 0 : i32
        %dma_start3A_129 = tpu.memref_slice %arg31[%dma_start3A_127, %dma_start3A_128] : memref<10240x64xf32, #tpu.memory_space<vmem_shared>> -> memref<10240x64xf32, #tpu.memory_space<vmem_shared>>
        tpu.enqueue_indirect_dma source(%arg23 : memref<128x64xf32, #tpu.memory_space<vmem>>) target(%dma_start3A_129 : memref<10240x64xf32, #tpu.memory_space<vmem_shared>>) offsets(%dma_start3A_126 : memref<128xi32, #tpu.memory_space<vmem>>) semaphore(%run_scoped3A_123 : memref<!tpu.dma_semaphore, #tpu.memory_space<semaphore_mem>>) {add = true}
        %dma_wait3A_130 = arith.constant 0 : i32
        %dma_wait3A_131 = tpu.memref_slice %arg15[%scan3A_28, %dma_wait3A_130] : memref<10x128xi32, #tpu.memory_space<vmem>> -> memref<1x128xi32, #tpu.memory_space<vmem>>
        %dma_wait3A_132 = tpu.memref_squeeze %dma_wait3A_131 : memref<1x128xi32, #tpu.memory_space<vmem>> -> memref<128xi32, #tpu.memory_space<vmem>>
        %dma_wait3A_133 = arith.constant 0 : i32
        %dma_wait3A_134 = arith.constant 0 : i32
        %dma_wait3A_135 = tpu.memref_slice %arg31[%dma_wait3A_133, %dma_wait3A_134] : memref<10240x64xf32, #tpu.memory_space<vmem_shared>> -> memref<10240x64xf32, #tpu.memory_space<vmem_shared>>
        tpu.wait_indirect_dma semaphore(%run_scoped3A_123 : memref<!tpu.dma_semaphore, #tpu.memory_space<semaphore_mem>>) src(%arg23 : memref<128x64xf32, #tpu.memory_space<vmem>>) dst(%dma_wait3A_135 : memref<10240x64xf32, #tpu.memory_space<vmem_shared>>)
        tpu.yield
      }) : () -> ()
      "tpu.region"() ({
        %run_scoped3A_123 = tpu.sem_alloc : memref<!tpu.dma_semaphore, #tpu.memory_space<semaphore_mem>>
        %dma_start3A_124 = arith.constant 0 : i32
        %dma_start3A_125 = tpu.memref_slice %arg16[%scan3A_28, %dma_start3A_124] : memref<10x128xi32, #tpu.memory_space<vmem>> -> memref<1x128xi32, #tpu.memory_space<vmem>>
        %dma_start3A_126 = tpu.memref_squeeze %dma_start3A_125 : memref<1x128xi32, #tpu.memory_space<vmem>> -> memref<128xi32, #tpu.memory_space<vmem>>
        %dma_start3A_127 = arith.constant 0 : i32
        %dma_start3A_128 = arith.constant 0 : i32
        %dma_start3A_129 = tpu.memref_slice %arg31[%dma_start3A_127, %dma_start3A_128] : memref<10240x64xf32, #tpu.memory_space<vmem_shared>> -> memref<10240x64xf32, #tpu.memory_space<vmem_shared>>
        tpu.enqueue_indirect_dma source(%arg24 : memref<128x64xf32, #tpu.memory_space<vmem>>) target(%dma_start3A_129 : memref<10240x64xf32, #tpu.memory_space<vmem_shared>>) offsets(%dma_start3A_126 : memref<128xi32, #tpu.memory_space<vmem>>) semaphore(%run_scoped3A_123 : memref<!tpu.dma_semaphore, #tpu.memory_space<semaphore_mem>>) {add = true}
        %dma_wait3A_130 = arith.constant 0 : i32
        %dma_wait3A_131 = tpu.memref_slice %arg16[%scan3A_28, %dma_wait3A_130] : memref<10x128xi32, #tpu.memory_space<vmem>> -> memref<1x128xi32, #tpu.memory_space<vmem>>
        %dma_wait3A_132 = tpu.memref_squeeze %dma_wait3A_131 : memref<1x128xi32, #tpu.memory_space<vmem>> -> memref<128xi32, #tpu.memory_space<vmem>>
        %dma_wait3A_133 = arith.constant 0 : i32
        %dma_wait3A_134 = arith.constant 0 : i32
        %dma_wait3A_135 = tpu.memref_slice %arg31[%dma_wait3A_133, %dma_wait3A_134] : memref<10240x64xf32, #tpu.memory_space<vmem_shared>> -> memref<10240x64xf32, #tpu.memory_space<vmem_shared>>
        tpu.wait_indirect_dma semaphore(%run_scoped3A_123 : memref<!tpu.dma_semaphore, #tpu.memory_space<semaphore_mem>>) src(%arg24 : memref<128x64xf32, #tpu.memory_space<vmem>>) dst(%dma_wait3A_135 : memref<10240x64xf32, #tpu.memory_space<vmem_shared>>)
        tpu.yield
      }) : () -> ()
      "tpu.region"() ({
        %run_scoped3A_123 = tpu.sem_alloc : memref<!tpu.dma_semaphore, #tpu.memory_space<semaphore_mem>>
        %dma_start3A_124 = arith.constant 0 : i32
        %dma_start3A_125 = tpu.memref_slice %arg17[%scan3A_28, %dma_start3A_124] : memref<10x128xi32, #tpu.memory_space<vmem>> -> memref<1x128xi32, #tpu.memory_space<vmem>>
        %dma_start3A_126 = tpu.memref_squeeze %dma_start3A_125 : memref<1x128xi32, #tpu.memory_space<vmem>> -> memref<128xi32, #tpu.memory_space<vmem>>
        %dma_start3A_127 = arith.constant 0 : i32
        %dma_start3A_128 = arith.constant 0 : i32
        %dma_start3A_129 = tpu.memref_slice %arg31[%dma_start3A_127, %dma_start3A_128] : memref<10240x64xf32, #tpu.memory_space<vmem_shared>> -> memref<10240x64xf32, #tpu.memory_space<vmem_shared>>
        tpu.enqueue_indirect_dma source(%arg25 : memref<128x64xf32, #tpu.memory_space<vmem>>) target(%dma_start3A_129 : memref<10240x64xf32, #tpu.memory_space<vmem_shared>>) offsets(%dma_start3A_126 : memref<128xi32, #tpu.memory_space<vmem>>) semaphore(%run_scoped3A_123 : memref<!tpu.dma_semaphore, #tpu.memory_space<semaphore_mem>>) {add = true}
        %dma_wait3A_130 = arith.constant 0 : i32
        %dma_wait3A_131 = tpu.memref_slice %arg17[%scan3A_28, %dma_wait3A_130] : memref<10x128xi32, #tpu.memory_space<vmem>> -> memref<1x128xi32, #tpu.memory_space<vmem>>
        %dma_wait3A_132 = tpu.memref_squeeze %dma_wait3A_131 : memref<1x128xi32, #tpu.memory_space<vmem>> -> memref<128xi32, #tpu.memory_space<vmem>>
        %dma_wait3A_133 = arith.constant 0 : i32
        %dma_wait3A_134 = arith.constant 0 : i32
        %dma_wait3A_135 = tpu.memref_slice %arg31[%dma_wait3A_133, %dma_wait3A_134] : memref<10240x64xf32, #tpu.memory_space<vmem_shared>> -> memref<10240x64xf32, #tpu.memory_space<vmem_shared>>
        tpu.wait_indirect_dma semaphore(%run_scoped3A_123 : memref<!tpu.dma_semaphore, #tpu.memory_space<semaphore_mem>>) src(%arg25 : memref<128x64xf32, #tpu.memory_space<vmem>>) dst(%dma_wait3A_135 : memref<10240x64xf32, #tpu.memory_space<vmem_shared>>)
        tpu.yield
      }) : () -> ()
      "tpu.region"() ({
        %run_scoped3A_123 = tpu.sem_alloc : memref<!tpu.dma_semaphore, #tpu.memory_space<semaphore_mem>>
        %dma_start3A_124 = arith.constant 0 : i32
        %dma_start3A_125 = tpu.memref_slice %arg18[%scan3A_28, %dma_start3A_124] : memref<10x128xi32, #tpu.memory_space<vmem>> -> memref<1x128xi32, #tpu.memory_space<vmem>>
        %dma_start3A_126 = tpu.memref_squeeze %dma_start3A_125 : memref<1x128xi32, #tpu.memory_space<vmem>> -> memref<128xi32, #tpu.memory_space<vmem>>
        %dma_start3A_127 = arith.constant 0 : i32
        %dma_start3A_128 = arith.constant 0 : i32
        %dma_start3A_129 = tpu.memref_slice %arg31[%dma_start3A_127, %dma_start3A_128] : memref<10240x64xf32, #tpu.memory_space<vmem_shared>> -> memref<10240x64xf32, #tpu.memory_space<vmem_shared>>
        tpu.enqueue_indirect_dma source(%arg26 : memref<128x64xf32, #tpu.memory_space<vmem>>) target(%dma_start3A_129 : memref<10240x64xf32, #tpu.memory_space<vmem_shared>>) offsets(%dma_start3A_126 : memref<128xi32, #tpu.memory_space<vmem>>) semaphore(%run_scoped3A_123 : memref<!tpu.dma_semaphore, #tpu.memory_space<semaphore_mem>>) {add = true}
        %dma_wait3A_130 = arith.constant 0 : i32
        %dma_wait3A_131 = tpu.memref_slice %arg18[%scan3A_28, %dma_wait3A_130] : memref<10x128xi32, #tpu.memory_space<vmem>> -> memref<1x128xi32, #tpu.memory_space<vmem>>
        %dma_wait3A_132 = tpu.memref_squeeze %dma_wait3A_131 : memref<1x128xi32, #tpu.memory_space<vmem>> -> memref<128xi32, #tpu.memory_space<vmem>>
        %dma_wait3A_133 = arith.constant 0 : i32
        %dma_wait3A_134 = arith.constant 0 : i32
        %dma_wait3A_135 = tpu.memref_slice %arg31[%dma_wait3A_133, %dma_wait3A_134] : memref<10240x64xf32, #tpu.memory_space<vmem_shared>> -> memref<10240x64xf32, #tpu.memory_space<vmem_shared>>
        tpu.wait_indirect_dma semaphore(%run_scoped3A_123 : memref<!tpu.dma_semaphore, #tpu.memory_space<semaphore_mem>>) src(%arg26 : memref<128x64xf32, #tpu.memory_space<vmem>>) dst(%dma_wait3A_135 : memref<10240x64xf32, #tpu.memory_space<vmem_shared>>)
        tpu.yield
      }) : () -> ()
      "tpu.region"() ({
        %run_scoped3A_123 = tpu.sem_alloc : memref<!tpu.dma_semaphore, #tpu.memory_space<semaphore_mem>>
        %dma_start3A_124 = arith.constant 0 : i32
        %dma_start3A_125 = tpu.memref_slice %arg19[%scan3A_28, %dma_start3A_124] : memref<10x128xi32, #tpu.memory_space<vmem>> -> memref<1x128xi32, #tpu.memory_space<vmem>>
        %dma_start3A_126 = tpu.memref_squeeze %dma_start3A_125 : memref<1x128xi32, #tpu.memory_space<vmem>> -> memref<128xi32, #tpu.memory_space<vmem>>
        %dma_start3A_127 = arith.constant 0 : i32
        %dma_start3A_128 = arith.constant 0 : i32
        %dma_start3A_129 = tpu.memref_slice %arg31[%dma_start3A_127, %dma_start3A_128] : memref<10240x64xf32, #tpu.memory_space<vmem_shared>> -> memref<10240x64xf32, #tpu.memory_space<vmem_shared>>
        tpu.enqueue_indirect_dma source(%arg27 : memref<128x64xf32, #tpu.memory_space<vmem>>) target(%dma_start3A_129 : memref<10240x64xf32, #tpu.memory_space<vmem_shared>>) offsets(%dma_start3A_126 : memref<128xi32, #tpu.memory_space<vmem>>) semaphore(%run_scoped3A_123 : memref<!tpu.dma_semaphore, #tpu.memory_space<semaphore_mem>>) {add = true}
        %dma_wait3A_130 = arith.constant 0 : i32
        %dma_wait3A_131 = tpu.memref_slice %arg19[%scan3A_28, %dma_wait3A_130] : memref<10x128xi32, #tpu.memory_space<vmem>> -> memref<1x128xi32, #tpu.memory_space<vmem>>
        %dma_wait3A_132 = tpu.memref_squeeze %dma_wait3A_131 : memref<1x128xi32, #tpu.memory_space<vmem>> -> memref<128xi32, #tpu.memory_space<vmem>>
        %dma_wait3A_133 = arith.constant 0 : i32
        %dma_wait3A_134 = arith.constant 0 : i32
        %dma_wait3A_135 = tpu.memref_slice %arg31[%dma_wait3A_133, %dma_wait3A_134] : memref<10240x64xf32, #tpu.memory_space<vmem_shared>> -> memref<10240x64xf32, #tpu.memory_space<vmem_shared>>
        tpu.wait_indirect_dma semaphore(%run_scoped3A_123 : memref<!tpu.dma_semaphore, #tpu.memory_space<semaphore_mem>>) src(%arg27 : memref<128x64xf32, #tpu.memory_space<vmem>>) dst(%dma_wait3A_135 : memref<10240x64xf32, #tpu.memory_space<vmem_shared>>)
        tpu.yield
      }) : () -> ()
      "tpu.region"() ({
        %run_scoped3A_123 = tpu.sem_alloc : memref<!tpu.dma_semaphore, #tpu.memory_space<semaphore_mem>>
        %dma_start3A_124 = arith.constant 0 : i32
        %dma_start3A_125 = tpu.memref_slice %arg20[%scan3A_28, %dma_start3A_124] : memref<10x128xi32, #tpu.memory_space<vmem>> -> memref<1x128xi32, #tpu.memory_space<vmem>>
        %dma_start3A_126 = tpu.memref_squeeze %dma_start3A_125 : memref<1x128xi32, #tpu.memory_space<vmem>> -> memref<128xi32, #tpu.memory_space<vmem>>
        %dma_start3A_127 = arith.constant 0 : i32
        %dma_start3A_128 = arith.constant 0 : i32
        %dma_start3A_129 = tpu.memref_slice %arg31[%dma_start3A_127, %dma_start3A_128] : memref<10240x64xf32, #tpu.memory_space<vmem_shared>> -> memref<10240x64xf32, #tpu.memory_space<vmem_shared>>
        tpu.enqueue_indirect_dma source(%arg28 : memref<128x64xf32, #tpu.memory_space<vmem>>) target(%dma_start3A_129 : memref<10240x64xf32, #tpu.memory_space<vmem_shared>>) offsets(%dma_start3A_126 : memref<128xi32, #tpu.memory_space<vmem>>) semaphore(%run_scoped3A_123 : memref<!tpu.dma_semaphore, #tpu.memory_space<semaphore_mem>>) {add = true}
        %dma_wait3A_130 = arith.constant 0 : i32
        %dma_wait3A_131 = tpu.memref_slice %arg20[%scan3A_28, %dma_wait3A_130] : memref<10x128xi32, #tpu.memory_space<vmem>> -> memref<1x128xi32, #tpu.memory_space<vmem>>
        %dma_wait3A_132 = tpu.memref_squeeze %dma_wait3A_131 : memref<1x128xi32, #tpu.memory_space<vmem>> -> memref<128xi32, #tpu.memory_space<vmem>>
        %dma_wait3A_133 = arith.constant 0 : i32
        %dma_wait3A_134 = arith.constant 0 : i32
        %dma_wait3A_135 = tpu.memref_slice %arg31[%dma_wait3A_133, %dma_wait3A_134] : memref<10240x64xf32, #tpu.memory_space<vmem_shared>> -> memref<10240x64xf32, #tpu.memory_space<vmem_shared>>
        tpu.wait_indirect_dma semaphore(%run_scoped3A_123 : memref<!tpu.dma_semaphore, #tpu.memory_space<semaphore_mem>>) src(%arg28 : memref<128x64xf32, #tpu.memory_space<vmem>>) dst(%dma_wait3A_135 : memref<10240x64xf32, #tpu.memory_space<vmem_shared>>)
        tpu.yield
      }) : () -> ()
      "tpu.region"() ({
        %run_scoped3A_123 = tpu.sem_alloc : memref<!tpu.dma_semaphore, #tpu.memory_space<semaphore_mem>>
        %dma_start3A_124 = arith.constant 0 : i32
        %dma_start3A_125 = tpu.memref_slice %arg21[%scan3A_28, %dma_start3A_124] : memref<10x128xi32, #tpu.memory_space<vmem>> -> memref<1x128xi32, #tpu.memory_space<vmem>>
        %dma_start3A_126 = tpu.memref_squeeze %dma_start3A_125 : memref<1x128xi32, #tpu.memory_space<vmem>> -> memref<128xi32, #tpu.memory_space<vmem>>
        %dma_start3A_127 = arith.constant 0 : i32
        %dma_start3A_128 = arith.constant 0 : i32
        %dma_start3A_129 = tpu.memref_slice %arg31[%dma_start3A_127, %dma_start3A_128] : memref<10240x64xf32, #tpu.memory_space<vmem_shared>> -> memref<10240x64xf32, #tpu.memory_space<vmem_shared>>
        tpu.enqueue_indirect_dma source(%arg29 : memref<128x64xf32, #tpu.memory_space<vmem>>) target(%dma_start3A_129 : memref<10240x64xf32, #tpu.memory_space<vmem_shared>>) offsets(%dma_start3A_126 : memref<128xi32, #tpu.memory_space<vmem>>) semaphore(%run_scoped3A_123 : memref<!tpu.dma_semaphore, #tpu.memory_space<semaphore_mem>>) {add = true}
        %dma_wait3A_130 = arith.constant 0 : i32
        %dma_wait3A_131 = tpu.memref_slice %arg21[%scan3A_28, %dma_wait3A_130] : memref<10x128xi32, #tpu.memory_space<vmem>> -> memref<1x128xi32, #tpu.memory_space<vmem>>
        %dma_wait3A_132 = tpu.memref_squeeze %dma_wait3A_131 : memref<1x128xi32, #tpu.memory_space<vmem>> -> memref<128xi32, #tpu.memory_space<vmem>>
        %dma_wait3A_133 = arith.constant 0 : i32
        %dma_wait3A_134 = arith.constant 0 : i32
        %dma_wait3A_135 = tpu.memref_slice %arg31[%dma_wait3A_133, %dma_wait3A_134] : memref<10240x64xf32, #tpu.memory_space<vmem_shared>> -> memref<10240x64xf32, #tpu.memory_space<vmem_shared>>
        tpu.wait_indirect_dma semaphore(%run_scoped3A_123 : memref<!tpu.dma_semaphore, #tpu.memory_space<semaphore_mem>>) src(%arg29 : memref<128x64xf32, #tpu.memory_space<vmem>>) dst(%dma_wait3A_135 : memref<10240x64xf32, #tpu.memory_space<vmem_shared>>)
        tpu.yield
      }) : () -> ()
      "tpu.region"() ({
        %run_scoped3A_123 = tpu.sem_alloc : memref<!tpu.dma_semaphore, #tpu.memory_space<semaphore_mem>>
        %dma_start3A_124 = arith.constant 0 : i32
        %dma_start3A_125 = tpu.memref_slice %arg22[%scan3A_28, %dma_start3A_124] : memref<10x128xi32, #tpu.memory_space<vmem>> -> memref<1x128xi32, #tpu.memory_space<vmem>>
        %dma_start3A_126 = tpu.memref_squeeze %dma_start3A_125 : memref<1x128xi32, #tpu.memory_space<vmem>> -> memref<128xi32, #tpu.memory_space<vmem>>
        %dma_start3A_127 = arith.constant 0 : i32
        %dma_start3A_128 = arith.constant 0 : i32
        %dma_start3A_129 = tpu.memref_slice %arg31[%dma_start3A_127, %dma_start3A_128] : memref<10240x64xf32, #tpu.memory_space<vmem_shared>> -> memref<10240x64xf32, #tpu.memory_space<vmem_shared>>
        tpu.enqueue_indirect_dma source(%arg30 : memref<128x64xf32, #tpu.memory_space<vmem>>) target(%dma_start3A_129 : memref<10240x64xf32, #tpu.memory_space<vmem_shared>>) offsets(%dma_start3A_126 : memref<128xi32, #tpu.memory_space<vmem>>) semaphore(%run_scoped3A_123 : memref<!tpu.dma_semaphore, #tpu.memory_space<semaphore_mem>>) {add = true}
        %dma_wait3A_130 = arith.constant 0 : i32
        %dma_wait3A_131 = tpu.memref_slice %arg22[%scan3A_28, %dma_wait3A_130] : memref<10x128xi32, #tpu.memory_space<vmem>> -> memref<1x128xi32, #tpu.memory_space<vmem>>
        %dma_wait3A_132 = tpu.memref_squeeze %dma_wait3A_131 : memref<1x128xi32, #tpu.memory_space<vmem>> -> memref<128xi32, #tpu.memory_space<vmem>>
        %dma_wait3A_133 = arith.constant 0 : i32
        %dma_wait3A_134 = arith.constant 0 : i32
        %dma_wait3A_135 = tpu.memref_slice %arg31[%dma_wait3A_133, %dma_wait3A_134] : memref<10240x64xf32, #tpu.memory_space<vmem_shared>> -> memref<10240x64xf32, #tpu.memory_space<vmem_shared>>
        tpu.wait_indirect_dma semaphore(%run_scoped3A_123 : memref<!tpu.dma_semaphore, #tpu.memory_space<semaphore_mem>>) src(%arg30 : memref<128x64xf32, #tpu.memory_space<vmem>>) dst(%dma_wait3A_135 : memref<10240x64xf32, #tpu.memory_space<vmem_shared>>)
        tpu.yield
      }) : () -> ()
    }
    %scan3A_22 = arith.constant 10 : i32
    %barrier3A_23 = arith.constant 0 : index
    tpu.barrier barrier_id(%barrier3A_23)
    %mul3A_24 = arith.constant 640 : i32
    %mul3A_25 = arith.muli %arg1, %mul3A_24 : i32
    %mul3A_26 = arith.constant 640 : i32
    %mul3A_27 = arith.muli %arg1, %mul3A_26 : i32
    "tpu.region"() ({
      %run_scoped3A_28 = tpu.sem_alloc : memref<!tpu.dma_semaphore, #tpu.memory_space<semaphore_mem>>
      %dma_start3A = arith.constant 0 : i32
      %dma_start3A_29 = tpu.memref_slice %arg6[%arg0, %mul3A_27, %dma_start3A] : memref<2x10240x64xf32, #tpu.memory_space<hbm>> -> memref<1x640x64xf32, #tpu.memory_space<hbm>>
      %dma_start3A_30 = tpu.memref_squeeze %dma_start3A_29 : memref<1x640x64xf32, #tpu.memory_space<hbm>> -> memref<640x64xf32, #tpu.memory_space<hbm>>
      %dma_start3A_31 = arith.constant 0 : i32
      %dma_start3A_32 = tpu.memref_slice %arg31[%mul3A_25, %dma_start3A_31] : memref<10240x64xf32, #tpu.memory_space<vmem_shared>> -> memref<640x64xf32, #tpu.memory_space<vmem_shared>>
      tpu.enqueue_dma source(%dma_start3A_32 : memref<640x64xf32, #tpu.memory_space<vmem_shared>>) target(%dma_start3A_30 : memref<640x64xf32, #tpu.memory_space<hbm>>) target_semaphore(%run_scoped3A_28 : memref<!tpu.dma_semaphore, #tpu.memory_space<semaphore_mem>>)
      %dma_wait3A = arith.constant 0 : i32
      %dma_wait3A_33 = tpu.memref_slice %arg6[%arg0, %mul3A_27, %dma_wait3A] : memref<2x10240x64xf32, #tpu.memory_space<hbm>> -> memref<1x640x64xf32, #tpu.memory_space<hbm>>
      %dma_wait3A_34 = tpu.memref_squeeze %dma_wait3A_33 : memref<1x640x64xf32, #tpu.memory_space<hbm>> -> memref<640x64xf32, #tpu.memory_space<hbm>>
      %dma_wait3A_35 = arith.constant 0 : i32
      %dma_wait3A_36 = tpu.memref_slice %arg31[%mul3A_25, %dma_wait3A_35] : memref<10240x64xf32, #tpu.memory_space<vmem_shared>> -> memref<640x64xf32, #tpu.memory_space<vmem_shared>>
      tpu.wait_dma2 semaphore(%run_scoped3A_28 : memref<!tpu.dma_semaphore, #tpu.memory_space<semaphore_mem>>) src(%dma_wait3A_36 : memref<640x64xf32, #tpu.memory_space<vmem_shared>>) dst(%dma_wait3A_34 : memref<640x64xf32, #tpu.memory_space<hbm>>)
      tpu.yield
    }) : () -> ()
    return
  }
}

#map = affine_map<(d0, d1) -> (0, 0)>
#map1 = affine_map<(d0, d1) -> (0, 0, 0, 0)>
#map2 = affine_map<(d0, d1) -> (0, 0, 0)>
module attributes {stable_mosaic.version = 14 : i64} {
  func.func @k(%arg0: i32, %arg1: i32, %arg2: memref<10240x64xf32, #tpu.memory_space<hbm>>, %arg3: memref<8x32x10x128xi32, #tpu.memory_space<hbm>>, %arg4: memref<8x32x10x128xi32, #tpu.memory_space<hbm>>, %arg5: memref<640x64xf32, #tpu.memory_space<hbm>>, %arg6: memref<2x10240x64xf32, #tpu.memory_space<hbm>>, %arg7: memref<10x128xi32, #tpu.memory_space<vmem>>, %arg8: memref<10x128xi32, #tpu.memory_space<vmem>>, %arg9: memref<10x128xi32, #tpu.memory_space<vmem>>, %arg10: memref<10x128xi32, #tpu.memory_space<vmem>>, %arg11: memref<10x128xi32, #tpu.memory_space<vmem>>, %arg12: memref<10x128xi32, #tpu.memory_space<vmem>>, %arg13: memref<10x128xi32, #tpu.memory_space<vmem>>, %arg14: memref<10x128xi32, #tpu.memory_space<vmem>>, %arg15: memref<10x128xi32, #tpu.memory_space<vmem>>, %arg16: memref<10x128xi32, #tpu.memory_space<vmem>>, %arg17: memref<10x128xi32, #tpu.memory_space<vmem>>, %arg18: memref<10x128xi32, #tpu.memory_space<vmem>>, %arg19: memref<10x128xi32, #tpu.memory_space<vmem>>, %arg20: memref<10x128xi32, #tpu.memory_space<vmem>>, %arg21: memref<10x128xi32, #tpu.memory_space<vmem>>, %arg22: memref<10x128xi32, #tpu.memory_space<vmem>>, %arg23: memref<128x64xf32, #tpu.memory_space<vmem>>, %arg24: memref<128x64xf32, #tpu.memory_space<vmem>>, %arg25: memref<128x64xf32, #tpu.memory_space<vmem>>, %arg26: memref<128x64xf32, #tpu.memory_space<vmem>>, %arg27: memref<128x64xf32, #tpu.memory_space<vmem>>, %arg28: memref<128x64xf32, #tpu.memory_space<vmem>>, %arg29: memref<128x64xf32, #tpu.memory_space<vmem>>, %arg30: memref<128x64xf32, #tpu.memory_space<vmem>>, %arg31: memref<10240x64xf32, #tpu.memory_space<vmem_shared>>, %arg32: memref<!tpu.dma_semaphore, #tpu.memory_space<semaphore_mem>>) attributes {dimension_semantics = [#tpu.dimension_semantics<core_parallel>, #tpu.dimension_semantics<subcore_parallel>], iteration_bounds = array<i64: 2, 16>, scalar_prefetch = 0 : i64, scratch_operands = 26 : i64, tpu.core_type = #tpu.core_type<sc_vector_subcore>, window_params = [{transform_indices = #map}, {transform_indices = #map1}, {transform_indices = #map1}, {transform_indices = #map}, {transform_indices = #map2}]} {
    %mul3A = arith.constant 16 : i32
    %mul3A_0 = arith.muli %arg0, %mul3A : i32
    %add3A = arith.addi %mul3A_0, %arg1 : i32
    %run_scoped3A = arith.constant 0 : i32
    "tpu.region"() ({
      %run_scoped3A_28 = tpu.sem_alloc : memref<!tpu.dma_semaphore, #tpu.memory_space<semaphore_mem>>
      %dma_start3A = arith.constant 0 : i32
      %dma_start3A_29 = arith.constant 0 : i32
      %dma_start3A_30 = tpu.memref_slice %arg3[%run_scoped3A, %add3A, %dma_start3A, %dma_start3A_29] : memref<8x32x10x128xi32, #tpu.memory_space<hbm>> -> memref<1x1x10x128xi32, #tpu.memory_space<hbm>>
      %dma_start3A_31 = tpu.memref_squeeze %dma_start3A_30 : memref<1x1x10x128xi32, #tpu.memory_space<hbm>> -> memref<10x128xi32, #tpu.memory_space<hbm>>
      %dma_start3A_32 = arith.constant 0 : i32
      %dma_start3A_33 = arith.constant 0 : i32
      %dma_start3A_34 = tpu.memref_slice %arg3[%run_scoped3A, %add3A, %dma_start3A_32, %dma_start3A_33] : memref<8x32x10x128xi32, #tpu.memory_space<hbm>> -> memref<1x1x10x128xi32, #tpu.memory_space<hbm>>
      %dma_start3A_35 = tpu.memref_squeeze %dma_start3A_34 : memref<1x1x10x128xi32, #tpu.memory_space<hbm>> -> memref<10x128xi32, #tpu.memory_space<hbm>>
      tpu.enqueue_dma source(%dma_start3A_35 : memref<10x128xi32, #tpu.memory_space<hbm>>) target(%arg7 : memref<10x128xi32, #tpu.memory_space<vmem>>) target_semaphore(%run_scoped3A_28 : memref<!tpu.dma_semaphore, #tpu.memory_space<semaphore_mem>>)
      %dma_wait3A = arith.constant 0 : i32
      %dma_wait3A_36 = arith.constant 0 : i32
      %dma_wait3A_37 = tpu.memref_slice %arg3[%run_scoped3A, %add3A, %dma_wait3A, %dma_wait3A_36] : memref<8x32x10x128xi32, #tpu.memory_space<hbm>> -> memref<1x1x10x128xi32, #tpu.memory_space<hbm>>
      %dma_wait3A_38 = tpu.memref_squeeze %dma_wait3A_37 : memref<1x1x10x128xi32, #tpu.memory_space<hbm>> -> memref<10x128xi32, #tpu.memory_space<hbm>>
      %dma_wait3A_39 = arith.constant 0 : i32
      %dma_wait3A_40 = arith.constant 0 : i32
      %dma_wait3A_41 = tpu.memref_slice %arg3[%run_scoped3A, %add3A, %dma_wait3A_39, %dma_wait3A_40] : memref<8x32x10x128xi32, #tpu.memory_space<hbm>> -> memref<1x1x10x128xi32, #tpu.memory_space<hbm>>
      %dma_wait3A_42 = tpu.memref_squeeze %dma_wait3A_41 : memref<1x1x10x128xi32, #tpu.memory_space<hbm>> -> memref<10x128xi32, #tpu.memory_space<hbm>>
      tpu.wait_dma2 semaphore(%run_scoped3A_28 : memref<!tpu.dma_semaphore, #tpu.memory_space<semaphore_mem>>) src(%dma_wait3A_42 : memref<10x128xi32, #tpu.memory_space<hbm>>) dst(%arg7 : memref<10x128xi32, #tpu.memory_space<vmem>>)
      tpu.yield
    }) : () -> ()
    %run_scoped3A_1 = arith.constant 0 : i32
    "tpu.region"() ({
      %run_scoped3A_28 = tpu.sem_alloc : memref<!tpu.dma_semaphore, #tpu.memory_space<semaphore_mem>>
      %dma_start3A = arith.constant 0 : i32
      %dma_start3A_29 = arith.constant 0 : i32
      %dma_start3A_30 = tpu.memref_slice %arg4[%run_scoped3A_1, %add3A, %dma_start3A, %dma_start3A_29] : memref<8x32x10x128xi32, #tpu.memory_space<hbm>> -> memref<1x1x10x128xi32, #tpu.memory_space<hbm>>
      %dma_start3A_31 = tpu.memref_squeeze %dma_start3A_30 : memref<1x1x10x128xi32, #tpu.memory_space<hbm>> -> memref<10x128xi32, #tpu.memory_space<hbm>>
      %dma_start3A_32 = arith.constant 0 : i32
      %dma_start3A_33 = arith.constant 0 : i32
      %dma_start3A_34 = tpu.memref_slice %arg4[%run_scoped3A_1, %add3A, %dma_start3A_32, %dma_start3A_33] : memref<8x32x10x128xi32, #tpu.memory_space<hbm>> -> memref<1x1x10x128xi32, #tpu.memory_space<hbm>>
      %dma_start3A_35 = tpu.memref_squeeze %dma_start3A_34 : memref<1x1x10x128xi32, #tpu.memory_space<hbm>> -> memref<10x128xi32, #tpu.memory_space<hbm>>
      tpu.enqueue_dma source(%dma_start3A_35 : memref<10x128xi32, #tpu.memory_space<hbm>>) target(%arg15 : memref<10x128xi32, #tpu.memory_space<vmem>>) target_semaphore(%run_scoped3A_28 : memref<!tpu.dma_semaphore, #tpu.memory_space<semaphore_mem>>)
      %dma_wait3A = arith.constant 0 : i32
      %dma_wait3A_36 = arith.constant 0 : i32
      %dma_wait3A_37 = tpu.memref_slice %arg4[%run_scoped3A_1, %add3A, %dma_wait3A, %dma_wait3A_36] : memref<8x32x10x128xi32, #tpu.memory_space<hbm>> -> memref<1x1x10x128xi32, #tpu.memory_space<hbm>>
      %dma_wait3A_38 = tpu.memref_squeeze %dma_wait3A_37 : memref<1x1x10x128xi32, #tpu.memory_space<hbm>> -> memref<10x128xi32, #tpu.memory_space<hbm>>
      %dma_wait3A_39 = arith.constant 0 : i32
      %dma_wait3A_40 = arith.constant 0 : i32
      %dma_wait3A_41 = tpu.memref_slice %arg4[%run_scoped3A_1, %add3A, %dma_wait3A_39, %dma_wait3A_40] : memref<8x32x10x128xi32, #tpu.memory_space<hbm>> -> memref<1x1x10x128xi32, #tpu.memory_space<hbm>>
      %dma_wait3A_42 = tpu.memref_squeeze %dma_wait3A_41 : memref<1x1x10x128xi32, #tpu.memory_space<hbm>> -> memref<10x128xi32, #tpu.memory_space<hbm>>
      tpu.wait_dma2 semaphore(%run_scoped3A_28 : memref<!tpu.dma_semaphore, #tpu.memory_space<semaphore_mem>>) src(%dma_wait3A_42 : memref<10x128xi32, #tpu.memory_space<hbm>>) dst(%arg15 : memref<10x128xi32, #tpu.memory_space<vmem>>)
      tpu.yield
    }) : () -> ()
    %run_scoped3A_2 = arith.constant 1 : i32
    "tpu.region"() ({
      %run_scoped3A_28 = tpu.sem_alloc : memref<!tpu.dma_semaphore, #tpu.memory_space<semaphore_mem>>
      %dma_start3A = arith.constant 0 : i32
      %dma_start3A_29 = arith.constant 0 : i32
      %dma_start3A_30 = tpu.memref_slice %arg3[%run_scoped3A_2, %add3A, %dma_start3A, %dma_start3A_29] : memref<8x32x10x128xi32, #tpu.memory_space<hbm>> -> memref<1x1x10x128xi32, #tpu.memory_space<hbm>>
      %dma_start3A_31 = tpu.memref_squeeze %dma_start3A_30 : memref<1x1x10x128xi32, #tpu.memory_space<hbm>> -> memref<10x128xi32, #tpu.memory_space<hbm>>
      %dma_start3A_32 = arith.constant 0 : i32
      %dma_start3A_33 = arith.constant 0 : i32
      %dma_start3A_34 = tpu.memref_slice %arg3[%run_scoped3A_2, %add3A, %dma_start3A_32, %dma_start3A_33] : memref<8x32x10x128xi32, #tpu.memory_space<hbm>> -> memref<1x1x10x128xi32, #tpu.memory_space<hbm>>
      %dma_start3A_35 = tpu.memref_squeeze %dma_start3A_34 : memref<1x1x10x128xi32, #tpu.memory_space<hbm>> -> memref<10x128xi32, #tpu.memory_space<hbm>>
      tpu.enqueue_dma source(%dma_start3A_35 : memref<10x128xi32, #tpu.memory_space<hbm>>) target(%arg8 : memref<10x128xi32, #tpu.memory_space<vmem>>) target_semaphore(%run_scoped3A_28 : memref<!tpu.dma_semaphore, #tpu.memory_space<semaphore_mem>>)
      %dma_wait3A = arith.constant 0 : i32
      %dma_wait3A_36 = arith.constant 0 : i32
      %dma_wait3A_37 = tpu.memref_slice %arg3[%run_scoped3A_2, %add3A, %dma_wait3A, %dma_wait3A_36] : memref<8x32x10x128xi32, #tpu.memory_space<hbm>> -> memref<1x1x10x128xi32, #tpu.memory_space<hbm>>
      %dma_wait3A_38 = tpu.memref_squeeze %dma_wait3A_37 : memref<1x1x10x128xi32, #tpu.memory_space<hbm>> -> memref<10x128xi32, #tpu.memory_space<hbm>>
      %dma_wait3A_39 = arith.constant 0 : i32
      %dma_wait3A_40 = arith.constant 0 : i32
      %dma_wait3A_41 = tpu.memref_slice %arg3[%run_scoped3A_2, %add3A, %dma_wait3A_39, %dma_wait3A_40] : memref<8x32x10x128xi32, #tpu.memory_space<hbm>> -> memref<1x1x10x128xi32, #tpu.memory_space<hbm>>
      %dma_wait3A_42 = tpu.memref_squeeze %dma_wait3A_41 : memref<1x1x10x128xi32, #tpu.memory_space<hbm>> -> memref<10x128xi32, #tpu.memory_space<hbm>>
      tpu.wait_dma2 semaphore(%run_scoped3A_28 : memref<!tpu.dma_semaphore, #tpu.memory_space<semaphore_mem>>) src(%dma_wait3A_42 : memref<10x128xi32, #tpu.memory_space<hbm>>) dst(%arg8 : memref<10x128xi32, #tpu.memory_space<vmem>>)
      tpu.yield
    }) : () -> ()
    %run_scoped3A_3 = arith.constant 1 : i32
    "tpu.region"() ({
      %run_scoped3A_28 = tpu.sem_alloc : memref<!tpu.dma_semaphore, #tpu.memory_space<semaphore_mem>>
      %dma_start3A = arith.constant 0 : i32
      %dma_start3A_29 = arith.constant 0 : i32
      %dma_start3A_30 = tpu.memref_slice %arg4[%run_scoped3A_3, %add3A, %dma_start3A, %dma_start3A_29] : memref<8x32x10x128xi32, #tpu.memory_space<hbm>> -> memref<1x1x10x128xi32, #tpu.memory_space<hbm>>
      %dma_start3A_31 = tpu.memref_squeeze %dma_start3A_30 : memref<1x1x10x128xi32, #tpu.memory_space<hbm>> -> memref<10x128xi32, #tpu.memory_space<hbm>>
      %dma_start3A_32 = arith.constant 0 : i32
      %dma_start3A_33 = arith.constant 0 : i32
      %dma_start3A_34 = tpu.memref_slice %arg4[%run_scoped3A_3, %add3A, %dma_start3A_32, %dma_start3A_33] : memref<8x32x10x128xi32, #tpu.memory_space<hbm>> -> memref<1x1x10x128xi32, #tpu.memory_space<hbm>>
      %dma_start3A_35 = tpu.memref_squeeze %dma_start3A_34 : memref<1x1x10x128xi32, #tpu.memory_space<hbm>> -> memref<10x128xi32, #tpu.memory_space<hbm>>
      tpu.enqueue_dma source(%dma_start3A_35 : memref<10x128xi32, #tpu.memory_space<hbm>>) target(%arg16 : memref<10x128xi32, #tpu.memory_space<vmem>>) target_semaphore(%run_scoped3A_28 : memref<!tpu.dma_semaphore, #tpu.memory_space<semaphore_mem>>)
      %dma_wait3A = arith.constant 0 : i32
      %dma_wait3A_36 = arith.constant 0 : i32
      %dma_wait3A_37 = tpu.memref_slice %arg4[%run_scoped3A_3, %add3A, %dma_wait3A, %dma_wait3A_36] : memref<8x32x10x128xi32, #tpu.memory_space<hbm>> -> memref<1x1x10x128xi32, #tpu.memory_space<hbm>>
      %dma_wait3A_38 = tpu.memref_squeeze %dma_wait3A_37 : memref<1x1x10x128xi32, #tpu.memory_space<hbm>> -> memref<10x128xi32, #tpu.memory_space<hbm>>
      %dma_wait3A_39 = arith.constant 0 : i32
      %dma_wait3A_40 = arith.constant 0 : i32
      %dma_wait3A_41 = tpu.memref_slice %arg4[%run_scoped3A_3, %add3A, %dma_wait3A_39, %dma_wait3A_40] : memref<8x32x10x128xi32, #tpu.memory_space<hbm>> -> memref<1x1x10x128xi32, #tpu.memory_space<hbm>>
      %dma_wait3A_42 = tpu.memref_squeeze %dma_wait3A_41 : memref<1x1x10x128xi32, #tpu.memory_space<hbm>> -> memref<10x128xi32, #tpu.memory_space<hbm>>
      tpu.wait_dma2 semaphore(%run_scoped3A_28 : memref<!tpu.dma_semaphore, #tpu.memory_space<semaphore_mem>>) src(%dma_wait3A_42 : memref<10x128xi32, #tpu.memory_space<hbm>>) dst(%arg16 : memref<10x128xi32, #tpu.memory_space<vmem>>)
      tpu.yield
    }) : () -> ()
    %run_scoped3A_4 = arith.constant 2 : i32
    "tpu.region"() ({
      %run_scoped3A_28 = tpu.sem_alloc : memref<!tpu.dma_semaphore, #tpu.memory_space<semaphore_mem>>
      %dma_start3A = arith.constant 0 : i32
      %dma_start3A_29 = arith.constant 0 : i32
      %dma_start3A_30 = tpu.memref_slice %arg3[%run_scoped3A_4, %add3A, %dma_start3A, %dma_start3A_29] : memref<8x32x10x128xi32, #tpu.memory_space<hbm>> -> memref<1x1x10x128xi32, #tpu.memory_space<hbm>>
      %dma_start3A_31 = tpu.memref_squeeze %dma_start3A_30 : memref<1x1x10x128xi32, #tpu.memory_space<hbm>> -> memref<10x128xi32, #tpu.memory_space<hbm>>
      %dma_start3A_32 = arith.constant 0 : i32
      %dma_start3A_33 = arith.constant 0 : i32
      %dma_start3A_34 = tpu.memref_slice %arg3[%run_scoped3A_4, %add3A, %dma_start3A_32, %dma_start3A_33] : memref<8x32x10x128xi32, #tpu.memory_space<hbm>> -> memref<1x1x10x128xi32, #tpu.memory_space<hbm>>
      %dma_start3A_35 = tpu.memref_squeeze %dma_start3A_34 : memref<1x1x10x128xi32, #tpu.memory_space<hbm>> -> memref<10x128xi32, #tpu.memory_space<hbm>>
      tpu.enqueue_dma source(%dma_start3A_35 : memref<10x128xi32, #tpu.memory_space<hbm>>) target(%arg9 : memref<10x128xi32, #tpu.memory_space<vmem>>) target_semaphore(%run_scoped3A_28 : memref<!tpu.dma_semaphore, #tpu.memory_space<semaphore_mem>>)
      %dma_wait3A = arith.constant 0 : i32
      %dma_wait3A_36 = arith.constant 0 : i32
      %dma_wait3A_37 = tpu.memref_slice %arg3[%run_scoped3A_4, %add3A, %dma_wait3A, %dma_wait3A_36] : memref<8x32x10x128xi32, #tpu.memory_space<hbm>> -> memref<1x1x10x128xi32, #tpu.memory_space<hbm>>
      %dma_wait3A_38 = tpu.memref_squeeze %dma_wait3A_37 : memref<1x1x10x128xi32, #tpu.memory_space<hbm>> -> memref<10x128xi32, #tpu.memory_space<hbm>>
      %dma_wait3A_39 = arith.constant 0 : i32
      %dma_wait3A_40 = arith.constant 0 : i32
      %dma_wait3A_41 = tpu.memref_slice %arg3[%run_scoped3A_4, %add3A, %dma_wait3A_39, %dma_wait3A_40] : memref<8x32x10x128xi32, #tpu.memory_space<hbm>> -> memref<1x1x10x128xi32, #tpu.memory_space<hbm>>
      %dma_wait3A_42 = tpu.memref_squeeze %dma_wait3A_41 : memref<1x1x10x128xi32, #tpu.memory_space<hbm>> -> memref<10x128xi32, #tpu.memory_space<hbm>>
      tpu.wait_dma2 semaphore(%run_scoped3A_28 : memref<!tpu.dma_semaphore, #tpu.memory_space<semaphore_mem>>) src(%dma_wait3A_42 : memref<10x128xi32, #tpu.memory_space<hbm>>) dst(%arg9 : memref<10x128xi32, #tpu.memory_space<vmem>>)
      tpu.yield
    }) : () -> ()
    %run_scoped3A_5 = arith.constant 2 : i32
    "tpu.region"() ({
      %run_scoped3A_28 = tpu.sem_alloc : memref<!tpu.dma_semaphore, #tpu.memory_space<semaphore_mem>>
      %dma_start3A = arith.constant 0 : i32
      %dma_start3A_29 = arith.constant 0 : i32
      %dma_start3A_30 = tpu.memref_slice %arg4[%run_scoped3A_5, %add3A, %dma_start3A, %dma_start3A_29] : memref<8x32x10x128xi32, #tpu.memory_space<hbm>> -> memref<1x1x10x128xi32, #tpu.memory_space<hbm>>
      %dma_start3A_31 = tpu.memref_squeeze %dma_start3A_30 : memref<1x1x10x128xi32, #tpu.memory_space<hbm>> -> memref<10x128xi32, #tpu.memory_space<hbm>>
      %dma_start3A_32 = arith.constant 0 : i32
      %dma_start3A_33 = arith.constant 0 : i32
      %dma_start3A_34 = tpu.memref_slice %arg4[%run_scoped3A_5, %add3A, %dma_start3A_32, %dma_start3A_33] : memref<8x32x10x128xi32, #tpu.memory_space<hbm>> -> memref<1x1x10x128xi32, #tpu.memory_space<hbm>>
      %dma_start3A_35 = tpu.memref_squeeze %dma_start3A_34 : memref<1x1x10x128xi32, #tpu.memory_space<hbm>> -> memref<10x128xi32, #tpu.memory_space<hbm>>
      tpu.enqueue_dma source(%dma_start3A_35 : memref<10x128xi32, #tpu.memory_space<hbm>>) target(%arg17 : memref<10x128xi32, #tpu.memory_space<vmem>>) target_semaphore(%run_scoped3A_28 : memref<!tpu.dma_semaphore, #tpu.memory_space<semaphore_mem>>)
      %dma_wait3A = arith.constant 0 : i32
      %dma_wait3A_36 = arith.constant 0 : i32
      %dma_wait3A_37 = tpu.memref_slice %arg4[%run_scoped3A_5, %add3A, %dma_wait3A, %dma_wait3A_36] : memref<8x32x10x128xi32, #tpu.memory_space<hbm>> -> memref<1x1x10x128xi32, #tpu.memory_space<hbm>>
      %dma_wait3A_38 = tpu.memref_squeeze %dma_wait3A_37 : memref<1x1x10x128xi32, #tpu.memory_space<hbm>> -> memref<10x128xi32, #tpu.memory_space<hbm>>
      %dma_wait3A_39 = arith.constant 0 : i32
      %dma_wait3A_40 = arith.constant 0 : i32
      %dma_wait3A_41 = tpu.memref_slice %arg4[%run_scoped3A_5, %add3A, %dma_wait3A_39, %dma_wait3A_40] : memref<8x32x10x128xi32, #tpu.memory_space<hbm>> -> memref<1x1x10x128xi32, #tpu.memory_space<hbm>>
      %dma_wait3A_42 = tpu.memref_squeeze %dma_wait3A_41 : memref<1x1x10x128xi32, #tpu.memory_space<hbm>> -> memref<10x128xi32, #tpu.memory_space<hbm>>
      tpu.wait_dma2 semaphore(%run_scoped3A_28 : memref<!tpu.dma_semaphore, #tpu.memory_space<semaphore_mem>>) src(%dma_wait3A_42 : memref<10x128xi32, #tpu.memory_space<hbm>>) dst(%arg17 : memref<10x128xi32, #tpu.memory_space<vmem>>)
      tpu.yield
    }) : () -> ()
    %run_scoped3A_6 = arith.constant 3 : i32
    "tpu.region"() ({
      %run_scoped3A_28 = tpu.sem_alloc : memref<!tpu.dma_semaphore, #tpu.memory_space<semaphore_mem>>
      %dma_start3A = arith.constant 0 : i32
      %dma_start3A_29 = arith.constant 0 : i32
      %dma_start3A_30 = tpu.memref_slice %arg3[%run_scoped3A_6, %add3A, %dma_start3A, %dma_start3A_29] : memref<8x32x10x128xi32, #tpu.memory_space<hbm>> -> memref<1x1x10x128xi32, #tpu.memory_space<hbm>>
      %dma_start3A_31 = tpu.memref_squeeze %dma_start3A_30 : memref<1x1x10x128xi32, #tpu.memory_space<hbm>> -> memref<10x128xi32, #tpu.memory_space<hbm>>
      %dma_start3A_32 = arith.constant 0 : i32
      %dma_start3A_33 = arith.constant 0 : i32
      %dma_start3A_34 = tpu.memref_slice %arg3[%run_scoped3A_6, %add3A, %dma_start3A_32, %dma_start3A_33] : memref<8x32x10x128xi32, #tpu.memory_space<hbm>> -> memref<1x1x10x128xi32, #tpu.memory_space<hbm>>
      %dma_start3A_35 = tpu.memref_squeeze %dma_start3A_34 : memref<1x1x10x128xi32, #tpu.memory_space<hbm>> -> memref<10x128xi32, #tpu.memory_space<hbm>>
      tpu.enqueue_dma source(%dma_start3A_35 : memref<10x128xi32, #tpu.memory_space<hbm>>) target(%arg10 : memref<10x128xi32, #tpu.memory_space<vmem>>) target_semaphore(%run_scoped3A_28 : memref<!tpu.dma_semaphore, #tpu.memory_space<semaphore_mem>>)
      %dma_wait3A = arith.constant 0 : i32
      %dma_wait3A_36 = arith.constant 0 : i32
      %dma_wait3A_37 = tpu.memref_slice %arg3[%run_scoped3A_6, %add3A, %dma_wait3A, %dma_wait3A_36] : memref<8x32x10x128xi32, #tpu.memory_space<hbm>> -> memref<1x1x10x128xi32, #tpu.memory_space<hbm>>
      %dma_wait3A_38 = tpu.memref_squeeze %dma_wait3A_37 : memref<1x1x10x128xi32, #tpu.memory_space<hbm>> -> memref<10x128xi32, #tpu.memory_space<hbm>>
      %dma_wait3A_39 = arith.constant 0 : i32
      %dma_wait3A_40 = arith.constant 0 : i32
      %dma_wait3A_41 = tpu.memref_slice %arg3[%run_scoped3A_6, %add3A, %dma_wait3A_39, %dma_wait3A_40] : memref<8x32x10x128xi32, #tpu.memory_space<hbm>> -> memref<1x1x10x128xi32, #tpu.memory_space<hbm>>
      %dma_wait3A_42 = tpu.memref_squeeze %dma_wait3A_41 : memref<1x1x10x128xi32, #tpu.memory_space<hbm>> -> memref<10x128xi32, #tpu.memory_space<hbm>>
      tpu.wait_dma2 semaphore(%run_scoped3A_28 : memref<!tpu.dma_semaphore, #tpu.memory_space<semaphore_mem>>) src(%dma_wait3A_42 : memref<10x128xi32, #tpu.memory_space<hbm>>) dst(%arg10 : memref<10x128xi32, #tpu.memory_space<vmem>>)
      tpu.yield
    }) : () -> ()
    %run_scoped3A_7 = arith.constant 3 : i32
    "tpu.region"() ({
      %run_scoped3A_28 = tpu.sem_alloc : memref<!tpu.dma_semaphore, #tpu.memory_space<semaphore_mem>>
      %dma_start3A = arith.constant 0 : i32
      %dma_start3A_29 = arith.constant 0 : i32
      %dma_start3A_30 = tpu.memref_slice %arg4[%run_scoped3A_7, %add3A, %dma_start3A, %dma_start3A_29] : memref<8x32x10x128xi32, #tpu.memory_space<hbm>> -> memref<1x1x10x128xi32, #tpu.memory_space<hbm>>
      %dma_start3A_31 = tpu.memref_squeeze %dma_start3A_30 : memref<1x1x10x128xi32, #tpu.memory_space<hbm>> -> memref<10x128xi32, #tpu.memory_space<hbm>>
      %dma_start3A_32 = arith.constant 0 : i32
      %dma_start3A_33 = arith.constant 0 : i32
      %dma_start3A_34 = tpu.memref_slice %arg4[%run_scoped3A_7, %add3A, %dma_start3A_32, %dma_start3A_33] : memref<8x32x10x128xi32, #tpu.memory_space<hbm>> -> memref<1x1x10x128xi32, #tpu.memory_space<hbm>>
      %dma_start3A_35 = tpu.memref_squeeze %dma_start3A_34 : memref<1x1x10x128xi32, #tpu.memory_space<hbm>> -> memref<10x128xi32, #tpu.memory_space<hbm>>
      tpu.enqueue_dma source(%dma_start3A_35 : memref<10x128xi32, #tpu.memory_space<hbm>>) target(%arg18 : memref<10x128xi32, #tpu.memory_space<vmem>>) target_semaphore(%run_scoped3A_28 : memref<!tpu.dma_semaphore, #tpu.memory_space<semaphore_mem>>)
      %dma_wait3A = arith.constant 0 : i32
      %dma_wait3A_36 = arith.constant 0 : i32
      %dma_wait3A_37 = tpu.memref_slice %arg4[%run_scoped3A_7, %add3A, %dma_wait3A, %dma_wait3A_36] : memref<8x32x10x128xi32, #tpu.memory_space<hbm>> -> memref<1x1x10x128xi32, #tpu.memory_space<hbm>>
      %dma_wait3A_38 = tpu.memref_squeeze %dma_wait3A_37 : memref<1x1x10x128xi32, #tpu.memory_space<hbm>> -> memref<10x128xi32, #tpu.memory_space<hbm>>
      %dma_wait3A_39 = arith.constant 0 : i32
      %dma_wait3A_40 = arith.constant 0 : i32
      %dma_wait3A_41 = tpu.memref_slice %arg4[%run_scoped3A_7, %add3A, %dma_wait3A_39, %dma_wait3A_40] : memref<8x32x10x128xi32, #tpu.memory_space<hbm>> -> memref<1x1x10x128xi32, #tpu.memory_space<hbm>>
      %dma_wait3A_42 = tpu.memref_squeeze %dma_wait3A_41 : memref<1x1x10x128xi32, #tpu.memory_space<hbm>> -> memref<10x128xi32, #tpu.memory_space<hbm>>
      tpu.wait_dma2 semaphore(%run_scoped3A_28 : memref<!tpu.dma_semaphore, #tpu.memory_space<semaphore_mem>>) src(%dma_wait3A_42 : memref<10x128xi32, #tpu.memory_space<hbm>>) dst(%arg18 : memref<10x128xi32, #tpu.memory_space<vmem>>)
      tpu.yield
    }) : () -> ()
    %run_scoped3A_8 = arith.constant 4 : i32
    "tpu.region"() ({
      %run_scoped3A_28 = tpu.sem_alloc : memref<!tpu.dma_semaphore, #tpu.memory_space<semaphore_mem>>
      %dma_start3A = arith.constant 0 : i32
      %dma_start3A_29 = arith.constant 0 : i32
      %dma_start3A_30 = tpu.memref_slice %arg3[%run_scoped3A_8, %add3A, %dma_start3A, %dma_start3A_29] : memref<8x32x10x128xi32, #tpu.memory_space<hbm>> -> memref<1x1x10x128xi32, #tpu.memory_space<hbm>>
      %dma_start3A_31 = tpu.memref_squeeze %dma_start3A_30 : memref<1x1x10x128xi32, #tpu.memory_space<hbm>> -> memref<10x128xi32, #tpu.memory_space<hbm>>
      %dma_start3A_32 = arith.constant 0 : i32
      %dma_start3A_33 = arith.constant 0 : i32
      %dma_start3A_34 = tpu.memref_slice %arg3[%run_scoped3A_8, %add3A, %dma_start3A_32, %dma_start3A_33] : memref<8x32x10x128xi32, #tpu.memory_space<hbm>> -> memref<1x1x10x128xi32, #tpu.memory_space<hbm>>
      %dma_start3A_35 = tpu.memref_squeeze %dma_start3A_34 : memref<1x1x10x128xi32, #tpu.memory_space<hbm>> -> memref<10x128xi32, #tpu.memory_space<hbm>>
      tpu.enqueue_dma source(%dma_start3A_35 : memref<10x128xi32, #tpu.memory_space<hbm>>) target(%arg11 : memref<10x128xi32, #tpu.memory_space<vmem>>) target_semaphore(%run_scoped3A_28 : memref<!tpu.dma_semaphore, #tpu.memory_space<semaphore_mem>>)
      %dma_wait3A = arith.constant 0 : i32
      %dma_wait3A_36 = arith.constant 0 : i32
      %dma_wait3A_37 = tpu.memref_slice %arg3[%run_scoped3A_8, %add3A, %dma_wait3A, %dma_wait3A_36] : memref<8x32x10x128xi32, #tpu.memory_space<hbm>> -> memref<1x1x10x128xi32, #tpu.memory_space<hbm>>
      %dma_wait3A_38 = tpu.memref_squeeze %dma_wait3A_37 : memref<1x1x10x128xi32, #tpu.memory_space<hbm>> -> memref<10x128xi32, #tpu.memory_space<hbm>>
      %dma_wait3A_39 = arith.constant 0 : i32
      %dma_wait3A_40 = arith.constant 0 : i32
      %dma_wait3A_41 = tpu.memref_slice %arg3[%run_scoped3A_8, %add3A, %dma_wait3A_39, %dma_wait3A_40] : memref<8x32x10x128xi32, #tpu.memory_space<hbm>> -> memref<1x1x10x128xi32, #tpu.memory_space<hbm>>
      %dma_wait3A_42 = tpu.memref_squeeze %dma_wait3A_41 : memref<1x1x10x128xi32, #tpu.memory_space<hbm>> -> memref<10x128xi32, #tpu.memory_space<hbm>>
      tpu.wait_dma2 semaphore(%run_scoped3A_28 : memref<!tpu.dma_semaphore, #tpu.memory_space<semaphore_mem>>) src(%dma_wait3A_42 : memref<10x128xi32, #tpu.memory_space<hbm>>) dst(%arg11 : memref<10x128xi32, #tpu.memory_space<vmem>>)
      tpu.yield
    }) : () -> ()
    %run_scoped3A_9 = arith.constant 4 : i32
    "tpu.region"() ({
      %run_scoped3A_28 = tpu.sem_alloc : memref<!tpu.dma_semaphore, #tpu.memory_space<semaphore_mem>>
      %dma_start3A = arith.constant 0 : i32
      %dma_start3A_29 = arith.constant 0 : i32
      %dma_start3A_30 = tpu.memref_slice %arg4[%run_scoped3A_9, %add3A, %dma_start3A, %dma_start3A_29] : memref<8x32x10x128xi32, #tpu.memory_space<hbm>> -> memref<1x1x10x128xi32, #tpu.memory_space<hbm>>
      %dma_start3A_31 = tpu.memref_squeeze %dma_start3A_30 : memref<1x1x10x128xi32, #tpu.memory_space<hbm>> -> memref<10x128xi32, #tpu.memory_space<hbm>>
      %dma_start3A_32 = arith.constant 0 : i32
      %dma_start3A_33 = arith.constant 0 : i32
      %dma_start3A_34 = tpu.memref_slice %arg4[%run_scoped3A_9, %add3A, %dma_start3A_32, %dma_start3A_33] : memref<8x32x10x128xi32, #tpu.memory_space<hbm>> -> memref<1x1x10x128xi32, #tpu.memory_space<hbm>>
      %dma_start3A_35 = tpu.memref_squeeze %dma_start3A_34 : memref<1x1x10x128xi32, #tpu.memory_space<hbm>> -> memref<10x128xi32, #tpu.memory_space<hbm>>
      tpu.enqueue_dma source(%dma_start3A_35 : memref<10x128xi32, #tpu.memory_space<hbm>>) target(%arg19 : memref<10x128xi32, #tpu.memory_space<vmem>>) target_semaphore(%run_scoped3A_28 : memref<!tpu.dma_semaphore, #tpu.memory_space<semaphore_mem>>)
      %dma_wait3A = arith.constant 0 : i32
      %dma_wait3A_36 = arith.constant 0 : i32
      %dma_wait3A_37 = tpu.memref_slice %arg4[%run_scoped3A_9, %add3A, %dma_wait3A, %dma_wait3A_36] : memref<8x32x10x128xi32, #tpu.memory_space<hbm>> -> memref<1x1x10x128xi32, #tpu.memory_space<hbm>>
      %dma_wait3A_38 = tpu.memref_squeeze %dma_wait3A_37 : memref<1x1x10x128xi32, #tpu.memory_space<hbm>> -> memref<10x128xi32, #tpu.memory_space<hbm>>
      %dma_wait3A_39 = arith.constant 0 : i32
      %dma_wait3A_40 = arith.constant 0 : i32
      %dma_wait3A_41 = tpu.memref_slice %arg4[%run_scoped3A_9, %add3A, %dma_wait3A_39, %dma_wait3A_40] : memref<8x32x10x128xi32, #tpu.memory_space<hbm>> -> memref<1x1x10x128xi32, #tpu.memory_space<hbm>>
      %dma_wait3A_42 = tpu.memref_squeeze %dma_wait3A_41 : memref<1x1x10x128xi32, #tpu.memory_space<hbm>> -> memref<10x128xi32, #tpu.memory_space<hbm>>
      tpu.wait_dma2 semaphore(%run_scoped3A_28 : memref<!tpu.dma_semaphore, #tpu.memory_space<semaphore_mem>>) src(%dma_wait3A_42 : memref<10x128xi32, #tpu.memory_space<hbm>>) dst(%arg19 : memref<10x128xi32, #tpu.memory_space<vmem>>)
      tpu.yield
    }) : () -> ()
    %run_scoped3A_10 = arith.constant 5 : i32
    "tpu.region"() ({
      %run_scoped3A_28 = tpu.sem_alloc : memref<!tpu.dma_semaphore, #tpu.memory_space<semaphore_mem>>
      %dma_start3A = arith.constant 0 : i32
      %dma_start3A_29 = arith.constant 0 : i32
      %dma_start3A_30 = tpu.memref_slice %arg3[%run_scoped3A_10, %add3A, %dma_start3A, %dma_start3A_29] : memref<8x32x10x128xi32, #tpu.memory_space<hbm>> -> memref<1x1x10x128xi32, #tpu.memory_space<hbm>>
      %dma_start3A_31 = tpu.memref_squeeze %dma_start3A_30 : memref<1x1x10x128xi32, #tpu.memory_space<hbm>> -> memref<10x128xi32, #tpu.memory_space<hbm>>
      %dma_start3A_32 = arith.constant 0 : i32
      %dma_start3A_33 = arith.constant 0 : i32
      %dma_start3A_34 = tpu.memref_slice %arg3[%run_scoped3A_10, %add3A, %dma_start3A_32, %dma_start3A_33] : memref<8x32x10x128xi32, #tpu.memory_space<hbm>> -> memref<1x1x10x128xi32, #tpu.memory_space<hbm>>
      %dma_start3A_35 = tpu.memref_squeeze %dma_start3A_34 : memref<1x1x10x128xi32, #tpu.memory_space<hbm>> -> memref<10x128xi32, #tpu.memory_space<hbm>>
      tpu.enqueue_dma source(%dma_start3A_35 : memref<10x128xi32, #tpu.memory_space<hbm>>) target(%arg12 : memref<10x128xi32, #tpu.memory_space<vmem>>) target_semaphore(%run_scoped3A_28 : memref<!tpu.dma_semaphore, #tpu.memory_space<semaphore_mem>>)
      %dma_wait3A = arith.constant 0 : i32
      %dma_wait3A_36 = arith.constant 0 : i32
      %dma_wait3A_37 = tpu.memref_slice %arg3[%run_scoped3A_10, %add3A, %dma_wait3A, %dma_wait3A_36] : memref<8x32x10x128xi32, #tpu.memory_space<hbm>> -> memref<1x1x10x128xi32, #tpu.memory_space<hbm>>
      %dma_wait3A_38 = tpu.memref_squeeze %dma_wait3A_37 : memref<1x1x10x128xi32, #tpu.memory_space<hbm>> -> memref<10x128xi32, #tpu.memory_space<hbm>>
      %dma_wait3A_39 = arith.constant 0 : i32
      %dma_wait3A_40 = arith.constant 0 : i32
      %dma_wait3A_41 = tpu.memref_slice %arg3[%run_scoped3A_10, %add3A, %dma_wait3A_39, %dma_wait3A_40] : memref<8x32x10x128xi32, #tpu.memory_space<hbm>> -> memref<1x1x10x128xi32, #tpu.memory_space<hbm>>
      %dma_wait3A_42 = tpu.memref_squeeze %dma_wait3A_41 : memref<1x1x10x128xi32, #tpu.memory_space<hbm>> -> memref<10x128xi32, #tpu.memory_space<hbm>>
      tpu.wait_dma2 semaphore(%run_scoped3A_28 : memref<!tpu.dma_semaphore, #tpu.memory_space<semaphore_mem>>) src(%dma_wait3A_42 : memref<10x128xi32, #tpu.memory_space<hbm>>) dst(%arg12 : memref<10x128xi32, #tpu.memory_space<vmem>>)
      tpu.yield
    }) : () -> ()
    %run_scoped3A_11 = arith.constant 5 : i32
    "tpu.region"() ({
      %run_scoped3A_28 = tpu.sem_alloc : memref<!tpu.dma_semaphore, #tpu.memory_space<semaphore_mem>>
      %dma_start3A = arith.constant 0 : i32
      %dma_start3A_29 = arith.constant 0 : i32
      %dma_start3A_30 = tpu.memref_slice %arg4[%run_scoped3A_11, %add3A, %dma_start3A, %dma_start3A_29] : memref<8x32x10x128xi32, #tpu.memory_space<hbm>> -> memref<1x1x10x128xi32, #tpu.memory_space<hbm>>
      %dma_start3A_31 = tpu.memref_squeeze %dma_start3A_30 : memref<1x1x10x128xi32, #tpu.memory_space<hbm>> -> memref<10x128xi32, #tpu.memory_space<hbm>>
      %dma_start3A_32 = arith.constant 0 : i32
      %dma_start3A_33 = arith.constant 0 : i32
      %dma_start3A_34 = tpu.memref_slice %arg4[%run_scoped3A_11, %add3A, %dma_start3A_32, %dma_start3A_33] : memref<8x32x10x128xi32, #tpu.memory_space<hbm>> -> memref<1x1x10x128xi32, #tpu.memory_space<hbm>>
      %dma_start3A_35 = tpu.memref_squeeze %dma_start3A_34 : memref<1x1x10x128xi32, #tpu.memory_space<hbm>> -> memref<10x128xi32, #tpu.memory_space<hbm>>
      tpu.enqueue_dma source(%dma_start3A_35 : memref<10x128xi32, #tpu.memory_space<hbm>>) target(%arg20 : memref<10x128xi32, #tpu.memory_space<vmem>>) target_semaphore(%run_scoped3A_28 : memref<!tpu.dma_semaphore, #tpu.memory_space<semaphore_mem>>)
      %dma_wait3A = arith.constant 0 : i32
      %dma_wait3A_36 = arith.constant 0 : i32
      %dma_wait3A_37 = tpu.memref_slice %arg4[%run_scoped3A_11, %add3A, %dma_wait3A, %dma_wait3A_36] : memref<8x32x10x128xi32, #tpu.memory_space<hbm>> -> memref<1x1x10x128xi32, #tpu.memory_space<hbm>>
      %dma_wait3A_38 = tpu.memref_squeeze %dma_wait3A_37 : memref<1x1x10x128xi32, #tpu.memory_space<hbm>> -> memref<10x128xi32, #tpu.memory_space<hbm>>
      %dma_wait3A_39 = arith.constant 0 : i32
      %dma_wait3A_40 = arith.constant 0 : i32
      %dma_wait3A_41 = tpu.memref_slice %arg4[%run_scoped3A_11, %add3A, %dma_wait3A_39, %dma_wait3A_40] : memref<8x32x10x128xi32, #tpu.memory_space<hbm>> -> memref<1x1x10x128xi32, #tpu.memory_space<hbm>>
      %dma_wait3A_42 = tpu.memref_squeeze %dma_wait3A_41 : memref<1x1x10x128xi32, #tpu.memory_space<hbm>> -> memref<10x128xi32, #tpu.memory_space<hbm>>
      tpu.wait_dma2 semaphore(%run_scoped3A_28 : memref<!tpu.dma_semaphore, #tpu.memory_space<semaphore_mem>>) src(%dma_wait3A_42 : memref<10x128xi32, #tpu.memory_space<hbm>>) dst(%arg20 : memref<10x128xi32, #tpu.memory_space<vmem>>)
      tpu.yield
    }) : () -> ()
    %run_scoped3A_12 = arith.constant 6 : i32
    "tpu.region"() ({
      %run_scoped3A_28 = tpu.sem_alloc : memref<!tpu.dma_semaphore, #tpu.memory_space<semaphore_mem>>
      %dma_start3A = arith.constant 0 : i32
      %dma_start3A_29 = arith.constant 0 : i32
      %dma_start3A_30 = tpu.memref_slice %arg3[%run_scoped3A_12, %add3A, %dma_start3A, %dma_start3A_29] : memref<8x32x10x128xi32, #tpu.memory_space<hbm>> -> memref<1x1x10x128xi32, #tpu.memory_space<hbm>>
      %dma_start3A_31 = tpu.memref_squeeze %dma_start3A_30 : memref<1x1x10x128xi32, #tpu.memory_space<hbm>> -> memref<10x128xi32, #tpu.memory_space<hbm>>
      %dma_start3A_32 = arith.constant 0 : i32
      %dma_start3A_33 = arith.constant 0 : i32
      %dma_start3A_34 = tpu.memref_slice %arg3[%run_scoped3A_12, %add3A, %dma_start3A_32, %dma_start3A_33] : memref<8x32x10x128xi32, #tpu.memory_space<hbm>> -> memref<1x1x10x128xi32, #tpu.memory_space<hbm>>
      %dma_start3A_35 = tpu.memref_squeeze %dma_start3A_34 : memref<1x1x10x128xi32, #tpu.memory_space<hbm>> -> memref<10x128xi32, #tpu.memory_space<hbm>>
      tpu.enqueue_dma source(%dma_start3A_35 : memref<10x128xi32, #tpu.memory_space<hbm>>) target(%arg13 : memref<10x128xi32, #tpu.memory_space<vmem>>) target_semaphore(%run_scoped3A_28 : memref<!tpu.dma_semaphore, #tpu.memory_space<semaphore_mem>>)
      %dma_wait3A = arith.constant 0 : i32
      %dma_wait3A_36 = arith.constant 0 : i32
      %dma_wait3A_37 = tpu.memref_slice %arg3[%run_scoped3A_12, %add3A, %dma_wait3A, %dma_wait3A_36] : memref<8x32x10x128xi32, #tpu.memory_space<hbm>> -> memref<1x1x10x128xi32, #tpu.memory_space<hbm>>
      %dma_wait3A_38 = tpu.memref_squeeze %dma_wait3A_37 : memref<1x1x10x128xi32, #tpu.memory_space<hbm>> -> memref<10x128xi32, #tpu.memory_space<hbm>>
      %dma_wait3A_39 = arith.constant 0 : i32
      %dma_wait3A_40 = arith.constant 0 : i32
      %dma_wait3A_41 = tpu.memref_slice %arg3[%run_scoped3A_12, %add3A, %dma_wait3A_39, %dma_wait3A_40] : memref<8x32x10x128xi32, #tpu.memory_space<hbm>> -> memref<1x1x10x128xi32, #tpu.memory_space<hbm>>
      %dma_wait3A_42 = tpu.memref_squeeze %dma_wait3A_41 : memref<1x1x10x128xi32, #tpu.memory_space<hbm>> -> memref<10x128xi32, #tpu.memory_space<hbm>>
      tpu.wait_dma2 semaphore(%run_scoped3A_28 : memref<!tpu.dma_semaphore, #tpu.memory_space<semaphore_mem>>) src(%dma_wait3A_42 : memref<10x128xi32, #tpu.memory_space<hbm>>) dst(%arg13 : memref<10x128xi32, #tpu.memory_space<vmem>>)
      tpu.yield
    }) : () -> ()
    %run_scoped3A_13 = arith.constant 6 : i32
    "tpu.region"() ({
      %run_scoped3A_28 = tpu.sem_alloc : memref<!tpu.dma_semaphore, #tpu.memory_space<semaphore_mem>>
      %dma_start3A = arith.constant 0 : i32
      %dma_start3A_29 = arith.constant 0 : i32
      %dma_start3A_30 = tpu.memref_slice %arg4[%run_scoped3A_13, %add3A, %dma_start3A, %dma_start3A_29] : memref<8x32x10x128xi32, #tpu.memory_space<hbm>> -> memref<1x1x10x128xi32, #tpu.memory_space<hbm>>
      %dma_start3A_31 = tpu.memref_squeeze %dma_start3A_30 : memref<1x1x10x128xi32, #tpu.memory_space<hbm>> -> memref<10x128xi32, #tpu.memory_space<hbm>>
      %dma_start3A_32 = arith.constant 0 : i32
      %dma_start3A_33 = arith.constant 0 : i32
      %dma_start3A_34 = tpu.memref_slice %arg4[%run_scoped3A_13, %add3A, %dma_start3A_32, %dma_start3A_33] : memref<8x32x10x128xi32, #tpu.memory_space<hbm>> -> memref<1x1x10x128xi32, #tpu.memory_space<hbm>>
      %dma_start3A_35 = tpu.memref_squeeze %dma_start3A_34 : memref<1x1x10x128xi32, #tpu.memory_space<hbm>> -> memref<10x128xi32, #tpu.memory_space<hbm>>
      tpu.enqueue_dma source(%dma_start3A_35 : memref<10x128xi32, #tpu.memory_space<hbm>>) target(%arg21 : memref<10x128xi32, #tpu.memory_space<vmem>>) target_semaphore(%run_scoped3A_28 : memref<!tpu.dma_semaphore, #tpu.memory_space<semaphore_mem>>)
      %dma_wait3A = arith.constant 0 : i32
      %dma_wait3A_36 = arith.constant 0 : i32
      %dma_wait3A_37 = tpu.memref_slice %arg4[%run_scoped3A_13, %add3A, %dma_wait3A, %dma_wait3A_36] : memref<8x32x10x128xi32, #tpu.memory_space<hbm>> -> memref<1x1x10x128xi32, #tpu.memory_space<hbm>>
      %dma_wait3A_38 = tpu.memref_squeeze %dma_wait3A_37 : memref<1x1x10x128xi32, #tpu.memory_space<hbm>> -> memref<10x128xi32, #tpu.memory_space<hbm>>
      %dma_wait3A_39 = arith.constant 0 : i32
      %dma_wait3A_40 = arith.constant 0 : i32
      %dma_wait3A_41 = tpu.memref_slice %arg4[%run_scoped3A_13, %add3A, %dma_wait3A_39, %dma_wait3A_40] : memref<8x32x10x128xi32, #tpu.memory_space<hbm>> -> memref<1x1x10x128xi32, #tpu.memory_space<hbm>>
      %dma_wait3A_42 = tpu.memref_squeeze %dma_wait3A_41 : memref<1x1x10x128xi32, #tpu.memory_space<hbm>> -> memref<10x128xi32, #tpu.memory_space<hbm>>
      tpu.wait_dma2 semaphore(%run_scoped3A_28 : memref<!tpu.dma_semaphore, #tpu.memory_space<semaphore_mem>>) src(%dma_wait3A_42 : memref<10x128xi32, #tpu.memory_space<hbm>>) dst(%arg21 : memref<10x128xi32, #tpu.memory_space<vmem>>)
      tpu.yield
    }) : () -> ()
    %run_scoped3A_14 = arith.constant 7 : i32
    "tpu.region"() ({
      %run_scoped3A_28 = tpu.sem_alloc : memref<!tpu.dma_semaphore, #tpu.memory_space<semaphore_mem>>
      %dma_start3A = arith.constant 0 : i32
      %dma_start3A_29 = arith.constant 0 : i32
      %dma_start3A_30 = tpu.memref_slice %arg3[%run_scoped3A_14, %add3A, %dma_start3A, %dma_start3A_29] : memref<8x32x10x128xi32, #tpu.memory_space<hbm>> -> memref<1x1x10x128xi32, #tpu.memory_space<hbm>>
      %dma_start3A_31 = tpu.memref_squeeze %dma_start3A_30 : memref<1x1x10x128xi32, #tpu.memory_space<hbm>> -> memref<10x128xi32, #tpu.memory_space<hbm>>
      %dma_start3A_32 = arith.constant 0 : i32
      %dma_start3A_33 = arith.constant 0 : i32
      %dma_start3A_34 = tpu.memref_slice %arg3[%run_scoped3A_14, %add3A, %dma_start3A_32, %dma_start3A_33] : memref<8x32x10x128xi32, #tpu.memory_space<hbm>> -> memref<1x1x10x128xi32, #tpu.memory_space<hbm>>
      %dma_start3A_35 = tpu.memref_squeeze %dma_start3A_34 : memref<1x1x10x128xi32, #tpu.memory_space<hbm>> -> memref<10x128xi32, #tpu.memory_space<hbm>>
      tpu.enqueue_dma source(%dma_start3A_35 : memref<10x128xi32, #tpu.memory_space<hbm>>) target(%arg14 : memref<10x128xi32, #tpu.memory_space<vmem>>) target_semaphore(%run_scoped3A_28 : memref<!tpu.dma_semaphore, #tpu.memory_space<semaphore_mem>>)
      %dma_wait3A = arith.constant 0 : i32
      %dma_wait3A_36 = arith.constant 0 : i32
      %dma_wait3A_37 = tpu.memref_slice %arg3[%run_scoped3A_14, %add3A, %dma_wait3A, %dma_wait3A_36] : memref<8x32x10x128xi32, #tpu.memory_space<hbm>> -> memref<1x1x10x128xi32, #tpu.memory_space<hbm>>
      %dma_wait3A_38 = tpu.memref_squeeze %dma_wait3A_37 : memref<1x1x10x128xi32, #tpu.memory_space<hbm>> -> memref<10x128xi32, #tpu.memory_space<hbm>>
      %dma_wait3A_39 = arith.constant 0 : i32
      %dma_wait3A_40 = arith.constant 0 : i32
      %dma_wait3A_41 = tpu.memref_slice %arg3[%run_scoped3A_14, %add3A, %dma_wait3A_39, %dma_wait3A_40] : memref<8x32x10x128xi32, #tpu.memory_space<hbm>> -> memref<1x1x10x128xi32, #tpu.memory_space<hbm>>
      %dma_wait3A_42 = tpu.memref_squeeze %dma_wait3A_41 : memref<1x1x10x128xi32, #tpu.memory_space<hbm>> -> memref<10x128xi32, #tpu.memory_space<hbm>>
      tpu.wait_dma2 semaphore(%run_scoped3A_28 : memref<!tpu.dma_semaphore, #tpu.memory_space<semaphore_mem>>) src(%dma_wait3A_42 : memref<10x128xi32, #tpu.memory_space<hbm>>) dst(%arg14 : memref<10x128xi32, #tpu.memory_space<vmem>>)
      tpu.yield
    }) : () -> ()
    %run_scoped3A_15 = arith.constant 7 : i32
    "tpu.region"() ({
      %run_scoped3A_28 = tpu.sem_alloc : memref<!tpu.dma_semaphore, #tpu.memory_space<semaphore_mem>>
      %dma_start3A = arith.constant 0 : i32
      %dma_start3A_29 = arith.constant 0 : i32
      %dma_start3A_30 = tpu.memref_slice %arg4[%run_scoped3A_15, %add3A, %dma_start3A, %dma_start3A_29] : memref<8x32x10x128xi32, #tpu.memory_space<hbm>> -> memref<1x1x10x128xi32, #tpu.memory_space<hbm>>
      %dma_start3A_31 = tpu.memref_squeeze %dma_start3A_30 : memref<1x1x10x128xi32, #tpu.memory_space<hbm>> -> memref<10x128xi32, #tpu.memory_space<hbm>>
      %dma_start3A_32 = arith.constant 0 : i32
      %dma_start3A_33 = arith.constant 0 : i32
      %dma_start3A_34 = tpu.memref_slice %arg4[%run_scoped3A_15, %add3A, %dma_start3A_32, %dma_start3A_33] : memref<8x32x10x128xi32, #tpu.memory_space<hbm>> -> memref<1x1x10x128xi32, #tpu.memory_space<hbm>>
      %dma_start3A_35 = tpu.memref_squeeze %dma_start3A_34 : memref<1x1x10x128xi32, #tpu.memory_space<hbm>> -> memref<10x128xi32, #tpu.memory_space<hbm>>
      tpu.enqueue_dma source(%dma_start3A_35 : memref<10x128xi32, #tpu.memory_space<hbm>>) target(%arg22 : memref<10x128xi32, #tpu.memory_space<vmem>>) target_semaphore(%run_scoped3A_28 : memref<!tpu.dma_semaphore, #tpu.memory_space<semaphore_mem>>)
      %dma_wait3A = arith.constant 0 : i32
      %dma_wait3A_36 = arith.constant 0 : i32
      %dma_wait3A_37 = tpu.memref_slice %arg4[%run_scoped3A_15, %add3A, %dma_wait3A, %dma_wait3A_36] : memref<8x32x10x128xi32, #tpu.memory_space<hbm>> -> memref<1x1x10x128xi32, #tpu.memory_space<hbm>>
      %dma_wait3A_38 = tpu.memref_squeeze %dma_wait3A_37 : memref<1x1x10x128xi32, #tpu.memory_space<hbm>> -> memref<10x128xi32, #tpu.memory_space<hbm>>
      %dma_wait3A_39 = arith.constant 0 : i32
      %dma_wait3A_40 = arith.constant 0 : i32
      %dma_wait3A_41 = tpu.memref_slice %arg4[%run_scoped3A_15, %add3A, %dma_wait3A_39, %dma_wait3A_40] : memref<8x32x10x128xi32, #tpu.memory_space<hbm>> -> memref<1x1x10x128xi32, #tpu.memory_space<hbm>>
      %dma_wait3A_42 = tpu.memref_squeeze %dma_wait3A_41 : memref<1x1x10x128xi32, #tpu.memory_space<hbm>> -> memref<10x128xi32, #tpu.memory_space<hbm>>
      tpu.wait_dma2 semaphore(%run_scoped3A_28 : memref<!tpu.dma_semaphore, #tpu.memory_space<semaphore_mem>>) src(%dma_wait3A_42 : memref<10x128xi32, #tpu.memory_space<hbm>>) dst(%arg22 : memref<10x128xi32, #tpu.memory_space<vmem>>)
      tpu.yield
    }) : () -> ()
    %mul3A_16 = arith.constant 640 : i32
    %mul3A_17 = arith.muli %arg1, %mul3A_16 : i32
    "tpu.region"() ({
      %run_scoped3A_28 = tpu.sem_alloc : memref<!tpu.dma_semaphore, #tpu.memory_space<semaphore_mem>>
      %dma_start3A = arith.constant 0 : i32
      %dma_start3A_29 = tpu.memref_slice %arg31[%mul3A_17, %dma_start3A] : memref<10240x64xf32, #tpu.memory_space<vmem_shared>> -> memref<640x64xf32, #tpu.memory_space<vmem_shared>>
      tpu.enqueue_dma source(%arg5 : memref<640x64xf32, #tpu.memory_space<hbm>>) target(%dma_start3A_29 : memref<640x64xf32, #tpu.memory_space<vmem_shared>>) target_semaphore(%run_scoped3A_28 : memref<!tpu.dma_semaphore, #tpu.memory_space<semaphore_mem>>)
      %dma_wait3A = arith.constant 0 : i32
      %dma_wait3A_30 = tpu.memref_slice %arg31[%mul3A_17, %dma_wait3A] : memref<10240x64xf32, #tpu.memory_space<vmem_shared>> -> memref<640x64xf32, #tpu.memory_space<vmem_shared>>
      tpu.wait_dma2 semaphore(%run_scoped3A_28 : memref<!tpu.dma_semaphore, #tpu.memory_space<semaphore_mem>>) src(%arg5 : memref<640x64xf32, #tpu.memory_space<hbm>>) dst(%dma_wait3A_30 : memref<640x64xf32, #tpu.memory_space<vmem_shared>>)
      tpu.yield
    }) : () -> ()
    %barrier3A = arith.constant 0 : index
    tpu.barrier barrier_id(%barrier3A)
    %scan3A = arith.constant 0 : i32
    %scan3A_18 = arith.constant 0 : i32
    %scan3A_19 = arith.constant 10 : i32
    %scan3A_20 = arith.addi %scan3A_18, %scan3A_19 : i32
    %scan3A_21 = arith.constant 1 : i32
    scf.for %scan3A_28 = %scan3A_18 to %scan3A_20 step %scan3A_21  : i32 {
      %dma_start3A = arith.constant 0 : i32
      %dma_start3A_29 = tpu.memref_slice %arg7[%scan3A_28, %dma_start3A] : memref<10x128xi32, #tpu.memory_space<vmem>> -> memref<1x128xi32, #tpu.memory_space<vmem>>
      %dma_start3A_30 = tpu.memref_squeeze %dma_start3A_29 : memref<1x128xi32, #tpu.memory_space<vmem>> -> memref<128xi32, #tpu.memory_space<vmem>>
      %dma_start3A_31 = arith.constant 0 : i32
      %dma_start3A_32 = arith.constant 0 : i32
      %dma_start3A_33 = tpu.memref_slice %arg2[%dma_start3A_31, %dma_start3A_32] : memref<10240x64xf32, #tpu.memory_space<hbm>> -> memref<10240x64xf32, #tpu.memory_space<hbm>>
      tpu.enqueue_indirect_dma source(%dma_start3A_33 : memref<10240x64xf32, #tpu.memory_space<hbm>>) target(%arg23 : memref<128x64xf32, #tpu.memory_space<vmem>>) offsets(%dma_start3A_30 : memref<128xi32, #tpu.memory_space<vmem>>) semaphore(%arg32 : memref<!tpu.dma_semaphore, #tpu.memory_space<semaphore_mem>>)
      %dma_start3A_34 = arith.constant 0 : i32
      %dma_start3A_35 = tpu.memref_slice %arg8[%scan3A_28, %dma_start3A_34] : memref<10x128xi32, #tpu.memory_space<vmem>> -> memref<1x128xi32, #tpu.memory_space<vmem>>
      %dma_start3A_36 = tpu.memref_squeeze %dma_start3A_35 : memref<1x128xi32, #tpu.memory_space<vmem>> -> memref<128xi32, #tpu.memory_space<vmem>>
      %dma_start3A_37 = arith.constant 0 : i32
      %dma_start3A_38 = arith.constant 0 : i32
      %dma_start3A_39 = tpu.memref_slice %arg2[%dma_start3A_37, %dma_start3A_38] : memref<10240x64xf32, #tpu.memory_space<hbm>> -> memref<10240x64xf32, #tpu.memory_space<hbm>>
      tpu.enqueue_indirect_dma source(%dma_start3A_39 : memref<10240x64xf32, #tpu.memory_space<hbm>>) target(%arg24 : memref<128x64xf32, #tpu.memory_space<vmem>>) offsets(%dma_start3A_36 : memref<128xi32, #tpu.memory_space<vmem>>) semaphore(%arg32 : memref<!tpu.dma_semaphore, #tpu.memory_space<semaphore_mem>>)
      %dma_start3A_40 = arith.constant 0 : i32
      %dma_start3A_41 = tpu.memref_slice %arg9[%scan3A_28, %dma_start3A_40] : memref<10x128xi32, #tpu.memory_space<vmem>> -> memref<1x128xi32, #tpu.memory_space<vmem>>
      %dma_start3A_42 = tpu.memref_squeeze %dma_start3A_41 : memref<1x128xi32, #tpu.memory_space<vmem>> -> memref<128xi32, #tpu.memory_space<vmem>>
      %dma_start3A_43 = arith.constant 0 : i32
      %dma_start3A_44 = arith.constant 0 : i32
      %dma_start3A_45 = tpu.memref_slice %arg2[%dma_start3A_43, %dma_start3A_44] : memref<10240x64xf32, #tpu.memory_space<hbm>> -> memref<10240x64xf32, #tpu.memory_space<hbm>>
      tpu.enqueue_indirect_dma source(%dma_start3A_45 : memref<10240x64xf32, #tpu.memory_space<hbm>>) target(%arg25 : memref<128x64xf32, #tpu.memory_space<vmem>>) offsets(%dma_start3A_42 : memref<128xi32, #tpu.memory_space<vmem>>) semaphore(%arg32 : memref<!tpu.dma_semaphore, #tpu.memory_space<semaphore_mem>>)
      %dma_start3A_46 = arith.constant 0 : i32
      %dma_start3A_47 = tpu.memref_slice %arg10[%scan3A_28, %dma_start3A_46] : memref<10x128xi32, #tpu.memory_space<vmem>> -> memref<1x128xi32, #tpu.memory_space<vmem>>
      %dma_start3A_48 = tpu.memref_squeeze %dma_start3A_47 : memref<1x128xi32, #tpu.memory_space<vmem>> -> memref<128xi32, #tpu.memory_space<vmem>>
      %dma_start3A_49 = arith.constant 0 : i32
      %dma_start3A_50 = arith.constant 0 : i32
      %dma_start3A_51 = tpu.memref_slice %arg2[%dma_start3A_49, %dma_start3A_50] : memref<10240x64xf32, #tpu.memory_space<hbm>> -> memref<10240x64xf32, #tpu.memory_space<hbm>>
      tpu.enqueue_indirect_dma source(%dma_start3A_51 : memref<10240x64xf32, #tpu.memory_space<hbm>>) target(%arg26 : memref<128x64xf32, #tpu.memory_space<vmem>>) offsets(%dma_start3A_48 : memref<128xi32, #tpu.memory_space<vmem>>) semaphore(%arg32 : memref<!tpu.dma_semaphore, #tpu.memory_space<semaphore_mem>>)
      %dma_start3A_52 = arith.constant 0 : i32
      %dma_start3A_53 = tpu.memref_slice %arg11[%scan3A_28, %dma_start3A_52] : memref<10x128xi32, #tpu.memory_space<vmem>> -> memref<1x128xi32, #tpu.memory_space<vmem>>
      %dma_start3A_54 = tpu.memref_squeeze %dma_start3A_53 : memref<1x128xi32, #tpu.memory_space<vmem>> -> memref<128xi32, #tpu.memory_space<vmem>>
      %dma_start3A_55 = arith.constant 0 : i32
      %dma_start3A_56 = arith.constant 0 : i32
      %dma_start3A_57 = tpu.memref_slice %arg2[%dma_start3A_55, %dma_start3A_56] : memref<10240x64xf32, #tpu.memory_space<hbm>> -> memref<10240x64xf32, #tpu.memory_space<hbm>>
      tpu.enqueue_indirect_dma source(%dma_start3A_57 : memref<10240x64xf32, #tpu.memory_space<hbm>>) target(%arg27 : memref<128x64xf32, #tpu.memory_space<vmem>>) offsets(%dma_start3A_54 : memref<128xi32, #tpu.memory_space<vmem>>) semaphore(%arg32 : memref<!tpu.dma_semaphore, #tpu.memory_space<semaphore_mem>>)
      %dma_start3A_58 = arith.constant 0 : i32
      %dma_start3A_59 = tpu.memref_slice %arg12[%scan3A_28, %dma_start3A_58] : memref<10x128xi32, #tpu.memory_space<vmem>> -> memref<1x128xi32, #tpu.memory_space<vmem>>
      %dma_start3A_60 = tpu.memref_squeeze %dma_start3A_59 : memref<1x128xi32, #tpu.memory_space<vmem>> -> memref<128xi32, #tpu.memory_space<vmem>>
      %dma_start3A_61 = arith.constant 0 : i32
      %dma_start3A_62 = arith.constant 0 : i32
      %dma_start3A_63 = tpu.memref_slice %arg2[%dma_start3A_61, %dma_start3A_62] : memref<10240x64xf32, #tpu.memory_space<hbm>> -> memref<10240x64xf32, #tpu.memory_space<hbm>>
      tpu.enqueue_indirect_dma source(%dma_start3A_63 : memref<10240x64xf32, #tpu.memory_space<hbm>>) target(%arg28 : memref<128x64xf32, #tpu.memory_space<vmem>>) offsets(%dma_start3A_60 : memref<128xi32, #tpu.memory_space<vmem>>) semaphore(%arg32 : memref<!tpu.dma_semaphore, #tpu.memory_space<semaphore_mem>>)
      %dma_start3A_64 = arith.constant 0 : i32
      %dma_start3A_65 = tpu.memref_slice %arg13[%scan3A_28, %dma_start3A_64] : memref<10x128xi32, #tpu.memory_space<vmem>> -> memref<1x128xi32, #tpu.memory_space<vmem>>
      %dma_start3A_66 = tpu.memref_squeeze %dma_start3A_65 : memref<1x128xi32, #tpu.memory_space<vmem>> -> memref<128xi32, #tpu.memory_space<vmem>>
      %dma_start3A_67 = arith.constant 0 : i32
      %dma_start3A_68 = arith.constant 0 : i32
      %dma_start3A_69 = tpu.memref_slice %arg2[%dma_start3A_67, %dma_start3A_68] : memref<10240x64xf32, #tpu.memory_space<hbm>> -> memref<10240x64xf32, #tpu.memory_space<hbm>>
      tpu.enqueue_indirect_dma source(%dma_start3A_69 : memref<10240x64xf32, #tpu.memory_space<hbm>>) target(%arg29 : memref<128x64xf32, #tpu.memory_space<vmem>>) offsets(%dma_start3A_66 : memref<128xi32, #tpu.memory_space<vmem>>) semaphore(%arg32 : memref<!tpu.dma_semaphore, #tpu.memory_space<semaphore_mem>>)
      %dma_start3A_70 = arith.constant 0 : i32
      %dma_start3A_71 = tpu.memref_slice %arg14[%scan3A_28, %dma_start3A_70] : memref<10x128xi32, #tpu.memory_space<vmem>> -> memref<1x128xi32, #tpu.memory_space<vmem>>
      %dma_start3A_72 = tpu.memref_squeeze %dma_start3A_71 : memref<1x128xi32, #tpu.memory_space<vmem>> -> memref<128xi32, #tpu.memory_space<vmem>>
      %dma_start3A_73 = arith.constant 0 : i32
      %dma_start3A_74 = arith.constant 0 : i32
      %dma_start3A_75 = tpu.memref_slice %arg2[%dma_start3A_73, %dma_start3A_74] : memref<10240x64xf32, #tpu.memory_space<hbm>> -> memref<10240x64xf32, #tpu.memory_space<hbm>>
      tpu.enqueue_indirect_dma source(%dma_start3A_75 : memref<10240x64xf32, #tpu.memory_space<hbm>>) target(%arg30 : memref<128x64xf32, #tpu.memory_space<vmem>>) offsets(%dma_start3A_72 : memref<128xi32, #tpu.memory_space<vmem>>) semaphore(%arg32 : memref<!tpu.dma_semaphore, #tpu.memory_space<semaphore_mem>>)
      %dma_wait3A = arith.constant 0 : i32
      %dma_wait3A_76 = tpu.memref_slice %arg7[%scan3A_28, %dma_wait3A] : memref<10x128xi32, #tpu.memory_space<vmem>> -> memref<1x128xi32, #tpu.memory_space<vmem>>
      %dma_wait3A_77 = tpu.memref_squeeze %dma_wait3A_76 : memref<1x128xi32, #tpu.memory_space<vmem>> -> memref<128xi32, #tpu.memory_space<vmem>>
      %dma_wait3A_78 = arith.constant 0 : i32
      %dma_wait3A_79 = arith.constant 0 : i32
      %dma_wait3A_80 = tpu.memref_slice %arg2[%dma_wait3A_78, %dma_wait3A_79] : memref<10240x64xf32, #tpu.memory_space<hbm>> -> memref<10240x64xf32, #tpu.memory_space<hbm>>
      tpu.wait_indirect_dma semaphore(%arg32 : memref<!tpu.dma_semaphore, #tpu.memory_space<semaphore_mem>>) src(%dma_wait3A_80 : memref<10240x64xf32, #tpu.memory_space<hbm>>) dst(%arg23 : memref<128x64xf32, #tpu.memory_space<vmem>>)
      %dma_wait3A_81 = arith.constant 0 : i32
      %dma_wait3A_82 = tpu.memref_slice %arg8[%scan3A_28, %dma_wait3A_81] : memref<10x128xi32, #tpu.memory_space<vmem>> -> memref<1x128xi32, #tpu.memory_space<vmem>>
      %dma_wait3A_83 = tpu.memref_squeeze %dma_wait3A_82 : memref<1x128xi32, #tpu.memory_space<vmem>> -> memref<128xi32, #tpu.memory_space<vmem>>
      %dma_wait3A_84 = arith.constant 0 : i32
      %dma_wait3A_85 = arith.constant 0 : i32
      %dma_wait3A_86 = tpu.memref_slice %arg2[%dma_wait3A_84, %dma_wait3A_85] : memref<10240x64xf32, #tpu.memory_space<hbm>> -> memref<10240x64xf32, #tpu.memory_space<hbm>>
      tpu.wait_indirect_dma semaphore(%arg32 : memref<!tpu.dma_semaphore, #tpu.memory_space<semaphore_mem>>) src(%dma_wait3A_86 : memref<10240x64xf32, #tpu.memory_space<hbm>>) dst(%arg24 : memref<128x64xf32, #tpu.memory_space<vmem>>)
      %dma_wait3A_87 = arith.constant 0 : i32
      %dma_wait3A_88 = tpu.memref_slice %arg9[%scan3A_28, %dma_wait3A_87] : memref<10x128xi32, #tpu.memory_space<vmem>> -> memref<1x128xi32, #tpu.memory_space<vmem>>
      %dma_wait3A_89 = tpu.memref_squeeze %dma_wait3A_88 : memref<1x128xi32, #tpu.memory_space<vmem>> -> memref<128xi32, #tpu.memory_space<vmem>>
      %dma_wait3A_90 = arith.constant 0 : i32
      %dma_wait3A_91 = arith.constant 0 : i32
      %dma_wait3A_92 = tpu.memref_slice %arg2[%dma_wait3A_90, %dma_wait3A_91] : memref<10240x64xf32, #tpu.memory_space<hbm>> -> memref<10240x64xf32, #tpu.memory_space<hbm>>
      tpu.wait_indirect_dma semaphore(%arg32 : memref<!tpu.dma_semaphore, #tpu.memory_space<semaphore_mem>>) src(%dma_wait3A_92 : memref<10240x64xf32, #tpu.memory_space<hbm>>) dst(%arg25 : memref<128x64xf32, #tpu.memory_space<vmem>>)
      %dma_wait3A_93 = arith.constant 0 : i32
      %dma_wait3A_94 = tpu.memref_slice %arg10[%scan3A_28, %dma_wait3A_93] : memref<10x128xi32, #tpu.memory_space<vmem>> -> memref<1x128xi32, #tpu.memory_space<vmem>>
      %dma_wait3A_95 = tpu.memref_squeeze %dma_wait3A_94 : memref<1x128xi32, #tpu.memory_space<vmem>> -> memref<128xi32, #tpu.memory_space<vmem>>
      %dma_wait3A_96 = arith.constant 0 : i32
      %dma_wait3A_97 = arith.constant 0 : i32
      %dma_wait3A_98 = tpu.memref_slice %arg2[%dma_wait3A_96, %dma_wait3A_97] : memref<10240x64xf32, #tpu.memory_space<hbm>> -> memref<10240x64xf32, #tpu.memory_space<hbm>>
      tpu.wait_indirect_dma semaphore(%arg32 : memref<!tpu.dma_semaphore, #tpu.memory_space<semaphore_mem>>) src(%dma_wait3A_98 : memref<10240x64xf32, #tpu.memory_space<hbm>>) dst(%arg26 : memref<128x64xf32, #tpu.memory_space<vmem>>)
      %dma_wait3A_99 = arith.constant 0 : i32
      %dma_wait3A_100 = tpu.memref_slice %arg11[%scan3A_28, %dma_wait3A_99] : memref<10x128xi32, #tpu.memory_space<vmem>> -> memref<1x128xi32, #tpu.memory_space<vmem>>
      %dma_wait3A_101 = tpu.memref_squeeze %dma_wait3A_100 : memref<1x128xi32, #tpu.memory_space<vmem>> -> memref<128xi32, #tpu.memory_space<vmem>>
      %dma_wait3A_102 = arith.constant 0 : i32
      %dma_wait3A_103 = arith.constant 0 : i32
      %dma_wait3A_104 = tpu.memref_slice %arg2[%dma_wait3A_102, %dma_wait3A_103] : memref<10240x64xf32, #tpu.memory_space<hbm>> -> memref<10240x64xf32, #tpu.memory_space<hbm>>
      tpu.wait_indirect_dma semaphore(%arg32 : memref<!tpu.dma_semaphore, #tpu.memory_space<semaphore_mem>>) src(%dma_wait3A_104 : memref<10240x64xf32, #tpu.memory_space<hbm>>) dst(%arg27 : memref<128x64xf32, #tpu.memory_space<vmem>>)
      %dma_wait3A_105 = arith.constant 0 : i32
      %dma_wait3A_106 = tpu.memref_slice %arg12[%scan3A_28, %dma_wait3A_105] : memref<10x128xi32, #tpu.memory_space<vmem>> -> memref<1x128xi32, #tpu.memory_space<vmem>>
      %dma_wait3A_107 = tpu.memref_squeeze %dma_wait3A_106 : memref<1x128xi32, #tpu.memory_space<vmem>> -> memref<128xi32, #tpu.memory_space<vmem>>
      %dma_wait3A_108 = arith.constant 0 : i32
      %dma_wait3A_109 = arith.constant 0 : i32
      %dma_wait3A_110 = tpu.memref_slice %arg2[%dma_wait3A_108, %dma_wait3A_109] : memref<10240x64xf32, #tpu.memory_space<hbm>> -> memref<10240x64xf32, #tpu.memory_space<hbm>>
      tpu.wait_indirect_dma semaphore(%arg32 : memref<!tpu.dma_semaphore, #tpu.memory_space<semaphore_mem>>) src(%dma_wait3A_110 : memref<10240x64xf32, #tpu.memory_space<hbm>>) dst(%arg28 : memref<128x64xf32, #tpu.memory_space<vmem>>)
      %dma_wait3A_111 = arith.constant 0 : i32
      %dma_wait3A_112 = tpu.memref_slice %arg13[%scan3A_28, %dma_wait3A_111] : memref<10x128xi32, #tpu.memory_space<vmem>> -> memref<1x128xi32, #tpu.memory_space<vmem>>
      %dma_wait3A_113 = tpu.memref_squeeze %dma_wait3A_112 : memref<1x128xi32, #tpu.memory_space<vmem>> -> memref<128xi32, #tpu.memory_space<vmem>>
      %dma_wait3A_114 = arith.constant 0 : i32
      %dma_wait3A_115 = arith.constant 0 : i32
      %dma_wait3A_116 = tpu.memref_slice %arg2[%dma_wait3A_114, %dma_wait3A_115] : memref<10240x64xf32, #tpu.memory_space<hbm>> -> memref<10240x64xf32, #tpu.memory_space<hbm>>
      tpu.wait_indirect_dma semaphore(%arg32 : memref<!tpu.dma_semaphore, #tpu.memory_space<semaphore_mem>>) src(%dma_wait3A_116 : memref<10240x64xf32, #tpu.memory_space<hbm>>) dst(%arg29 : memref<128x64xf32, #tpu.memory_space<vmem>>)
      %dma_wait3A_117 = arith.constant 0 : i32
      %dma_wait3A_118 = tpu.memref_slice %arg14[%scan3A_28, %dma_wait3A_117] : memref<10x128xi32, #tpu.memory_space<vmem>> -> memref<1x128xi32, #tpu.memory_space<vmem>>
      %dma_wait3A_119 = tpu.memref_squeeze %dma_wait3A_118 : memref<1x128xi32, #tpu.memory_space<vmem>> -> memref<128xi32, #tpu.memory_space<vmem>>
      %dma_wait3A_120 = arith.constant 0 : i32
      %dma_wait3A_121 = arith.constant 0 : i32
      %dma_wait3A_122 = tpu.memref_slice %arg2[%dma_wait3A_120, %dma_wait3A_121] : memref<10240x64xf32, #tpu.memory_space<hbm>> -> memref<10240x64xf32, #tpu.memory_space<hbm>>
      tpu.wait_indirect_dma semaphore(%arg32 : memref<!tpu.dma_semaphore, #tpu.memory_space<semaphore_mem>>) src(%dma_wait3A_122 : memref<10240x64xf32, #tpu.memory_space<hbm>>) dst(%arg30 : memref<128x64xf32, #tpu.memory_space<vmem>>)
      "tpu.region"() ({
        %run_scoped3A_123 = tpu.sem_alloc : memref<!tpu.dma_semaphore, #tpu.memory_space<semaphore_mem>>
        %dma_start3A_124 = arith.constant 0 : i32
        %dma_start3A_125 = tpu.memref_slice %arg15[%scan3A_28, %dma_start3A_124] : memref<10x128xi32, #tpu.memory_space<vmem>> -> memref<1x128xi32, #tpu.memory_space<vmem>>
        %dma_start3A_126 = tpu.memref_squeeze %dma_start3A_125 : memref<1x128xi32, #tpu.memory_space<vmem>> -> memref<128xi32, #tpu.memory_space<vmem>>
        %dma_start3A_127 = arith.constant 0 : i32
        %dma_start3A_128 = arith.constant 0 : i32
        %dma_start3A_129 = tpu.memref_slice %arg31[%dma_start3A_127, %dma_start3A_128] : memref<10240x64xf32, #tpu.memory_space<vmem_shared>> -> memref<10240x64xf32, #tpu.memory_space<vmem_shared>>
        tpu.enqueue_indirect_dma source(%arg23 : memref<128x64xf32, #tpu.memory_space<vmem>>) target(%dma_start3A_129 : memref<10240x64xf32, #tpu.memory_space<vmem_shared>>) offsets(%dma_start3A_126 : memref<128xi32, #tpu.memory_space<vmem>>) semaphore(%run_scoped3A_123 : memref<!tpu.dma_semaphore, #tpu.memory_space<semaphore_mem>>) {add = true}
        %dma_wait3A_130 = arith.constant 0 : i32
        %dma_wait3A_131 = tpu.memref_slice %arg15[%scan3A_28, %dma_wait3A_130] : memref<10x128xi32, #tpu.memory_space<vmem>> -> memref<1x128xi32, #tpu.memory_space<vmem>>
        %dma_wait3A_132 = tpu.memref_squeeze %dma_wait3A_131 : memref<1x128xi32, #tpu.memory_space<vmem>> -> memref<128xi32, #tpu.memory_space<vmem>>
        %dma_wait3A_133 = arith.constant 0 : i32
        %dma_wait3A_134 = arith.constant 0 : i32
        %dma_wait3A_135 = tpu.memref_slice %arg31[%dma_wait3A_133, %dma_wait3A_134] : memref<10240x64xf32, #tpu.memory_space<vmem_shared>> -> memref<10240x64xf32, #tpu.memory_space<vmem_shared>>
        tpu.wait_indirect_dma semaphore(%run_scoped3A_123 : memref<!tpu.dma_semaphore, #tpu.memory_space<semaphore_mem>>) src(%arg23 : memref<128x64xf32, #tpu.memory_space<vmem>>) dst(%dma_wait3A_135 : memref<10240x64xf32, #tpu.memory_space<vmem_shared>>)
        tpu.yield
      }) : () -> ()
      "tpu.region"() ({
        %run_scoped3A_123 = tpu.sem_alloc : memref<!tpu.dma_semaphore, #tpu.memory_space<semaphore_mem>>
        %dma_start3A_124 = arith.constant 0 : i32
        %dma_start3A_125 = tpu.memref_slice %arg16[%scan3A_28, %dma_start3A_124] : memref<10x128xi32, #tpu.memory_space<vmem>> -> memref<1x128xi32, #tpu.memory_space<vmem>>
        %dma_start3A_126 = tpu.memref_squeeze %dma_start3A_125 : memref<1x128xi32, #tpu.memory_space<vmem>> -> memref<128xi32, #tpu.memory_space<vmem>>
        %dma_start3A_127 = arith.constant 0 : i32
        %dma_start3A_128 = arith.constant 0 : i32
        %dma_start3A_129 = tpu.memref_slice %arg31[%dma_start3A_127, %dma_start3A_128] : memref<10240x64xf32, #tpu.memory_space<vmem_shared>> -> memref<10240x64xf32, #tpu.memory_space<vmem_shared>>
        tpu.enqueue_indirect_dma source(%arg24 : memref<128x64xf32, #tpu.memory_space<vmem>>) target(%dma_start3A_129 : memref<10240x64xf32, #tpu.memory_space<vmem_shared>>) offsets(%dma_start3A_126 : memref<128xi32, #tpu.memory_space<vmem>>) semaphore(%run_scoped3A_123 : memref<!tpu.dma_semaphore, #tpu.memory_space<semaphore_mem>>) {add = true}
        %dma_wait3A_130 = arith.constant 0 : i32
        %dma_wait3A_131 = tpu.memref_slice %arg16[%scan3A_28, %dma_wait3A_130] : memref<10x128xi32, #tpu.memory_space<vmem>> -> memref<1x128xi32, #tpu.memory_space<vmem>>
        %dma_wait3A_132 = tpu.memref_squeeze %dma_wait3A_131 : memref<1x128xi32, #tpu.memory_space<vmem>> -> memref<128xi32, #tpu.memory_space<vmem>>
        %dma_wait3A_133 = arith.constant 0 : i32
        %dma_wait3A_134 = arith.constant 0 : i32
        %dma_wait3A_135 = tpu.memref_slice %arg31[%dma_wait3A_133, %dma_wait3A_134] : memref<10240x64xf32, #tpu.memory_space<vmem_shared>> -> memref<10240x64xf32, #tpu.memory_space<vmem_shared>>
        tpu.wait_indirect_dma semaphore(%run_scoped3A_123 : memref<!tpu.dma_semaphore, #tpu.memory_space<semaphore_mem>>) src(%arg24 : memref<128x64xf32, #tpu.memory_space<vmem>>) dst(%dma_wait3A_135 : memref<10240x64xf32, #tpu.memory_space<vmem_shared>>)
        tpu.yield
      }) : () -> ()
      "tpu.region"() ({
        %run_scoped3A_123 = tpu.sem_alloc : memref<!tpu.dma_semaphore, #tpu.memory_space<semaphore_mem>>
        %dma_start3A_124 = arith.constant 0 : i32
        %dma_start3A_125 = tpu.memref_slice %arg17[%scan3A_28, %dma_start3A_124] : memref<10x128xi32, #tpu.memory_space<vmem>> -> memref<1x128xi32, #tpu.memory_space<vmem>>
        %dma_start3A_126 = tpu.memref_squeeze %dma_start3A_125 : memref<1x128xi32, #tpu.memory_space<vmem>> -> memref<128xi32, #tpu.memory_space<vmem>>
        %dma_start3A_127 = arith.constant 0 : i32
        %dma_start3A_128 = arith.constant 0 : i32
        %dma_start3A_129 = tpu.memref_slice %arg31[%dma_start3A_127, %dma_start3A_128] : memref<10240x64xf32, #tpu.memory_space<vmem_shared>> -> memref<10240x64xf32, #tpu.memory_space<vmem_shared>>
        tpu.enqueue_indirect_dma source(%arg25 : memref<128x64xf32, #tpu.memory_space<vmem>>) target(%dma_start3A_129 : memref<10240x64xf32, #tpu.memory_space<vmem_shared>>) offsets(%dma_start3A_126 : memref<128xi32, #tpu.memory_space<vmem>>) semaphore(%run_scoped3A_123 : memref<!tpu.dma_semaphore, #tpu.memory_space<semaphore_mem>>) {add = true}
        %dma_wait3A_130 = arith.constant 0 : i32
        %dma_wait3A_131 = tpu.memref_slice %arg17[%scan3A_28, %dma_wait3A_130] : memref<10x128xi32, #tpu.memory_space<vmem>> -> memref<1x128xi32, #tpu.memory_space<vmem>>
        %dma_wait3A_132 = tpu.memref_squeeze %dma_wait3A_131 : memref<1x128xi32, #tpu.memory_space<vmem>> -> memref<128xi32, #tpu.memory_space<vmem>>
        %dma_wait3A_133 = arith.constant 0 : i32
        %dma_wait3A_134 = arith.constant 0 : i32
        %dma_wait3A_135 = tpu.memref_slice %arg31[%dma_wait3A_133, %dma_wait3A_134] : memref<10240x64xf32, #tpu.memory_space<vmem_shared>> -> memref<10240x64xf32, #tpu.memory_space<vmem_shared>>
        tpu.wait_indirect_dma semaphore(%run_scoped3A_123 : memref<!tpu.dma_semaphore, #tpu.memory_space<semaphore_mem>>) src(%arg25 : memref<128x64xf32, #tpu.memory_space<vmem>>) dst(%dma_wait3A_135 : memref<10240x64xf32, #tpu.memory_space<vmem_shared>>)
        tpu.yield
      }) : () -> ()
      "tpu.region"() ({
        %run_scoped3A_123 = tpu.sem_alloc : memref<!tpu.dma_semaphore, #tpu.memory_space<semaphore_mem>>
        %dma_start3A_124 = arith.constant 0 : i32
        %dma_start3A_125 = tpu.memref_slice %arg18[%scan3A_28, %dma_start3A_124] : memref<10x128xi32, #tpu.memory_space<vmem>> -> memref<1x128xi32, #tpu.memory_space<vmem>>
        %dma_start3A_126 = tpu.memref_squeeze %dma_start3A_125 : memref<1x128xi32, #tpu.memory_space<vmem>> -> memref<128xi32, #tpu.memory_space<vmem>>
        %dma_start3A_127 = arith.constant 0 : i32
        %dma_start3A_128 = arith.constant 0 : i32
        %dma_start3A_129 = tpu.memref_slice %arg31[%dma_start3A_127, %dma_start3A_128] : memref<10240x64xf32, #tpu.memory_space<vmem_shared>> -> memref<10240x64xf32, #tpu.memory_space<vmem_shared>>
        tpu.enqueue_indirect_dma source(%arg26 : memref<128x64xf32, #tpu.memory_space<vmem>>) target(%dma_start3A_129 : memref<10240x64xf32, #tpu.memory_space<vmem_shared>>) offsets(%dma_start3A_126 : memref<128xi32, #tpu.memory_space<vmem>>) semaphore(%run_scoped3A_123 : memref<!tpu.dma_semaphore, #tpu.memory_space<semaphore_mem>>) {add = true}
        %dma_wait3A_130 = arith.constant 0 : i32
        %dma_wait3A_131 = tpu.memref_slice %arg18[%scan3A_28, %dma_wait3A_130] : memref<10x128xi32, #tpu.memory_space<vmem>> -> memref<1x128xi32, #tpu.memory_space<vmem>>
        %dma_wait3A_132 = tpu.memref_squeeze %dma_wait3A_131 : memref<1x128xi32, #tpu.memory_space<vmem>> -> memref<128xi32, #tpu.memory_space<vmem>>
        %dma_wait3A_133 = arith.constant 0 : i32
        %dma_wait3A_134 = arith.constant 0 : i32
        %dma_wait3A_135 = tpu.memref_slice %arg31[%dma_wait3A_133, %dma_wait3A_134] : memref<10240x64xf32, #tpu.memory_space<vmem_shared>> -> memref<10240x64xf32, #tpu.memory_space<vmem_shared>>
        tpu.wait_indirect_dma semaphore(%run_scoped3A_123 : memref<!tpu.dma_semaphore, #tpu.memory_space<semaphore_mem>>) src(%arg26 : memref<128x64xf32, #tpu.memory_space<vmem>>) dst(%dma_wait3A_135 : memref<10240x64xf32, #tpu.memory_space<vmem_shared>>)
        tpu.yield
      }) : () -> ()
      "tpu.region"() ({
        %run_scoped3A_123 = tpu.sem_alloc : memref<!tpu.dma_semaphore, #tpu.memory_space<semaphore_mem>>
        %dma_start3A_124 = arith.constant 0 : i32
        %dma_start3A_125 = tpu.memref_slice %arg19[%scan3A_28, %dma_start3A_124] : memref<10x128xi32, #tpu.memory_space<vmem>> -> memref<1x128xi32, #tpu.memory_space<vmem>>
        %dma_start3A_126 = tpu.memref_squeeze %dma_start3A_125 : memref<1x128xi32, #tpu.memory_space<vmem>> -> memref<128xi32, #tpu.memory_space<vmem>>
        %dma_start3A_127 = arith.constant 0 : i32
        %dma_start3A_128 = arith.constant 0 : i32
        %dma_start3A_129 = tpu.memref_slice %arg31[%dma_start3A_127, %dma_start3A_128] : memref<10240x64xf32, #tpu.memory_space<vmem_shared>> -> memref<10240x64xf32, #tpu.memory_space<vmem_shared>>
        tpu.enqueue_indirect_dma source(%arg27 : memref<128x64xf32, #tpu.memory_space<vmem>>) target(%dma_start3A_129 : memref<10240x64xf32, #tpu.memory_space<vmem_shared>>) offsets(%dma_start3A_126 : memref<128xi32, #tpu.memory_space<vmem>>) semaphore(%run_scoped3A_123 : memref<!tpu.dma_semaphore, #tpu.memory_space<semaphore_mem>>) {add = true}
        %dma_wait3A_130 = arith.constant 0 : i32
        %dma_wait3A_131 = tpu.memref_slice %arg19[%scan3A_28, %dma_wait3A_130] : memref<10x128xi32, #tpu.memory_space<vmem>> -> memref<1x128xi32, #tpu.memory_space<vmem>>
        %dma_wait3A_132 = tpu.memref_squeeze %dma_wait3A_131 : memref<1x128xi32, #tpu.memory_space<vmem>> -> memref<128xi32, #tpu.memory_space<vmem>>
        %dma_wait3A_133 = arith.constant 0 : i32
        %dma_wait3A_134 = arith.constant 0 : i32
        %dma_wait3A_135 = tpu.memref_slice %arg31[%dma_wait3A_133, %dma_wait3A_134] : memref<10240x64xf32, #tpu.memory_space<vmem_shared>> -> memref<10240x64xf32, #tpu.memory_space<vmem_shared>>
        tpu.wait_indirect_dma semaphore(%run_scoped3A_123 : memref<!tpu.dma_semaphore, #tpu.memory_space<semaphore_mem>>) src(%arg27 : memref<128x64xf32, #tpu.memory_space<vmem>>) dst(%dma_wait3A_135 : memref<10240x64xf32, #tpu.memory_space<vmem_shared>>)
        tpu.yield
      }) : () -> ()
      "tpu.region"() ({
        %run_scoped3A_123 = tpu.sem_alloc : memref<!tpu.dma_semaphore, #tpu.memory_space<semaphore_mem>>
        %dma_start3A_124 = arith.constant 0 : i32
        %dma_start3A_125 = tpu.memref_slice %arg20[%scan3A_28, %dma_start3A_124] : memref<10x128xi32, #tpu.memory_space<vmem>> -> memref<1x128xi32, #tpu.memory_space<vmem>>
        %dma_start3A_126 = tpu.memref_squeeze %dma_start3A_125 : memref<1x128xi32, #tpu.memory_space<vmem>> -> memref<128xi32, #tpu.memory_space<vmem>>
        %dma_start3A_127 = arith.constant 0 : i32
        %dma_start3A_128 = arith.constant 0 : i32
        %dma_start3A_129 = tpu.memref_slice %arg31[%dma_start3A_127, %dma_start3A_128] : memref<10240x64xf32, #tpu.memory_space<vmem_shared>> -> memref<10240x64xf32, #tpu.memory_space<vmem_shared>>
        tpu.enqueue_indirect_dma source(%arg28 : memref<128x64xf32, #tpu.memory_space<vmem>>) target(%dma_start3A_129 : memref<10240x64xf32, #tpu.memory_space<vmem_shared>>) offsets(%dma_start3A_126 : memref<128xi32, #tpu.memory_space<vmem>>) semaphore(%run_scoped3A_123 : memref<!tpu.dma_semaphore, #tpu.memory_space<semaphore_mem>>) {add = true}
        %dma_wait3A_130 = arith.constant 0 : i32
        %dma_wait3A_131 = tpu.memref_slice %arg20[%scan3A_28, %dma_wait3A_130] : memref<10x128xi32, #tpu.memory_space<vmem>> -> memref<1x128xi32, #tpu.memory_space<vmem>>
        %dma_wait3A_132 = tpu.memref_squeeze %dma_wait3A_131 : memref<1x128xi32, #tpu.memory_space<vmem>> -> memref<128xi32, #tpu.memory_space<vmem>>
        %dma_wait3A_133 = arith.constant 0 : i32
        %dma_wait3A_134 = arith.constant 0 : i32
        %dma_wait3A_135 = tpu.memref_slice %arg31[%dma_wait3A_133, %dma_wait3A_134] : memref<10240x64xf32, #tpu.memory_space<vmem_shared>> -> memref<10240x64xf32, #tpu.memory_space<vmem_shared>>
        tpu.wait_indirect_dma semaphore(%run_scoped3A_123 : memref<!tpu.dma_semaphore, #tpu.memory_space<semaphore_mem>>) src(%arg28 : memref<128x64xf32, #tpu.memory_space<vmem>>) dst(%dma_wait3A_135 : memref<10240x64xf32, #tpu.memory_space<vmem_shared>>)
        tpu.yield
      }) : () -> ()
      "tpu.region"() ({
        %run_scoped3A_123 = tpu.sem_alloc : memref<!tpu.dma_semaphore, #tpu.memory_space<semaphore_mem>>
        %dma_start3A_124 = arith.constant 0 : i32
        %dma_start3A_125 = tpu.memref_slice %arg21[%scan3A_28, %dma_start3A_124] : memref<10x128xi32, #tpu.memory_space<vmem>> -> memref<1x128xi32, #tpu.memory_space<vmem>>
        %dma_start3A_126 = tpu.memref_squeeze %dma_start3A_125 : memref<1x128xi32, #tpu.memory_space<vmem>> -> memref<128xi32, #tpu.memory_space<vmem>>
        %dma_start3A_127 = arith.constant 0 : i32
        %dma_start3A_128 = arith.constant 0 : i32
        %dma_start3A_129 = tpu.memref_slice %arg31[%dma_start3A_127, %dma_start3A_128] : memref<10240x64xf32, #tpu.memory_space<vmem_shared>> -> memref<10240x64xf32, #tpu.memory_space<vmem_shared>>
        tpu.enqueue_indirect_dma source(%arg29 : memref<128x64xf32, #tpu.memory_space<vmem>>) target(%dma_start3A_129 : memref<10240x64xf32, #tpu.memory_space<vmem_shared>>) offsets(%dma_start3A_126 : memref<128xi32, #tpu.memory_space<vmem>>) semaphore(%run_scoped3A_123 : memref<!tpu.dma_semaphore, #tpu.memory_space<semaphore_mem>>) {add = true}
        %dma_wait3A_130 = arith.constant 0 : i32
        %dma_wait3A_131 = tpu.memref_slice %arg21[%scan3A_28, %dma_wait3A_130] : memref<10x128xi32, #tpu.memory_space<vmem>> -> memref<1x128xi32, #tpu.memory_space<vmem>>
        %dma_wait3A_132 = tpu.memref_squeeze %dma_wait3A_131 : memref<1x128xi32, #tpu.memory_space<vmem>> -> memref<128xi32, #tpu.memory_space<vmem>>
        %dma_wait3A_133 = arith.constant 0 : i32
        %dma_wait3A_134 = arith.constant 0 : i32
        %dma_wait3A_135 = tpu.memref_slice %arg31[%dma_wait3A_133, %dma_wait3A_134] : memref<10240x64xf32, #tpu.memory_space<vmem_shared>> -> memref<10240x64xf32, #tpu.memory_space<vmem_shared>>
        tpu.wait_indirect_dma semaphore(%run_scoped3A_123 : memref<!tpu.dma_semaphore, #tpu.memory_space<semaphore_mem>>) src(%arg29 : memref<128x64xf32, #tpu.memory_space<vmem>>) dst(%dma_wait3A_135 : memref<10240x64xf32, #tpu.memory_space<vmem_shared>>)
        tpu.yield
      }) : () -> ()
      "tpu.region"() ({
        %run_scoped3A_123 = tpu.sem_alloc : memref<!tpu.dma_semaphore, #tpu.memory_space<semaphore_mem>>
        %dma_start3A_124 = arith.constant 0 : i32
        %dma_start3A_125 = tpu.memref_slice %arg22[%scan3A_28, %dma_start3A_124] : memref<10x128xi32, #tpu.memory_space<vmem>> -> memref<1x128xi32, #tpu.memory_space<vmem>>
        %dma_start3A_126 = tpu.memref_squeeze %dma_start3A_125 : memref<1x128xi32, #tpu.memory_space<vmem>> -> memref<128xi32, #tpu.memory_space<vmem>>
        %dma_start3A_127 = arith.constant 0 : i32
        %dma_start3A_128 = arith.constant 0 : i32
        %dma_start3A_129 = tpu.memref_slice %arg31[%dma_start3A_127, %dma_start3A_128] : memref<10240x64xf32, #tpu.memory_space<vmem_shared>> -> memref<10240x64xf32, #tpu.memory_space<vmem_shared>>
        tpu.enqueue_indirect_dma source(%arg30 : memref<128x64xf32, #tpu.memory_space<vmem>>) target(%dma_start3A_129 : memref<10240x64xf32, #tpu.memory_space<vmem_shared>>) offsets(%dma_start3A_126 : memref<128xi32, #tpu.memory_space<vmem>>) semaphore(%run_scoped3A_123 : memref<!tpu.dma_semaphore, #tpu.memory_space<semaphore_mem>>) {add = true}
        %dma_wait3A_130 = arith.constant 0 : i32
        %dma_wait3A_131 = tpu.memref_slice %arg22[%scan3A_28, %dma_wait3A_130] : memref<10x128xi32, #tpu.memory_space<vmem>> -> memref<1x128xi32, #tpu.memory_space<vmem>>
        %dma_wait3A_132 = tpu.memref_squeeze %dma_wait3A_131 : memref<1x128xi32, #tpu.memory_space<vmem>> -> memref<128xi32, #tpu.memory_space<vmem>>
        %dma_wait3A_133 = arith.constant 0 : i32
        %dma_wait3A_134 = arith.constant 0 : i32
        %dma_wait3A_135 = tpu.memref_slice %arg31[%dma_wait3A_133, %dma_wait3A_134] : memref<10240x64xf32, #tpu.memory_space<vmem_shared>> -> memref<10240x64xf32, #tpu.memory_space<vmem_shared>>
        tpu.wait_indirect_dma semaphore(%run_scoped3A_123 : memref<!tpu.dma_semaphore, #tpu.memory_space<semaphore_mem>>) src(%arg30 : memref<128x64xf32, #tpu.memory_space<vmem>>) dst(%dma_wait3A_135 : memref<10240x64xf32, #tpu.memory_space<vmem_shared>>)
        tpu.yield
      }) : () -> ()
    }
    %scan3A_22 = arith.constant 10 : i32
    %barrier3A_23 = arith.constant 0 : index
    tpu.barrier barrier_id(%barrier3A_23)
    %mul3A_24 = arith.constant 640 : i32
    %mul3A_25 = arith.muli %arg1, %mul3A_24 : i32
    %mul3A_26 = arith.constant 640 : i32
    %mul3A_27 = arith.muli %arg1, %mul3A_26 : i32
    "tpu.region"() ({
      %run_scoped3A_28 = tpu.sem_alloc : memref<!tpu.dma_semaphore, #tpu.memory_space<semaphore_mem>>
      %dma_start3A = arith.constant 0 : i32
      %dma_start3A_29 = tpu.memref_slice %arg6[%arg0, %mul3A_27, %dma_start3A] : memref<2x10240x64xf32, #tpu.memory_space<hbm>> -> memref<1x640x64xf32, #tpu.memory_space<hbm>>
      %dma_start3A_30 = tpu.memref_squeeze %dma_start3A_29 : memref<1x640x64xf32, #tpu.memory_space<hbm>> -> memref<640x64xf32, #tpu.memory_space<hbm>>
      %dma_start3A_31 = arith.constant 0 : i32
      %dma_start3A_32 = tpu.memref_slice %arg31[%mul3A_25, %dma_start3A_31] : memref<10240x64xf32, #tpu.memory_space<vmem_shared>> -> memref<640x64xf32, #tpu.memory_space<vmem_shared>>
      tpu.enqueue_dma source(%dma_start3A_32 : memref<640x64xf32, #tpu.memory_space<vmem_shared>>) target(%dma_start3A_30 : memref<640x64xf32, #tpu.memory_space<hbm>>) target_semaphore(%run_scoped3A_28 : memref<!tpu.dma_semaphore, #tpu.memory_space<semaphore_mem>>)
      %dma_wait3A = arith.constant 0 : i32
      %dma_wait3A_33 = tpu.memref_slice %arg6[%arg0, %mul3A_27, %dma_wait3A] : memref<2x10240x64xf32, #tpu.memory_space<hbm>> -> memref<1x640x64xf32, #tpu.memory_space<hbm>>
      %dma_wait3A_34 = tpu.memref_squeeze %dma_wait3A_33 : memref<1x640x64xf32, #tpu.memory_space<hbm>> -> memref<640x64xf32, #tpu.memory_space<hbm>>
      %dma_wait3A_35 = arith.constant 0 : i32
      %dma_wait3A_36 = tpu.memref_slice %arg31[%mul3A_25, %dma_wait3A_35] : memref<10240x64xf32, #tpu.memory_space<vmem_shared>> -> memref<640x64xf32, #tpu.memory_space<vmem_shared>>
      tpu.wait_dma2 semaphore(%run_scoped3A_28 : memref<!tpu.dma_semaphore, #tpu.memory_space<semaphore_mem>>) src(%dma_wait3A_36 : memref<640x64xf32, #tpu.memory_space<vmem_shared>>) dst(%dma_wait3A_34 : memref<640x64xf32, #tpu.memory_space<hbm>>)
      tpu.yield
    }) : () -> ()
    return
  }
}

#map = affine_map<(d0, d1) -> (0, 0)>
#map1 = affine_map<(d0, d1) -> (0, 0, 0, 0)>
#map2 = affine_map<(d0, d1) -> (0, 0, 0)>
module attributes {stable_mosaic.version = 14 : i64} {
  func.func @k(%arg0: i32, %arg1: i32, %arg2: memref<10240x64xf32, #tpu.memory_space<hbm>>, %arg3: memref<8x32x10x128xi32, #tpu.memory_space<hbm>>, %arg4: memref<8x32x10x128xi32, #tpu.memory_space<hbm>>, %arg5: memref<640x64xf32, #tpu.memory_space<hbm>>, %arg6: memref<2x10240x64xf32, #tpu.memory_space<hbm>>, %arg7: memref<10x128xi32, #tpu.memory_space<vmem>>, %arg8: memref<10x128xi32, #tpu.memory_space<vmem>>, %arg9: memref<10x128xi32, #tpu.memory_space<vmem>>, %arg10: memref<10x128xi32, #tpu.memory_space<vmem>>, %arg11: memref<10x128xi32, #tpu.memory_space<vmem>>, %arg12: memref<10x128xi32, #tpu.memory_space<vmem>>, %arg13: memref<10x128xi32, #tpu.memory_space<vmem>>, %arg14: memref<10x128xi32, #tpu.memory_space<vmem>>, %arg15: memref<10x128xi32, #tpu.memory_space<vmem>>, %arg16: memref<10x128xi32, #tpu.memory_space<vmem>>, %arg17: memref<10x128xi32, #tpu.memory_space<vmem>>, %arg18: memref<10x128xi32, #tpu.memory_space<vmem>>, %arg19: memref<10x128xi32, #tpu.memory_space<vmem>>, %arg20: memref<10x128xi32, #tpu.memory_space<vmem>>, %arg21: memref<10x128xi32, #tpu.memory_space<vmem>>, %arg22: memref<10x128xi32, #tpu.memory_space<vmem>>, %arg23: memref<128x64xf32, #tpu.memory_space<vmem>>, %arg24: memref<128x64xf32, #tpu.memory_space<vmem>>, %arg25: memref<128x64xf32, #tpu.memory_space<vmem>>, %arg26: memref<128x64xf32, #tpu.memory_space<vmem>>, %arg27: memref<128x64xf32, #tpu.memory_space<vmem>>, %arg28: memref<128x64xf32, #tpu.memory_space<vmem>>, %arg29: memref<128x64xf32, #tpu.memory_space<vmem>>, %arg30: memref<128x64xf32, #tpu.memory_space<vmem>>, %arg31: memref<10240x64xf32, #tpu.memory_space<vmem_shared>>, %arg32: memref<!tpu.dma_semaphore, #tpu.memory_space<semaphore_mem>>) attributes {dimension_semantics = [#tpu.dimension_semantics<core_parallel>, #tpu.dimension_semantics<subcore_parallel>], iteration_bounds = array<i64: 2, 16>, scalar_prefetch = 0 : i64, scratch_operands = 26 : i64, tpu.core_type = #tpu.core_type<sc_vector_subcore>, window_params = [{transform_indices = #map}, {transform_indices = #map1}, {transform_indices = #map1}, {transform_indices = #map}, {transform_indices = #map2}]} {
    %mul3A = arith.constant 16 : i32
    %mul3A_0 = arith.muli %arg0, %mul3A : i32
    %add3A = arith.addi %mul3A_0, %arg1 : i32
    %run_scoped3A = arith.constant 0 : i32
    "tpu.region"() ({
      %run_scoped3A_28 = tpu.sem_alloc : memref<!tpu.dma_semaphore, #tpu.memory_space<semaphore_mem>>
      %dma_start3A = arith.constant 0 : i32
      %dma_start3A_29 = arith.constant 0 : i32
      %dma_start3A_30 = tpu.memref_slice %arg3[%run_scoped3A, %add3A, %dma_start3A, %dma_start3A_29] : memref<8x32x10x128xi32, #tpu.memory_space<hbm>> -> memref<1x1x10x128xi32, #tpu.memory_space<hbm>>
      %dma_start3A_31 = tpu.memref_squeeze %dma_start3A_30 : memref<1x1x10x128xi32, #tpu.memory_space<hbm>> -> memref<10x128xi32, #tpu.memory_space<hbm>>
      %dma_start3A_32 = arith.constant 0 : i32
      %dma_start3A_33 = arith.constant 0 : i32
      %dma_start3A_34 = tpu.memref_slice %arg3[%run_scoped3A, %add3A, %dma_start3A_32, %dma_start3A_33] : memref<8x32x10x128xi32, #tpu.memory_space<hbm>> -> memref<1x1x10x128xi32, #tpu.memory_space<hbm>>
      %dma_start3A_35 = tpu.memref_squeeze %dma_start3A_34 : memref<1x1x10x128xi32, #tpu.memory_space<hbm>> -> memref<10x128xi32, #tpu.memory_space<hbm>>
      tpu.enqueue_dma source(%dma_start3A_35 : memref<10x128xi32, #tpu.memory_space<hbm>>) target(%arg7 : memref<10x128xi32, #tpu.memory_space<vmem>>) target_semaphore(%run_scoped3A_28 : memref<!tpu.dma_semaphore, #tpu.memory_space<semaphore_mem>>)
      %dma_wait3A = arith.constant 0 : i32
      %dma_wait3A_36 = arith.constant 0 : i32
      %dma_wait3A_37 = tpu.memref_slice %arg3[%run_scoped3A, %add3A, %dma_wait3A, %dma_wait3A_36] : memref<8x32x10x128xi32, #tpu.memory_space<hbm>> -> memref<1x1x10x128xi32, #tpu.memory_space<hbm>>
      %dma_wait3A_38 = tpu.memref_squeeze %dma_wait3A_37 : memref<1x1x10x128xi32, #tpu.memory_space<hbm>> -> memref<10x128xi32, #tpu.memory_space<hbm>>
      %dma_wait3A_39 = arith.constant 0 : i32
      %dma_wait3A_40 = arith.constant 0 : i32
      %dma_wait3A_41 = tpu.memref_slice %arg3[%run_scoped3A, %add3A, %dma_wait3A_39, %dma_wait3A_40] : memref<8x32x10x128xi32, #tpu.memory_space<hbm>> -> memref<1x1x10x128xi32, #tpu.memory_space<hbm>>
      %dma_wait3A_42 = tpu.memref_squeeze %dma_wait3A_41 : memref<1x1x10x128xi32, #tpu.memory_space<hbm>> -> memref<10x128xi32, #tpu.memory_space<hbm>>
      tpu.wait_dma2 semaphore(%run_scoped3A_28 : memref<!tpu.dma_semaphore, #tpu.memory_space<semaphore_mem>>) src(%dma_wait3A_42 : memref<10x128xi32, #tpu.memory_space<hbm>>) dst(%arg7 : memref<10x128xi32, #tpu.memory_space<vmem>>)
      tpu.yield
    }) : () -> ()
    %run_scoped3A_1 = arith.constant 0 : i32
    "tpu.region"() ({
      %run_scoped3A_28 = tpu.sem_alloc : memref<!tpu.dma_semaphore, #tpu.memory_space<semaphore_mem>>
      %dma_start3A = arith.constant 0 : i32
      %dma_start3A_29 = arith.constant 0 : i32
      %dma_start3A_30 = tpu.memref_slice %arg4[%run_scoped3A_1, %add3A, %dma_start3A, %dma_start3A_29] : memref<8x32x10x128xi32, #tpu.memory_space<hbm>> -> memref<1x1x10x128xi32, #tpu.memory_space<hbm>>
      %dma_start3A_31 = tpu.memref_squeeze %dma_start3A_30 : memref<1x1x10x128xi32, #tpu.memory_space<hbm>> -> memref<10x128xi32, #tpu.memory_space<hbm>>
      %dma_start3A_32 = arith.constant 0 : i32
      %dma_start3A_33 = arith.constant 0 : i32
      %dma_start3A_34 = tpu.memref_slice %arg4[%run_scoped3A_1, %add3A, %dma_start3A_32, %dma_start3A_33] : memref<8x32x10x128xi32, #tpu.memory_space<hbm>> -> memref<1x1x10x128xi32, #tpu.memory_space<hbm>>
      %dma_start3A_35 = tpu.memref_squeeze %dma_start3A_34 : memref<1x1x10x128xi32, #tpu.memory_space<hbm>> -> memref<10x128xi32, #tpu.memory_space<hbm>>
      tpu.enqueue_dma source(%dma_start3A_35 : memref<10x128xi32, #tpu.memory_space<hbm>>) target(%arg15 : memref<10x128xi32, #tpu.memory_space<vmem>>) target_semaphore(%run_scoped3A_28 : memref<!tpu.dma_semaphore, #tpu.memory_space<semaphore_mem>>)
      %dma_wait3A = arith.constant 0 : i32
      %dma_wait3A_36 = arith.constant 0 : i32
      %dma_wait3A_37 = tpu.memref_slice %arg4[%run_scoped3A_1, %add3A, %dma_wait3A, %dma_wait3A_36] : memref<8x32x10x128xi32, #tpu.memory_space<hbm>> -> memref<1x1x10x128xi32, #tpu.memory_space<hbm>>
      %dma_wait3A_38 = tpu.memref_squeeze %dma_wait3A_37 : memref<1x1x10x128xi32, #tpu.memory_space<hbm>> -> memref<10x128xi32, #tpu.memory_space<hbm>>
      %dma_wait3A_39 = arith.constant 0 : i32
      %dma_wait3A_40 = arith.constant 0 : i32
      %dma_wait3A_41 = tpu.memref_slice %arg4[%run_scoped3A_1, %add3A, %dma_wait3A_39, %dma_wait3A_40] : memref<8x32x10x128xi32, #tpu.memory_space<hbm>> -> memref<1x1x10x128xi32, #tpu.memory_space<hbm>>
      %dma_wait3A_42 = tpu.memref_squeeze %dma_wait3A_41 : memref<1x1x10x128xi32, #tpu.memory_space<hbm>> -> memref<10x128xi32, #tpu.memory_space<hbm>>
      tpu.wait_dma2 semaphore(%run_scoped3A_28 : memref<!tpu.dma_semaphore, #tpu.memory_space<semaphore_mem>>) src(%dma_wait3A_42 : memref<10x128xi32, #tpu.memory_space<hbm>>) dst(%arg15 : memref<10x128xi32, #tpu.memory_space<vmem>>)
      tpu.yield
    }) : () -> ()
    %run_scoped3A_2 = arith.constant 1 : i32
    "tpu.region"() ({
      %run_scoped3A_28 = tpu.sem_alloc : memref<!tpu.dma_semaphore, #tpu.memory_space<semaphore_mem>>
      %dma_start3A = arith.constant 0 : i32
      %dma_start3A_29 = arith.constant 0 : i32
      %dma_start3A_30 = tpu.memref_slice %arg3[%run_scoped3A_2, %add3A, %dma_start3A, %dma_start3A_29] : memref<8x32x10x128xi32, #tpu.memory_space<hbm>> -> memref<1x1x10x128xi32, #tpu.memory_space<hbm>>
      %dma_start3A_31 = tpu.memref_squeeze %dma_start3A_30 : memref<1x1x10x128xi32, #tpu.memory_space<hbm>> -> memref<10x128xi32, #tpu.memory_space<hbm>>
      %dma_start3A_32 = arith.constant 0 : i32
      %dma_start3A_33 = arith.constant 0 : i32
      %dma_start3A_34 = tpu.memref_slice %arg3[%run_scoped3A_2, %add3A, %dma_start3A_32, %dma_start3A_33] : memref<8x32x10x128xi32, #tpu.memory_space<hbm>> -> memref<1x1x10x128xi32, #tpu.memory_space<hbm>>
      %dma_start3A_35 = tpu.memref_squeeze %dma_start3A_34 : memref<1x1x10x128xi32, #tpu.memory_space<hbm>> -> memref<10x128xi32, #tpu.memory_space<hbm>>
      tpu.enqueue_dma source(%dma_start3A_35 : memref<10x128xi32, #tpu.memory_space<hbm>>) target(%arg8 : memref<10x128xi32, #tpu.memory_space<vmem>>) target_semaphore(%run_scoped3A_28 : memref<!tpu.dma_semaphore, #tpu.memory_space<semaphore_mem>>)
      %dma_wait3A = arith.constant 0 : i32
      %dma_wait3A_36 = arith.constant 0 : i32
      %dma_wait3A_37 = tpu.memref_slice %arg3[%run_scoped3A_2, %add3A, %dma_wait3A, %dma_wait3A_36] : memref<8x32x10x128xi32, #tpu.memory_space<hbm>> -> memref<1x1x10x128xi32, #tpu.memory_space<hbm>>
      %dma_wait3A_38 = tpu.memref_squeeze %dma_wait3A_37 : memref<1x1x10x128xi32, #tpu.memory_space<hbm>> -> memref<10x128xi32, #tpu.memory_space<hbm>>
      %dma_wait3A_39 = arith.constant 0 : i32
      %dma_wait3A_40 = arith.constant 0 : i32
      %dma_wait3A_41 = tpu.memref_slice %arg3[%run_scoped3A_2, %add3A, %dma_wait3A_39, %dma_wait3A_40] : memref<8x32x10x128xi32, #tpu.memory_space<hbm>> -> memref<1x1x10x128xi32, #tpu.memory_space<hbm>>
      %dma_wait3A_42 = tpu.memref_squeeze %dma_wait3A_41 : memref<1x1x10x128xi32, #tpu.memory_space<hbm>> -> memref<10x128xi32, #tpu.memory_space<hbm>>
      tpu.wait_dma2 semaphore(%run_scoped3A_28 : memref<!tpu.dma_semaphore, #tpu.memory_space<semaphore_mem>>) src(%dma_wait3A_42 : memref<10x128xi32, #tpu.memory_space<hbm>>) dst(%arg8 : memref<10x128xi32, #tpu.memory_space<vmem>>)
      tpu.yield
    }) : () -> ()
    %run_scoped3A_3 = arith.constant 1 : i32
    "tpu.region"() ({
      %run_scoped3A_28 = tpu.sem_alloc : memref<!tpu.dma_semaphore, #tpu.memory_space<semaphore_mem>>
      %dma_start3A = arith.constant 0 : i32
      %dma_start3A_29 = arith.constant 0 : i32
      %dma_start3A_30 = tpu.memref_slice %arg4[%run_scoped3A_3, %add3A, %dma_start3A, %dma_start3A_29] : memref<8x32x10x128xi32, #tpu.memory_space<hbm>> -> memref<1x1x10x128xi32, #tpu.memory_space<hbm>>
      %dma_start3A_31 = tpu.memref_squeeze %dma_start3A_30 : memref<1x1x10x128xi32, #tpu.memory_space<hbm>> -> memref<10x128xi32, #tpu.memory_space<hbm>>
      %dma_start3A_32 = arith.constant 0 : i32
      %dma_start3A_33 = arith.constant 0 : i32
      %dma_start3A_34 = tpu.memref_slice %arg4[%run_scoped3A_3, %add3A, %dma_start3A_32, %dma_start3A_33] : memref<8x32x10x128xi32, #tpu.memory_space<hbm>> -> memref<1x1x10x128xi32, #tpu.memory_space<hbm>>
      %dma_start3A_35 = tpu.memref_squeeze %dma_start3A_34 : memref<1x1x10x128xi32, #tpu.memory_space<hbm>> -> memref<10x128xi32, #tpu.memory_space<hbm>>
      tpu.enqueue_dma source(%dma_start3A_35 : memref<10x128xi32, #tpu.memory_space<hbm>>) target(%arg16 : memref<10x128xi32, #tpu.memory_space<vmem>>) target_semaphore(%run_scoped3A_28 : memref<!tpu.dma_semaphore, #tpu.memory_space<semaphore_mem>>)
      %dma_wait3A = arith.constant 0 : i32
      %dma_wait3A_36 = arith.constant 0 : i32
      %dma_wait3A_37 = tpu.memref_slice %arg4[%run_scoped3A_3, %add3A, %dma_wait3A, %dma_wait3A_36] : memref<8x32x10x128xi32, #tpu.memory_space<hbm>> -> memref<1x1x10x128xi32, #tpu.memory_space<hbm>>
      %dma_wait3A_38 = tpu.memref_squeeze %dma_wait3A_37 : memref<1x1x10x128xi32, #tpu.memory_space<hbm>> -> memref<10x128xi32, #tpu.memory_space<hbm>>
      %dma_wait3A_39 = arith.constant 0 : i32
      %dma_wait3A_40 = arith.constant 0 : i32
      %dma_wait3A_41 = tpu.memref_slice %arg4[%run_scoped3A_3, %add3A, %dma_wait3A_39, %dma_wait3A_40] : memref<8x32x10x128xi32, #tpu.memory_space<hbm>> -> memref<1x1x10x128xi32, #tpu.memory_space<hbm>>
      %dma_wait3A_42 = tpu.memref_squeeze %dma_wait3A_41 : memref<1x1x10x128xi32, #tpu.memory_space<hbm>> -> memref<10x128xi32, #tpu.memory_space<hbm>>
      tpu.wait_dma2 semaphore(%run_scoped3A_28 : memref<!tpu.dma_semaphore, #tpu.memory_space<semaphore_mem>>) src(%dma_wait3A_42 : memref<10x128xi32, #tpu.memory_space<hbm>>) dst(%arg16 : memref<10x128xi32, #tpu.memory_space<vmem>>)
      tpu.yield
    }) : () -> ()
    %run_scoped3A_4 = arith.constant 2 : i32
    "tpu.region"() ({
      %run_scoped3A_28 = tpu.sem_alloc : memref<!tpu.dma_semaphore, #tpu.memory_space<semaphore_mem>>
      %dma_start3A = arith.constant 0 : i32
      %dma_start3A_29 = arith.constant 0 : i32
      %dma_start3A_30 = tpu.memref_slice %arg3[%run_scoped3A_4, %add3A, %dma_start3A, %dma_start3A_29] : memref<8x32x10x128xi32, #tpu.memory_space<hbm>> -> memref<1x1x10x128xi32, #tpu.memory_space<hbm>>
      %dma_start3A_31 = tpu.memref_squeeze %dma_start3A_30 : memref<1x1x10x128xi32, #tpu.memory_space<hbm>> -> memref<10x128xi32, #tpu.memory_space<hbm>>
      %dma_start3A_32 = arith.constant 0 : i32
      %dma_start3A_33 = arith.constant 0 : i32
      %dma_start3A_34 = tpu.memref_slice %arg3[%run_scoped3A_4, %add3A, %dma_start3A_32, %dma_start3A_33] : memref<8x32x10x128xi32, #tpu.memory_space<hbm>> -> memref<1x1x10x128xi32, #tpu.memory_space<hbm>>
      %dma_start3A_35 = tpu.memref_squeeze %dma_start3A_34 : memref<1x1x10x128xi32, #tpu.memory_space<hbm>> -> memref<10x128xi32, #tpu.memory_space<hbm>>
      tpu.enqueue_dma source(%dma_start3A_35 : memref<10x128xi32, #tpu.memory_space<hbm>>) target(%arg9 : memref<10x128xi32, #tpu.memory_space<vmem>>) target_semaphore(%run_scoped3A_28 : memref<!tpu.dma_semaphore, #tpu.memory_space<semaphore_mem>>)
      %dma_wait3A = arith.constant 0 : i32
      %dma_wait3A_36 = arith.constant 0 : i32
      %dma_wait3A_37 = tpu.memref_slice %arg3[%run_scoped3A_4, %add3A, %dma_wait3A, %dma_wait3A_36] : memref<8x32x10x128xi32, #tpu.memory_space<hbm>> -> memref<1x1x10x128xi32, #tpu.memory_space<hbm>>
      %dma_wait3A_38 = tpu.memref_squeeze %dma_wait3A_37 : memref<1x1x10x128xi32, #tpu.memory_space<hbm>> -> memref<10x128xi32, #tpu.memory_space<hbm>>
      %dma_wait3A_39 = arith.constant 0 : i32
      %dma_wait3A_40 = arith.constant 0 : i32
      %dma_wait3A_41 = tpu.memref_slice %arg3[%run_scoped3A_4, %add3A, %dma_wait3A_39, %dma_wait3A_40] : memref<8x32x10x128xi32, #tpu.memory_space<hbm>> -> memref<1x1x10x128xi32, #tpu.memory_space<hbm>>
      %dma_wait3A_42 = tpu.memref_squeeze %dma_wait3A_41 : memref<1x1x10x128xi32, #tpu.memory_space<hbm>> -> memref<10x128xi32, #tpu.memory_space<hbm>>
      tpu.wait_dma2 semaphore(%run_scoped3A_28 : memref<!tpu.dma_semaphore, #tpu.memory_space<semaphore_mem>>) src(%dma_wait3A_42 : memref<10x128xi32, #tpu.memory_space<hbm>>) dst(%arg9 : memref<10x128xi32, #tpu.memory_space<vmem>>)
      tpu.yield
    }) : () -> ()
    %run_scoped3A_5 = arith.constant 2 : i32
    "tpu.region"() ({
      %run_scoped3A_28 = tpu.sem_alloc : memref<!tpu.dma_semaphore, #tpu.memory_space<semaphore_mem>>
      %dma_start3A = arith.constant 0 : i32
      %dma_start3A_29 = arith.constant 0 : i32
      %dma_start3A_30 = tpu.memref_slice %arg4[%run_scoped3A_5, %add3A, %dma_start3A, %dma_start3A_29] : memref<8x32x10x128xi32, #tpu.memory_space<hbm>> -> memref<1x1x10x128xi32, #tpu.memory_space<hbm>>
      %dma_start3A_31 = tpu.memref_squeeze %dma_start3A_30 : memref<1x1x10x128xi32, #tpu.memory_space<hbm>> -> memref<10x128xi32, #tpu.memory_space<hbm>>
      %dma_start3A_32 = arith.constant 0 : i32
      %dma_start3A_33 = arith.constant 0 : i32
      %dma_start3A_34 = tpu.memref_slice %arg4[%run_scoped3A_5, %add3A, %dma_start3A_32, %dma_start3A_33] : memref<8x32x10x128xi32, #tpu.memory_space<hbm>> -> memref<1x1x10x128xi32, #tpu.memory_space<hbm>>
      %dma_start3A_35 = tpu.memref_squeeze %dma_start3A_34 : memref<1x1x10x128xi32, #tpu.memory_space<hbm>> -> memref<10x128xi32, #tpu.memory_space<hbm>>
      tpu.enqueue_dma source(%dma_start3A_35 : memref<10x128xi32, #tpu.memory_space<hbm>>) target(%arg17 : memref<10x128xi32, #tpu.memory_space<vmem>>) target_semaphore(%run_scoped3A_28 : memref<!tpu.dma_semaphore, #tpu.memory_space<semaphore_mem>>)
      %dma_wait3A = arith.constant 0 : i32
      %dma_wait3A_36 = arith.constant 0 : i32
      %dma_wait3A_37 = tpu.memref_slice %arg4[%run_scoped3A_5, %add3A, %dma_wait3A, %dma_wait3A_36] : memref<8x32x10x128xi32, #tpu.memory_space<hbm>> -> memref<1x1x10x128xi32, #tpu.memory_space<hbm>>
      %dma_wait3A_38 = tpu.memref_squeeze %dma_wait3A_37 : memref<1x1x10x128xi32, #tpu.memory_space<hbm>> -> memref<10x128xi32, #tpu.memory_space<hbm>>
      %dma_wait3A_39 = arith.constant 0 : i32
      %dma_wait3A_40 = arith.constant 0 : i32
      %dma_wait3A_41 = tpu.memref_slice %arg4[%run_scoped3A_5, %add3A, %dma_wait3A_39, %dma_wait3A_40] : memref<8x32x10x128xi32, #tpu.memory_space<hbm>> -> memref<1x1x10x128xi32, #tpu.memory_space<hbm>>
      %dma_wait3A_42 = tpu.memref_squeeze %dma_wait3A_41 : memref<1x1x10x128xi32, #tpu.memory_space<hbm>> -> memref<10x128xi32, #tpu.memory_space<hbm>>
      tpu.wait_dma2 semaphore(%run_scoped3A_28 : memref<!tpu.dma_semaphore, #tpu.memory_space<semaphore_mem>>) src(%dma_wait3A_42 : memref<10x128xi32, #tpu.memory_space<hbm>>) dst(%arg17 : memref<10x128xi32, #tpu.memory_space<vmem>>)
      tpu.yield
    }) : () -> ()
    %run_scoped3A_6 = arith.constant 3 : i32
    "tpu.region"() ({
      %run_scoped3A_28 = tpu.sem_alloc : memref<!tpu.dma_semaphore, #tpu.memory_space<semaphore_mem>>
      %dma_start3A = arith.constant 0 : i32
      %dma_start3A_29 = arith.constant 0 : i32
      %dma_start3A_30 = tpu.memref_slice %arg3[%run_scoped3A_6, %add3A, %dma_start3A, %dma_start3A_29] : memref<8x32x10x128xi32, #tpu.memory_space<hbm>> -> memref<1x1x10x128xi32, #tpu.memory_space<hbm>>
      %dma_start3A_31 = tpu.memref_squeeze %dma_start3A_30 : memref<1x1x10x128xi32, #tpu.memory_space<hbm>> -> memref<10x128xi32, #tpu.memory_space<hbm>>
      %dma_start3A_32 = arith.constant 0 : i32
      %dma_start3A_33 = arith.constant 0 : i32
      %dma_start3A_34 = tpu.memref_slice %arg3[%run_scoped3A_6, %add3A, %dma_start3A_32, %dma_start3A_33] : memref<8x32x10x128xi32, #tpu.memory_space<hbm>> -> memref<1x1x10x128xi32, #tpu.memory_space<hbm>>
      %dma_start3A_35 = tpu.memref_squeeze %dma_start3A_34 : memref<1x1x10x128xi32, #tpu.memory_space<hbm>> -> memref<10x128xi32, #tpu.memory_space<hbm>>
      tpu.enqueue_dma source(%dma_start3A_35 : memref<10x128xi32, #tpu.memory_space<hbm>>) target(%arg10 : memref<10x128xi32, #tpu.memory_space<vmem>>) target_semaphore(%run_scoped3A_28 : memref<!tpu.dma_semaphore, #tpu.memory_space<semaphore_mem>>)
      %dma_wait3A = arith.constant 0 : i32
      %dma_wait3A_36 = arith.constant 0 : i32
      %dma_wait3A_37 = tpu.memref_slice %arg3[%run_scoped3A_6, %add3A, %dma_wait3A, %dma_wait3A_36] : memref<8x32x10x128xi32, #tpu.memory_space<hbm>> -> memref<1x1x10x128xi32, #tpu.memory_space<hbm>>
      %dma_wait3A_38 = tpu.memref_squeeze %dma_wait3A_37 : memref<1x1x10x128xi32, #tpu.memory_space<hbm>> -> memref<10x128xi32, #tpu.memory_space<hbm>>
      %dma_wait3A_39 = arith.constant 0 : i32
      %dma_wait3A_40 = arith.constant 0 : i32
      %dma_wait3A_41 = tpu.memref_slice %arg3[%run_scoped3A_6, %add3A, %dma_wait3A_39, %dma_wait3A_40] : memref<8x32x10x128xi32, #tpu.memory_space<hbm>> -> memref<1x1x10x128xi32, #tpu.memory_space<hbm>>
      %dma_wait3A_42 = tpu.memref_squeeze %dma_wait3A_41 : memref<1x1x10x128xi32, #tpu.memory_space<hbm>> -> memref<10x128xi32, #tpu.memory_space<hbm>>
      tpu.wait_dma2 semaphore(%run_scoped3A_28 : memref<!tpu.dma_semaphore, #tpu.memory_space<semaphore_mem>>) src(%dma_wait3A_42 : memref<10x128xi32, #tpu.memory_space<hbm>>) dst(%arg10 : memref<10x128xi32, #tpu.memory_space<vmem>>)
      tpu.yield
    }) : () -> ()
    %run_scoped3A_7 = arith.constant 3 : i32
    "tpu.region"() ({
      %run_scoped3A_28 = tpu.sem_alloc : memref<!tpu.dma_semaphore, #tpu.memory_space<semaphore_mem>>
      %dma_start3A = arith.constant 0 : i32
      %dma_start3A_29 = arith.constant 0 : i32
      %dma_start3A_30 = tpu.memref_slice %arg4[%run_scoped3A_7, %add3A, %dma_start3A, %dma_start3A_29] : memref<8x32x10x128xi32, #tpu.memory_space<hbm>> -> memref<1x1x10x128xi32, #tpu.memory_space<hbm>>
      %dma_start3A_31 = tpu.memref_squeeze %dma_start3A_30 : memref<1x1x10x128xi32, #tpu.memory_space<hbm>> -> memref<10x128xi32, #tpu.memory_space<hbm>>
      %dma_start3A_32 = arith.constant 0 : i32
      %dma_start3A_33 = arith.constant 0 : i32
      %dma_start3A_34 = tpu.memref_slice %arg4[%run_scoped3A_7, %add3A, %dma_start3A_32, %dma_start3A_33] : memref<8x32x10x128xi32, #tpu.memory_space<hbm>> -> memref<1x1x10x128xi32, #tpu.memory_space<hbm>>
      %dma_start3A_35 = tpu.memref_squeeze %dma_start3A_34 : memref<1x1x10x128xi32, #tpu.memory_space<hbm>> -> memref<10x128xi32, #tpu.memory_space<hbm>>
      tpu.enqueue_dma source(%dma_start3A_35 : memref<10x128xi32, #tpu.memory_space<hbm>>) target(%arg18 : memref<10x128xi32, #tpu.memory_space<vmem>>) target_semaphore(%run_scoped3A_28 : memref<!tpu.dma_semaphore, #tpu.memory_space<semaphore_mem>>)
      %dma_wait3A = arith.constant 0 : i32
      %dma_wait3A_36 = arith.constant 0 : i32
      %dma_wait3A_37 = tpu.memref_slice %arg4[%run_scoped3A_7, %add3A, %dma_wait3A, %dma_wait3A_36] : memref<8x32x10x128xi32, #tpu.memory_space<hbm>> -> memref<1x1x10x128xi32, #tpu.memory_space<hbm>>
      %dma_wait3A_38 = tpu.memref_squeeze %dma_wait3A_37 : memref<1x1x10x128xi32, #tpu.memory_space<hbm>> -> memref<10x128xi32, #tpu.memory_space<hbm>>
      %dma_wait3A_39 = arith.constant 0 : i32
      %dma_wait3A_40 = arith.constant 0 : i32
      %dma_wait3A_41 = tpu.memref_slice %arg4[%run_scoped3A_7, %add3A, %dma_wait3A_39, %dma_wait3A_40] : memref<8x32x10x128xi32, #tpu.memory_space<hbm>> -> memref<1x1x10x128xi32, #tpu.memory_space<hbm>>
      %dma_wait3A_42 = tpu.memref_squeeze %dma_wait3A_41 : memref<1x1x10x128xi32, #tpu.memory_space<hbm>> -> memref<10x128xi32, #tpu.memory_space<hbm>>
      tpu.wait_dma2 semaphore(%run_scoped3A_28 : memref<!tpu.dma_semaphore, #tpu.memory_space<semaphore_mem>>) src(%dma_wait3A_42 : memref<10x128xi32, #tpu.memory_space<hbm>>) dst(%arg18 : memref<10x128xi32, #tpu.memory_space<vmem>>)
      tpu.yield
    }) : () -> ()
    %run_scoped3A_8 = arith.constant 4 : i32
    "tpu.region"() ({
      %run_scoped3A_28 = tpu.sem_alloc : memref<!tpu.dma_semaphore, #tpu.memory_space<semaphore_mem>>
      %dma_start3A = arith.constant 0 : i32
      %dma_start3A_29 = arith.constant 0 : i32
      %dma_start3A_30 = tpu.memref_slice %arg3[%run_scoped3A_8, %add3A, %dma_start3A, %dma_start3A_29] : memref<8x32x10x128xi32, #tpu.memory_space<hbm>> -> memref<1x1x10x128xi32, #tpu.memory_space<hbm>>
      %dma_start3A_31 = tpu.memref_squeeze %dma_start3A_30 : memref<1x1x10x128xi32, #tpu.memory_space<hbm>> -> memref<10x128xi32, #tpu.memory_space<hbm>>
      %dma_start3A_32 = arith.constant 0 : i32
      %dma_start3A_33 = arith.constant 0 : i32
      %dma_start3A_34 = tpu.memref_slice %arg3[%run_scoped3A_8, %add3A, %dma_start3A_32, %dma_start3A_33] : memref<8x32x10x128xi32, #tpu.memory_space<hbm>> -> memref<1x1x10x128xi32, #tpu.memory_space<hbm>>
      %dma_start3A_35 = tpu.memref_squeeze %dma_start3A_34 : memref<1x1x10x128xi32, #tpu.memory_space<hbm>> -> memref<10x128xi32, #tpu.memory_space<hbm>>
      tpu.enqueue_dma source(%dma_start3A_35 : memref<10x128xi32, #tpu.memory_space<hbm>>) target(%arg11 : memref<10x128xi32, #tpu.memory_space<vmem>>) target_semaphore(%run_scoped3A_28 : memref<!tpu.dma_semaphore, #tpu.memory_space<semaphore_mem>>)
      %dma_wait3A = arith.constant 0 : i32
      %dma_wait3A_36 = arith.constant 0 : i32
      %dma_wait3A_37 = tpu.memref_slice %arg3[%run_scoped3A_8, %add3A, %dma_wait3A, %dma_wait3A_36] : memref<8x32x10x128xi32, #tpu.memory_space<hbm>> -> memref<1x1x10x128xi32, #tpu.memory_space<hbm>>
      %dma_wait3A_38 = tpu.memref_squeeze %dma_wait3A_37 : memref<1x1x10x128xi32, #tpu.memory_space<hbm>> -> memref<10x128xi32, #tpu.memory_space<hbm>>
      %dma_wait3A_39 = arith.constant 0 : i32
      %dma_wait3A_40 = arith.constant 0 : i32
      %dma_wait3A_41 = tpu.memref_slice %arg3[%run_scoped3A_8, %add3A, %dma_wait3A_39, %dma_wait3A_40] : memref<8x32x10x128xi32, #tpu.memory_space<hbm>> -> memref<1x1x10x128xi32, #tpu.memory_space<hbm>>
      %dma_wait3A_42 = tpu.memref_squeeze %dma_wait3A_41 : memref<1x1x10x128xi32, #tpu.memory_space<hbm>> -> memref<10x128xi32, #tpu.memory_space<hbm>>
      tpu.wait_dma2 semaphore(%run_scoped3A_28 : memref<!tpu.dma_semaphore, #tpu.memory_space<semaphore_mem>>) src(%dma_wait3A_42 : memref<10x128xi32, #tpu.memory_space<hbm>>) dst(%arg11 : memref<10x128xi32, #tpu.memory_space<vmem>>)
      tpu.yield
    }) : () -> ()
    %run_scoped3A_9 = arith.constant 4 : i32
    "tpu.region"() ({
      %run_scoped3A_28 = tpu.sem_alloc : memref<!tpu.dma_semaphore, #tpu.memory_space<semaphore_mem>>
      %dma_start3A = arith.constant 0 : i32
      %dma_start3A_29 = arith.constant 0 : i32
      %dma_start3A_30 = tpu.memref_slice %arg4[%run_scoped3A_9, %add3A, %dma_start3A, %dma_start3A_29] : memref<8x32x10x128xi32, #tpu.memory_space<hbm>> -> memref<1x1x10x128xi32, #tpu.memory_space<hbm>>
      %dma_start3A_31 = tpu.memref_squeeze %dma_start3A_30 : memref<1x1x10x128xi32, #tpu.memory_space<hbm>> -> memref<10x128xi32, #tpu.memory_space<hbm>>
      %dma_start3A_32 = arith.constant 0 : i32
      %dma_start3A_33 = arith.constant 0 : i32
      %dma_start3A_34 = tpu.memref_slice %arg4[%run_scoped3A_9, %add3A, %dma_start3A_32, %dma_start3A_33] : memref<8x32x10x128xi32, #tpu.memory_space<hbm>> -> memref<1x1x10x128xi32, #tpu.memory_space<hbm>>
      %dma_start3A_35 = tpu.memref_squeeze %dma_start3A_34 : memref<1x1x10x128xi32, #tpu.memory_space<hbm>> -> memref<10x128xi32, #tpu.memory_space<hbm>>
      tpu.enqueue_dma source(%dma_start3A_35 : memref<10x128xi32, #tpu.memory_space<hbm>>) target(%arg19 : memref<10x128xi32, #tpu.memory_space<vmem>>) target_semaphore(%run_scoped3A_28 : memref<!tpu.dma_semaphore, #tpu.memory_space<semaphore_mem>>)
      %dma_wait3A = arith.constant 0 : i32
      %dma_wait3A_36 = arith.constant 0 : i32
      %dma_wait3A_37 = tpu.memref_slice %arg4[%run_scoped3A_9, %add3A, %dma_wait3A, %dma_wait3A_36] : memref<8x32x10x128xi32, #tpu.memory_space<hbm>> -> memref<1x1x10x128xi32, #tpu.memory_space<hbm>>
      %dma_wait3A_38 = tpu.memref_squeeze %dma_wait3A_37 : memref<1x1x10x128xi32, #tpu.memory_space<hbm>> -> memref<10x128xi32, #tpu.memory_space<hbm>>
      %dma_wait3A_39 = arith.constant 0 : i32
      %dma_wait3A_40 = arith.constant 0 : i32
      %dma_wait3A_41 = tpu.memref_slice %arg4[%run_scoped3A_9, %add3A, %dma_wait3A_39, %dma_wait3A_40] : memref<8x32x10x128xi32, #tpu.memory_space<hbm>> -> memref<1x1x10x128xi32, #tpu.memory_space<hbm>>
      %dma_wait3A_42 = tpu.memref_squeeze %dma_wait3A_41 : memref<1x1x10x128xi32, #tpu.memory_space<hbm>> -> memref<10x128xi32, #tpu.memory_space<hbm>>
      tpu.wait_dma2 semaphore(%run_scoped3A_28 : memref<!tpu.dma_semaphore, #tpu.memory_space<semaphore_mem>>) src(%dma_wait3A_42 : memref<10x128xi32, #tpu.memory_space<hbm>>) dst(%arg19 : memref<10x128xi32, #tpu.memory_space<vmem>>)
      tpu.yield
    }) : () -> ()
    %run_scoped3A_10 = arith.constant 5 : i32
    "tpu.region"() ({
      %run_scoped3A_28 = tpu.sem_alloc : memref<!tpu.dma_semaphore, #tpu.memory_space<semaphore_mem>>
      %dma_start3A = arith.constant 0 : i32
      %dma_start3A_29 = arith.constant 0 : i32
      %dma_start3A_30 = tpu.memref_slice %arg3[%run_scoped3A_10, %add3A, %dma_start3A, %dma_start3A_29] : memref<8x32x10x128xi32, #tpu.memory_space<hbm>> -> memref<1x1x10x128xi32, #tpu.memory_space<hbm>>
      %dma_start3A_31 = tpu.memref_squeeze %dma_start3A_30 : memref<1x1x10x128xi32, #tpu.memory_space<hbm>> -> memref<10x128xi32, #tpu.memory_space<hbm>>
      %dma_start3A_32 = arith.constant 0 : i32
      %dma_start3A_33 = arith.constant 0 : i32
      %dma_start3A_34 = tpu.memref_slice %arg3[%run_scoped3A_10, %add3A, %dma_start3A_32, %dma_start3A_33] : memref<8x32x10x128xi32, #tpu.memory_space<hbm>> -> memref<1x1x10x128xi32, #tpu.memory_space<hbm>>
      %dma_start3A_35 = tpu.memref_squeeze %dma_start3A_34 : memref<1x1x10x128xi32, #tpu.memory_space<hbm>> -> memref<10x128xi32, #tpu.memory_space<hbm>>
      tpu.enqueue_dma source(%dma_start3A_35 : memref<10x128xi32, #tpu.memory_space<hbm>>) target(%arg12 : memref<10x128xi32, #tpu.memory_space<vmem>>) target_semaphore(%run_scoped3A_28 : memref<!tpu.dma_semaphore, #tpu.memory_space<semaphore_mem>>)
      %dma_wait3A = arith.constant 0 : i32
      %dma_wait3A_36 = arith.constant 0 : i32
      %dma_wait3A_37 = tpu.memref_slice %arg3[%run_scoped3A_10, %add3A, %dma_wait3A, %dma_wait3A_36] : memref<8x32x10x128xi32, #tpu.memory_space<hbm>> -> memref<1x1x10x128xi32, #tpu.memory_space<hbm>>
      %dma_wait3A_38 = tpu.memref_squeeze %dma_wait3A_37 : memref<1x1x10x128xi32, #tpu.memory_space<hbm>> -> memref<10x128xi32, #tpu.memory_space<hbm>>
      %dma_wait3A_39 = arith.constant 0 : i32
      %dma_wait3A_40 = arith.constant 0 : i32
      %dma_wait3A_41 = tpu.memref_slice %arg3[%run_scoped3A_10, %add3A, %dma_wait3A_39, %dma_wait3A_40] : memref<8x32x10x128xi32, #tpu.memory_space<hbm>> -> memref<1x1x10x128xi32, #tpu.memory_space<hbm>>
      %dma_wait3A_42 = tpu.memref_squeeze %dma_wait3A_41 : memref<1x1x10x128xi32, #tpu.memory_space<hbm>> -> memref<10x128xi32, #tpu.memory_space<hbm>>
      tpu.wait_dma2 semaphore(%run_scoped3A_28 : memref<!tpu.dma_semaphore, #tpu.memory_space<semaphore_mem>>) src(%dma_wait3A_42 : memref<10x128xi32, #tpu.memory_space<hbm>>) dst(%arg12 : memref<10x128xi32, #tpu.memory_space<vmem>>)
      tpu.yield
    }) : () -> ()
    %run_scoped3A_11 = arith.constant 5 : i32
    "tpu.region"() ({
      %run_scoped3A_28 = tpu.sem_alloc : memref<!tpu.dma_semaphore, #tpu.memory_space<semaphore_mem>>
      %dma_start3A = arith.constant 0 : i32
      %dma_start3A_29 = arith.constant 0 : i32
      %dma_start3A_30 = tpu.memref_slice %arg4[%run_scoped3A_11, %add3A, %dma_start3A, %dma_start3A_29] : memref<8x32x10x128xi32, #tpu.memory_space<hbm>> -> memref<1x1x10x128xi32, #tpu.memory_space<hbm>>
      %dma_start3A_31 = tpu.memref_squeeze %dma_start3A_30 : memref<1x1x10x128xi32, #tpu.memory_space<hbm>> -> memref<10x128xi32, #tpu.memory_space<hbm>>
      %dma_start3A_32 = arith.constant 0 : i32
      %dma_start3A_33 = arith.constant 0 : i32
      %dma_start3A_34 = tpu.memref_slice %arg4[%run_scoped3A_11, %add3A, %dma_start3A_32, %dma_start3A_33] : memref<8x32x10x128xi32, #tpu.memory_space<hbm>> -> memref<1x1x10x128xi32, #tpu.memory_space<hbm>>
      %dma_start3A_35 = tpu.memref_squeeze %dma_start3A_34 : memref<1x1x10x128xi32, #tpu.memory_space<hbm>> -> memref<10x128xi32, #tpu.memory_space<hbm>>
      tpu.enqueue_dma source(%dma_start3A_35 : memref<10x128xi32, #tpu.memory_space<hbm>>) target(%arg20 : memref<10x128xi32, #tpu.memory_space<vmem>>) target_semaphore(%run_scoped3A_28 : memref<!tpu.dma_semaphore, #tpu.memory_space<semaphore_mem>>)
      %dma_wait3A = arith.constant 0 : i32
      %dma_wait3A_36 = arith.constant 0 : i32
      %dma_wait3A_37 = tpu.memref_slice %arg4[%run_scoped3A_11, %add3A, %dma_wait3A, %dma_wait3A_36] : memref<8x32x10x128xi32, #tpu.memory_space<hbm>> -> memref<1x1x10x128xi32, #tpu.memory_space<hbm>>
      %dma_wait3A_38 = tpu.memref_squeeze %dma_wait3A_37 : memref<1x1x10x128xi32, #tpu.memory_space<hbm>> -> memref<10x128xi32, #tpu.memory_space<hbm>>
      %dma_wait3A_39 = arith.constant 0 : i32
      %dma_wait3A_40 = arith.constant 0 : i32
      %dma_wait3A_41 = tpu.memref_slice %arg4[%run_scoped3A_11, %add3A, %dma_wait3A_39, %dma_wait3A_40] : memref<8x32x10x128xi32, #tpu.memory_space<hbm>> -> memref<1x1x10x128xi32, #tpu.memory_space<hbm>>
      %dma_wait3A_42 = tpu.memref_squeeze %dma_wait3A_41 : memref<1x1x10x128xi32, #tpu.memory_space<hbm>> -> memref<10x128xi32, #tpu.memory_space<hbm>>
      tpu.wait_dma2 semaphore(%run_scoped3A_28 : memref<!tpu.dma_semaphore, #tpu.memory_space<semaphore_mem>>) src(%dma_wait3A_42 : memref<10x128xi32, #tpu.memory_space<hbm>>) dst(%arg20 : memref<10x128xi32, #tpu.memory_space<vmem>>)
      tpu.yield
    }) : () -> ()
    %run_scoped3A_12 = arith.constant 6 : i32
    "tpu.region"() ({
      %run_scoped3A_28 = tpu.sem_alloc : memref<!tpu.dma_semaphore, #tpu.memory_space<semaphore_mem>>
      %dma_start3A = arith.constant 0 : i32
      %dma_start3A_29 = arith.constant 0 : i32
      %dma_start3A_30 = tpu.memref_slice %arg3[%run_scoped3A_12, %add3A, %dma_start3A, %dma_start3A_29] : memref<8x32x10x128xi32, #tpu.memory_space<hbm>> -> memref<1x1x10x128xi32, #tpu.memory_space<hbm>>
      %dma_start3A_31 = tpu.memref_squeeze %dma_start3A_30 : memref<1x1x10x128xi32, #tpu.memory_space<hbm>> -> memref<10x128xi32, #tpu.memory_space<hbm>>
      %dma_start3A_32 = arith.constant 0 : i32
      %dma_start3A_33 = arith.constant 0 : i32
      %dma_start3A_34 = tpu.memref_slice %arg3[%run_scoped3A_12, %add3A, %dma_start3A_32, %dma_start3A_33] : memref<8x32x10x128xi32, #tpu.memory_space<hbm>> -> memref<1x1x10x128xi32, #tpu.memory_space<hbm>>
      %dma_start3A_35 = tpu.memref_squeeze %dma_start3A_34 : memref<1x1x10x128xi32, #tpu.memory_space<hbm>> -> memref<10x128xi32, #tpu.memory_space<hbm>>
      tpu.enqueue_dma source(%dma_start3A_35 : memref<10x128xi32, #tpu.memory_space<hbm>>) target(%arg13 : memref<10x128xi32, #tpu.memory_space<vmem>>) target_semaphore(%run_scoped3A_28 : memref<!tpu.dma_semaphore, #tpu.memory_space<semaphore_mem>>)
      %dma_wait3A = arith.constant 0 : i32
      %dma_wait3A_36 = arith.constant 0 : i32
      %dma_wait3A_37 = tpu.memref_slice %arg3[%run_scoped3A_12, %add3A, %dma_wait3A, %dma_wait3A_36] : memref<8x32x10x128xi32, #tpu.memory_space<hbm>> -> memref<1x1x10x128xi32, #tpu.memory_space<hbm>>
      %dma_wait3A_38 = tpu.memref_squeeze %dma_wait3A_37 : memref<1x1x10x128xi32, #tpu.memory_space<hbm>> -> memref<10x128xi32, #tpu.memory_space<hbm>>
      %dma_wait3A_39 = arith.constant 0 : i32
      %dma_wait3A_40 = arith.constant 0 : i32
      %dma_wait3A_41 = tpu.memref_slice %arg3[%run_scoped3A_12, %add3A, %dma_wait3A_39, %dma_wait3A_40] : memref<8x32x10x128xi32, #tpu.memory_space<hbm>> -> memref<1x1x10x128xi32, #tpu.memory_space<hbm>>
      %dma_wait3A_42 = tpu.memref_squeeze %dma_wait3A_41 : memref<1x1x10x128xi32, #tpu.memory_space<hbm>> -> memref<10x128xi32, #tpu.memory_space<hbm>>
      tpu.wait_dma2 semaphore(%run_scoped3A_28 : memref<!tpu.dma_semaphore, #tpu.memory_space<semaphore_mem>>) src(%dma_wait3A_42 : memref<10x128xi32, #tpu.memory_space<hbm>>) dst(%arg13 : memref<10x128xi32, #tpu.memory_space<vmem>>)
      tpu.yield
    }) : () -> ()
    %run_scoped3A_13 = arith.constant 6 : i32
    "tpu.region"() ({
      %run_scoped3A_28 = tpu.sem_alloc : memref<!tpu.dma_semaphore, #tpu.memory_space<semaphore_mem>>
      %dma_start3A = arith.constant 0 : i32
      %dma_start3A_29 = arith.constant 0 : i32
      %dma_start3A_30 = tpu.memref_slice %arg4[%run_scoped3A_13, %add3A, %dma_start3A, %dma_start3A_29] : memref<8x32x10x128xi32, #tpu.memory_space<hbm>> -> memref<1x1x10x128xi32, #tpu.memory_space<hbm>>
      %dma_start3A_31 = tpu.memref_squeeze %dma_start3A_30 : memref<1x1x10x128xi32, #tpu.memory_space<hbm>> -> memref<10x128xi32, #tpu.memory_space<hbm>>
      %dma_start3A_32 = arith.constant 0 : i32
      %dma_start3A_33 = arith.constant 0 : i32
      %dma_start3A_34 = tpu.memref_slice %arg4[%run_scoped3A_13, %add3A, %dma_start3A_32, %dma_start3A_33] : memref<8x32x10x128xi32, #tpu.memory_space<hbm>> -> memref<1x1x10x128xi32, #tpu.memory_space<hbm>>
      %dma_start3A_35 = tpu.memref_squeeze %dma_start3A_34 : memref<1x1x10x128xi32, #tpu.memory_space<hbm>> -> memref<10x128xi32, #tpu.memory_space<hbm>>
      tpu.enqueue_dma source(%dma_start3A_35 : memref<10x128xi32, #tpu.memory_space<hbm>>) target(%arg21 : memref<10x128xi32, #tpu.memory_space<vmem>>) target_semaphore(%run_scoped3A_28 : memref<!tpu.dma_semaphore, #tpu.memory_space<semaphore_mem>>)
      %dma_wait3A = arith.constant 0 : i32
      %dma_wait3A_36 = arith.constant 0 : i32
      %dma_wait3A_37 = tpu.memref_slice %arg4[%run_scoped3A_13, %add3A, %dma_wait3A, %dma_wait3A_36] : memref<8x32x10x128xi32, #tpu.memory_space<hbm>> -> memref<1x1x10x128xi32, #tpu.memory_space<hbm>>
      %dma_wait3A_38 = tpu.memref_squeeze %dma_wait3A_37 : memref<1x1x10x128xi32, #tpu.memory_space<hbm>> -> memref<10x128xi32, #tpu.memory_space<hbm>>
      %dma_wait3A_39 = arith.constant 0 : i32
      %dma_wait3A_40 = arith.constant 0 : i32
      %dma_wait3A_41 = tpu.memref_slice %arg4[%run_scoped3A_13, %add3A, %dma_wait3A_39, %dma_wait3A_40] : memref<8x32x10x128xi32, #tpu.memory_space<hbm>> -> memref<1x1x10x128xi32, #tpu.memory_space<hbm>>
      %dma_wait3A_42 = tpu.memref_squeeze %dma_wait3A_41 : memref<1x1x10x128xi32, #tpu.memory_space<hbm>> -> memref<10x128xi32, #tpu.memory_space<hbm>>
      tpu.wait_dma2 semaphore(%run_scoped3A_28 : memref<!tpu.dma_semaphore, #tpu.memory_space<semaphore_mem>>) src(%dma_wait3A_42 : memref<10x128xi32, #tpu.memory_space<hbm>>) dst(%arg21 : memref<10x128xi32, #tpu.memory_space<vmem>>)
      tpu.yield
    }) : () -> ()
    %run_scoped3A_14 = arith.constant 7 : i32
    "tpu.region"() ({
      %run_scoped3A_28 = tpu.sem_alloc : memref<!tpu.dma_semaphore, #tpu.memory_space<semaphore_mem>>
      %dma_start3A = arith.constant 0 : i32
      %dma_start3A_29 = arith.constant 0 : i32
      %dma_start3A_30 = tpu.memref_slice %arg3[%run_scoped3A_14, %add3A, %dma_start3A, %dma_start3A_29] : memref<8x32x10x128xi32, #tpu.memory_space<hbm>> -> memref<1x1x10x128xi32, #tpu.memory_space<hbm>>
      %dma_start3A_31 = tpu.memref_squeeze %dma_start3A_30 : memref<1x1x10x128xi32, #tpu.memory_space<hbm>> -> memref<10x128xi32, #tpu.memory_space<hbm>>
      %dma_start3A_32 = arith.constant 0 : i32
      %dma_start3A_33 = arith.constant 0 : i32
      %dma_start3A_34 = tpu.memref_slice %arg3[%run_scoped3A_14, %add3A, %dma_start3A_32, %dma_start3A_33] : memref<8x32x10x128xi32, #tpu.memory_space<hbm>> -> memref<1x1x10x128xi32, #tpu.memory_space<hbm>>
      %dma_start3A_35 = tpu.memref_squeeze %dma_start3A_34 : memref<1x1x10x128xi32, #tpu.memory_space<hbm>> -> memref<10x128xi32, #tpu.memory_space<hbm>>
      tpu.enqueue_dma source(%dma_start3A_35 : memref<10x128xi32, #tpu.memory_space<hbm>>) target(%arg14 : memref<10x128xi32, #tpu.memory_space<vmem>>) target_semaphore(%run_scoped3A_28 : memref<!tpu.dma_semaphore, #tpu.memory_space<semaphore_mem>>)
      %dma_wait3A = arith.constant 0 : i32
      %dma_wait3A_36 = arith.constant 0 : i32
      %dma_wait3A_37 = tpu.memref_slice %arg3[%run_scoped3A_14, %add3A, %dma_wait3A, %dma_wait3A_36] : memref<8x32x10x128xi32, #tpu.memory_space<hbm>> -> memref<1x1x10x128xi32, #tpu.memory_space<hbm>>
      %dma_wait3A_38 = tpu.memref_squeeze %dma_wait3A_37 : memref<1x1x10x128xi32, #tpu.memory_space<hbm>> -> memref<10x128xi32, #tpu.memory_space<hbm>>
      %dma_wait3A_39 = arith.constant 0 : i32
      %dma_wait3A_40 = arith.constant 0 : i32
      %dma_wait3A_41 = tpu.memref_slice %arg3[%run_scoped3A_14, %add3A, %dma_wait3A_39, %dma_wait3A_40] : memref<8x32x10x128xi32, #tpu.memory_space<hbm>> -> memref<1x1x10x128xi32, #tpu.memory_space<hbm>>
      %dma_wait3A_42 = tpu.memref_squeeze %dma_wait3A_41 : memref<1x1x10x128xi32, #tpu.memory_space<hbm>> -> memref<10x128xi32, #tpu.memory_space<hbm>>
      tpu.wait_dma2 semaphore(%run_scoped3A_28 : memref<!tpu.dma_semaphore, #tpu.memory_space<semaphore_mem>>) src(%dma_wait3A_42 : memref<10x128xi32, #tpu.memory_space<hbm>>) dst(%arg14 : memref<10x128xi32, #tpu.memory_space<vmem>>)
      tpu.yield
    }) : () -> ()
    %run_scoped3A_15 = arith.constant 7 : i32
    "tpu.region"() ({
      %run_scoped3A_28 = tpu.sem_alloc : memref<!tpu.dma_semaphore, #tpu.memory_space<semaphore_mem>>
      %dma_start3A = arith.constant 0 : i32
      %dma_start3A_29 = arith.constant 0 : i32
      %dma_start3A_30 = tpu.memref_slice %arg4[%run_scoped3A_15, %add3A, %dma_start3A, %dma_start3A_29] : memref<8x32x10x128xi32, #tpu.memory_space<hbm>> -> memref<1x1x10x128xi32, #tpu.memory_space<hbm>>
      %dma_start3A_31 = tpu.memref_squeeze %dma_start3A_30 : memref<1x1x10x128xi32, #tpu.memory_space<hbm>> -> memref<10x128xi32, #tpu.memory_space<hbm>>
      %dma_start3A_32 = arith.constant 0 : i32
      %dma_start3A_33 = arith.constant 0 : i32
      %dma_start3A_34 = tpu.memref_slice %arg4[%run_scoped3A_15, %add3A, %dma_start3A_32, %dma_start3A_33] : memref<8x32x10x128xi32, #tpu.memory_space<hbm>> -> memref<1x1x10x128xi32, #tpu.memory_space<hbm>>
      %dma_start3A_35 = tpu.memref_squeeze %dma_start3A_34 : memref<1x1x10x128xi32, #tpu.memory_space<hbm>> -> memref<10x128xi32, #tpu.memory_space<hbm>>
      tpu.enqueue_dma source(%dma_start3A_35 : memref<10x128xi32, #tpu.memory_space<hbm>>) target(%arg22 : memref<10x128xi32, #tpu.memory_space<vmem>>) target_semaphore(%run_scoped3A_28 : memref<!tpu.dma_semaphore, #tpu.memory_space<semaphore_mem>>)
      %dma_wait3A = arith.constant 0 : i32
      %dma_wait3A_36 = arith.constant 0 : i32
      %dma_wait3A_37 = tpu.memref_slice %arg4[%run_scoped3A_15, %add3A, %dma_wait3A, %dma_wait3A_36] : memref<8x32x10x128xi32, #tpu.memory_space<hbm>> -> memref<1x1x10x128xi32, #tpu.memory_space<hbm>>
      %dma_wait3A_38 = tpu.memref_squeeze %dma_wait3A_37 : memref<1x1x10x128xi32, #tpu.memory_space<hbm>> -> memref<10x128xi32, #tpu.memory_space<hbm>>
      %dma_wait3A_39 = arith.constant 0 : i32
      %dma_wait3A_40 = arith.constant 0 : i32
      %dma_wait3A_41 = tpu.memref_slice %arg4[%run_scoped3A_15, %add3A, %dma_wait3A_39, %dma_wait3A_40] : memref<8x32x10x128xi32, #tpu.memory_space<hbm>> -> memref<1x1x10x128xi32, #tpu.memory_space<hbm>>
      %dma_wait3A_42 = tpu.memref_squeeze %dma_wait3A_41 : memref<1x1x10x128xi32, #tpu.memory_space<hbm>> -> memref<10x128xi32, #tpu.memory_space<hbm>>
      tpu.wait_dma2 semaphore(%run_scoped3A_28 : memref<!tpu.dma_semaphore, #tpu.memory_space<semaphore_mem>>) src(%dma_wait3A_42 : memref<10x128xi32, #tpu.memory_space<hbm>>) dst(%arg22 : memref<10x128xi32, #tpu.memory_space<vmem>>)
      tpu.yield
    }) : () -> ()
    %mul3A_16 = arith.constant 640 : i32
    %mul3A_17 = arith.muli %arg1, %mul3A_16 : i32
    "tpu.region"() ({
      %run_scoped3A_28 = tpu.sem_alloc : memref<!tpu.dma_semaphore, #tpu.memory_space<semaphore_mem>>
      %dma_start3A = arith.constant 0 : i32
      %dma_start3A_29 = tpu.memref_slice %arg31[%mul3A_17, %dma_start3A] : memref<10240x64xf32, #tpu.memory_space<vmem_shared>> -> memref<640x64xf32, #tpu.memory_space<vmem_shared>>
      tpu.enqueue_dma source(%arg5 : memref<640x64xf32, #tpu.memory_space<hbm>>) target(%dma_start3A_29 : memref<640x64xf32, #tpu.memory_space<vmem_shared>>) target_semaphore(%run_scoped3A_28 : memref<!tpu.dma_semaphore, #tpu.memory_space<semaphore_mem>>)
      %dma_wait3A = arith.constant 0 : i32
      %dma_wait3A_30 = tpu.memref_slice %arg31[%mul3A_17, %dma_wait3A] : memref<10240x64xf32, #tpu.memory_space<vmem_shared>> -> memref<640x64xf32, #tpu.memory_space<vmem_shared>>
      tpu.wait_dma2 semaphore(%run_scoped3A_28 : memref<!tpu.dma_semaphore, #tpu.memory_space<semaphore_mem>>) src(%arg5 : memref<640x64xf32, #tpu.memory_space<hbm>>) dst(%dma_wait3A_30 : memref<640x64xf32, #tpu.memory_space<vmem_shared>>)
      tpu.yield
    }) : () -> ()
    %barrier3A = arith.constant 0 : index
    tpu.barrier barrier_id(%barrier3A)
    %scan3A = arith.constant 0 : i32
    %scan3A_18 = arith.constant 0 : i32
    %scan3A_19 = arith.constant 10 : i32
    %scan3A_20 = arith.addi %scan3A_18, %scan3A_19 : i32
    %scan3A_21 = arith.constant 1 : i32
    scf.for %scan3A_28 = %scan3A_18 to %scan3A_20 step %scan3A_21  : i32 {
      %dma_start3A = arith.constant 0 : i32
      %dma_start3A_29 = tpu.memref_slice %arg7[%scan3A_28, %dma_start3A] : memref<10x128xi32, #tpu.memory_space<vmem>> -> memref<1x128xi32, #tpu.memory_space<vmem>>
      %dma_start3A_30 = tpu.memref_squeeze %dma_start3A_29 : memref<1x128xi32, #tpu.memory_space<vmem>> -> memref<128xi32, #tpu.memory_space<vmem>>
      %dma_start3A_31 = arith.constant 0 : i32
      %dma_start3A_32 = arith.constant 0 : i32
      %dma_start3A_33 = tpu.memref_slice %arg2[%dma_start3A_31, %dma_start3A_32] : memref<10240x64xf32, #tpu.memory_space<hbm>> -> memref<10240x64xf32, #tpu.memory_space<hbm>>
      tpu.enqueue_indirect_dma source(%dma_start3A_33 : memref<10240x64xf32, #tpu.memory_space<hbm>>) target(%arg23 : memref<128x64xf32, #tpu.memory_space<vmem>>) offsets(%dma_start3A_30 : memref<128xi32, #tpu.memory_space<vmem>>) semaphore(%arg32 : memref<!tpu.dma_semaphore, #tpu.memory_space<semaphore_mem>>)
      %dma_start3A_34 = arith.constant 0 : i32
      %dma_start3A_35 = tpu.memref_slice %arg8[%scan3A_28, %dma_start3A_34] : memref<10x128xi32, #tpu.memory_space<vmem>> -> memref<1x128xi32, #tpu.memory_space<vmem>>
      %dma_start3A_36 = tpu.memref_squeeze %dma_start3A_35 : memref<1x128xi32, #tpu.memory_space<vmem>> -> memref<128xi32, #tpu.memory_space<vmem>>
      %dma_start3A_37 = arith.constant 0 : i32
      %dma_start3A_38 = arith.constant 0 : i32
      %dma_start3A_39 = tpu.memref_slice %arg2[%dma_start3A_37, %dma_start3A_38] : memref<10240x64xf32, #tpu.memory_space<hbm>> -> memref<10240x64xf32, #tpu.memory_space<hbm>>
      tpu.enqueue_indirect_dma source(%dma_start3A_39 : memref<10240x64xf32, #tpu.memory_space<hbm>>) target(%arg24 : memref<128x64xf32, #tpu.memory_space<vmem>>) offsets(%dma_start3A_36 : memref<128xi32, #tpu.memory_space<vmem>>) semaphore(%arg32 : memref<!tpu.dma_semaphore, #tpu.memory_space<semaphore_mem>>)
      %dma_start3A_40 = arith.constant 0 : i32
      %dma_start3A_41 = tpu.memref_slice %arg9[%scan3A_28, %dma_start3A_40] : memref<10x128xi32, #tpu.memory_space<vmem>> -> memref<1x128xi32, #tpu.memory_space<vmem>>
      %dma_start3A_42 = tpu.memref_squeeze %dma_start3A_41 : memref<1x128xi32, #tpu.memory_space<vmem>> -> memref<128xi32, #tpu.memory_space<vmem>>
      %dma_start3A_43 = arith.constant 0 : i32
      %dma_start3A_44 = arith.constant 0 : i32
      %dma_start3A_45 = tpu.memref_slice %arg2[%dma_start3A_43, %dma_start3A_44] : memref<10240x64xf32, #tpu.memory_space<hbm>> -> memref<10240x64xf32, #tpu.memory_space<hbm>>
      tpu.enqueue_indirect_dma source(%dma_start3A_45 : memref<10240x64xf32, #tpu.memory_space<hbm>>) target(%arg25 : memref<128x64xf32, #tpu.memory_space<vmem>>) offsets(%dma_start3A_42 : memref<128xi32, #tpu.memory_space<vmem>>) semaphore(%arg32 : memref<!tpu.dma_semaphore, #tpu.memory_space<semaphore_mem>>)
      %dma_start3A_46 = arith.constant 0 : i32
      %dma_start3A_47 = tpu.memref_slice %arg10[%scan3A_28, %dma_start3A_46] : memref<10x128xi32, #tpu.memory_space<vmem>> -> memref<1x128xi32, #tpu.memory_space<vmem>>
      %dma_start3A_48 = tpu.memref_squeeze %dma_start3A_47 : memref<1x128xi32, #tpu.memory_space<vmem>> -> memref<128xi32, #tpu.memory_space<vmem>>
      %dma_start3A_49 = arith.constant 0 : i32
      %dma_start3A_50 = arith.constant 0 : i32
      %dma_start3A_51 = tpu.memref_slice %arg2[%dma_start3A_49, %dma_start3A_50] : memref<10240x64xf32, #tpu.memory_space<hbm>> -> memref<10240x64xf32, #tpu.memory_space<hbm>>
      tpu.enqueue_indirect_dma source(%dma_start3A_51 : memref<10240x64xf32, #tpu.memory_space<hbm>>) target(%arg26 : memref<128x64xf32, #tpu.memory_space<vmem>>) offsets(%dma_start3A_48 : memref<128xi32, #tpu.memory_space<vmem>>) semaphore(%arg32 : memref<!tpu.dma_semaphore, #tpu.memory_space<semaphore_mem>>)
      %dma_start3A_52 = arith.constant 0 : i32
      %dma_start3A_53 = tpu.memref_slice %arg11[%scan3A_28, %dma_start3A_52] : memref<10x128xi32, #tpu.memory_space<vmem>> -> memref<1x128xi32, #tpu.memory_space<vmem>>
      %dma_start3A_54 = tpu.memref_squeeze %dma_start3A_53 : memref<1x128xi32, #tpu.memory_space<vmem>> -> memref<128xi32, #tpu.memory_space<vmem>>
      %dma_start3A_55 = arith.constant 0 : i32
      %dma_start3A_56 = arith.constant 0 : i32
      %dma_start3A_57 = tpu.memref_slice %arg2[%dma_start3A_55, %dma_start3A_56] : memref<10240x64xf32, #tpu.memory_space<hbm>> -> memref<10240x64xf32, #tpu.memory_space<hbm>>
      tpu.enqueue_indirect_dma source(%dma_start3A_57 : memref<10240x64xf32, #tpu.memory_space<hbm>>) target(%arg27 : memref<128x64xf32, #tpu.memory_space<vmem>>) offsets(%dma_start3A_54 : memref<128xi32, #tpu.memory_space<vmem>>) semaphore(%arg32 : memref<!tpu.dma_semaphore, #tpu.memory_space<semaphore_mem>>)
      %dma_start3A_58 = arith.constant 0 : i32
      %dma_start3A_59 = tpu.memref_slice %arg12[%scan3A_28, %dma_start3A_58] : memref<10x128xi32, #tpu.memory_space<vmem>> -> memref<1x128xi32, #tpu.memory_space<vmem>>
      %dma_start3A_60 = tpu.memref_squeeze %dma_start3A_59 : memref<1x128xi32, #tpu.memory_space<vmem>> -> memref<128xi32, #tpu.memory_space<vmem>>
      %dma_start3A_61 = arith.constant 0 : i32
      %dma_start3A_62 = arith.constant 0 : i32
      %dma_start3A_63 = tpu.memref_slice %arg2[%dma_start3A_61, %dma_start3A_62] : memref<10240x64xf32, #tpu.memory_space<hbm>> -> memref<10240x64xf32, #tpu.memory_space<hbm>>
      tpu.enqueue_indirect_dma source(%dma_start3A_63 : memref<10240x64xf32, #tpu.memory_space<hbm>>) target(%arg28 : memref<128x64xf32, #tpu.memory_space<vmem>>) offsets(%dma_start3A_60 : memref<128xi32, #tpu.memory_space<vmem>>) semaphore(%arg32 : memref<!tpu.dma_semaphore, #tpu.memory_space<semaphore_mem>>)
      %dma_start3A_64 = arith.constant 0 : i32
      %dma_start3A_65 = tpu.memref_slice %arg13[%scan3A_28, %dma_start3A_64] : memref<10x128xi32, #tpu.memory_space<vmem>> -> memref<1x128xi32, #tpu.memory_space<vmem>>
      %dma_start3A_66 = tpu.memref_squeeze %dma_start3A_65 : memref<1x128xi32, #tpu.memory_space<vmem>> -> memref<128xi32, #tpu.memory_space<vmem>>
      %dma_start3A_67 = arith.constant 0 : i32
      %dma_start3A_68 = arith.constant 0 : i32
      %dma_start3A_69 = tpu.memref_slice %arg2[%dma_start3A_67, %dma_start3A_68] : memref<10240x64xf32, #tpu.memory_space<hbm>> -> memref<10240x64xf32, #tpu.memory_space<hbm>>
      tpu.enqueue_indirect_dma source(%dma_start3A_69 : memref<10240x64xf32, #tpu.memory_space<hbm>>) target(%arg29 : memref<128x64xf32, #tpu.memory_space<vmem>>) offsets(%dma_start3A_66 : memref<128xi32, #tpu.memory_space<vmem>>) semaphore(%arg32 : memref<!tpu.dma_semaphore, #tpu.memory_space<semaphore_mem>>)
      %dma_start3A_70 = arith.constant 0 : i32
      %dma_start3A_71 = tpu.memref_slice %arg14[%scan3A_28, %dma_start3A_70] : memref<10x128xi32, #tpu.memory_space<vmem>> -> memref<1x128xi32, #tpu.memory_space<vmem>>
      %dma_start3A_72 = tpu.memref_squeeze %dma_start3A_71 : memref<1x128xi32, #tpu.memory_space<vmem>> -> memref<128xi32, #tpu.memory_space<vmem>>
      %dma_start3A_73 = arith.constant 0 : i32
      %dma_start3A_74 = arith.constant 0 : i32
      %dma_start3A_75 = tpu.memref_slice %arg2[%dma_start3A_73, %dma_start3A_74] : memref<10240x64xf32, #tpu.memory_space<hbm>> -> memref<10240x64xf32, #tpu.memory_space<hbm>>
      tpu.enqueue_indirect_dma source(%dma_start3A_75 : memref<10240x64xf32, #tpu.memory_space<hbm>>) target(%arg30 : memref<128x64xf32, #tpu.memory_space<vmem>>) offsets(%dma_start3A_72 : memref<128xi32, #tpu.memory_space<vmem>>) semaphore(%arg32 : memref<!tpu.dma_semaphore, #tpu.memory_space<semaphore_mem>>)
      %dma_wait3A = arith.constant 0 : i32
      %dma_wait3A_76 = tpu.memref_slice %arg7[%scan3A_28, %dma_wait3A] : memref<10x128xi32, #tpu.memory_space<vmem>> -> memref<1x128xi32, #tpu.memory_space<vmem>>
      %dma_wait3A_77 = tpu.memref_squeeze %dma_wait3A_76 : memref<1x128xi32, #tpu.memory_space<vmem>> -> memref<128xi32, #tpu.memory_space<vmem>>
      %dma_wait3A_78 = arith.constant 0 : i32
      %dma_wait3A_79 = arith.constant 0 : i32
      %dma_wait3A_80 = tpu.memref_slice %arg2[%dma_wait3A_78, %dma_wait3A_79] : memref<10240x64xf32, #tpu.memory_space<hbm>> -> memref<10240x64xf32, #tpu.memory_space<hbm>>
      tpu.wait_indirect_dma semaphore(%arg32 : memref<!tpu.dma_semaphore, #tpu.memory_space<semaphore_mem>>) src(%dma_wait3A_80 : memref<10240x64xf32, #tpu.memory_space<hbm>>) dst(%arg23 : memref<128x64xf32, #tpu.memory_space<vmem>>)
      %dma_wait3A_81 = arith.constant 0 : i32
      %dma_wait3A_82 = tpu.memref_slice %arg8[%scan3A_28, %dma_wait3A_81] : memref<10x128xi32, #tpu.memory_space<vmem>> -> memref<1x128xi32, #tpu.memory_space<vmem>>
      %dma_wait3A_83 = tpu.memref_squeeze %dma_wait3A_82 : memref<1x128xi32, #tpu.memory_space<vmem>> -> memref<128xi32, #tpu.memory_space<vmem>>
      %dma_wait3A_84 = arith.constant 0 : i32
      %dma_wait3A_85 = arith.constant 0 : i32
      %dma_wait3A_86 = tpu.memref_slice %arg2[%dma_wait3A_84, %dma_wait3A_85] : memref<10240x64xf32, #tpu.memory_space<hbm>> -> memref<10240x64xf32, #tpu.memory_space<hbm>>
      tpu.wait_indirect_dma semaphore(%arg32 : memref<!tpu.dma_semaphore, #tpu.memory_space<semaphore_mem>>) src(%dma_wait3A_86 : memref<10240x64xf32, #tpu.memory_space<hbm>>) dst(%arg24 : memref<128x64xf32, #tpu.memory_space<vmem>>)
      %dma_wait3A_87 = arith.constant 0 : i32
      %dma_wait3A_88 = tpu.memref_slice %arg9[%scan3A_28, %dma_wait3A_87] : memref<10x128xi32, #tpu.memory_space<vmem>> -> memref<1x128xi32, #tpu.memory_space<vmem>>
      %dma_wait3A_89 = tpu.memref_squeeze %dma_wait3A_88 : memref<1x128xi32, #tpu.memory_space<vmem>> -> memref<128xi32, #tpu.memory_space<vmem>>
      %dma_wait3A_90 = arith.constant 0 : i32
      %dma_wait3A_91 = arith.constant 0 : i32
      %dma_wait3A_92 = tpu.memref_slice %arg2[%dma_wait3A_90, %dma_wait3A_91] : memref<10240x64xf32, #tpu.memory_space<hbm>> -> memref<10240x64xf32, #tpu.memory_space<hbm>>
      tpu.wait_indirect_dma semaphore(%arg32 : memref<!tpu.dma_semaphore, #tpu.memory_space<semaphore_mem>>) src(%dma_wait3A_92 : memref<10240x64xf32, #tpu.memory_space<hbm>>) dst(%arg25 : memref<128x64xf32, #tpu.memory_space<vmem>>)
      %dma_wait3A_93 = arith.constant 0 : i32
      %dma_wait3A_94 = tpu.memref_slice %arg10[%scan3A_28, %dma_wait3A_93] : memref<10x128xi32, #tpu.memory_space<vmem>> -> memref<1x128xi32, #tpu.memory_space<vmem>>
      %dma_wait3A_95 = tpu.memref_squeeze %dma_wait3A_94 : memref<1x128xi32, #tpu.memory_space<vmem>> -> memref<128xi32, #tpu.memory_space<vmem>>
      %dma_wait3A_96 = arith.constant 0 : i32
      %dma_wait3A_97 = arith.constant 0 : i32
      %dma_wait3A_98 = tpu.memref_slice %arg2[%dma_wait3A_96, %dma_wait3A_97] : memref<10240x64xf32, #tpu.memory_space<hbm>> -> memref<10240x64xf32, #tpu.memory_space<hbm>>
      tpu.wait_indirect_dma semaphore(%arg32 : memref<!tpu.dma_semaphore, #tpu.memory_space<semaphore_mem>>) src(%dma_wait3A_98 : memref<10240x64xf32, #tpu.memory_space<hbm>>) dst(%arg26 : memref<128x64xf32, #tpu.memory_space<vmem>>)
      %dma_wait3A_99 = arith.constant 0 : i32
      %dma_wait3A_100 = tpu.memref_slice %arg11[%scan3A_28, %dma_wait3A_99] : memref<10x128xi32, #tpu.memory_space<vmem>> -> memref<1x128xi32, #tpu.memory_space<vmem>>
      %dma_wait3A_101 = tpu.memref_squeeze %dma_wait3A_100 : memref<1x128xi32, #tpu.memory_space<vmem>> -> memref<128xi32, #tpu.memory_space<vmem>>
      %dma_wait3A_102 = arith.constant 0 : i32
      %dma_wait3A_103 = arith.constant 0 : i32
      %dma_wait3A_104 = tpu.memref_slice %arg2[%dma_wait3A_102, %dma_wait3A_103] : memref<10240x64xf32, #tpu.memory_space<hbm>> -> memref<10240x64xf32, #tpu.memory_space<hbm>>
      tpu.wait_indirect_dma semaphore(%arg32 : memref<!tpu.dma_semaphore, #tpu.memory_space<semaphore_mem>>) src(%dma_wait3A_104 : memref<10240x64xf32, #tpu.memory_space<hbm>>) dst(%arg27 : memref<128x64xf32, #tpu.memory_space<vmem>>)
      %dma_wait3A_105 = arith.constant 0 : i32
      %dma_wait3A_106 = tpu.memref_slice %arg12[%scan3A_28, %dma_wait3A_105] : memref<10x128xi32, #tpu.memory_space<vmem>> -> memref<1x128xi32, #tpu.memory_space<vmem>>
      %dma_wait3A_107 = tpu.memref_squeeze %dma_wait3A_106 : memref<1x128xi32, #tpu.memory_space<vmem>> -> memref<128xi32, #tpu.memory_space<vmem>>
      %dma_wait3A_108 = arith.constant 0 : i32
      %dma_wait3A_109 = arith.constant 0 : i32
      %dma_wait3A_110 = tpu.memref_slice %arg2[%dma_wait3A_108, %dma_wait3A_109] : memref<10240x64xf32, #tpu.memory_space<hbm>> -> memref<10240x64xf32, #tpu.memory_space<hbm>>
      tpu.wait_indirect_dma semaphore(%arg32 : memref<!tpu.dma_semaphore, #tpu.memory_space<semaphore_mem>>) src(%dma_wait3A_110 : memref<10240x64xf32, #tpu.memory_space<hbm>>) dst(%arg28 : memref<128x64xf32, #tpu.memory_space<vmem>>)
      %dma_wait3A_111 = arith.constant 0 : i32
      %dma_wait3A_112 = tpu.memref_slice %arg13[%scan3A_28, %dma_wait3A_111] : memref<10x128xi32, #tpu.memory_space<vmem>> -> memref<1x128xi32, #tpu.memory_space<vmem>>
      %dma_wait3A_113 = tpu.memref_squeeze %dma_wait3A_112 : memref<1x128xi32, #tpu.memory_space<vmem>> -> memref<128xi32, #tpu.memory_space<vmem>>
      %dma_wait3A_114 = arith.constant 0 : i32
      %dma_wait3A_115 = arith.constant 0 : i32
      %dma_wait3A_116 = tpu.memref_slice %arg2[%dma_wait3A_114, %dma_wait3A_115] : memref<10240x64xf32, #tpu.memory_space<hbm>> -> memref<10240x64xf32, #tpu.memory_space<hbm>>
      tpu.wait_indirect_dma semaphore(%arg32 : memref<!tpu.dma_semaphore, #tpu.memory_space<semaphore_mem>>) src(%dma_wait3A_116 : memref<10240x64xf32, #tpu.memory_space<hbm>>) dst(%arg29 : memref<128x64xf32, #tpu.memory_space<vmem>>)
      %dma_wait3A_117 = arith.constant 0 : i32
      %dma_wait3A_118 = tpu.memref_slice %arg14[%scan3A_28, %dma_wait3A_117] : memref<10x128xi32, #tpu.memory_space<vmem>> -> memref<1x128xi32, #tpu.memory_space<vmem>>
      %dma_wait3A_119 = tpu.memref_squeeze %dma_wait3A_118 : memref<1x128xi32, #tpu.memory_space<vmem>> -> memref<128xi32, #tpu.memory_space<vmem>>
      %dma_wait3A_120 = arith.constant 0 : i32
      %dma_wait3A_121 = arith.constant 0 : i32
      %dma_wait3A_122 = tpu.memref_slice %arg2[%dma_wait3A_120, %dma_wait3A_121] : memref<10240x64xf32, #tpu.memory_space<hbm>> -> memref<10240x64xf32, #tpu.memory_space<hbm>>
      tpu.wait_indirect_dma semaphore(%arg32 : memref<!tpu.dma_semaphore, #tpu.memory_space<semaphore_mem>>) src(%dma_wait3A_122 : memref<10240x64xf32, #tpu.memory_space<hbm>>) dst(%arg30 : memref<128x64xf32, #tpu.memory_space<vmem>>)
      "tpu.region"() ({
        %run_scoped3A_123 = tpu.sem_alloc : memref<!tpu.dma_semaphore, #tpu.memory_space<semaphore_mem>>
        %dma_start3A_124 = arith.constant 0 : i32
        %dma_start3A_125 = tpu.memref_slice %arg15[%scan3A_28, %dma_start3A_124] : memref<10x128xi32, #tpu.memory_space<vmem>> -> memref<1x128xi32, #tpu.memory_space<vmem>>
        %dma_start3A_126 = tpu.memref_squeeze %dma_start3A_125 : memref<1x128xi32, #tpu.memory_space<vmem>> -> memref<128xi32, #tpu.memory_space<vmem>>
        %dma_start3A_127 = arith.constant 0 : i32
        %dma_start3A_128 = arith.constant 0 : i32
        %dma_start3A_129 = tpu.memref_slice %arg31[%dma_start3A_127, %dma_start3A_128] : memref<10240x64xf32, #tpu.memory_space<vmem_shared>> -> memref<10240x64xf32, #tpu.memory_space<vmem_shared>>
        tpu.enqueue_indirect_dma source(%arg23 : memref<128x64xf32, #tpu.memory_space<vmem>>) target(%dma_start3A_129 : memref<10240x64xf32, #tpu.memory_space<vmem_shared>>) offsets(%dma_start3A_126 : memref<128xi32, #tpu.memory_space<vmem>>) semaphore(%run_scoped3A_123 : memref<!tpu.dma_semaphore, #tpu.memory_space<semaphore_mem>>) {add = true}
        %dma_wait3A_130 = arith.constant 0 : i32
        %dma_wait3A_131 = tpu.memref_slice %arg15[%scan3A_28, %dma_wait3A_130] : memref<10x128xi32, #tpu.memory_space<vmem>> -> memref<1x128xi32, #tpu.memory_space<vmem>>
        %dma_wait3A_132 = tpu.memref_squeeze %dma_wait3A_131 : memref<1x128xi32, #tpu.memory_space<vmem>> -> memref<128xi32, #tpu.memory_space<vmem>>
        %dma_wait3A_133 = arith.constant 0 : i32
        %dma_wait3A_134 = arith.constant 0 : i32
        %dma_wait3A_135 = tpu.memref_slice %arg31[%dma_wait3A_133, %dma_wait3A_134] : memref<10240x64xf32, #tpu.memory_space<vmem_shared>> -> memref<10240x64xf32, #tpu.memory_space<vmem_shared>>
        tpu.wait_indirect_dma semaphore(%run_scoped3A_123 : memref<!tpu.dma_semaphore, #tpu.memory_space<semaphore_mem>>) src(%arg23 : memref<128x64xf32, #tpu.memory_space<vmem>>) dst(%dma_wait3A_135 : memref<10240x64xf32, #tpu.memory_space<vmem_shared>>)
        tpu.yield
      }) : () -> ()
      "tpu.region"() ({
        %run_scoped3A_123 = tpu.sem_alloc : memref<!tpu.dma_semaphore, #tpu.memory_space<semaphore_mem>>
        %dma_start3A_124 = arith.constant 0 : i32
        %dma_start3A_125 = tpu.memref_slice %arg16[%scan3A_28, %dma_start3A_124] : memref<10x128xi32, #tpu.memory_space<vmem>> -> memref<1x128xi32, #tpu.memory_space<vmem>>
        %dma_start3A_126 = tpu.memref_squeeze %dma_start3A_125 : memref<1x128xi32, #tpu.memory_space<vmem>> -> memref<128xi32, #tpu.memory_space<vmem>>
        %dma_start3A_127 = arith.constant 0 : i32
        %dma_start3A_128 = arith.constant 0 : i32
        %dma_start3A_129 = tpu.memref_slice %arg31[%dma_start3A_127, %dma_start3A_128] : memref<10240x64xf32, #tpu.memory_space<vmem_shared>> -> memref<10240x64xf32, #tpu.memory_space<vmem_shared>>
        tpu.enqueue_indirect_dma source(%arg24 : memref<128x64xf32, #tpu.memory_space<vmem>>) target(%dma_start3A_129 : memref<10240x64xf32, #tpu.memory_space<vmem_shared>>) offsets(%dma_start3A_126 : memref<128xi32, #tpu.memory_space<vmem>>) semaphore(%run_scoped3A_123 : memref<!tpu.dma_semaphore, #tpu.memory_space<semaphore_mem>>) {add = true}
        %dma_wait3A_130 = arith.constant 0 : i32
        %dma_wait3A_131 = tpu.memref_slice %arg16[%scan3A_28, %dma_wait3A_130] : memref<10x128xi32, #tpu.memory_space<vmem>> -> memref<1x128xi32, #tpu.memory_space<vmem>>
        %dma_wait3A_132 = tpu.memref_squeeze %dma_wait3A_131 : memref<1x128xi32, #tpu.memory_space<vmem>> -> memref<128xi32, #tpu.memory_space<vmem>>
        %dma_wait3A_133 = arith.constant 0 : i32
        %dma_wait3A_134 = arith.constant 0 : i32
        %dma_wait3A_135 = tpu.memref_slice %arg31[%dma_wait3A_133, %dma_wait3A_134] : memref<10240x64xf32, #tpu.memory_space<vmem_shared>> -> memref<10240x64xf32, #tpu.memory_space<vmem_shared>>
        tpu.wait_indirect_dma semaphore(%run_scoped3A_123 : memref<!tpu.dma_semaphore, #tpu.memory_space<semaphore_mem>>) src(%arg24 : memref<128x64xf32, #tpu.memory_space<vmem>>) dst(%dma_wait3A_135 : memref<10240x64xf32, #tpu.memory_space<vmem_shared>>)
        tpu.yield
      }) : () -> ()
      "tpu.region"() ({
        %run_scoped3A_123 = tpu.sem_alloc : memref<!tpu.dma_semaphore, #tpu.memory_space<semaphore_mem>>
        %dma_start3A_124 = arith.constant 0 : i32
        %dma_start3A_125 = tpu.memref_slice %arg17[%scan3A_28, %dma_start3A_124] : memref<10x128xi32, #tpu.memory_space<vmem>> -> memref<1x128xi32, #tpu.memory_space<vmem>>
        %dma_start3A_126 = tpu.memref_squeeze %dma_start3A_125 : memref<1x128xi32, #tpu.memory_space<vmem>> -> memref<128xi32, #tpu.memory_space<vmem>>
        %dma_start3A_127 = arith.constant 0 : i32
        %dma_start3A_128 = arith.constant 0 : i32
        %dma_start3A_129 = tpu.memref_slice %arg31[%dma_start3A_127, %dma_start3A_128] : memref<10240x64xf32, #tpu.memory_space<vmem_shared>> -> memref<10240x64xf32, #tpu.memory_space<vmem_shared>>
        tpu.enqueue_indirect_dma source(%arg25 : memref<128x64xf32, #tpu.memory_space<vmem>>) target(%dma_start3A_129 : memref<10240x64xf32, #tpu.memory_space<vmem_shared>>) offsets(%dma_start3A_126 : memref<128xi32, #tpu.memory_space<vmem>>) semaphore(%run_scoped3A_123 : memref<!tpu.dma_semaphore, #tpu.memory_space<semaphore_mem>>) {add = true}
        %dma_wait3A_130 = arith.constant 0 : i32
        %dma_wait3A_131 = tpu.memref_slice %arg17[%scan3A_28, %dma_wait3A_130] : memref<10x128xi32, #tpu.memory_space<vmem>> -> memref<1x128xi32, #tpu.memory_space<vmem>>
        %dma_wait3A_132 = tpu.memref_squeeze %dma_wait3A_131 : memref<1x128xi32, #tpu.memory_space<vmem>> -> memref<128xi32, #tpu.memory_space<vmem>>
        %dma_wait3A_133 = arith.constant 0 : i32
        %dma_wait3A_134 = arith.constant 0 : i32
        %dma_wait3A_135 = tpu.memref_slice %arg31[%dma_wait3A_133, %dma_wait3A_134] : memref<10240x64xf32, #tpu.memory_space<vmem_shared>> -> memref<10240x64xf32, #tpu.memory_space<vmem_shared>>
        tpu.wait_indirect_dma semaphore(%run_scoped3A_123 : memref<!tpu.dma_semaphore, #tpu.memory_space<semaphore_mem>>) src(%arg25 : memref<128x64xf32, #tpu.memory_space<vmem>>) dst(%dma_wait3A_135 : memref<10240x64xf32, #tpu.memory_space<vmem_shared>>)
        tpu.yield
      }) : () -> ()
      "tpu.region"() ({
        %run_scoped3A_123 = tpu.sem_alloc : memref<!tpu.dma_semaphore, #tpu.memory_space<semaphore_mem>>
        %dma_start3A_124 = arith.constant 0 : i32
        %dma_start3A_125 = tpu.memref_slice %arg18[%scan3A_28, %dma_start3A_124] : memref<10x128xi32, #tpu.memory_space<vmem>> -> memref<1x128xi32, #tpu.memory_space<vmem>>
        %dma_start3A_126 = tpu.memref_squeeze %dma_start3A_125 : memref<1x128xi32, #tpu.memory_space<vmem>> -> memref<128xi32, #tpu.memory_space<vmem>>
        %dma_start3A_127 = arith.constant 0 : i32
        %dma_start3A_128 = arith.constant 0 : i32
        %dma_start3A_129 = tpu.memref_slice %arg31[%dma_start3A_127, %dma_start3A_128] : memref<10240x64xf32, #tpu.memory_space<vmem_shared>> -> memref<10240x64xf32, #tpu.memory_space<vmem_shared>>
        tpu.enqueue_indirect_dma source(%arg26 : memref<128x64xf32, #tpu.memory_space<vmem>>) target(%dma_start3A_129 : memref<10240x64xf32, #tpu.memory_space<vmem_shared>>) offsets(%dma_start3A_126 : memref<128xi32, #tpu.memory_space<vmem>>) semaphore(%run_scoped3A_123 : memref<!tpu.dma_semaphore, #tpu.memory_space<semaphore_mem>>) {add = true}
        %dma_wait3A_130 = arith.constant 0 : i32
        %dma_wait3A_131 = tpu.memref_slice %arg18[%scan3A_28, %dma_wait3A_130] : memref<10x128xi32, #tpu.memory_space<vmem>> -> memref<1x128xi32, #tpu.memory_space<vmem>>
        %dma_wait3A_132 = tpu.memref_squeeze %dma_wait3A_131 : memref<1x128xi32, #tpu.memory_space<vmem>> -> memref<128xi32, #tpu.memory_space<vmem>>
        %dma_wait3A_133 = arith.constant 0 : i32
        %dma_wait3A_134 = arith.constant 0 : i32
        %dma_wait3A_135 = tpu.memref_slice %arg31[%dma_wait3A_133, %dma_wait3A_134] : memref<10240x64xf32, #tpu.memory_space<vmem_shared>> -> memref<10240x64xf32, #tpu.memory_space<vmem_shared>>
        tpu.wait_indirect_dma semaphore(%run_scoped3A_123 : memref<!tpu.dma_semaphore, #tpu.memory_space<semaphore_mem>>) src(%arg26 : memref<128x64xf32, #tpu.memory_space<vmem>>) dst(%dma_wait3A_135 : memref<10240x64xf32, #tpu.memory_space<vmem_shared>>)
        tpu.yield
      }) : () -> ()
      "tpu.region"() ({
        %run_scoped3A_123 = tpu.sem_alloc : memref<!tpu.dma_semaphore, #tpu.memory_space<semaphore_mem>>
        %dma_start3A_124 = arith.constant 0 : i32
        %dma_start3A_125 = tpu.memref_slice %arg19[%scan3A_28, %dma_start3A_124] : memref<10x128xi32, #tpu.memory_space<vmem>> -> memref<1x128xi32, #tpu.memory_space<vmem>>
        %dma_start3A_126 = tpu.memref_squeeze %dma_start3A_125 : memref<1x128xi32, #tpu.memory_space<vmem>> -> memref<128xi32, #tpu.memory_space<vmem>>
        %dma_start3A_127 = arith.constant 0 : i32
        %dma_start3A_128 = arith.constant 0 : i32
        %dma_start3A_129 = tpu.memref_slice %arg31[%dma_start3A_127, %dma_start3A_128] : memref<10240x64xf32, #tpu.memory_space<vmem_shared>> -> memref<10240x64xf32, #tpu.memory_space<vmem_shared>>
        tpu.enqueue_indirect_dma source(%arg27 : memref<128x64xf32, #tpu.memory_space<vmem>>) target(%dma_start3A_129 : memref<10240x64xf32, #tpu.memory_space<vmem_shared>>) offsets(%dma_start3A_126 : memref<128xi32, #tpu.memory_space<vmem>>) semaphore(%run_scoped3A_123 : memref<!tpu.dma_semaphore, #tpu.memory_space<semaphore_mem>>) {add = true}
        %dma_wait3A_130 = arith.constant 0 : i32
        %dma_wait3A_131 = tpu.memref_slice %arg19[%scan3A_28, %dma_wait3A_130] : memref<10x128xi32, #tpu.memory_space<vmem>> -> memref<1x128xi32, #tpu.memory_space<vmem>>
        %dma_wait3A_132 = tpu.memref_squeeze %dma_wait3A_131 : memref<1x128xi32, #tpu.memory_space<vmem>> -> memref<128xi32, #tpu.memory_space<vmem>>
        %dma_wait3A_133 = arith.constant 0 : i32
        %dma_wait3A_134 = arith.constant 0 : i32
        %dma_wait3A_135 = tpu.memref_slice %arg31[%dma_wait3A_133, %dma_wait3A_134] : memref<10240x64xf32, #tpu.memory_space<vmem_shared>> -> memref<10240x64xf32, #tpu.memory_space<vmem_shared>>
        tpu.wait_indirect_dma semaphore(%run_scoped3A_123 : memref<!tpu.dma_semaphore, #tpu.memory_space<semaphore_mem>>) src(%arg27 : memref<128x64xf32, #tpu.memory_space<vmem>>) dst(%dma_wait3A_135 : memref<10240x64xf32, #tpu.memory_space<vmem_shared>>)
        tpu.yield
      }) : () -> ()
      "tpu.region"() ({
        %run_scoped3A_123 = tpu.sem_alloc : memref<!tpu.dma_semaphore, #tpu.memory_space<semaphore_mem>>
        %dma_start3A_124 = arith.constant 0 : i32
        %dma_start3A_125 = tpu.memref_slice %arg20[%scan3A_28, %dma_start3A_124] : memref<10x128xi32, #tpu.memory_space<vmem>> -> memref<1x128xi32, #tpu.memory_space<vmem>>
        %dma_start3A_126 = tpu.memref_squeeze %dma_start3A_125 : memref<1x128xi32, #tpu.memory_space<vmem>> -> memref<128xi32, #tpu.memory_space<vmem>>
        %dma_start3A_127 = arith.constant 0 : i32
        %dma_start3A_128 = arith.constant 0 : i32
        %dma_start3A_129 = tpu.memref_slice %arg31[%dma_start3A_127, %dma_start3A_128] : memref<10240x64xf32, #tpu.memory_space<vmem_shared>> -> memref<10240x64xf32, #tpu.memory_space<vmem_shared>>
        tpu.enqueue_indirect_dma source(%arg28 : memref<128x64xf32, #tpu.memory_space<vmem>>) target(%dma_start3A_129 : memref<10240x64xf32, #tpu.memory_space<vmem_shared>>) offsets(%dma_start3A_126 : memref<128xi32, #tpu.memory_space<vmem>>) semaphore(%run_scoped3A_123 : memref<!tpu.dma_semaphore, #tpu.memory_space<semaphore_mem>>) {add = true}
        %dma_wait3A_130 = arith.constant 0 : i32
        %dma_wait3A_131 = tpu.memref_slice %arg20[%scan3A_28, %dma_wait3A_130] : memref<10x128xi32, #tpu.memory_space<vmem>> -> memref<1x128xi32, #tpu.memory_space<vmem>>
        %dma_wait3A_132 = tpu.memref_squeeze %dma_wait3A_131 : memref<1x128xi32, #tpu.memory_space<vmem>> -> memref<128xi32, #tpu.memory_space<vmem>>
        %dma_wait3A_133 = arith.constant 0 : i32
        %dma_wait3A_134 = arith.constant 0 : i32
        %dma_wait3A_135 = tpu.memref_slice %arg31[%dma_wait3A_133, %dma_wait3A_134] : memref<10240x64xf32, #tpu.memory_space<vmem_shared>> -> memref<10240x64xf32, #tpu.memory_space<vmem_shared>>
        tpu.wait_indirect_dma semaphore(%run_scoped3A_123 : memref<!tpu.dma_semaphore, #tpu.memory_space<semaphore_mem>>) src(%arg28 : memref<128x64xf32, #tpu.memory_space<vmem>>) dst(%dma_wait3A_135 : memref<10240x64xf32, #tpu.memory_space<vmem_shared>>)
        tpu.yield
      }) : () -> ()
      "tpu.region"() ({
        %run_scoped3A_123 = tpu.sem_alloc : memref<!tpu.dma_semaphore, #tpu.memory_space<semaphore_mem>>
        %dma_start3A_124 = arith.constant 0 : i32
        %dma_start3A_125 = tpu.memref_slice %arg21[%scan3A_28, %dma_start3A_124] : memref<10x128xi32, #tpu.memory_space<vmem>> -> memref<1x128xi32, #tpu.memory_space<vmem>>
        %dma_start3A_126 = tpu.memref_squeeze %dma_start3A_125 : memref<1x128xi32, #tpu.memory_space<vmem>> -> memref<128xi32, #tpu.memory_space<vmem>>
        %dma_start3A_127 = arith.constant 0 : i32
        %dma_start3A_128 = arith.constant 0 : i32
        %dma_start3A_129 = tpu.memref_slice %arg31[%dma_start3A_127, %dma_start3A_128] : memref<10240x64xf32, #tpu.memory_space<vmem_shared>> -> memref<10240x64xf32, #tpu.memory_space<vmem_shared>>
        tpu.enqueue_indirect_dma source(%arg29 : memref<128x64xf32, #tpu.memory_space<vmem>>) target(%dma_start3A_129 : memref<10240x64xf32, #tpu.memory_space<vmem_shared>>) offsets(%dma_start3A_126 : memref<128xi32, #tpu.memory_space<vmem>>) semaphore(%run_scoped3A_123 : memref<!tpu.dma_semaphore, #tpu.memory_space<semaphore_mem>>) {add = true}
        %dma_wait3A_130 = arith.constant 0 : i32
        %dma_wait3A_131 = tpu.memref_slice %arg21[%scan3A_28, %dma_wait3A_130] : memref<10x128xi32, #tpu.memory_space<vmem>> -> memref<1x128xi32, #tpu.memory_space<vmem>>
        %dma_wait3A_132 = tpu.memref_squeeze %dma_wait3A_131 : memref<1x128xi32, #tpu.memory_space<vmem>> -> memref<128xi32, #tpu.memory_space<vmem>>
        %dma_wait3A_133 = arith.constant 0 : i32
        %dma_wait3A_134 = arith.constant 0 : i32
        %dma_wait3A_135 = tpu.memref_slice %arg31[%dma_wait3A_133, %dma_wait3A_134] : memref<10240x64xf32, #tpu.memory_space<vmem_shared>> -> memref<10240x64xf32, #tpu.memory_space<vmem_shared>>
        tpu.wait_indirect_dma semaphore(%run_scoped3A_123 : memref<!tpu.dma_semaphore, #tpu.memory_space<semaphore_mem>>) src(%arg29 : memref<128x64xf32, #tpu.memory_space<vmem>>) dst(%dma_wait3A_135 : memref<10240x64xf32, #tpu.memory_space<vmem_shared>>)
        tpu.yield
      }) : () -> ()
      "tpu.region"() ({
        %run_scoped3A_123 = tpu.sem_alloc : memref<!tpu.dma_semaphore, #tpu.memory_space<semaphore_mem>>
        %dma_start3A_124 = arith.constant 0 : i32
        %dma_start3A_125 = tpu.memref_slice %arg22[%scan3A_28, %dma_start3A_124] : memref<10x128xi32, #tpu.memory_space<vmem>> -> memref<1x128xi32, #tpu.memory_space<vmem>>
        %dma_start3A_126 = tpu.memref_squeeze %dma_start3A_125 : memref<1x128xi32, #tpu.memory_space<vmem>> -> memref<128xi32, #tpu.memory_space<vmem>>
        %dma_start3A_127 = arith.constant 0 : i32
        %dma_start3A_128 = arith.constant 0 : i32
        %dma_start3A_129 = tpu.memref_slice %arg31[%dma_start3A_127, %dma_start3A_128] : memref<10240x64xf32, #tpu.memory_space<vmem_shared>> -> memref<10240x64xf32, #tpu.memory_space<vmem_shared>>
        tpu.enqueue_indirect_dma source(%arg30 : memref<128x64xf32, #tpu.memory_space<vmem>>) target(%dma_start3A_129 : memref<10240x64xf32, #tpu.memory_space<vmem_shared>>) offsets(%dma_start3A_126 : memref<128xi32, #tpu.memory_space<vmem>>) semaphore(%run_scoped3A_123 : memref<!tpu.dma_semaphore, #tpu.memory_space<semaphore_mem>>) {add = true}
        %dma_wait3A_130 = arith.constant 0 : i32
        %dma_wait3A_131 = tpu.memref_slice %arg22[%scan3A_28, %dma_wait3A_130] : memref<10x128xi32, #tpu.memory_space<vmem>> -> memref<1x128xi32, #tpu.memory_space<vmem>>
        %dma_wait3A_132 = tpu.memref_squeeze %dma_wait3A_131 : memref<1x128xi32, #tpu.memory_space<vmem>> -> memref<128xi32, #tpu.memory_space<vmem>>
        %dma_wait3A_133 = arith.constant 0 : i32
        %dma_wait3A_134 = arith.constant 0 : i32
        %dma_wait3A_135 = tpu.memref_slice %arg31[%dma_wait3A_133, %dma_wait3A_134] : memref<10240x64xf32, #tpu.memory_space<vmem_shared>> -> memref<10240x64xf32, #tpu.memory_space<vmem_shared>>
        tpu.wait_indirect_dma semaphore(%run_scoped3A_123 : memref<!tpu.dma_semaphore, #tpu.memory_space<semaphore_mem>>) src(%arg30 : memref<128x64xf32, #tpu.memory_space<vmem>>) dst(%dma_wait3A_135 : memref<10240x64xf32, #tpu.memory_space<vmem_shared>>)
        tpu.yield
      }) : () -> ()
    }
    %scan3A_22 = arith.constant 10 : i32
    %barrier3A_23 = arith.constant 0 : index
    tpu.barrier barrier_id(%barrier3A_23)
    %mul3A_24 = arith.constant 640 : i32
    %mul3A_25 = arith.muli %arg1, %mul3A_24 : i32
    %mul3A_26 = arith.constant 640 : i32
    %mul3A_27 = arith.muli %arg1, %mul3A_26 : i32
    "tpu.region"() ({
      %run_scoped3A_28 = tpu.sem_alloc : memref<!tpu.dma_semaphore, #tpu.memory_space<semaphore_mem>>
      %dma_start3A = arith.constant 0 : i32
      %dma_start3A_29 = tpu.memref_slice %arg6[%arg0, %mul3A_27, %dma_start3A] : memref<2x10240x64xf32, #tpu.memory_space<hbm>> -> memref<1x640x64xf32, #tpu.memory_space<hbm>>
      %dma_start3A_30 = tpu.memref_squeeze %dma_start3A_29 : memref<1x640x64xf32, #tpu.memory_space<hbm>> -> memref<640x64xf32, #tpu.memory_space<hbm>>
      %dma_start3A_31 = arith.constant 0 : i32
      %dma_start3A_32 = tpu.memref_slice %arg31[%mul3A_25, %dma_start3A_31] : memref<10240x64xf32, #tpu.memory_space<vmem_shared>> -> memref<640x64xf32, #tpu.memory_space<vmem_shared>>
      tpu.enqueue_dma source(%dma_start3A_32 : memref<640x64xf32, #tpu.memory_space<vmem_shared>>) target(%dma_start3A_30 : memref<640x64xf32, #tpu.memory_space<hbm>>) target_semaphore(%run_scoped3A_28 : memref<!tpu.dma_semaphore, #tpu.memory_space<semaphore_mem>>)
      %dma_wait3A = arith.constant 0 : i32
      %dma_wait3A_33 = tpu.memref_slice %arg6[%arg0, %mul3A_27, %dma_wait3A] : memref<2x10240x64xf32, #tpu.memory_space<hbm>> -> memref<1x640x64xf32, #tpu.memory_space<hbm>>
      %dma_wait3A_34 = tpu.memref_squeeze %dma_wait3A_33 : memref<1x640x64xf32, #tpu.memory_space<hbm>> -> memref<640x64xf32, #tpu.memory_space<hbm>>
      %dma_wait3A_35 = arith.constant 0 : i32
      %dma_wait3A_36 = tpu.memref_slice %arg31[%mul3A_25, %dma_wait3A_35] : memref<10240x64xf32, #tpu.memory_space<vmem_shared>> -> memref<640x64xf32, #tpu.memory_space<vmem_shared>>
      tpu.wait_dma2 semaphore(%run_scoped3A_28 : memref<!tpu.dma_semaphore, #tpu.memory_space<semaphore_mem>>) src(%dma_wait3A_36 : memref<640x64xf32, #tpu.memory_space<vmem_shared>>) dst(%dma_wait3A_34 : memref<640x64xf32, #tpu.memory_space<hbm>>)
      tpu.yield
    }) : () -> ()
    return
  }
}

module attributes {stable_mosaic.version = 14 : i64} {
  func.func @body(%arg0: i32, %arg1: memref<1024x128xf32, #tpu.memory_space<vmem>>, %arg2: memref<1024x1xf32, #tpu.memory_space<vmem>>, %arg3: memref<1024x1xf32, #tpu.memory_space<vmem>>, %arg4: memref<128x64xf32, #tpu.memory_space<vmem>>, %arg5: memref<1x64xf32, #tpu.memory_space<vmem>>, %arg6: memref<64x64xf32, #tpu.memory_space<vmem>>, %arg7: memref<1024x64xf32, #tpu.memory_space<vmem>>, %arg8: memref<1024x1xf32, #tpu.memory_space<vmem>>) attributes {dimension_semantics = [#tpu.dimension_semantics<arbitrary>], iteration_bounds = array<i64: 10>, scalar_prefetch = 0 : i64, scratch_operands = 0 : i64, tpu.core_type = #tpu.core_type<tc>, window_params = [{transform_indices = @transform_0, window_bounds = array<i64: 1024, 128>}, {transform_indices = @transform_1, window_bounds = array<i64: 1024, 1>}, {transform_indices = @transform_2, window_bounds = array<i64: 1024, 1>}, {pipeline_mode = #tpu.pipeline_mode<synchronous>, transform_indices = @transform_3, window_bounds = array<i64: 128, 64>}, {pipeline_mode = #tpu.pipeline_mode<synchronous>, transform_indices = @transform_4, window_bounds = array<i64: 1, 64>}, {pipeline_mode = #tpu.pipeline_mode<synchronous>, transform_indices = @transform_5, window_bounds = array<i64: 64, 64>}, {transform_indices = @transform_6, window_bounds = array<i64: 1024, 64>}, {transform_indices = @transform_7, window_bounds = array<i64: 1024, 1>}]} {
    %get3A = arith.constant 0 : index
    %get3A_0 = arith.constant 0 : index
    %get3A_1 = vector.load %arg2[%get3A, %get3A_0] : memref<1024x1xf32, #tpu.memory_space<vmem>>, vector<1024x1xf32>
    %get3A_2 = arith.constant 0 : index
    %get3A_3 = arith.constant 0 : index
    %get3A_4 = vector.load %arg3[%get3A_2, %get3A_3] : memref<1024x1xf32, #tpu.memory_space<vmem>>, vector<1024x1xf32>
    %add3A = arith.addf %get3A_1, %get3A_4 : vector<1024x1xf32>
    %add3A_5 = arith.constant 1.000000e+00 : f32
    %add3A_6 = vector.broadcast %add3A_5 : f32 to vector<1024x1xf32>
    %add3A_7 = arith.addf %add3A, %add3A_6 : vector<1024x1xf32>
    %rsqrt3A = math.rsqrt %add3A_7 : vector<1024x1xf32>
    %get3A_8 = arith.constant 0 : index
    %get3A_9 = arith.constant 0 : index
    %get3A_10 = vector.load %arg1[%get3A_8, %get3A_9] : memref<1024x128xf32, #tpu.memory_space<vmem>>, vector<1024x128xf32>
    %get3A_11 = arith.constant 0 : index
    %get3A_12 = arith.constant 0 : index
    %get3A_13 = vector.load %arg4[%get3A_11, %get3A_12] : memref<128x64xf32, #tpu.memory_space<vmem>>, vector<128x64xf32>
    %dot_general3A = arith.constant dense<0.000000e+00> : vector<1024x64xf32>
    %dot_general3A_14 = tpu.matmul %get3A_10, %get3A_13, %dot_general3A {dimension_numbers = #tpu.dot_dimension_numbers<[1], [0], [0], [1], [0, 0, 1, 1], [], []>, transpose_lhs_hint = false} : vector<1024x128xf32>, vector<128x64xf32>, vector<1024x64xf32> -> vector<1024x64xf32>
    %get3A_15 = arith.constant 0 : index
    %get3A_16 = arith.constant 0 : index
    %get3A_17 = vector.load %arg5[%get3A_15, %get3A_16] : memref<1x64xf32, #tpu.memory_space<vmem>>, vector<1x64xf32>
    %add3A_18 = vector.broadcast %get3A_17 : vector<1x64xf32> to vector<1024x64xf32>
    %add3A_19 = arith.addf %dot_general3A_14, %add3A_18 : vector<1024x64xf32>
    %max3A = arith.constant 0.000000e+00 : f32
    %max3A_20 = vector.broadcast %max3A : f32 to vector<1024x64xf32>
    %max3A_21 = arith.maximumf %add3A_19, %max3A_20 : vector<1024x64xf32>
    %get3A_22 = arith.constant 0 : index
    %get3A_23 = arith.constant 0 : index
    %get3A_24 = vector.load %arg6[%get3A_22, %get3A_23] : memref<64x64xf32, #tpu.memory_space<vmem>>, vector<64x64xf32>
    %dot_general3A_25 = arith.constant dense<0.000000e+00> : vector<1024x64xf32>
    %dot_general3A_26 = tpu.matmul %max3A_21, %get3A_24, %dot_general3A_25 {dimension_numbers = #tpu.dot_dimension_numbers<[1], [0], [0], [1], [0, 0, 1, 1], [], []>, transpose_lhs_hint = false} : vector<1024x64xf32>, vector<64x64xf32>, vector<1024x64xf32> -> vector<1024x64xf32>
    %mul3A = vector.broadcast %rsqrt3A : vector<1024x1xf32> to vector<1024x64xf32>
    %mul3A_27 = arith.mulf %dot_general3A_26, %mul3A : vector<1024x64xf32>
    %swap3A = arith.constant 0 : index
    %swap3A_28 = arith.constant 0 : index
    %swap3A_29 = vector.load %arg7[%swap3A, %swap3A_28] : memref<1024x64xf32, #tpu.memory_space<vmem>>, vector<1024x64xf32>
    tpu.vector_store %arg7[%swap3A, %swap3A_28], %mul3A_27 {strides = array<i32>} : memref<1024x64xf32, #tpu.memory_space<vmem>>, vector<1024x64xf32>,
    %swap3A_30 = arith.constant 0 : index
    %swap3A_31 = arith.constant 0 : index
    %swap3A_32 = vector.load %arg8[%swap3A_30, %swap3A_31] : memref<1024x1xf32, #tpu.memory_space<vmem>>, vector<1024x1xf32>
    tpu.vector_store %arg8[%swap3A_30, %swap3A_31], %rsqrt3A {strides = array<i32>} : memref<1024x1xf32, #tpu.memory_space<vmem>>, vector<1024x1xf32>,
    return
  }
  func.func @transform_0(%arg0: i32) -> (i32, i32) {
    %c0_i32 = arith.constant 0 : i32
    %c0_i32_0 = arith.constant 0 : i32
    return %arg0, %c0_i32 : i32, i32
  }
  func.func @transform_1(%arg0: i32) -> (i32, i32) {
    %c0_i32 = arith.constant 0 : i32
    %c0_i32_0 = arith.constant 0 : i32
    return %arg0, %c0_i32 : i32, i32
  }
  func.func @transform_2(%arg0: i32) -> (i32, i32) {
    %c0_i32 = arith.constant 0 : i32
    %c0_i32_0 = arith.constant 0 : i32
    return %arg0, %c0_i32 : i32, i32
  }
  func.func @transform_3(%arg0: i32) -> (i32, i32) {
    %c0_i32 = arith.constant 0 : i32
    %c0_i32_0 = arith.constant 0 : i32
    %c0_i32_1 = arith.constant 0 : i32
    return %c0_i32, %c0_i32_0 : i32, i32
  }
  func.func @transform_4(%arg0: i32) -> (i32, i32) {
    %c0_i32 = arith.constant 0 : i32
    %c0_i32_0 = arith.constant 0 : i32
    %c0_i32_1 = arith.constant 0 : i32
    return %c0_i32, %c0_i32_0 : i32, i32
  }
  func.func @transform_5(%arg0: i32) -> (i32, i32) {
    %c0_i32 = arith.constant 0 : i32
    %c0_i32_0 = arith.constant 0 : i32
    %c0_i32_1 = arith.constant 0 : i32
    return %c0_i32, %c0_i32_0 : i32, i32
  }
  func.func @transform_6(%arg0: i32) -> (i32, i32) {
    %c0_i32 = arith.constant 0 : i32
    %c0_i32_0 = arith.constant 0 : i32
    return %arg0, %c0_i32 : i32, i32
  }
  func.func @transform_7(%arg0: i32) -> (i32, i32) {
    %c0_i32 = arith.constant 0 : i32
    %c0_i32_0 = arith.constant 0 : i32
    return %arg0, %c0_i32 : i32, i32
  }
}

module attributes {stable_mosaic.version = 14 : i64} {
  func.func @body(%arg0: i32, %arg1: memref<1024x64xf32, #tpu.memory_space<vmem>>, %arg2: memref<1024x64xf32, #tpu.memory_space<vmem>>, %arg3: memref<1024x64xf32, #tpu.memory_space<vmem>>, %arg4: memref<1024x1xf32, #tpu.memory_space<vmem>>, %arg5: memref<1x64xf32, #tpu.memory_space<vmem>>, %arg6: memref<1x64xf32, #tpu.memory_space<vmem>>, %arg7: memref<1x64xf32, #tpu.memory_space<vmem>>, %arg8: memref<64x64xf32, #tpu.memory_space<vmem>>, %arg9: memref<1024x64xf32, #tpu.memory_space<vmem>>) attributes {dimension_semantics = [#tpu.dimension_semantics<arbitrary>], iteration_bounds = array<i64: 10>, scalar_prefetch = 0 : i64, scratch_operands = 0 : i64, tpu.core_type = #tpu.core_type<tc>, window_params = [{transform_indices = @transform_0, window_bounds = array<i64: 1024, 64>}, {transform_indices = @transform_1, window_bounds = array<i64: 1024, 64>}, {transform_indices = @transform_2, window_bounds = array<i64: 1024, 64>}, {transform_indices = @transform_3, window_bounds = array<i64: 1024, 1>}, {pipeline_mode = #tpu.pipeline_mode<synchronous>, transform_indices = @transform_4, window_bounds = array<i64: 1, 64>}, {pipeline_mode = #tpu.pipeline_mode<synchronous>, transform_indices = @transform_5, window_bounds = array<i64: 1, 64>}, {pipeline_mode = #tpu.pipeline_mode<synchronous>, transform_indices = @transform_6, window_bounds = array<i64: 1, 64>}, {pipeline_mode = #tpu.pipeline_mode<synchronous>, transform_indices = @transform_7, window_bounds = array<i64: 64, 64>}, {transform_indices = @transform_8, window_bounds = array<i64: 1024, 64>}]} {
    %get3A = arith.constant 0 : index
    %get3A_0 = arith.constant 0 : index
    %get3A_1 = vector.load %arg5[%get3A, %get3A_0] : memref<1x64xf32, #tpu.memory_space<vmem>>, vector<1x64xf32>
    %mul3A = arith.constant 0.999994993 : f32
    %mul3A_2 = vector.broadcast %mul3A : f32 to vector<1x64xf32>
    %mul3A_3 = arith.mulf %get3A_1, %mul3A_2 : vector<1x64xf32>
    %get3A_4 = arith.constant 0 : index
    %get3A_5 = arith.constant 0 : index
    %get3A_6 = vector.load %arg7[%get3A_4, %get3A_5] : memref<1x64xf32, #tpu.memory_space<vmem>>, vector<1x64xf32>
    %mul3A_7 = arith.mulf %get3A_6, %mul3A_3 : vector<1x64xf32>
    %get3A_8 = arith.constant 0 : index
    %get3A_9 = arith.constant 0 : index
    %get3A_10 = vector.load %arg6[%get3A_8, %get3A_9] : memref<1x64xf32, #tpu.memory_space<vmem>>, vector<1x64xf32>
    %add3A = arith.addf %mul3A_7, %get3A_10 : vector<1x64xf32>
    %get3A_11 = arith.constant 0 : index
    %get3A_12 = arith.constant 0 : index
    %get3A_13 = vector.load %arg4[%get3A_11, %get3A_12] : memref<1024x1xf32, #tpu.memory_space<vmem>>, vector<1024x1xf32>
    %get3A_14 = arith.constant 0 : index
    %get3A_15 = arith.constant 0 : index
    %get3A_16 = vector.load %arg1[%get3A_14, %get3A_15] : memref<1024x64xf32, #tpu.memory_space<vmem>>, vector<1024x64xf32>
    %get3A_17 = arith.constant 0 : index
    %get3A_18 = arith.constant 0 : index
    %get3A_19 = vector.load %arg2[%get3A_17, %get3A_18] : memref<1024x64xf32, #tpu.memory_space<vmem>>, vector<1024x64xf32>
    %add3A_20 = arith.addf %get3A_16, %get3A_19 : vector<1024x64xf32>
    %get3A_21 = arith.constant 0 : index
    %get3A_22 = arith.constant 0 : index
    %get3A_23 = vector.load %arg3[%get3A_21, %get3A_22] : memref<1024x64xf32, #tpu.memory_space<vmem>>, vector<1024x64xf32>
    %add3A_24 = arith.addf %add3A_20, %get3A_23 : vector<1024x64xf32>
    %mul3A_25 = vector.broadcast %get3A_13 : vector<1024x1xf32> to vector<1024x64xf32>
    %mul3A_26 = arith.mulf %add3A_24, %mul3A_25 : vector<1024x64xf32>
    %mul3A_27 = vector.broadcast %mul3A_3 : vector<1x64xf32> to vector<1024x64xf32>
    %mul3A_28 = arith.mulf %mul3A_26, %mul3A_27 : vector<1024x64xf32>
    %add3A_29 = vector.broadcast %add3A : vector<1x64xf32> to vector<1024x64xf32>
    %add3A_30 = arith.addf %mul3A_28, %add3A_29 : vector<1024x64xf32>
    %max3A = arith.constant 0.000000e+00 : f32
    %max3A_31 = vector.broadcast %max3A : f32 to vector<1024x64xf32>
    %max3A_32 = arith.maximumf %add3A_30, %max3A_31 : vector<1024x64xf32>
    %get3A_33 = arith.constant 0 : index
    %get3A_34 = arith.constant 0 : index
    %get3A_35 = vector.load %arg8[%get3A_33, %get3A_34] : memref<64x64xf32, #tpu.memory_space<vmem>>, vector<64x64xf32>
    %dot_general3A = arith.constant dense<0.000000e+00> : vector<1024x64xf32>
    %dot_general3A_36 = tpu.matmul %max3A_32, %get3A_35, %dot_general3A {dimension_numbers = #tpu.dot_dimension_numbers<[1], [0], [0], [1], [0, 0, 1, 1], [], []>, transpose_lhs_hint = false} : vector<1024x64xf32>, vector<64x64xf32>, vector<1024x64xf32> -> vector<1024x64xf32>
    %mul3A_37 = vector.broadcast %get3A_13 : vector<1024x1xf32> to vector<1024x64xf32>
    %mul3A_38 = arith.mulf %dot_general3A_36, %mul3A_37 : vector<1024x64xf32>
    %swap3A = arith.constant 0 : index
    %swap3A_39 = arith.constant 0 : index
    %swap3A_40 = vector.load %arg9[%swap3A, %swap3A_39] : memref<1024x64xf32, #tpu.memory_space<vmem>>, vector<1024x64xf32>
    tpu.vector_store %arg9[%swap3A, %swap3A_39], %mul3A_38 {strides = array<i32>} : memref<1024x64xf32, #tpu.memory_space<vmem>>, vector<1024x64xf32>,
    return
  }
  func.func @transform_0(%arg0: i32) -> (i32, i32) {
    %c0_i32 = arith.constant 0 : i32
    %c0_i32_0 = arith.constant 0 : i32
    return %arg0, %c0_i32 : i32, i32
  }
  func.func @transform_1(%arg0: i32) -> (i32, i32) {
    %c0_i32 = arith.constant 0 : i32
    %c0_i32_0 = arith.constant 0 : i32
    return %arg0, %c0_i32 : i32, i32
  }
  func.func @transform_2(%arg0: i32) -> (i32, i32) {
    %c0_i32 = arith.constant 0 : i32
    %c0_i32_0 = arith.constant 0 : i32
    return %arg0, %c0_i32 : i32, i32
  }
  func.func @transform_3(%arg0: i32) -> (i32, i32) {
    %c0_i32 = arith.constant 0 : i32
    %c0_i32_0 = arith.constant 0 : i32
    return %arg0, %c0_i32 : i32, i32
  }
  func.func @transform_4(%arg0: i32) -> (i32, i32) {
    %c0_i32 = arith.constant 0 : i32
    %c0_i32_0 = arith.constant 0 : i32
    %c0_i32_1 = arith.constant 0 : i32
    return %c0_i32, %c0_i32_0 : i32, i32
  }
  func.func @transform_5(%arg0: i32) -> (i32, i32) {
    %c0_i32 = arith.constant 0 : i32
    %c0_i32_0 = arith.constant 0 : i32
    %c0_i32_1 = arith.constant 0 : i32
    return %c0_i32, %c0_i32_0 : i32, i32
  }
  func.func @transform_6(%arg0: i32) -> (i32, i32) {
    %c0_i32 = arith.constant 0 : i32
    %c0_i32_0 = arith.constant 0 : i32
    %c0_i32_1 = arith.constant 0 : i32
    return %c0_i32, %c0_i32_0 : i32, i32
  }
  func.func @transform_7(%arg0: i32) -> (i32, i32) {
    %c0_i32 = arith.constant 0 : i32
    %c0_i32_0 = arith.constant 0 : i32
    %c0_i32_1 = arith.constant 0 : i32
    return %c0_i32, %c0_i32_0 : i32, i32
  }
  func.func @transform_8(%arg0: i32) -> (i32, i32) {
    %c0_i32 = arith.constant 0 : i32
    %c0_i32_0 = arith.constant 0 : i32
    return %arg0, %c0_i32 : i32, i32
  }
}

module attributes {stable_mosaic.version = 14 : i64} {
  func.func @body(%arg0: i32, %arg1: memref<1024x64xf32, #tpu.memory_space<vmem>>, %arg2: memref<1024x64xf32, #tpu.memory_space<vmem>>, %arg3: memref<1024x64xf32, #tpu.memory_space<vmem>>, %arg4: memref<1024x1xf32, #tpu.memory_space<vmem>>, %arg5: memref<1x64xf32, #tpu.memory_space<vmem>>, %arg6: memref<1x64xf32, #tpu.memory_space<vmem>>, %arg7: memref<1x64xf32, #tpu.memory_space<vmem>>, %arg8: memref<1024x1xi32, #tpu.memory_space<vmem>>, %arg9: memref<64x32xf32, #tpu.memory_space<vmem>>, %arg10: memref<1x32xf32, #tpu.memory_space<vmem>>, %arg11: memref<32x6xf32, #tpu.memory_space<vmem>>, %arg12: memref<1x6xf32, #tpu.memory_space<vmem>>, %arg13: memref<16x6xf32, #tpu.memory_space<vmem>>, %arg14: memref<16x64xf32, #tpu.memory_space<vmem>>, %arg15: memref<16x1xf32, #tpu.memory_space<vmem>>) attributes {dimension_semantics = [#tpu.dimension_semantics<arbitrary>], iteration_bounds = array<i64: 10>, scalar_prefetch = 0 : i64, scratch_operands = 2 : i64, tpu.core_type = #tpu.core_type<tc>, window_params = [{transform_indices = @transform_0, window_bounds = array<i64: 1024, 64>}, {transform_indices = @transform_1, window_bounds = array<i64: 1024, 64>}, {transform_indices = @transform_2, window_bounds = array<i64: 1024, 64>}, {transform_indices = @transform_3, window_bounds = array<i64: 1024, 1>}, {pipeline_mode = #tpu.pipeline_mode<synchronous>, transform_indices = @transform_4, window_bounds = array<i64: 1, 64>}, {pipeline_mode = #tpu.pipeline_mode<synchronous>, transform_indices = @transform_5, window_bounds = array<i64: 1, 64>}, {pipeline_mode = #tpu.pipeline_mode<synchronous>, transform_indices = @transform_6, window_bounds = array<i64: 1, 64>}, {transform_indices = @transform_7, window_bounds = array<i64: 1024, 1>}, {pipeline_mode = #tpu.pipeline_mode<synchronous>, transform_indices = @transform_8, window_bounds = array<i64: 64, 32>}, {pipeline_mode = #tpu.pipeline_mode<synchronous>, transform_indices = @transform_9, window_bounds = array<i64: 1, 32>}, {pipeline_mode = #tpu.pipeline_mode<synchronous>, transform_indices = @transform_10, window_bounds = array<i64: 32, 6>}, {pipeline_mode = #tpu.pipeline_mode<synchronous>, transform_indices = @transform_11, window_bounds = array<i64: 1, 6>}, {pipeline_mode = #tpu.pipeline_mode<synchronous>, transform_indices = @transform_12, window_bounds = array<i64: 16, 6>}]} {
    %eq3A = arith.constant 0 : i32
    %eq3A_0 = arith.cmpi eq, %arg0, %eq3A : i32
    %convert_element_type3A = arith.extui %eq3A_0 : i1 to i32
    %cond3A = arith.constant 0 : i32
    %cond3A_1 = arith.cmpi ne, %convert_element_type3A, %cond3A : i32
    scf.if %cond3A_1 {
      %broadcast_in_dim3A_64 = arith.constant 0.000000e+00 : f32
      %broadcast_in_dim3A_65 = vector.broadcast %broadcast_in_dim3A_64 : f32 to vector<16x64xf32>
      %swap3A_66 = arith.constant 0 : index
      %swap3A_67 = arith.constant 0 : index
      %swap3A_68 = vector.load %arg14[%swap3A_66, %swap3A_67] : memref<16x64xf32, #tpu.memory_space<vmem>>, vector<16x64xf32>
      tpu.vector_store %arg14[%swap3A_66, %swap3A_67], %broadcast_in_dim3A_65 {strides = array<i32>} : memref<16x64xf32, #tpu.memory_space<vmem>>, vector<16x64xf32>,
      %broadcast_in_dim3A_69 = arith.constant 0.000000e+00 : f32
      %broadcast_in_dim3A_70 = vector.broadcast %broadcast_in_dim3A_69 : f32 to vector<16x1xf32>
      %swap3A_71 = arith.constant 0 : index
      %swap3A_72 = arith.constant 0 : index
      %swap3A_73 = vector.load %arg15[%swap3A_71, %swap3A_72] : memref<16x1xf32, #tpu.memory_space<vmem>>, vector<16x1xf32>
      tpu.vector_store %arg15[%swap3A_71, %swap3A_72], %broadcast_in_dim3A_70 {strides = array<i32>} : memref<16x1xf32, #tpu.memory_space<vmem>>, vector<16x1xf32>,
    } else {
    }
    %get3A = arith.constant 0 : index
    %get3A_2 = arith.constant 0 : index
    %get3A_3 = vector.load %arg5[%get3A, %get3A_2] : memref<1x64xf32, #tpu.memory_space<vmem>>, vector<1x64xf32>
    %mul3A = arith.constant 0.999994993 : f32
    %mul3A_4 = vector.broadcast %mul3A : f32 to vector<1x64xf32>
    %mul3A_5 = arith.mulf %get3A_3, %mul3A_4 : vector<1x64xf32>
    %get3A_6 = arith.constant 0 : index
    %get3A_7 = arith.constant 0 : index
    %get3A_8 = vector.load %arg7[%get3A_6, %get3A_7] : memref<1x64xf32, #tpu.memory_space<vmem>>, vector<1x64xf32>
    %mul3A_9 = arith.mulf %get3A_8, %mul3A_5 : vector<1x64xf32>
    %get3A_10 = arith.constant 0 : index
    %get3A_11 = arith.constant 0 : index
    %get3A_12 = vector.load %arg6[%get3A_10, %get3A_11] : memref<1x64xf32, #tpu.memory_space<vmem>>, vector<1x64xf32>
    %add3A = arith.addf %mul3A_9, %get3A_12 : vector<1x64xf32>
    %get3A_13 = arith.constant 0 : index
    %get3A_14 = arith.constant 0 : index
    %get3A_15 = vector.load %arg4[%get3A_13, %get3A_14] : memref<1024x1xf32, #tpu.memory_space<vmem>>, vector<1024x1xf32>
    %get3A_16 = arith.constant 0 : index
    %get3A_17 = arith.constant 0 : index
    %get3A_18 = vector.load %arg1[%get3A_16, %get3A_17] : memref<1024x64xf32, #tpu.memory_space<vmem>>, vector<1024x64xf32>
    %get3A_19 = arith.constant 0 : index
    %get3A_20 = arith.constant 0 : index
    %get3A_21 = vector.load %arg2[%get3A_19, %get3A_20] : memref<1024x64xf32, #tpu.memory_space<vmem>>, vector<1024x64xf32>
    %add3A_22 = arith.addf %get3A_18, %get3A_21 : vector<1024x64xf32>
    %get3A_23 = arith.constant 0 : index
    %get3A_24 = arith.constant 0 : index
    %get3A_25 = vector.load %arg3[%get3A_23, %get3A_24] : memref<1024x64xf32, #tpu.memory_space<vmem>>, vector<1024x64xf32>
    %add3A_26 = arith.addf %add3A_22, %get3A_25 : vector<1024x64xf32>
    %mul3A_27 = vector.broadcast %get3A_15 : vector<1024x1xf32> to vector<1024x64xf32>
    %mul3A_28 = arith.mulf %add3A_26, %mul3A_27 : vector<1024x64xf32>
    %mul3A_29 = vector.broadcast %mul3A_5 : vector<1x64xf32> to vector<1024x64xf32>
    %mul3A_30 = arith.mulf %mul3A_28, %mul3A_29 : vector<1024x64xf32>
    %add3A_31 = vector.broadcast %add3A : vector<1x64xf32> to vector<1024x64xf32>
    %add3A_32 = arith.addf %mul3A_30, %add3A_31 : vector<1024x64xf32>
    %max3A = arith.constant 0.000000e+00 : f32
    %max3A_33 = vector.broadcast %max3A : f32 to vector<1024x64xf32>
    %max3A_34 = arith.maximumf %add3A_32, %max3A_33 : vector<1024x64xf32>
    %iota3A = tpu.iota {dimensions = array<i32: 1>} : vector<1024x16xi32>
    %get3A_35 = arith.constant 0 : index
    %get3A_36 = arith.constant 0 : index
    %get3A_37 = vector.load %arg8[%get3A_35, %get3A_36] : memref<1024x1xi32, #tpu.memory_space<vmem>>, vector<1024x1xi32>
    %eq3A_38 = vector.broadcast %get3A_37 : vector<1024x1xi32> to vector<1024x16xi32>
    %eq3A_39 = arith.cmpi eq, %iota3A, %eq3A_38 : vector<1024x16xi32>
    %convert_element_type3A_40 = arith.extui %eq3A_39 : vector<1024x16xi1> to vector<1024x16xi32>
    %convert_element_type3A_41 = arith.sitofp %convert_element_type3A_40 : vector<1024x16xi32> to vector<1024x16xf32>
    %get3A_42 = arith.constant 0 : index
    %get3A_43 = arith.constant 0 : index
    %get3A_44 = vector.load %arg14[%get3A_42, %get3A_43] : memref<16x64xf32, #tpu.memory_space<vmem>>, vector<16x64xf32>
    %dot_general3A = arith.constant dense<0.000000e+00> : vector<16x64xf32>
    %dot_general3A_45 = tpu.matmul %convert_element_type3A_41, %max3A_34, %dot_general3A {dimension_numbers = #tpu.dot_dimension_numbers<[0], [0], [1], [1], [0, 1, 1, 1], [], []>, transpose_lhs_hint = false} : vector<1024x16xf32>, vector<1024x64xf32>, vector<16x64xf32> -> vector<16x64xf32>
    %add3A_46 = arith.addf %get3A_44, %dot_general3A_45 : vector<16x64xf32>
    %swap3A = arith.constant 0 : index
    %swap3A_47 = arith.constant 0 : index
    %swap3A_48 = vector.load %arg14[%swap3A, %swap3A_47] : memref<16x64xf32, #tpu.memory_space<vmem>>, vector<16x64xf32>
    tpu.vector_store %arg14[%swap3A, %swap3A_47], %add3A_46 {strides = array<i32>} : memref<16x64xf32, #tpu.memory_space<vmem>>, vector<16x64xf32>,
    %get3A_49 = arith.constant 0 : index
    %get3A_50 = arith.constant 0 : index
    %get3A_51 = vector.load %arg15[%get3A_49, %get3A_50] : memref<16x1xf32, #tpu.memory_space<vmem>>, vector<16x1xf32>
    %broadcast_in_dim3A = arith.constant 1.000000e+00 : f32
    %broadcast_in_dim3A_52 = vector.broadcast %broadcast_in_dim3A : f32 to vector<1024x1xf32>
    %dot_general3A_53 = arith.constant dense<0.000000e+00> : vector<16x1xf32>
    %dot_general3A_54 = tpu.matmul %convert_element_type3A_41, %broadcast_in_dim3A_52, %dot_general3A_53 {dimension_numbers = #tpu.dot_dimension_numbers<[0], [0], [1], [1], [0, 1, 1, 1], [], []>, transpose_lhs_hint = false} : vector<1024x16xf32>, vector<1024x1xf32>, vector<16x1xf32> -> vector<16x1xf32>
    %add3A_55 = arith.addf %get3A_51, %dot_general3A_54 : vector<16x1xf32>
    %swap3A_56 = arith.constant 0 : index
    %swap3A_57 = arith.constant 0 : index
    %swap3A_58 = vector.load %arg15[%swap3A_56, %swap3A_57] : memref<16x1xf32, #tpu.memory_space<vmem>>, vector<16x1xf32>
    tpu.vector_store %arg15[%swap3A_56, %swap3A_57], %add3A_55 {strides = array<i32>} : memref<16x1xf32, #tpu.memory_space<vmem>>, vector<16x1xf32>,
    %eq3A_59 = arith.constant 9 : i32
    %eq3A_60 = arith.cmpi eq, %arg0, %eq3A_59 : i32
    %convert_element_type3A_61 = arith.extui %eq3A_60 : i1 to i32
    %cond3A_62 = arith.constant 0 : i32
    %cond3A_63 = arith.cmpi ne, %convert_element_type3A_61, %cond3A_62 : i32
    scf.if %cond3A_63 {
      %get3A_64 = arith.constant 0 : index
      %get3A_65 = arith.constant 0 : index
      %get3A_66 = vector.load %arg14[%get3A_64, %get3A_65] : memref<16x64xf32, #tpu.memory_space<vmem>>, vector<16x64xf32>
      %get3A_67 = arith.constant 0 : index
      %get3A_68 = arith.constant 0 : index
      %get3A_69 = vector.load %arg15[%get3A_67, %get3A_68] : memref<16x1xf32, #tpu.memory_space<vmem>>, vector<16x1xf32>
      %max3A_70 = arith.constant 1.000000e+00 : f32
      %max3A_71 = vector.broadcast %max3A_70 : f32 to vector<16x1xf32>
      %max3A_72 = arith.maximumf %get3A_69, %max3A_71 : vector<16x1xf32>
      %div3A = vector.broadcast %max3A_72 : vector<16x1xf32> to vector<16x64xf32>
      %div3A_73 = arith.divf %get3A_66, %div3A : vector<16x64xf32>
      %get3A_74 = arith.constant 0 : index
      %get3A_75 = arith.constant 0 : index
      %get3A_76 = vector.load %arg9[%get3A_74, %get3A_75] : memref<64x32xf32, #tpu.memory_space<vmem>>, vector<64x32xf32>
      %dot_general3A_77 = arith.constant dense<0.000000e+00> : vector<16x32xf32>
      %dot_general3A_78 = tpu.matmul %div3A_73, %get3A_76, %dot_general3A_77 {dimension_numbers = #tpu.dot_dimension_numbers<[1], [0], [0], [1], [0, 0, 1, 1], [], []>, transpose_lhs_hint = false} : vector<16x64xf32>, vector<64x32xf32>, vector<16x32xf32> -> vector<16x32xf32>
      %get3A_79 = arith.constant 0 : index
      %get3A_80 = arith.constant 0 : index
      %get3A_81 = vector.load %arg10[%get3A_79, %get3A_80] : memref<1x32xf32, #tpu.memory_space<vmem>>, vector<1x32xf32>
      %add3A_82 = vector.broadcast %get3A_81 : vector<1x32xf32> to vector<16x32xf32>
      %add3A_83 = arith.addf %dot_general3A_78, %add3A_82 : vector<16x32xf32>
      %max3A_84 = arith.constant 0.000000e+00 : f32
      %max3A_85 = vector.broadcast %max3A_84 : f32 to vector<16x32xf32>
      %max3A_86 = arith.maximumf %add3A_83, %max3A_85 : vector<16x32xf32>
      %get3A_87 = arith.constant 0 : index
      %get3A_88 = arith.constant 0 : index
      %get3A_89 = vector.load %arg11[%get3A_87, %get3A_88] : memref<32x6xf32, #tpu.memory_space<vmem>>, vector<32x6xf32>
      %dot_general3A_90 = arith.constant dense<0.000000e+00> : vector<16x6xf32>
      %dot_general3A_91 = tpu.matmul %max3A_86, %get3A_89, %dot_general3A_90 {dimension_numbers = #tpu.dot_dimension_numbers<[1], [0], [0], [1], [0, 0, 1, 1], [], []>, transpose_lhs_hint = false} : vector<16x32xf32>, vector<32x6xf32>, vector<16x6xf32> -> vector<16x6xf32>
      %get3A_92 = arith.constant 0 : index
      %get3A_93 = arith.constant 0 : index
      %get3A_94 = vector.load %arg12[%get3A_92, %get3A_93] : memref<1x6xf32, #tpu.memory_space<vmem>>, vector<1x6xf32>
      %add3A_95 = vector.broadcast %get3A_94 : vector<1x6xf32> to vector<16x6xf32>
      %add3A_96 = arith.addf %dot_general3A_91, %add3A_95 : vector<16x6xf32>
      %swap3A_97 = arith.constant 0 : index
      %swap3A_98 = arith.constant 0 : index
      %swap3A_99 = vector.load %arg13[%swap3A_97, %swap3A_98] : memref<16x6xf32, #tpu.memory_space<vmem>>, vector<16x6xf32>
      tpu.vector_store %arg13[%swap3A_97, %swap3A_98], %add3A_96 {strides = array<i32>} : memref<16x6xf32, #tpu.memory_space<vmem>>, vector<16x6xf32>,
    } else {
    }
    return
  }
  func.func @transform_0(%arg0: i32) -> (i32, i32) {
    %c0_i32 = arith.constant 0 : i32
    %c0_i32_0 = arith.constant 0 : i32
    return %arg0, %c0_i32 : i32, i32
  }
  func.func @transform_1(%arg0: i32) -> (i32, i32) {
    %c0_i32 = arith.constant 0 : i32
    %c0_i32_0 = arith.constant 0 : i32
    return %arg0, %c0_i32 : i32, i32
  }
  func.func @transform_2(%arg0: i32) -> (i32, i32) {
    %c0_i32 = arith.constant 0 : i32
    %c0_i32_0 = arith.constant 0 : i32
    return %arg0, %c0_i32 : i32, i32
  }
  func.func @transform_3(%arg0: i32) -> (i32, i32) {
    %c0_i32 = arith.constant 0 : i32
    %c0_i32_0 = arith.constant 0 : i32
    return %arg0, %c0_i32 : i32, i32
  }
  func.func @transform_4(%arg0: i32) -> (i32, i32) {
    %c0_i32 = arith.constant 0 : i32
    %c0_i32_0 = arith.constant 0 : i32
    %c0_i32_1 = arith.constant 0 : i32
    return %c0_i32, %c0_i32_0 : i32, i32
  }
  func.func @transform_5(%arg0: i32) -> (i32, i32) {
    %c0_i32 = arith.constant 0 : i32
    %c0_i32_0 = arith.constant 0 : i32
    %c0_i32_1 = arith.constant 0 : i32
    return %c0_i32, %c0_i32_0 : i32, i32
  }
  func.func @transform_6(%arg0: i32) -> (i32, i32) {
    %c0_i32 = arith.constant 0 : i32
    %c0_i32_0 = arith.constant 0 : i32
    %c0_i32_1 = arith.constant 0 : i32
    return %c0_i32, %c0_i32_0 : i32, i32
  }
  func.func @transform_7(%arg0: i32) -> (i32, i32) {
    %c0_i32 = arith.constant 0 : i32
    %c0_i32_0 = arith.constant 0 : i32
    return %arg0, %c0_i32 : i32, i32
  }
  func.func @transform_8(%arg0: i32) -> (i32, i32) {
    %c0_i32 = arith.constant 0 : i32
    %c0_i32_0 = arith.constant 0 : i32
    %c0_i32_1 = arith.constant 0 : i32
    return %c0_i32, %c0_i32_0 : i32, i32
  }
  func.func @transform_9(%arg0: i32) -> (i32, i32) {
    %c0_i32 = arith.constant 0 : i32
    %c0_i32_0 = arith.constant 0 : i32
    %c0_i32_1 = arith.constant 0 : i32
    return %c0_i32, %c0_i32_0 : i32, i32
  }
  func.func @transform_10(%arg0: i32) -> (i32, i32) {
    %c0_i32 = arith.constant 0 : i32
    %c0_i32_0 = arith.constant 0 : i32
    %c0_i32_1 = arith.constant 0 : i32
    return %c0_i32, %c0_i32_0 : i32, i32
  }
  func.func @transform_11(%arg0: i32) -> (i32, i32) {
    %c0_i32 = arith.constant 0 : i32
    %c0_i32_0 = arith.constant 0 : i32
    %c0_i32_1 = arith.constant 0 : i32
    return %c0_i32, %c0_i32_0 : i32, i32
  }
  func.func @transform_12(%arg0: i32) -> (i32, i32) {
    %c0_i32 = arith.constant 0 : i32
    %c0_i32_0 = arith.constant 0 : i32
    %c0_i32_1 = arith.constant 0 : i32
    return %c0_i32, %c0_i32_0 : i32, i32
  }
}

</mosaic_0001>

<sc_bundles>
// kernel: kernel.10.cloned.1.call-start
scs
__scs_entry_jumppad:
0x0: {  	(pc) =	sbr.rel $0x88, $3  }
0x1: {  	(tag) =	ssettag $0x0;
	lr =	simm.s32 $0x1  }
0x2: {  	[smem:$0x3F8C] =	sst lr;
	_ =	strace $0xD0000000  }
0x3: {  	_ = 	snop  }
0x4: {  	_ = 	snop  }
0x5: {  	_ = 	snop  }
0x6: {  	_ = 	snop  }
0x7: {  	_ = 	snop  }
__scs_overlays_trampoline_lowered:
0x8: {  	[smem:$0x3F9B] =	sst s0  }
0x9: {  	[smem:$0x3F9C] =	sst s1  }
0xa: {  	[smem:$0x3F9D] =	sst s2  }
0xb: {  	[smem:$0x3F9E] =	sst s3  }
0xc: {  	[smem:$0x3F9F] =	sst s4  }
0xd: {  	[smem:$0x3FA0] =	sst s5  }
0xe: {  	[smem:$0x3FA1] =	sst s6  }
0xf: {  	[smem:$0x3FA2] =	sst s7  }
0x10: {  	[smem:$0x3FA3] =	sst s8  }
0x11: {  	[smem:$0x3FA4] =	sst s9;
	s0 =	simm.s32 @!p0 $0x0  }
0x12: {  	s1 =	sld [smem:$0x3F8A];
	s0 =	simm.s32 @p0 $0x1  }
0x13: {  	[smem:$0x3FA5] =	sst s0;
	s0 =	simm.s32 @!p1 $0x0  }
0x14: {  	s2 =	sld [smem:$0x3F89];
	s0 =	simm.s32 @p1 $0x1  }
0x15: {  	[smem:$0x3FA6] =	sst s0;
	s0 =	simm.s32 @!p2 $0x0  }
0x16: {  	s3 =	sld [smem:$0x3FDB];
	s0 =	simm.s32 @p2 $0x1  }
0x17: {  	s4 =	simm.s32 $0x1BF5;
	[smem:$0x3FA8] =	sst s0  }
0x18: {  	s0 =	sld [smem:$0x3F8B];
	_ =	swait.ge [sflag:s4], $0x0  }
0x19: {  	s7 =	sld [smem:$0x3F8C]  }
0x1a: {  	s8 =	sadd.s32 $0xFFFFE003, lr  }
0x1b: {  	s9 =	sadd.s32 $0xFFFFFEF7, lr;
	s5 =	simm.s32 $0xFFFFFFFF;
	p2 =	slt.u32 s8, $0xFFFFF086  }
0x1c: {  	p1 =	slt.u32 s9, $0xF7A;
	s5 =	simm.s32 @!p2 $0x0  }
0x1d: {  	s5 =	simm.s32 @p1 $0x1;
	p0 =	seq.s32 s7, s2  }
0x1e: {  	s7 =	smul.u32 @!p0 $0xF7A, s2;
	p2 =	seq.s32 @!p0 s5, $0x0  }
0x1f: {  	s9 =	smul.u32 $0xF7A, s1;
	s8 =	simm.s32 @!p0 $0x1BF5;
	p2 =	por !p2, p0  }
0x20: {  	[sflag:s8] =	ssyncset.s32 @!p0 $0xFFFFF086;
	s6 =	sadd.s32 @!p0 s3, s7;
	s7 =	simm.s32 @!p0 $0x108  }
0x21: {  	s3 =	sadd.s32 s3, s9;
	s6 =	sadd.s32 @!p0 $0x88, s6;
	s7 =	simm.s32 @p2 $0x1082  }
0x22: {  	[simem:s7], [sflag:s8] =	dma.local @!p0 [hbm:s6], $0xF7A  }
0x23: {  	s9 =	sor.u32 $0xD0000000, s2;
	s6 =	simm.s32 $0x108;
	_ =	swait.ge @!p0 [sflag:s8], $0x0  }
0x24: {  	s3 =	sadd.s32 $0x88, s3;
	s6 =	simm.s32 @!p1 $0x1082;
	[sflag:s4] =	ssyncset.s32 $0xFFFFF086  }
0x25: {  	[simem:s6], [sflag:s4] =	dma.local [hbm:s3], $0xF7A  }
0x26: {  	[smem:$0x3F8C] =	sst s1;
	(tag) =	ssettag s2;
	_ =	strace s9  }
0x27: {  	s1 =	sld [smem:$0x3F9C]  }
0x28: {  	s2 =	sld [smem:$0x3F9D]  }
0x29: {  	s4 =	sld [smem:$0x3F9F]  }
0x2a: {  	p0 =	seq.s32 s5, $0x0;
	s5 =	sld [smem:$0x3FA0]  }
0x2b: {  	s6 =	sld [smem:$0x3FA1]  }
0x2c: {  	s7 =	sld [smem:$0x3FA2]  }
0x2d: {  	s3 =	simm.s32 $0x108;
	s8 =	sld [smem:$0x3FA3]  }
0x2e: {  	s3 =	simm.s32 @!p0 $0x1082;
	s9 =	sld [smem:$0x3FA4]  }
0x2f: {  	lr =	sadd.s32 s0, s3;
	s0 =	sld [smem:$0x3F9B]  }
0x30: {  	s3 =	sld [smem:$0x3F9E]  }
0x31: {  	[smem:$0x3FA7] =	sst s10  }
0x32: {  	s10 =	sld [smem:$0x3FA5];
	_ =	sdelay $0x3  }
0x33: {  	p0 =	seq.s32 s10, $0x1;
	s10 =	sld [smem:$0x3FA7];
	_ =	sdelay $0x3  }
0x34: {  	[smem:$0x3FA7] =	sst s10  }
0x35: {  	s10 =	sld [smem:$0x3FA6];
	_ =	sdelay $0x3  }
0x36: {  	p1 =	seq.s32 s10, $0x1;
	s10 =	sld [smem:$0x3FA7];
	_ =	sdelay $0x3  }
0x37: {  	[smem:$0x3FA7] =	sst s10  }
0x38: {  	s10 =	sld [smem:$0x3FA8]  }
0x39: {  	_ = 	snop;
	(pc) =	sbr.ind lr, $3  }
0x3a: {  	_ = 	snop  }
0x3b: {  	_ = 	snop  }
0x3c: {  	p2 =	seq.s32 s10, $0x1;
	s10 =	sld [smem:$0x3FA7]  }
0x3d: {  	_ =	shalt  }
0x3e: {  	_ =	shalt  }
0x3f: {  	_ =	shalt  }
0x40: {  	_ =	shalt  }
0x41: {  	_ =	shalt  }
0x42: {  	_ =	shalt  }
0x43: {  	_ =	shalt  }
0x44: {  	_ =	shalt  }
0x45: {  	_ =	shalt  }
0x46: {  	_ =	shalt  }
0x47: {  	_ =	shalt  }
0x48: {  	_ =	shalt  }
0x49: {  	_ =	shalt  }
0x4a: {  	_ =	shalt  }
0x4b: {  	_ =	shalt  }
0x4c: {  	_ =	shalt  }
0x4d: {  	_ =	shalt  }
0x4e: {  	_ =	shalt  }
0x4f: {  	_ =	shalt  }
0x50: {  	_ =	shalt  }
0x51: {  	_ =	shalt  }
0x52: {  	_ =	shalt  }
0x53: {  	_ =	shalt  }
0x54: {  	_ =	shalt  }
0x55: {  	_ =	shalt  }
0x56: {  	_ =	shalt  }
0x57: {  	_ =	shalt  }
0x58: {  	_ =	shalt  }
0x59: {  	_ =	shalt  }
0x5a: {  	_ =	shalt  }
0x5b: {  	_ =	shalt  }
0x5c: {  	_ =	shalt  }
0x5d: {  	_ =	shalt  }
0x5e: {  	_ =	shalt  }
0x5f: {  	_ =	shalt  }
0x60: {  	_ =	shalt  }
0x61: {  	_ =	shalt  }
0x62: {  	_ =	shalt  }
0x63: {  	_ =	shalt  }
0x64: {  	_ =	shalt  }
0x65: {  	_ =	shalt  }
0x66: {  	_ =	shalt  }
0x67: {  	_ =	shalt  }
0x68: {  	_ =	shalt  }
0x69: {  	_ =	shalt  }
0x6a: {  	_ =	shalt  }
0x6b: {  	_ =	shalt  }
0x6c: {  	_ =	shalt  }
0x6d: {  	_ =	shalt  }
0x6e: {  	_ =	shalt  }
0x6f: {  	_ =	shalt  }
0x70: {  	_ =	shalt  }
0x71: {  	_ =	shalt  }
0x72: {  	_ =	shalt  }
0x73: {  	_ =	shalt  }
0x74: {  	_ =	shalt  }
0x75: {  	_ =	shalt  }
0x76: {  	_ =	shalt  }
0x77: {  	_ =	shalt  }
0x78: {  	_ =	shalt  }
0x79: {  	_ =	shalt  }
0x7a: {  	_ =	shalt  }
0x7b: {  	_ =	shalt  }
0x7c: {  	_ =	shalt  }
0x7d: {  	_ =	shalt  }
0x7e: {  	_ =	shalt  }
0x7f: {  	_ =	shalt  }
0x80: {  	_ =	shalt  }
0x81: {  	_ =	shalt  }
0x82: {  	_ =	shalt  }
0x83: {  	_ =	shalt  }
0x84: {  	_ =	shalt  }
0x85: {  	_ =	shalt  }
0x86: {  	_ =	shalt  }
0x87: {  	_ =	shalt  }
.Lfunc_end0:
.L_simem_size_0:
called_computation_lowered:
.L_overlay_start_0:
0x88: {  	s2 =	sld [smem:$0x3FD9]  }
0x89: {  	s3 =	sld [smem:$0x3FFE];
	_ =	sdelay $0x1  }
0x8a: {  	s1 =	srdreg.scid  }
0x8b: {  	s0 =	sand.u32 $0x1, s1  }
0x8c: {  	s16 =	sshll.u32 s0, $0xA;
	s2 =	sadd.s32 s3, s2  }
0x8d: {  	s2 =	sadd.s32 s2, s16  }
0x8e: {  	[smem:$0x3FB3] =	sst s2  }
0x8f: {  	_ = 	snop  }
0x90: {  	(tm) =	ssettm $0x1  }
0x91: {  	s17 =	sld [smem:$0x3FFB];
	_ =	sdelay $0x3  }
0x92: {  	_ =	strace s17  }
0x93: {  	s2 =	sld [smem:$0x3FFC];
	_ =	sdelay $0x3  }
0x94: {  	_ =	strace s2  }
0x95: {  	s2 =	sld [smem:$0x3FFD];
	_ =	sdelay $0x3  }
0x96: {  	_ =	strace s2  }
0x97: {  	_ =	strace $0x8FFFFFFF  }
0x98: {  	s18 =	sld [smem:$0x3FDB];
	_ =	sdelay $0x1  }
0x99: {  	s19 =	simm.s32 $_scs_section_size  }
0x9a: {  	s4 =	simm.s32 $_size__tile_overlayer_lowered;
	s5 =	simm.s32 $_tile_overlayer_lowered  }
0x9b: {  	s22 =	simm.s32 $0x1BFF;
	s21 =	sshll.u32 s5, $0x1;
	s2 =	sadd.s32 s19, s18  }
0x9c: {  	s6 =	simm.s32 $0x0;
	s20 =	sshll.u32 s4, $0x1;
	s4 =	sadd.s32 s21, s2  }
0x9d: {  	[timem:s6], [sflag:s22] =	dma.local [hbm:s4], s20  }
0x9e: {  	_ =	swait.ge [sflag:s22], s20  }
0x9f: {  	s3 =	ssub.s32 $0x0, s20;
	[sflag:s22] =	ssyncset.done $0x0  }
0xa0: {  	[sflag:s22] =	ssyncadd.s32 s3;
	_ =	sdelay $0x1  }
0xa1: {  	s23 =	simm.s32 $0x1B8B  }
0xa2: {  	_ =	swait.ge [sflag:s23], $0x1  }
0xa3: {  	[sflag:s23] =	ssyncset.done $0x0  }
0xa4: {  	s25 =	simm.s32 $0x1B8E;
	s24 =	sld [smem:$0x3FFE];
	[sflag:s23] =	ssyncadd.s32 $0xFFFFFFFF  }
0xa5: {  	s26 =	simm.s32 $execute0_lowered;
	[smem:$0x3FD2] =	sst s25  }
0xa6: {  	s4 =	sshll.u32 s26, $0x1;
	_ =	strace $0x80000046;
	[dreg:$0x1] =	wrdreg $0xFFFFFFFF  }
0xa7: {  	s28 =	simm.s32 $_size_execute0_lowered;
	s2 =	sadd.s32 s2, s4;
	[dreg:$0x0] =	wrdreg $0x0  }
0xa8: {  	s4 =	sshll.u32 s28, $0x1;
	[dreg:$0x2] =	wrdreg s2  }
0xa9: {  	[dreg:$0x3] =	wrdreg s4  }
0xaa: {  	[dreg:$0x4] =	wrdreg $0xC0  }
0xab: {  	_ =	task [dreg:s6], $0x5FFFF  }
0xac: {  	[dreg:$0x1] =	wrdreg $0xFFFFFFFF  }
0xad: {  	[dreg:$0x0] =	wrdreg $0x60  }
0xae: {  	[dreg:$0x2] =	wrdreg s24  }
0xaf: {  	[dreg:$0x3] =	wrdreg $0x30000  }
0xb0: {  	[dreg:$0x4] =	wrdreg $0x9  }
0xb1: {  	_ =	task.clear_ibuf [dreg:s6], $0x5FFFF;
	_ =	strace $0x90000046  }
0xb2: {  	s29 =	simm.s32 $0x9;
	_ =	strace $0x80000048  }
0xb3: {  	_ =	swait.ge [sflag:s29], $0x1  }
0xb4: {  	[sflag:s29] =	ssyncadd.s32 $0xFFFFFFFF  }
0xb5: {  	_ =	strace $0x90000048  }
0xb6: {  	_ =	sfence  }
0xb7: {  	s30 =	sld [smem:$0x0];
	_ =	sdelay $0x2  }
0xb8: {  	s31 =	sshll.u32 s1, $0xD;
	s1 =	sshrl.u32 s1, $0x2  }
0xb9: {  	s3 =	sand.u32 $0x4000, s31;
	s1 =	sadd.s32 s1, s30  }
0xba: {  	s0 =	sor.u32 s3, s0;
	s1 =	sshll.u32 s1, $0x11  }
0xbb: {  	s0 =	sor.u32 s1, s0  }
0xbc: {  	s0 =	sadd.s32 $0x8F2B, s0  }
0xbd: {  	[sflag:s0] =	ssyncadd.remote.s32 $0x1  }
0xbe: {  	_ =	sfence.sel $0xFFFF  }
0xbf: {  	[dreg:$0x0] =	wrdreg $0xFFFFFFFF;
	(pc) =	sbr.abs _section_cstart, $3  }
0xc0: {  	[dreg:$0x1] =	wrdreg $0xFFFFFFFF  }
0xc1: {  	_ =	task.clear_ibuf [dreg:s6], $0x2FFFF;
	_ =	strace $0x9FFFFFFF  }
0xc2: {  	(tm) =	ssettm $0x7FFFFFFF  }
0xc3: {  	_ =	shalt  }
tec
execute0_lowered:
.L_overlay_start_1:
0x0: {  	(tag) =	ssettag $0x1  }
0x1: {  	s6 =	rddreg [dreg:$0x0]  }
0x2: {  	s0 =	srdreg.scid;
	s2 =	rddreg [dreg:$0x1]  }
0x3: {  	s3 =	simm.s32 $0x0;
	s17 =	simm.s32 $0x1;
	s18 =	simm.s32 $0x500  }
0x4: {  	s19 =	simm.s32 $0xA00;
	s20 =	simm.s32 $0xF00;
	s21 =	simm.s32 $0x1400  }
0x5: {  	s22 =	simm.s32 $0x1900;
	s23 =	simm.s32 $0x1E00;
	s24 =	simm.s32 $0x2300  }
0x6: {  	s25 =	simm.s32 $0x2800;
	s5 =	sand.u32 $0x1, s0;
	s0 =	stileid.u32  }
0x7: {  	s26 =	simm.s32 $0x80;
	s28 =	simm.s32 $0x0;
	s14 =	smul.u32 $0x2800, s0  }
0x8: {  	[smem:$0x7FF] =	sst s3;
	s1 =	sshll.u32 s5, $0x4;
	s7 =	smul.u32 $0x28000, s5  }
0x9: {  	_ =	strace $0x80000047;
	s8 =	ssub.s32 $0x2, s5;
	s1 =	sor.u32 s0, s1  }
0xa: {  	s5 =	sadd.s32 $0xEC00, s6;
	s9 =	sshrl.u32 s8, $0x1;
	s4 =	smul.u32 $0x500, s1  }
0xb: {  	s7 =	sadd.s32 s14, s7;
	s16 =	ssub.s32 s8, s9;
	s14 =	sadd.s32 s14, s2  }
0xc: {  	s7 =	sshrl.u32 s7, $0x3;
	s16 =	smax.u32 s16, $0x1;
	s4 =	sshrl.u32 s4, $0x3  }
0xd: {  	s15 =	sadd.s32 s7, s6;
	s13 =	sadd.s32 s4, s6;
	s4 =	sadd.s32 $0xF200, s6  }
0xe: {  	s15 =	sadd.s32 $0xF400, s15;
	s6 =	sadd.s32 $0x4C00, s13;
	s7 =	sadd.s32 $0x6000, s13  }
0xf: {  	s8 =	sadd.s32 $0x7400, s13;
	s9 =	sadd.s32 $0x8800, s13;
	s10 =	sadd.s32 $0x9C00, s13  }
0x10: {  	s11 =	sadd.s32 $0xB000, s13;
	s12 =	sadd.s32 $0xC400, s13;
	s13 =	sadd.s32 $0xD800, s13  }
.LBB2_1:
0x11: {  	[tilespmem:s3], [sflag:$0x1] =	stream.linear.gather [hbm4b:s6+s3], $0x500, $0x38;
	[tilespmem:$0x5800] =	vst v63  }
0x12: {  	_ =	swait.ge [sflag:s17], $0x500  }
0x13: {  	[sflag:s17] =	ssyncset.done $0x0  }
0x14: {  	[sflag:s17] =	ssyncadd.s32 $0xFFFFFB00  }
0x15: {  	[tilespmem:s18], [sflag:$0x1] =	stream.linear.gather [hbm4b:s7+s3], $0x500, $0x38;
	[tilespmem:$0x5800] =	vst v63  }
0x16: {  	_ =	swait.ge [sflag:s17], $0x500  }
0x17: {  	[sflag:s17] =	ssyncset.done $0x0  }
0x18: {  	[sflag:s17] =	ssyncadd.s32 $0xFFFFFB00  }
0x19: {  	[tilespmem:s19], [sflag:$0x1] =	stream.linear.gather [hbm4b:s8+s3], $0x500, $0x38;
	[tilespmem:$0x5800] =	vst v63  }
0x1a: {  	_ =	swait.ge [sflag:s17], $0x500  }
0x1b: {  	[sflag:s17] =	ssyncset.done $0x0  }
0x1c: {  	[sflag:s17] =	ssyncadd.s32 $0xFFFFFB00  }
0x1d: {  	[tilespmem:s20], [sflag:$0x1] =	stream.linear.gather [hbm4b:s9+s3], $0x500, $0x38;
	[tilespmem:$0x5800] =	vst v63  }
0x1e: {  	_ =	swait.ge [sflag:s17], $0x500  }
0x1f: {  	[sflag:s17] =	ssyncset.done $0x0  }
0x20: {  	[sflag:s17] =	ssyncadd.s32 $0xFFFFFB00  }
0x21: {  	[tilespmem:s21], [sflag:$0x1] =	stream.linear.gather [hbm4b:s10+s3], $0x500, $0x38;
	[tilespmem:$0x5800] =	vst v63  }
0x22: {  	_ =	swait.ge [sflag:s17], $0x500  }
0x23: {  	[sflag:s17] =	ssyncset.done $0x0  }
0x24: {  	[sflag:s17] =	ssyncadd.s32 $0xFFFFFB00  }
0x25: {  	[tilespmem:s22], [sflag:$0x1] =	stream.linear.gather [hbm4b:s11+s3], $0x500, $0x38;
	[tilespmem:$0x5800] =	vst v63  }
0x26: {  	_ =	swait.ge [sflag:s17], $0x500  }
0x27: {  	[sflag:s17] =	ssyncset.done $0x0  }
0x28: {  	[sflag:s17] =	ssyncadd.s32 $0xFFFFFB00  }
0x29: {  	[tilespmem:s23], [sflag:$0x1] =	stream.linear.gather [hbm4b:s12+s3], $0x500, $0x38;
	[tilespmem:$0x5800] =	vst v63  }
0x2a: {  	_ =	swait.ge [sflag:s17], $0x500  }
0x2b: {  	[sflag:s17] =	ssyncset.done $0x0  }
0x2c: {  	[sflag:s17] =	ssyncadd.s32 $0xFFFFFB00  }
0x2d: {  	[tilespmem:s24], [sflag:$0x1] =	stream.linear.gather [hbm4b:s13+s3], $0x500, $0x38;
	[tilespmem:$0x5800] =	vst v63  }
0x2e: {  	_ =	swait.ge [sflag:s17], $0x500  }
0x2f: {  	[sflag:s17] =	ssyncset.done $0x0  }
0x30: {  	[sflag:s17] =	ssyncadd.s32 $0xFFFFFB00  }
0x31: {  	[tilespmem:s25], [sflag:$0x1] =	stream.linear.gather [hbm4b:s4+s3], $0x800, $0x38;
	[tilespmem:$0x5800] =	vst v63  }
0x32: {  	_ =	swait.ge [sflag:s17], $0x800  }
0x33: {  	s29 =	sshll.u32 s0, $0x6;
	[sflag:s17] =	ssyncset.done $0x0  }
0x34: {  	s30 =	sshrl.u32 s14, $0x3;
	s29 =	sor.u32 $0x1C01, s29;
	[sflag:s17] =	ssyncadd.s32 $0xFFFFF800  }
0x35: {  	[spmem:s30], [sflag:s29] =	dma.local [hbm:s5], $0x500  }
0x36: {  	_ =	swait.ge [sflag:s17], $0x500  }
0x37: {  	[sflag:s17] =	ssyncset.done $0x0  }
0x38: {  	[sflag:s17] =	ssyncadd.s32 $0xFFFFFB00  }
0x39: {  	s31 =	simm.s32 $0x0;
	[bflag:$0x0] =	sbarrier.arrive $0xFFFF  }
0x3a: {  	[spmem:s2] =	stream.indirect.scatter.add.f32 [tilespmem:s25], [sflag:$0x1], $0x10, s31, s26, $0xb8;
	[tilespmem:$0x5800] =	vst v63  }
0x3b: {  	_ =	swait.ge [sflag:s17], $0x800  }
0x3c: {  	s31 =	simm.s32 $0x200;
	[sflag:s17] =	ssyncset.done $0x0  }
.LBB2_2:
0x3d: {  	s1 =	sshra.s32 s31, $0x2;
	[sflag:s17] =	ssyncadd.s32 $0xFFFFF800;
	p0 =	sne.s32 s31, $0x9E00  }
0x3e: {  	[spmem:s2] =	stream.indirect.scatter.add.f32 [tilespmem:s25], [sflag:$0x1], $0x10, s1, s26, $0xb8;
	[tilespmem:$0x5800] =	vst v63  }
.Ltmp0:
0x3f: {  	_ = 	snop;
	(pc) =	sbr.rel @p0 .LBB2_2-.Ltmp0, $4  }
0x40: {  	_ = 	snop  }
0x41: {  	s31 =	sadd.s32 $0x200, s31  }
0x42: {  	_ =	swait.ge [sflag:s17], $0x800  }
0x43: {  	[sflag:s17] =	ssyncset.done $0x0  }
0x44: {  	s28 =	sadd.s32 $0x1, s28  }
0x45: {  	[sflag:s17] =	ssyncadd.s32 $0xFFFFF800;
	p0 =	sne.s32 s28, s16  }
.Ltmp1:
0x46: {  	[bflag:$0x0] =	sbarrier.arrive $0xFFFF;
	(pc) =	sbr.rel @p0 .LBB2_1-.Ltmp1, $4  }
0x47: {  	[hbm:s15], [sflag:s29] =	dma.local [spmem:s30], $0x500  }
0x48: {  	_ =	swait.ge [sflag:s17], $0x500  }
0x49: {  	[sflag:s17] =	ssyncset.done $0x0  }
0x4a: {  	[sflag:s17] =	ssyncadd.s32 $0xFFFFFB00  }
0x4b: {  	_ =	sfence.sel $0x180000  }
0x4c: {  	[bflag:$0x0] =	sbarrier.arrive $0xFFFF  }
0x4d: {  	_ =	strace $0x90000047  }
0x4e: {  	[bflag:$0x2] =	sbarrier.arrive $0xFFFF  }
0x4f: {  	p0 =	sne.s32 s0, $0x0;
	s0 =	rddreg [dreg:$0x2]  }
0x50: {  	s0 =	sadd.s32 @!p0 $0x100000, s0  }
0x51: {  	[sflag:s0] =	ssyncadd.tile.s32 @!p0 $0x1;
	_ =	shalt  }
.Lfunc_end2:
_tile_overlayer_lowered:
.L_overlay_start_2:
0x52: {  	(tag) =	ssettag $0x2  }
0x53: {  	s0 =	rddreg [dreg:$0x0];
	s2 =	stileid.u32  }
0x54: {  	s1 =	rddreg [dreg:$0x1];
	p0 =	sne.s32 s2, $0x0  }
0x55: {  	s3 =	rddreg [dreg:$0x2];
	[bflag:$0x3] =	sbarrier.arrive $0xFFFF;
	s2 =	simm.s32 @!p0 $0x1C01  }
0x56: {  	[timem:s3], [sflag:s2] =	dma.local @!p0 [hbm:s0], s1  }
0x57: {  	s0 =	simm.s32 @!p0 $0x1  }
0x58: {  	_ =	swait.ge @!p0 [sflag:s0], s1  }
0x59: {  	s1 =	ssub.s32 @!p0 $0x0, s1;
	[sflag:s0] =	ssyncset.done @!p0 $0x0  }
0x5a: {  	[sflag:s0] =	ssyncadd.s32 @!p0 s1  }
0x5b: {  	[bflag:$0x3] =	sbarrier.arrive $0xFFFF  }
0x5c: {  	_ =	shalt  }

// kernel: kernel.13.cloned.1.call-start
scs
__scs_entry_jumppad:
0x0: {  	(pc) =	sbr.rel $0x88, $3  }
0x1: {  	(tag) =	ssettag $0x0;
	lr =	simm.s32 $0x1  }
0x2: {  	[smem:$0x3F8C] =	sst lr;
	_ =	strace $0xD0000000  }
0x3: {  	_ = 	snop  }
0x4: {  	_ = 	snop  }
0x5: {  	_ = 	snop  }
0x6: {  	_ = 	snop  }
0x7: {  	_ = 	snop  }
__scs_overlays_trampoline_lowered:
0x8: {  	[smem:$0x3F9B] =	sst s0  }
0x9: {  	[smem:$0x3F9C] =	sst s1  }
0xa: {  	[smem:$0x3F9D] =	sst s2  }
0xb: {  	[smem:$0x3F9E] =	sst s3  }
0xc: {  	[smem:$0x3F9F] =	sst s4  }
0xd: {  	[smem:$0x3FA0] =	sst s5  }
0xe: {  	[smem:$0x3FA1] =	sst s6  }
0xf: {  	[smem:$0x3FA2] =	sst s7  }
0x10: {  	[smem:$0x3FA3] =	sst s8  }
0x11: {  	[smem:$0x3FA4] =	sst s9;
	s0 =	simm.s32 @!p0 $0x0  }
0x12: {  	s1 =	sld [smem:$0x3F8A];
	s0 =	simm.s32 @p0 $0x1  }
0x13: {  	[smem:$0x3FA5] =	sst s0;
	s0 =	simm.s32 @!p1 $0x0  }
0x14: {  	s2 =	sld [smem:$0x3F89];
	s0 =	simm.s32 @p1 $0x1  }
0x15: {  	[smem:$0x3FA6] =	sst s0;
	s0 =	simm.s32 @!p2 $0x0  }
0x16: {  	s3 =	sld [smem:$0x3FDB];
	s0 =	simm.s32 @p2 $0x1  }
0x17: {  	s4 =	simm.s32 $0x1BF5;
	[smem:$0x3FA8] =	sst s0  }
0x18: {  	s0 =	sld [smem:$0x3F8B];
	_ =	swait.ge [sflag:s4], $0x0  }
0x19: {  	s7 =	sld [smem:$0x3F8C]  }
0x1a: {  	s8 =	sadd.s32 $0xFFFFE003, lr  }
0x1b: {  	s9 =	sadd.s32 $0xFFFFFEF7, lr;
	s5 =	simm.s32 $0xFFFFFFFF;
	p2 =	slt.u32 s8, $0xFFFFF086  }
0x1c: {  	p1 =	slt.u32 s9, $0xF7A;
	s5 =	simm.s32 @!p2 $0x0  }
0x1d: {  	s5 =	simm.s32 @p1 $0x1;
	p0 =	seq.s32 s7, s2  }
0x1e: {  	s7 =	smul.u32 @!p0 $0xF7A, s2;
	p2 =	seq.s32 @!p0 s5, $0x0  }
0x1f: {  	s9 =	smul.u32 $0xF7A, s1;
	s8 =	simm.s32 @!p0 $0x1BF5;
	p2 =	por !p2, p0  }
0x20: {  	[sflag:s8] =	ssyncset.s32 @!p0 $0xFFFFF086;
	s6 =	sadd.s32 @!p0 s3, s7;
	s7 =	simm.s32 @!p0 $0x108  }
0x21: {  	s3 =	sadd.s32 s3, s9;
	s6 =	sadd.s32 @!p0 $0x88, s6;
	s7 =	simm.s32 @p2 $0x1082  }
0x22: {  	[simem:s7], [sflag:s8] =	dma.local @!p0 [hbm:s6], $0xF7A  }
0x23: {  	s9 =	sor.u32 $0xD0000000, s2;
	s6 =	simm.s32 $0x108;
	_ =	swait.ge @!p0 [sflag:s8], $0x0  }
0x24: {  	s3 =	sadd.s32 $0x88, s3;
	s6 =	simm.s32 @!p1 $0x1082;
	[sflag:s4] =	ssyncset.s32 $0xFFFFF086  }
0x25: {  	[simem:s6], [sflag:s4] =	dma.local [hbm:s3], $0xF7A  }
0x26: {  	[smem:$0x3F8C] =	sst s1;
	(tag) =	ssettag s2;
	_ =	strace s9  }
0x27: {  	s1 =	sld [smem:$0x3F9C]  }
0x28: {  	s2 =	sld [smem:$0x3F9D]  }
0x29: {  	s4 =	sld [smem:$0x3F9F]  }
0x2a: {  	p0 =	seq.s32 s5, $0x0;
	s5 =	sld [smem:$0x3FA0]  }
0x2b: {  	s6 =	sld [smem:$0x3FA1]  }
0x2c: {  	s7 =	sld [smem:$0x3FA2]  }
0x2d: {  	s3 =	simm.s32 $0x108;
	s8 =	sld [smem:$0x3FA3]  }
0x2e: {  	s3 =	simm.s32 @!p0 $0x1082;
	s9 =	sld [smem:$0x3FA4]  }
0x2f: {  	lr =	sadd.s32 s0, s3;
	s0 =	sld [smem:$0x3F9B]  }
0x30: {  	s3 =	sld [smem:$0x3F9E]  }
0x31: {  	[smem:$0x3FA7] =	sst s10  }
0x32: {  	s10 =	sld [smem:$0x3FA5];
	_ =	sdelay $0x3  }
0x33: {  	p0 =	seq.s32 s10, $0x1;
	s10 =	sld [smem:$0x3FA7];
	_ =	sdelay $0x3  }
0x34: {  	[smem:$0x3FA7] =	sst s10  }
0x35: {  	s10 =	sld [smem:$0x3FA6];
	_ =	sdelay $0x3  }
0x36: {  	p1 =	seq.s32 s10, $0x1;
	s10 =	sld [smem:$0x3FA7];
	_ =	sdelay $0x3  }
0x37: {  	[smem:$0x3FA7] =	sst s10  }
0x38: {  	s10 =	sld [smem:$0x3FA8]  }
0x39: {  	_ = 	snop;
	(pc) =	sbr.ind lr, $3  }
0x3a: {  	_ = 	snop  }
0x3b: {  	_ = 	snop  }
0x3c: {  	p2 =	seq.s32 s10, $0x1;
	s10 =	sld [smem:$0x3FA7]  }
0x3d: {  	_ =	shalt  }
0x3e: {  	_ =	shalt  }
0x3f: {  	_ =	shalt  }
0x40: {  	_ =	shalt  }
0x41: {  	_ =	shalt  }
0x42: {  	_ =	shalt  }
0x43: {  	_ =	shalt  }
0x44: {  	_ =	shalt  }
0x45: {  	_ =	shalt  }
0x46: {  	_ =	shalt  }
0x47: {  	_ =	shalt  }
0x48: {  	_ =	shalt  }
0x49: {  	_ =	shalt  }
0x4a: {  	_ =	shalt  }
0x4b: {  	_ =	shalt  }
0x4c: {  	_ =	shalt  }
0x4d: {  	_ =	shalt  }
0x4e: {  	_ =	shalt  }
0x4f: {  	_ =	shalt  }
0x50: {  	_ =	shalt  }
0x51: {  	_ =	shalt  }
0x52: {  	_ =	shalt  }
0x53: {  	_ =	shalt  }
0x54: {  	_ =	shalt  }
0x55: {  	_ =	shalt  }
0x56: {  	_ =	shalt  }
0x57: {  	_ =	shalt  }
0x58: {  	_ =	shalt  }
0x59: {  	_ =	shalt  }
0x5a: {  	_ =	shalt  }
0x5b: {  	_ =	shalt  }
0x5c: {  	_ =	shalt  }
0x5d: {  	_ =	shalt  }
0x5e: {  	_ =	shalt  }
0x5f: {  	_ =	shalt  }
0x60: {  	_ =	shalt  }
0x61: {  	_ =	shalt  }
0x62: {  	_ =	shalt  }
0x63: {  	_ =	shalt  }
0x64: {  	_ =	shalt  }
0x65: {  	_ =	shalt  }
0x66: {  	_ =	shalt  }
0x67: {  	_ =	shalt  }
0x68: {  	_ =	shalt  }
0x69: {  	_ =	shalt  }
0x6a: {  	_ =	shalt  }
0x6b: {  	_ =	shalt  }
0x6c: {  	_ =	shalt  }
0x6d: {  	_ =	shalt  }
0x6e: {  	_ =	shalt  }
0x6f: {  	_ =	shalt  }
0x70: {  	_ =	shalt  }
0x71: {  	_ =	shalt  }
0x72: {  	_ =	shalt  }
0x73: {  	_ =	shalt  }
0x74: {  	_ =	shalt  }
0x75: {  	_ =	shalt  }
0x76: {  	_ =	shalt  }
0x77: {  	_ =	shalt  }
0x78: {  	_ =	shalt  }
0x79: {  	_ =	shalt  }
0x7a: {  	_ =	shalt  }
0x7b: {  	_ =	shalt  }
0x7c: {  	_ =	shalt  }
0x7d: {  	_ =	shalt  }
0x7e: {  	_ =	shalt  }
0x7f: {  	_ =	shalt  }
0x80: {  	_ =	shalt  }
0x81: {  	_ =	shalt  }
0x82: {  	_ =	shalt  }
0x83: {  	_ =	shalt  }
0x84: {  	_ =	shalt  }
0x85: {  	_ =	shalt  }
0x86: {  	_ =	shalt  }
0x87: {  	_ =	shalt  }
.Lfunc_end0:
.L_simem_size_0:
called_computation.1_lowered:
.L_overlay_start_0:
0x88: {  	s2 =	sld [smem:$0x3FD9]  }
0x89: {  	s3 =	sld [smem:$0x3FFE];
	_ =	sdelay $0x1  }
0x8a: {  	s1 =	srdreg.scid  }
0x8b: {  	s0 =	sand.u32 $0x1, s1  }
0x8c: {  	s16 =	sshll.u32 s0, $0xA;
	s2 =	sadd.s32 s3, s2  }
0x8d: {  	s2 =	sadd.s32 s2, s16  }
0x8e: {  	[smem:$0x3FB3] =	sst s2  }
0x8f: {  	_ = 	snop  }
0x90: {  	(tm) =	ssettm $0x1  }
0x91: {  	s17 =	sld [smem:$0x3FFB];
	_ =	sdelay $0x3  }
0x92: {  	_ =	strace s17  }
0x93: {  	s2 =	sld [smem:$0x3FFC];
	_ =	sdelay $0x3  }
0x94: {  	_ =	strace s2  }
0x95: {  	s2 =	sld [smem:$0x3FFD];
	_ =	sdelay $0x3  }
0x96: {  	_ =	strace s2  }
0x97: {  	_ =	strace $0x8FFFFFFF  }
0x98: {  	s18 =	sld [smem:$0x3FDB];
	_ =	sdelay $0x1  }
0x99: {  	s19 =	simm.s32 $_scs_section_size  }
0x9a: {  	s4 =	simm.s32 $_size__tile_overlayer_lowered;
	s5 =	simm.s32 $_tile_overlayer_lowered  }
0x9b: {  	s22 =	simm.s32 $0x1BFF;
	s21 =	sshll.u32 s5, $0x1;
	s2 =	sadd.s32 s19, s18  }
0x9c: {  	s6 =	simm.s32 $0x0;
	s20 =	sshll.u32 s4, $0x1;
	s4 =	sadd.s32 s21, s2  }
0x9d: {  	[timem:s6], [sflag:s22] =	dma.local [hbm:s4], s20  }
0x9e: {  	_ =	swait.ge [sflag:s22], s20  }
0x9f: {  	s3 =	ssub.s32 $0x0, s20;
	[sflag:s22] =	ssyncset.done $0x0  }
0xa0: {  	[sflag:s22] =	ssyncadd.s32 s3;
	_ =	sdelay $0x1  }
0xa1: {  	s23 =	simm.s32 $0x1B8B  }
0xa2: {  	_ =	swait.ge [sflag:s23], $0x1  }
0xa3: {  	[sflag:s23] =	ssyncset.done $0x0  }
0xa4: {  	s25 =	simm.s32 $0x1B8E;
	s24 =	sld [smem:$0x3FFE];
	[sflag:s23] =	ssyncadd.s32 $0xFFFFFFFF  }
0xa5: {  	s26 =	simm.s32 $execute0_lowered;
	[smem:$0x3FD2] =	sst s25  }
0xa6: {  	s4 =	sshll.u32 s26, $0x1;
	_ =	strace $0x80000049;
	[dreg:$0x1] =	wrdreg $0xFFFFFFFF  }
0xa7: {  	s28 =	simm.s32 $_size_execute0_lowered;
	s2 =	sadd.s32 s2, s4;
	[dreg:$0x0] =	wrdreg $0x0  }
0xa8: {  	s4 =	sshll.u32 s28, $0x1;
	[dreg:$0x2] =	wrdreg s2  }
0xa9: {  	[dreg:$0x3] =	wrdreg s4  }
0xaa: {  	[dreg:$0x4] =	wrdreg $0xC0  }
0xab: {  	_ =	task [dreg:s6], $0x5FFFF  }
0xac: {  	[dreg:$0x1] =	wrdreg $0xFFFFFFFF  }
0xad: {  	[dreg:$0x0] =	wrdreg $0x60  }
0xae: {  	[dreg:$0x2] =	wrdreg s24  }
0xaf: {  	[dreg:$0x3] =	wrdreg $0x150000  }
0xb0: {  	[dreg:$0x4] =	wrdreg $0x9  }
0xb1: {  	_ =	task.clear_ibuf [dreg:s6], $0x5FFFF;
	_ =	strace $0x90000049  }
0xb2: {  	s29 =	simm.s32 $0x9;
	_ =	strace $0x8000004B  }
0xb3: {  	_ =	swait.ge [sflag:s29], $0x1  }
0xb4: {  	[sflag:s29] =	ssyncadd.s32 $0xFFFFFFFF  }
0xb5: {  	_ =	strace $0x9000004B  }
0xb6: {  	_ =	sfence  }
0xb7: {  	s30 =	sld [smem:$0x0];
	_ =	sdelay $0x2  }
0xb8: {  	s31 =	sshll.u32 s1, $0xD;
	s1 =	sshrl.u32 s1, $0x2  }
0xb9: {  	s3 =	sand.u32 $0x4000, s31;
	s1 =	sadd.s32 s1, s30  }
0xba: {  	s0 =	sor.u32 s3, s0;
	s1 =	sshll.u32 s1, $0x11  }
0xbb: {  	s0 =	sor.u32 s1, s0  }
0xbc: {  	s0 =	sadd.s32 $0x8F2B, s0  }
0xbd: {  	[sflag:s0] =	ssyncadd.remote.s32 $0x1  }
0xbe: {  	_ =	sfence.sel $0xFFFF  }
0xbf: {  	[dreg:$0x0] =	wrdreg $0xFFFFFFFF;
	(pc) =	sbr.abs _section_cstart, $3  }
0xc0: {  	[dreg:$0x1] =	wrdreg $0xFFFFFFFF  }
0xc1: {  	_ =	task.clear_ibuf [dreg:s6], $0x2FFFF;
	_ =	strace $0x9FFFFFFF  }
0xc2: {  	(tm) =	ssettm $0x7FFFFFFF  }
0xc3: {  	_ =	shalt  }
tec
execute0_lowered:
.L_overlay_start_1:
0x0: {  	(tag) =	ssettag $0x1  }
0x1: {  	s0 =	rddreg [dreg:$0x0]  }
0x2: {  	s2 =	rddreg [dreg:$0x1];
	s3 =	simm.s32 $0x0  }
0x3: {  	s1 =	srdreg.scid;
	s9 =	stileid.u32;
	s28 =	simm.s32 $0x80  }
0x4: {  	s29 =	simm.s32 $0x5000;
	s30 =	simm.s32 $0x7000;
	s31 =	simm.s32 $0x9000  }
0x5: {  	[smem:$0x7FF] =	sst s3;
	s1 =	sand.u32 $0x1, s1;
	s5 =	smul.u32 $0xA000, s9  }
0x6: {  	s4 =	sadd.s32 $0x4B400, s0;
	s8 =	sadd.s32 $0x19400, s0;
	s7 =	sshll.u32 s1, $0x4  }
0x7: {  	s12 =	sadd.s32 $0x4C00, s0;
	s6 =	smul.u32 $0xA0000, s1;
	s7 =	sor.u32 s9, s7  }
0x8: {  	s10 =	sadd.s32 $0xEC00, s0;
	_ =	strace $0x8000004A;
	s7 =	smul.u32 $0x500, s7  }
0x9: {  	[dreg:$0x3] =	wrdreg s10;
	s1 =	ssub.s32 $0x2, s1;
	s6 =	sadd.s32 s5, s6  }
0xa: {  	s13 =	sshrl.u32 s1, $0x1;
	s6 =	sshrl.u32 s6, $0x3;
	s7 =	sshrl.u32 s7, $0x3  }
0xb: {  	s1 =	ssub.s32 s1, s13;
	s0 =	sadd.s32 s6, s0;
	s14 =	sadd.s32 s8, s7  }
0xc: {  	s15 =	sadd.s32 $0x1400, s7;
	s16 =	sadd.s32 s12, s7;
	s18 =	sadd.s32 $0x2800, s7  }
0xd: {  	s20 =	sadd.s32 $0x3C00, s7;
	s22 =	sadd.s32 $0x5000, s7;
	s24 =	sadd.s32 $0x6400, s7  }
0xe: {  	s25 =	sadd.s32 $0x7800, s7;
	s26 =	sadd.s32 $0x8C00, s7;
	[dreg:$0x4] =	wrdreg s14  }
0xf: {  	s7 =	simm.s32 $0x1;
	[dreg:$0x5] =	wrdreg s16;
	s17 =	sadd.s32 s8, s15  }
0x10: {  	s6 =	sadd.s32 s12, s15;
	s19 =	sadd.s32 s8, s18;
	[dreg:$0x6] =	wrdreg s17  }
0x11: {  	s10 =	sadd.s32 s12, s18;
	s21 =	sadd.s32 s8, s20;
	[dreg:$0x7] =	wrdreg s6  }
0x12: {  	s23 =	sadd.s32 s8, s22;
	s15 =	sadd.s32 s12, s22;
	[dreg:$0x8] =	wrdreg s19  }
0x13: {  	s16 =	sadd.s32 s8, s24;
	s18 =	sadd.s32 s8, s25;
	[dreg:$0x9] =	wrdreg s10  }
0x14: {  	s22 =	sadd.s32 s5, s2;
	s5 =	simm.s32 $0x11000;
	[dreg:$0xa] =	wrdreg s21  }
0x15: {  	s6 =	sadd.s32 s12, s20;
	[dreg:$0xc] =	wrdreg s23;
	s17 =	sadd.s32 s12, s24  }
0x16: {  	s19 =	sadd.s32 s12, s25;
	s20 =	sadd.s32 s8, s26;
	s21 =	sadd.s32 s12, s26  }
0x17: {  	s23 =	sadd.s32 $0x5F400, s0;
	s24 =	smax.u32 s1, $0x1;
	s25 =	simm.s32 $0x2  }
0x18: {  	s0 =	simm.s32 $0xB000;
	s1 =	simm.s32 $0xD000;
	s26 =	simm.s32 $0xF000  }
0x19: {  	s8 =	simm.s32 $0x0;
	[dreg:$0xb] =	wrdreg s6;
	s6 =	simm.s32 $0x13000  }
.LBB2_1:
0x1a: {  	s9 =	rddreg [dreg:$0x4]  }
0x1b: {  	[tilespmem:s3], [sflag:$0x2] =	stream.linear.gather [hbm4b:s9+s3], $0x500, $0x38;
	[tilespmem:$0x1F000] =	vst v63  }
0x1c: {  	_ =	swait.ge [sflag:s25], $0x500  }
0x1d: {  	[sflag:s25] =	ssyncset.done $0x0  }
0x1e: {  	s10 =	simm.s32 $0x2800;
	s12 =	rddreg [dreg:$0x5];
	[sflag:s25] =	ssyncadd.s32 $0xFFFFFB00  }
0x1f: {  	[tilespmem:s10], [sflag:$0x2] =	stream.linear.gather [hbm4b:s12+s3], $0x500, $0x38;
	[tilespmem:$0x1F000] =	vst v63  }
0x20: {  	_ =	swait.ge [sflag:s25], $0x500  }
0x21: {  	[sflag:s25] =	ssyncset.done $0x0  }
0x22: {  	s14 =	simm.s32 $0x500;
	s13 =	rddreg [dreg:$0x6];
	[sflag:s25] =	ssyncadd.s32 $0xFFFFFB00  }
0x23: {  	[tilespmem:s14], [sflag:$0x2] =	stream.linear.gather [hbm4b:s13+s3], $0x500, $0x38;
	[tilespmem:$0x1F000] =	vst v63  }
0x24: {  	_ =	swait.ge [sflag:s25], $0x500  }
0x25: {  	[sflag:s25] =	ssyncset.done $0x0  }
0x26: {  	s12 =	simm.s32 $0x2D00;
	s11 =	rddreg [dreg:$0x7];
	[sflag:s25] =	ssyncadd.s32 $0xFFFFFB00  }
0x27: {  	[tilespmem:s12], [sflag:$0x2] =	stream.linear.gather [hbm4b:s11+s3], $0x500, $0x38;
	[tilespmem:$0x1F000] =	vst v63  }
0x28: {  	_ =	swait.ge [sflag:s25], $0x500  }
0x29: {  	[sflag:s25] =	ssyncset.done $0x0  }
0x2a: {  	s14 =	simm.s32 $0xA00;
	s13 =	rddreg [dreg:$0x8];
	[sflag:s25] =	ssyncadd.s32 $0xFFFFFB00  }
0x2b: {  	[tilespmem:s14], [sflag:$0x2] =	stream.linear.gather [hbm4b:s13+s3], $0x500, $0x38;
	[tilespmem:$0x1F000] =	vst v63  }
0x2c: {  	_ =	swait.ge [sflag:s25], $0x500  }
0x2d: {  	[sflag:s25] =	ssyncset.done $0x0  }
0x2e: {  	s12 =	simm.s32 $0x3200;
	s11 =	rddreg [dreg:$0x9];
	[sflag:s25] =	ssyncadd.s32 $0xFFFFFB00  }
0x2f: {  	[tilespmem:s12], [sflag:$0x2] =	stream.linear.gather [hbm4b:s11+s3], $0x500, $0x38;
	[tilespmem:$0x1F000] =	vst v63  }
0x30: {  	_ =	swait.ge [sflag:s25], $0x500  }
0x31: {  	[sflag:s25] =	ssyncset.done $0x0  }
0x32: {  	s14 =	simm.s32 $0xF00;
	s13 =	rddreg [dreg:$0xa];
	[sflag:s25] =	ssyncadd.s32 $0xFFFFFB00  }
0x33: {  	[tilespmem:s14], [sflag:$0x2] =	stream.linear.gather [hbm4b:s13+s3], $0x500, $0x38;
	[tilespmem:$0x1F000] =	vst v63  }
0x34: {  	_ =	swait.ge [sflag:s25], $0x500  }
0x35: {  	[sflag:s25] =	ssyncset.done $0x0  }
0x36: {  	s12 =	simm.s32 $0x3700;
	s11 =	rddreg [dreg:$0xb];
	[sflag:s25] =	ssyncadd.s32 $0xFFFFFB00  }
0x37: {  	[tilespmem:s12], [sflag:$0x2] =	stream.linear.gather [hbm4b:s11+s3], $0x500, $0x38;
	[tilespmem:$0x1F000] =	vst v63  }
0x38: {  	_ =	swait.ge [sflag:s25], $0x500  }
0x39: {  	[sflag:s25] =	ssyncset.done $0x0  }
0x3a: {  	s14 =	simm.s32 $0x1400;
	s13 =	rddreg [dreg:$0xc];
	[sflag:s25] =	ssyncadd.s32 $0xFFFFFB00  }
0x3b: {  	[tilespmem:s14], [sflag:$0x2] =	stream.linear.gather [hbm4b:s13+s3], $0x500, $0x38;
	[tilespmem:$0x1F000] =	vst v63  }
0x3c: {  	_ =	swait.ge [sflag:s25], $0x500  }
0x3d: {  	[sflag:s25] =	ssyncset.done $0x0  }
0x3e: {  	s11 =	simm.s32 $0x3C00;
	[sflag:s25] =	ssyncadd.s32 $0xFFFFFB00  }
0x3f: {  	[tilespmem:s11], [sflag:$0x2] =	stream.linear.gather [hbm4b:s15+s3], $0x500, $0x38;
	[tilespmem:$0x1F000] =	vst v63  }
0x40: {  	_ =	swait.ge [sflag:s25], $0x500  }
0x41: {  	[sflag:s25] =	ssyncset.done $0x0  }
0x42: {  	s12 =	simm.s32 $0x1900;
	[sflag:s25] =	ssyncadd.s32 $0xFFFFFB00  }
0x43: {  	[tilespmem:s12], [sflag:$0x2] =	stream.linear.gather [hbm4b:s16+s3], $0x500, $0x38;
	[tilespmem:$0x1F000] =	vst v63  }
0x44: {  	_ =	swait.ge [sflag:s25], $0x500  }
0x45: {  	[sflag:s25] =	ssyncset.done $0x0  }
0x46: {  	s13 =	simm.s32 $0x4100;
	[sflag:s25] =	ssyncadd.s32 $0xFFFFFB00  }
0x47: {  	[tilespmem:s13], [sflag:$0x2] =	stream.linear.gather [hbm4b:s17+s3], $0x500, $0x38;
	[tilespmem:$0x1F000] =	vst v63  }
0x48: {  	_ =	swait.ge [sflag:s25], $0x500  }
0x49: {  	[sflag:s25] =	ssyncset.done $0x0  }
0x4a: {  	s14 =	simm.s32 $0x1E00;
	[sflag:s25] =	ssyncadd.s32 $0xFFFFFB00  }
0x4b: {  	[tilespmem:s14], [sflag:$0x2] =	stream.linear.gather [hbm4b:s18+s3], $0x500, $0x38;
	[tilespmem:$0x1F000] =	vst v63  }
0x4c: {  	_ =	swait.ge [sflag:s25], $0x500  }
0x4d: {  	[sflag:s25] =	ssyncset.done $0x0  }
0x4e: {  	s10 =	simm.s32 $0x4600;
	[sflag:s25] =	ssyncadd.s32 $0xFFFFFB00  }
0x4f: {  	[tilespmem:s10], [sflag:$0x2] =	stream.linear.gather [hbm4b:s19+s3], $0x500, $0x38;
	[tilespmem:$0x1F000] =	vst v63  }
0x50: {  	_ =	swait.ge [sflag:s25], $0x500  }
0x51: {  	[sflag:s25] =	ssyncset.done $0x0  }
0x52: {  	s11 =	simm.s32 $0x2300;
	[sflag:s25] =	ssyncadd.s32 $0xFFFFFB00  }
0x53: {  	[tilespmem:s11], [sflag:$0x2] =	stream.linear.gather [hbm4b:s20+s3], $0x500, $0x38;
	[tilespmem:$0x1F000] =	vst v63  }
0x54: {  	_ =	swait.ge [sflag:s25], $0x500  }
0x55: {  	[sflag:s25] =	ssyncset.done $0x0  }
0x56: {  	s12 =	simm.s32 $0x4B00;
	s13 =	stileid.u32;
	[sflag:s25] =	ssyncadd.s32 $0xFFFFFB00  }
0x57: {  	[tilespmem:s12], [sflag:$0x2] =	stream.linear.gather [hbm4b:s21+s3], $0x500, $0x38;
	[tilespmem:$0x1F000] =	vst v63  }
0x58: {  	s9 =	sshll.u32 s13, $0x6;
	_ =	swait.ge [sflag:s25], $0x500  }
0x59: {  	s9 =	sor.u32 $0x1C02, s9;
	[sflag:s25] =	ssyncset.done $0x0  }
0x5a: {  	s10 =	sshrl.u32 s22, $0x3;
	s11 =	rddreg [dreg:$0x3];
	[sflag:s25] =	ssyncadd.s32 $0xFFFFFB00  }
0x5b: {  	[spmem:s10], [sflag:s9] =	dma.local [hbm:s11], $0x1400  }
0x5c: {  	_ =	swait.ge [sflag:s25], $0x1400  }
0x5d: {  	[sflag:s25] =	ssyncset.done $0x0  }
0x5e: {  	[sflag:s25] =	ssyncadd.s32 $0xFFFFEC00  }
0x5f: {  	s14 =	simm.s32 $0x0;
	[bflag:$0x0] =	sbarrier.arrive $0xFFFF  }
0x60: {  	[tilespmem:s29], [sflag:$0x1] =	stream.indirect.gather [hbm4b:s4+s28], $0x40, s14, s28, $0xb8;
	[tilespmem:$0x1F000] =	vst v63  }
0x61: {  	s12 =	simm.s32 $0x500  }
0x62: {  	[tilespmem:s30], [sflag:$0x1] =	stream.indirect.gather [hbm4b:s4+s28], $0x40, s12, s28, $0xb8;
	[tilespmem:$0x1F000] =	vst v63  }
0x63: {  	s13 =	simm.s32 $0xA00  }
0x64: {  	[tilespmem:s31], [sflag:$0x1] =	stream.indirect.gather [hbm4b:s4+s28], $0x40, s13, s28, $0xb8;
	[tilespmem:$0x1F000] =	vst v63  }
0x65: {  	s14 =	simm.s32 $0xF00  }
0x66: {  	[tilespmem:s0], [sflag:$0x1] =	stream.indirect.gather [hbm4b:s4+s28], $0x40, s14, s28, $0xb8;
	[tilespmem:$0x1F000] =	vst v63  }
0x67: {  	s12 =	simm.s32 $0x1400  }
0x68: {  	[tilespmem:s1], [sflag:$0x1] =	stream.indirect.gather [hbm4b:s4+s28], $0x40, s12, s28, $0xb8;
	[tilespmem:$0x1F000] =	vst v63  }
0x69: {  	s13 =	simm.s32 $0x1900  }
0x6a: {  	[tilespmem:s26], [sflag:$0x1] =	stream.indirect.gather [hbm4b:s4+s28], $0x40, s13, s28, $0xb8;
	[tilespmem:$0x1F000] =	vst v63  }
0x6b: {  	s14 =	simm.s32 $0x1E00  }
0x6c: {  	[tilespmem:s5], [sflag:$0x1] =	stream.indirect.gather [hbm4b:s4+s28], $0x40, s14, s28, $0xb8;
	[tilespmem:$0x1F000] =	vst v63  }
0x6d: {  	s12 =	simm.s32 $0x2300  }
0x6e: {  	[tilespmem:s6], [sflag:$0x1] =	stream.indirect.gather [hbm4b:s4+s28], $0x40, s12, s28, $0xb8;
	[tilespmem:$0x1F000] =	vst v63  }
0x6f: {  	_ =	swait.ge [sflag:s7], $0x2000  }
0x70: {  	[sflag:s7] =	ssyncset.done $0x0  }
0x71: {  	[sflag:s7] =	ssyncadd.s32 $0xFFFFE000  }
0x72: {  	_ =	swait.ge [sflag:s7], $0x2000  }
0x73: {  	[sflag:s7] =	ssyncset.done $0x0  }
0x74: {  	[sflag:s7] =	ssyncadd.s32 $0xFFFFE000  }
0x75: {  	_ =	swait.ge [sflag:s7], $0x2000  }
0x76: {  	[sflag:s7] =	ssyncset.done $0x0  }
0x77: {  	[sflag:s7] =	ssyncadd.s32 $0xFFFFE000  }
0x78: {  	_ =	swait.ge [sflag:s7], $0x2000  }
0x79: {  	[sflag:s7] =	ssyncset.done $0x0  }
0x7a: {  	[sflag:s7] =	ssyncadd.s32 $0xFFFFE000  }
0x7b: {  	_ =	swait.ge [sflag:s7], $0x2000  }
0x7c: {  	[sflag:s7] =	ssyncset.done $0x0  }
0x7d: {  	[sflag:s7] =	ssyncadd.s32 $0xFFFFE000  }
0x7e: {  	_ =	swait.ge [sflag:s7], $0x2000  }
0x7f: {  	[sflag:s7] =	ssyncset.done $0x0  }
0x80: {  	[sflag:s7] =	ssyncadd.s32 $0xFFFFE000  }
0x81: {  	_ =	swait.ge [sflag:s7], $0x2000  }
0x82: {  	[sflag:s7] =	ssyncset.done $0x0  }
0x83: {  	[sflag:s7] =	ssyncadd.s32 $0xFFFFE000  }
0x84: {  	_ =	swait.ge [sflag:s7], $0x2000  }
0x85: {  	[sflag:s7] =	ssyncset.done $0x0  }
0x86: {  	s13 =	simm.s32 $0x2800;
	[sflag:s7] =	ssyncadd.s32 $0xFFFFE000  }
0x87: {  	[spmem:s2] =	stream.indirect.scatter.add.f32 [tilespmem:s29], [sflag:$0x2], $0x40, s13, s28, $0xb8;
	[tilespmem:$0x1F000] =	vst v63  }
0x88: {  	_ =	swait.ge [sflag:s25], $0x2000  }
0x89: {  	[sflag:s25] =	ssyncset.done $0x0  }
0x8a: {  	s14 =	simm.s32 $0x2D00;
	[sflag:s25] =	ssyncadd.s32 $0xFFFFE000  }
0x8b: {  	[spmem:s2] =	stream.indirect.scatter.add.f32 [tilespmem:s30], [sflag:$0x2], $0x40, s14, s28, $0xb8;
	[tilespmem:$0x1F000] =	vst v63  }
0x8c: {  	_ =	swait.ge [sflag:s25], $0x2000  }
0x8d: {  	[sflag:s25] =	ssyncset.done $0x0  }
0x8e: {  	s12 =	simm.s32 $0x3200;
	[sflag:s25] =	ssyncadd.s32 $0xFFFFE000  }
0x8f: {  	[spmem:s2] =	stream.indirect.scatter.add.f32 [tilespmem:s31], [sflag:$0x2], $0x40, s12, s28, $0xb8;
	[tilespmem:$0x1F000] =	vst v63  }
0x90: {  	_ =	swait.ge [sflag:s25], $0x2000  }
0x91: {  	[sflag:s25] =	ssyncset.done $0x0  }
0x92: {  	s13 =	simm.s32 $0x3700;
	[sflag:s25] =	ssyncadd.s32 $0xFFFFE000  }
0x93: {  	[spmem:s2] =	stream.indirect.scatter.add.f32 [tilespmem:s0], [sflag:$0x2], $0x40, s13, s28, $0xb8;
	[tilespmem:$0x1F000] =	vst v63  }
0x94: {  	_ =	swait.ge [sflag:s25], $0x2000  }
0x95: {  	[sflag:s25] =	ssyncset.done $0x0  }
0x96: {  	s14 =	simm.s32 $0x3C00;
	[sflag:s25] =	ssyncadd.s32 $0xFFFFE000  }
0x97: {  	[spmem:s2] =	stream.indirect.scatter.add.f32 [tilespmem:s1], [sflag:$0x2], $0x40, s14, s28, $0xb8;
	[tilespmem:$0x1F000] =	vst v63  }
0x98: {  	_ =	swait.ge [sflag:s25], $0x2000  }
0x99: {  	[sflag:s25] =	ssyncset.done $0x0  }
0x9a: {  	s12 =	simm.s32 $0x4100;
	[sflag:s25] =	ssyncadd.s32 $0xFFFFE000  }
0x9b: {  	[spmem:s2] =	stream.indirect.scatter.add.f32 [tilespmem:s26], [sflag:$0x2], $0x40, s12, s28, $0xb8;
	[tilespmem:$0x1F000] =	vst v63  }
0x9c: {  	_ =	swait.ge [sflag:s25], $0x2000  }
0x9d: {  	[sflag:s25] =	ssyncset.done $0x0  }
0x9e: {  	s13 =	simm.s32 $0x4600;
	[sflag:s25] =	ssyncadd.s32 $0xFFFFE000  }
0x9f: {  	[spmem:s2] =	stream.indirect.scatter.add.f32 [tilespmem:s5], [sflag:$0x2], $0x40, s13, s28, $0xb8;
	[tilespmem:$0x1F000] =	vst v63  }
0xa0: {  	_ =	swait.ge [sflag:s25], $0x2000  }
0xa1: {  	[sflag:s25] =	ssyncset.done $0x0  }
0xa2: {  	s14 =	simm.s32 $0x4B00;
	[sflag:s25] =	ssyncadd.s32 $0xFFFFE000  }
0xa3: {  	[spmem:s2] =	stream.indirect.scatter.add.f32 [tilespmem:s6], [sflag:$0x2], $0x40, s14, s28, $0xb8;
	[tilespmem:$0x1F000] =	vst v63  }
0xa4: {  	_ =	swait.ge [sflag:s25], $0x2000  }
0xa5: {  	s11 =	simm.s32 $0x200;
	s12 =	simm.s32 $0x400;
	[sflag:s25] =	ssyncset.done $0x0  }
.LBB2_2:
0xa6: {  	s13 =	sshra.s32 s11, $0x2  }
0xa7: {  	[sflag:s25] =	ssyncadd.s32 $0xFFFFE000;
	s11 =	smov.u32 s12;
	s14 =	sadd.s32 $0x200, s12  }
0xa8: {  	[tilespmem:s29], [sflag:$0x1] =	stream.indirect.gather [hbm4b:s4+s28], $0x40, s13, s28, $0xb8;
	[tilespmem:$0x1F000] =	vst v63  }
0xa9: {  	p0 =	sne.s32 s12, $0x1200;
	s12 =	sadd.s32 $0x500, s13  }
0xaa: {  	[tilespmem:s30], [sflag:$0x1] =	stream.indirect.gather [hbm4b:s4+s28], $0x40, s12, s28, $0xb8;
	[tilespmem:$0x1F000] =	vst v63  }
0xab: {  	s12 =	sadd.s32 $0xA00, s13  }
0xac: {  	[tilespmem:s31], [sflag:$0x1] =	stream.indirect.gather [hbm4b:s4+s28], $0x40, s12, s28, $0xb8;
	[tilespmem:$0x1F000] =	vst v63  }
0xad: {  	s12 =	sadd.s32 $0xF00, s13  }
0xae: {  	[tilespmem:s0], [sflag:$0x1] =	stream.indirect.gather [hbm4b:s4+s28], $0x40, s12, s28, $0xb8;
	[tilespmem:$0x1F000] =	vst v63  }
0xaf: {  	s12 =	sadd.s32 $0x1400, s13  }
0xb0: {  	[tilespmem:s1], [sflag:$0x1] =	stream.indirect.gather [hbm4b:s4+s28], $0x40, s12, s28, $0xb8;
	[tilespmem:$0x1F000] =	vst v63  }
0xb1: {  	s12 =	sadd.s32 $0x1900, s13  }
0xb2: {  	[tilespmem:s26], [sflag:$0x1] =	stream.indirect.gather [hbm4b:s4+s28], $0x40, s12, s28, $0xb8;
	[tilespmem:$0x1F000] =	vst v63  }
0xb3: {  	s12 =	sadd.s32 $0x1E00, s13  }
0xb4: {  	[tilespmem:s5], [sflag:$0x1] =	stream.indirect.gather [hbm4b:s4+s28], $0x40, s12, s28, $0xb8;
	[tilespmem:$0x1F000] =	vst v63  }
0xb5: {  	s12 =	sadd.s32 $0x2300, s13  }
0xb6: {  	[tilespmem:s6], [sflag:$0x1] =	stream.indirect.gather [hbm4b:s4+s28], $0x40, s12, s28, $0xb8;
	[tilespmem:$0x1F000] =	vst v63  }
0xb7: {  	_ =	swait.ge [sflag:s7], $0x2000  }
0xb8: {  	[sflag:s7] =	ssyncset.done $0x0  }
0xb9: {  	[sflag:s7] =	ssyncadd.s32 $0xFFFFE000  }
0xba: {  	_ =	swait.ge [sflag:s7], $0x2000  }
0xbb: {  	[sflag:s7] =	ssyncset.done $0x0  }
0xbc: {  	[sflag:s7] =	ssyncadd.s32 $0xFFFFE000  }
0xbd: {  	_ =	swait.ge [sflag:s7], $0x2000  }
0xbe: {  	[sflag:s7] =	ssyncset.done $0x0  }
0xbf: {  	[sflag:s7] =	ssyncadd.s32 $0xFFFFE000  }
0xc0: {  	_ =	swait.ge [sflag:s7], $0x2000  }
0xc1: {  	[sflag:s7] =	ssyncset.done $0x0  }
0xc2: {  	[sflag:s7] =	ssyncadd.s32 $0xFFFFE000  }
0xc3: {  	_ =	swait.ge [sflag:s7], $0x2000  }
0xc4: {  	[sflag:s7] =	ssyncset.done $0x0  }
0xc5: {  	[sflag:s7] =	ssyncadd.s32 $0xFFFFE000  }
0xc6: {  	_ =	swait.ge [sflag:s7], $0x2000  }
0xc7: {  	[sflag:s7] =	ssyncset.done $0x0  }
0xc8: {  	[sflag:s7] =	ssyncadd.s32 $0xFFFFE000  }
0xc9: {  	_ =	swait.ge [sflag:s7], $0x2000  }
0xca: {  	[sflag:s7] =	ssyncset.done $0x0  }
0xcb: {  	[sflag:s7] =	ssyncadd.s32 $0xFFFFE000  }
0xcc: {  	_ =	swait.ge [sflag:s7], $0x2000  }
0xcd: {  	[sflag:s7] =	ssyncset.done $0x0  }
0xce: {  	s12 =	sadd.s32 $0x2800, s13;
	[sflag:s7] =	ssyncadd.s32 $0xFFFFE000  }
0xcf: {  	[spmem:s2] =	stream.indirect.scatter.add.f32 [tilespmem:s29], [sflag:$0x2], $0x40, s12, s28, $0xb8;
	[tilespmem:$0x1F000] =	vst v63  }
0xd0: {  	_ =	swait.ge [sflag:s25], $0x2000  }
0xd1: {  	[sflag:s25] =	ssyncset.done $0x0  }
0xd2: {  	s12 =	sadd.s32 $0x2D00, s13;
	[sflag:s25] =	ssyncadd.s32 $0xFFFFE000  }
0xd3: {  	[spmem:s2] =	stream.indirect.scatter.add.f32 [tilespmem:s30], [sflag:$0x2], $0x40, s12, s28, $0xb8;
	[tilespmem:$0x1F000] =	vst v63  }
0xd4: {  	_ =	swait.ge [sflag:s25], $0x2000  }
0xd5: {  	[sflag:s25] =	ssyncset.done $0x0  }
0xd6: {  	s12 =	sadd.s32 $0x3200, s13;
	[sflag:s25] =	ssyncadd.s32 $0xFFFFE000  }
0xd7: {  	[spmem:s2] =	stream.indirect.scatter.add.f32 [tilespmem:s31], [sflag:$0x2], $0x40, s12, s28, $0xb8;
	[tilespmem:$0x1F000] =	vst v63  }
0xd8: {  	_ =	swait.ge [sflag:s25], $0x2000  }
0xd9: {  	[sflag:s25] =	ssyncset.done $0x0  }
0xda: {  	s12 =	sadd.s32 $0x3700, s13;
	[sflag:s25] =	ssyncadd.s32 $0xFFFFE000  }
0xdb: {  	[spmem:s2] =	stream.indirect.scatter.add.f32 [tilespmem:s0], [sflag:$0x2], $0x40, s12, s28, $0xb8;
	[tilespmem:$0x1F000] =	vst v63  }
0xdc: {  	_ =	swait.ge [sflag:s25], $0x2000  }
0xdd: {  	[sflag:s25] =	ssyncset.done $0x0  }
0xde: {  	s12 =	sadd.s32 $0x3C00, s13;
	[sflag:s25] =	ssyncadd.s32 $0xFFFFE000  }
0xdf: {  	[spmem:s2] =	stream.indirect.scatter.add.f32 [tilespmem:s1], [sflag:$0x2], $0x40, s12, s28, $0xb8;
	[tilespmem:$0x1F000] =	vst v63  }
0xe0: {  	_ =	swait.ge [sflag:s25], $0x2000  }
0xe1: {  	[sflag:s25] =	ssyncset.done $0x0  }
0xe2: {  	s12 =	sadd.s32 $0x4100, s13;
	[sflag:s25] =	ssyncadd.s32 $0xFFFFE000  }
0xe3: {  	[spmem:s2] =	stream.indirect.scatter.add.f32 [tilespmem:s26], [sflag:$0x2], $0x40, s12, s28, $0xb8;
	[tilespmem:$0x1F000] =	vst v63  }
0xe4: {  	_ =	swait.ge [sflag:s25], $0x2000  }
0xe5: {  	[sflag:s25] =	ssyncset.done $0x0  }
0xe6: {  	s12 =	sadd.s32 $0x4600, s13;
	[sflag:s25] =	ssyncadd.s32 $0xFFFFE000  }
0xe7: {  	[spmem:s2] =	stream.indirect.scatter.add.f32 [tilespmem:s5], [sflag:$0x2], $0x40, s12, s28, $0xb8;
	[tilespmem:$0x1F000] =	vst v63  }
0xe8: {  	_ =	swait.ge [sflag:s25], $0x2000  }
.Ltmp0:
0xe9: {  	[sflag:s25] =	ssyncset.done $0x0;
	(pc) =	sbr.rel @p0 .LBB2_2-.Ltmp0, $4  }
0xea: {  	s12 =	sadd.s32 $0x4B00, s13;
	[sflag:s25] =	ssyncadd.s32 $0xFFFFE000  }
0xeb: {  	[spmem:s2] =	stream.indirect.scatter.add.f32 [tilespmem:s6], [sflag:$0x2], $0x40, s12, s28, $0xb8;
	[tilespmem:$0x1F000] =	vst v63  }
0xec: {  	_ =	swait.ge [sflag:s25], $0x2000  }
0xed: {  	s12 =	smov.u32 s14;
	[sflag:s25] =	ssyncset.done $0x0  }
0xee: {  	s11 =	sshra.s32 s11, $0x2;
	[sflag:s25] =	ssyncadd.s32 $0xFFFFE000  }
0xef: {  	[tilespmem:s29], [sflag:$0x1] =	stream.indirect.gather [hbm4b:s4+s28], $0x40, s11, s28, $0xb8;
	[tilespmem:$0x1F000] =	vst v63  }
0xf0: {  	s12 =	sadd.s32 $0x500, s11  }
0xf1: {  	[tilespmem:s30], [sflag:$0x1] =	stream.indirect.gather [hbm4b:s4+s28], $0x40, s12, s28, $0xb8;
	[tilespmem:$0x1F000] =	vst v63  }
0xf2: {  	s14 =	sadd.s32 $0xA00, s11  }
0xf3: {  	[tilespmem:s31], [sflag:$0x1] =	stream.indirect.gather [hbm4b:s4+s28], $0x40, s14, s28, $0xb8;
	[tilespmem:$0x1F000] =	vst v63  }
0xf4: {  	s13 =	sadd.s32 $0xF00, s11  }
0xf5: {  	[tilespmem:s0], [sflag:$0x1] =	stream.indirect.gather [hbm4b:s4+s28], $0x40, s13, s28, $0xb8;
	[tilespmem:$0x1F000] =	vst v63  }
0xf6: {  	s14 =	sadd.s32 $0x1400, s11  }
0xf7: {  	[tilespmem:s1], [sflag:$0x1] =	stream.indirect.gather [hbm4b:s4+s28], $0x40, s14, s28, $0xb8;
	[tilespmem:$0x1F000] =	vst v63  }
0xf8: {  	s13 =	sadd.s32 $0x1900, s11  }
0xf9: {  	[tilespmem:s26], [sflag:$0x1] =	stream.indirect.gather [hbm4b:s4+s28], $0x40, s13, s28, $0xb8;
	[tilespmem:$0x1F000] =	vst v63  }
0xfa: {  	s14 =	sadd.s32 $0x1E00, s11  }
0xfb: {  	[tilespmem:s5], [sflag:$0x1] =	stream.indirect.gather [hbm4b:s4+s28], $0x40, s14, s28, $0xb8;
	[tilespmem:$0x1F000] =	vst v63  }
0xfc: {  	s13 =	sadd.s32 $0x2300, s11  }
0xfd: {  	[tilespmem:s6], [sflag:$0x1] =	stream.indirect.gather [hbm4b:s4+s28], $0x40, s13, s28, $0xb8;
	[tilespmem:$0x1F000] =	vst v63  }
0xfe: {  	_ =	swait.ge [sflag:s7], $0x2000  }
0xff: {  	[sflag:s7] =	ssyncset.done $0x0  }
0x100: {  	[sflag:s7] =	ssyncadd.s32 $0xFFFFE000  }
0x101: {  	_ =	swait.ge [sflag:s7], $0x2000  }
0x102: {  	[sflag:s7] =	ssyncset.done $0x0  }
0x103: {  	[sflag:s7] =	ssyncadd.s32 $0xFFFFE000  }
0x104: {  	_ =	swait.ge [sflag:s7], $0x2000  }
0x105: {  	[sflag:s7] =	ssyncset.done $0x0  }
0x106: {  	[sflag:s7] =	ssyncadd.s32 $0xFFFFE000  }
0x107: {  	_ =	swait.ge [sflag:s7], $0x2000  }
0x108: {  	[sflag:s7] =	ssyncset.done $0x0  }
0x109: {  	[sflag:s7] =	ssyncadd.s32 $0xFFFFE000  }
0x10a: {  	_ =	swait.ge [sflag:s7], $0x2000  }
0x10b: {  	[sflag:s7] =	ssyncset.done $0x0  }
0x10c: {  	[sflag:s7] =	ssyncadd.s32 $0xFFFFE000  }
0x10d: {  	_ =	swait.ge [sflag:s7], $0x2000  }
0x10e: {  	[sflag:s7] =	ssyncset.done $0x0  }
0x10f: {  	[sflag:s7] =	ssyncadd.s32 $0xFFFFE000  }
0x110: {  	_ =	swait.ge [sflag:s7], $0x2000  }
0x111: {  	[sflag:s7] =	ssyncset.done $0x0  }
0x112: {  	[sflag:s7] =	ssyncadd.s32 $0xFFFFE000  }
0x113: {  	_ =	swait.ge [sflag:s7], $0x2000  }
0x114: {  	[sflag:s7] =	ssyncset.done $0x0  }
0x115: {  	s14 =	sadd.s32 $0x2800, s11;
	[sflag:s7] =	ssyncadd.s32 $0xFFFFE000  }
0x116: {  	[spmem:s2] =	stream.indirect.scatter.add.f32 [tilespmem:s29], [sflag:$0x2], $0x40, s14, s28, $0xb8;
	[tilespmem:$0x1F000] =	vst v63  }
0x117: {  	_ =	swait.ge [sflag:s25], $0x2000  }
0x118: {  	[sflag:s25] =	ssyncset.done $0x0  }
0x119: {  	s13 =	sadd.s32 $0x2D00, s11;
	[sflag:s25] =	ssyncadd.s32 $0xFFFFE000  }
0x11a: {  	[spmem:s2] =	stream.indirect.scatter.add.f32 [tilespmem:s30], [sflag:$0x2], $0x40, s13, s28, $0xb8;
	[tilespmem:$0x1F000] =	vst v63  }
0x11b: {  	_ =	swait.ge [sflag:s25], $0x2000  }
0x11c: {  	[sflag:s25] =	ssyncset.done $0x0  }
0x11d: {  	s14 =	sadd.s32 $0x3200, s11;
	[sflag:s25] =	ssyncadd.s32 $0xFFFFE000  }
0x11e: {  	[spmem:s2] =	stream.indirect.scatter.add.f32 [tilespmem:s31], [sflag:$0x2], $0x40, s14, s28, $0xb8;
	[tilespmem:$0x1F000] =	vst v63  }
0x11f: {  	_ =	swait.ge [sflag:s25], $0x2000  }
0x120: {  	[sflag:s25] =	ssyncset.done $0x0  }
0x121: {  	s13 =	sadd.s32 $0x3700, s11;
	[sflag:s25] =	ssyncadd.s32 $0xFFFFE000  }
0x122: {  	[spmem:s2] =	stream.indirect.scatter.add.f32 [tilespmem:s0], [sflag:$0x2], $0x40, s13, s28, $0xb8;
	[tilespmem:$0x1F000] =	vst v63  }
0x123: {  	_ =	swait.ge [sflag:s25], $0x2000  }
0x124: {  	[sflag:s25] =	ssyncset.done $0x0  }
0x125: {  	s14 =	sadd.s32 $0x3C00, s11;
	[sflag:s25] =	ssyncadd.s32 $0xFFFFE000  }
0x126: {  	[spmem:s2] =	stream.indirect.scatter.add.f32 [tilespmem:s1], [sflag:$0x2], $0x40, s14, s28, $0xb8;
	[tilespmem:$0x1F000] =	vst v63  }
0x127: {  	_ =	swait.ge [sflag:s25], $0x2000  }
0x128: {  	[sflag:s25] =	ssyncset.done $0x0  }
0x129: {  	s13 =	sadd.s32 $0x4100, s11;
	[sflag:s25] =	ssyncadd.s32 $0xFFFFE000  }
0x12a: {  	[spmem:s2] =	stream.indirect.scatter.add.f32 [tilespmem:s26], [sflag:$0x2], $0x40, s13, s28, $0xb8;
	[tilespmem:$0x1F000] =	vst v63  }
0x12b: {  	_ =	swait.ge [sflag:s25], $0x2000  }
0x12c: {  	[sflag:s25] =	ssyncset.done $0x0  }
0x12d: {  	s14 =	sadd.s32 $0x4600, s11;
	[sflag:s25] =	ssyncadd.s32 $0xFFFFE000  }
0x12e: {  	[spmem:s2] =	stream.indirect.scatter.add.f32 [tilespmem:s5], [sflag:$0x2], $0x40, s14, s28, $0xb8;
	[tilespmem:$0x1F000] =	vst v63  }
0x12f: {  	_ =	swait.ge [sflag:s25], $0x2000  }
0x130: {  	[sflag:s25] =	ssyncset.done $0x0  }
0x131: {  	s11 =	sadd.s32 $0x4B00, s11;
	[sflag:s25] =	ssyncadd.s32 $0xFFFFE000  }
0x132: {  	[spmem:s2] =	stream.indirect.scatter.add.f32 [tilespmem:s6], [sflag:$0x2], $0x40, s11, s28, $0xb8;
	[tilespmem:$0x1F000] =	vst v63  }
0x133: {  	_ =	swait.ge [sflag:s25], $0x2000  }
0x134: {  	s8 =	sadd.s32 $0x1, s8;
	[sflag:s25] =	ssyncset.done $0x0  }
0x135: {  	p0 =	sne.s32 s8, s24;
	[sflag:s25] =	ssyncadd.s32 $0xFFFFE000  }
.Ltmp1:
0x136: {  	[bflag:$0x0] =	sbarrier.arrive $0xFFFF;
	(pc) =	sbr.rel @p0 .LBB2_1-.Ltmp1, $4  }
0x137: {  	[hbm:s23], [sflag:s9] =	dma.local [spmem:s10], $0x1400  }
0x138: {  	_ =	swait.ge [sflag:s25], $0x1400  }
0x139: {  	[sflag:s25] =	ssyncset.done $0x0  }
0x13a: {  	[sflag:s25] =	ssyncadd.s32 $0xFFFFEC00  }
0x13b: {  	_ =	sfence.sel $0x180000  }
0x13c: {  	[bflag:$0x0] =	sbarrier.arrive $0xFFFF  }
0x13d: {  	_ =	strace $0x9000004A  }
0x13e: {  	s0 =	stileid.u32;
	[bflag:$0x2] =	sbarrier.arrive $0xFFFF  }
0x13f: {  	p0 =	sne.s32 s0, $0x0;
	s0 =	rddreg [dreg:$0x2]  }
0x140: {  	s0 =	sadd.s32 @!p0 $0x100000, s0  }
0x141: {  	[sflag:s0] =	ssyncadd.tile.s32 @!p0 $0x1;
	_ =	shalt  }
.Lfunc_end2:
_tile_overlayer_lowered:
.L_overlay_start_2:
0x142: {  	(tag) =	ssettag $0x2  }
0x143: {  	s0 =	rddreg [dreg:$0x0];
	s2 =	stileid.u32  }
0x144: {  	s1 =	rddreg [dreg:$0x1];
	p0 =	sne.s32 s2, $0x0  }
0x145: {  	s3 =	rddreg [dreg:$0x2];
	[bflag:$0x3] =	sbarrier.arrive $0xFFFF;
	s2 =	simm.s32 @!p0 $0x1C02  }
0x146: {  	[timem:s3], [sflag:s2] =	dma.local @!p0 [hbm:s0], s1  }
0x147: {  	s0 =	simm.s32 @!p0 $0x2  }
0x148: {  	_ =	swait.ge @!p0 [sflag:s0], s1  }
0x149: {  	s1 =	ssub.s32 @!p0 $0x0, s1;
	[sflag:s0] =	ssyncset.done @!p0 $0x0  }
0x14a: {  	[sflag:s0] =	ssyncadd.s32 @!p0 s1  }
0x14b: {  	[bflag:$0x3] =	sbarrier.arrive $0xFFFF  }
0x14c: {  	_ =	shalt  }

// kernel: kernel.16.cloned.1.call-start
scs
__scs_entry_jumppad:
0x0: {  	(pc) =	sbr.rel $0x88, $3  }
0x1: {  	(tag) =	ssettag $0x0;
	lr =	simm.s32 $0x1  }
0x2: {  	[smem:$0x3F8C] =	sst lr;
	_ =	strace $0xD0000000  }
0x3: {  	_ = 	snop  }
0x4: {  	_ = 	snop  }
0x5: {  	_ = 	snop  }
0x6: {  	_ = 	snop  }
0x7: {  	_ = 	snop  }
__scs_overlays_trampoline_lowered:
0x8: {  	[smem:$0x3F9B] =	sst s0  }
0x9: {  	[smem:$0x3F9C] =	sst s1  }
0xa: {  	[smem:$0x3F9D] =	sst s2  }
0xb: {  	[smem:$0x3F9E] =	sst s3  }
0xc: {  	[smem:$0x3F9F] =	sst s4  }
0xd: {  	[smem:$0x3FA0] =	sst s5  }
0xe: {  	[smem:$0x3FA1] =	sst s6  }
0xf: {  	[smem:$0x3FA2] =	sst s7  }
0x10: {  	[smem:$0x3FA3] =	sst s8  }
0x11: {  	[smem:$0x3FA4] =	sst s9;
	s0 =	simm.s32 @!p0 $0x0  }
0x12: {  	s1 =	sld [smem:$0x3F8A];
	s0 =	simm.s32 @p0 $0x1  }
0x13: {  	[smem:$0x3FA5] =	sst s0;
	s0 =	simm.s32 @!p1 $0x0  }
0x14: {  	s2 =	sld [smem:$0x3F89];
	s0 =	simm.s32 @p1 $0x1  }
0x15: {  	[smem:$0x3FA6] =	sst s0;
	s0 =	simm.s32 @!p2 $0x0  }
0x16: {  	s3 =	sld [smem:$0x3FDB];
	s0 =	simm.s32 @p2 $0x1  }
0x17: {  	s4 =	simm.s32 $0x1BF5;
	[smem:$0x3FA8] =	sst s0  }
0x18: {  	s0 =	sld [smem:$0x3F8B];
	_ =	swait.ge [sflag:s4], $0x0  }
0x19: {  	s7 =	sld [smem:$0x3F8C]  }
0x1a: {  	s8 =	sadd.s32 $0xFFFFE003, lr  }
0x1b: {  	s9 =	sadd.s32 $0xFFFFFEF7, lr;
	s5 =	simm.s32 $0xFFFFFFFF;
	p2 =	slt.u32 s8, $0xFFFFF086  }
0x1c: {  	p1 =	slt.u32 s9, $0xF7A;
	s5 =	simm.s32 @!p2 $0x0  }
0x1d: {  	s5 =	simm.s32 @p1 $0x1;
	p0 =	seq.s32 s7, s2  }
0x1e: {  	s7 =	smul.u32 @!p0 $0xF7A, s2;
	p2 =	seq.s32 @!p0 s5, $0x0  }
0x1f: {  	s9 =	smul.u32 $0xF7A, s1;
	s8 =	simm.s32 @!p0 $0x1BF5;
	p2 =	por !p2, p0  }
0x20: {  	[sflag:s8] =	ssyncset.s32 @!p0 $0xFFFFF086;
	s6 =	sadd.s32 @!p0 s3, s7;
	s7 =	simm.s32 @!p0 $0x108  }
0x21: {  	s3 =	sadd.s32 s3, s9;
	s6 =	sadd.s32 @!p0 $0x88, s6;
	s7 =	simm.s32 @p2 $0x1082  }
0x22: {  	[simem:s7], [sflag:s8] =	dma.local @!p0 [hbm:s6], $0xF7A  }
0x23: {  	s9 =	sor.u32 $0xD0000000, s2;
	s6 =	simm.s32 $0x108;
	_ =	swait.ge @!p0 [sflag:s8], $0x0  }
0x24: {  	s3 =	sadd.s32 $0x88, s3;
	s6 =	simm.s32 @!p1 $0x1082;
	[sflag:s4] =	ssyncset.s32 $0xFFFFF086  }
0x25: {  	[simem:s6], [sflag:s4] =	dma.local [hbm:s3], $0xF7A  }
0x26: {  	[smem:$0x3F8C] =	sst s1;
	(tag) =	ssettag s2;
	_ =	strace s9  }
0x27: {  	s1 =	sld [smem:$0x3F9C]  }
0x28: {  	s2 =	sld [smem:$0x3F9D]  }
0x29: {  	s4 =	sld [smem:$0x3F9F]  }
0x2a: {  	p0 =	seq.s32 s5, $0x0;
	s5 =	sld [smem:$0x3FA0]  }
0x2b: {  	s6 =	sld [smem:$0x3FA1]  }
0x2c: {  	s7 =	sld [smem:$0x3FA2]  }
0x2d: {  	s3 =	simm.s32 $0x108;
	s8 =	sld [smem:$0x3FA3]  }
0x2e: {  	s3 =	simm.s32 @!p0 $0x1082;
	s9 =	sld [smem:$0x3FA4]  }
0x2f: {  	lr =	sadd.s32 s0, s3;
	s0 =	sld [smem:$0x3F9B]  }
0x30: {  	s3 =	sld [smem:$0x3F9E]  }
0x31: {  	[smem:$0x3FA7] =	sst s10  }
0x32: {  	s10 =	sld [smem:$0x3FA5];
	_ =	sdelay $0x3  }
0x33: {  	p0 =	seq.s32 s10, $0x1;
	s10 =	sld [smem:$0x3FA7];
	_ =	sdelay $0x3  }
0x34: {  	[smem:$0x3FA7] =	sst s10  }
0x35: {  	s10 =	sld [smem:$0x3FA6];
	_ =	sdelay $0x3  }
0x36: {  	p1 =	seq.s32 s10, $0x1;
	s10 =	sld [smem:$0x3FA7];
	_ =	sdelay $0x3  }
0x37: {  	[smem:$0x3FA7] =	sst s10  }
0x38: {  	s10 =	sld [smem:$0x3FA8]  }
0x39: {  	_ = 	snop;
	(pc) =	sbr.ind lr, $3  }
0x3a: {  	_ = 	snop  }
0x3b: {  	_ = 	snop  }
0x3c: {  	p2 =	seq.s32 s10, $0x1;
	s10 =	sld [smem:$0x3FA7]  }
0x3d: {  	_ =	shalt  }
0x3e: {  	_ =	shalt  }
0x3f: {  	_ =	shalt  }
0x40: {  	_ =	shalt  }
0x41: {  	_ =	shalt  }
0x42: {  	_ =	shalt  }
0x43: {  	_ =	shalt  }
0x44: {  	_ =	shalt  }
0x45: {  	_ =	shalt  }
0x46: {  	_ =	shalt  }
0x47: {  	_ =	shalt  }
0x48: {  	_ =	shalt  }
0x49: {  	_ =	shalt  }
0x4a: {  	_ =	shalt  }
0x4b: {  	_ =	shalt  }
0x4c: {  	_ =	shalt  }
0x4d: {  	_ =	shalt  }
0x4e: {  	_ =	shalt  }
0x4f: {  	_ =	shalt  }
0x50: {  	_ =	shalt  }
0x51: {  	_ =	shalt  }
0x52: {  	_ =	shalt  }
0x53: {  	_ =	shalt  }
0x54: {  	_ =	shalt  }
0x55: {  	_ =	shalt  }
0x56: {  	_ =	shalt  }
0x57: {  	_ =	shalt  }
0x58: {  	_ =	shalt  }
0x59: {  	_ =	shalt  }
0x5a: {  	_ =	shalt  }
0x5b: {  	_ =	shalt  }
0x5c: {  	_ =	shalt  }
0x5d: {  	_ =	shalt  }
0x5e: {  	_ =	shalt  }
0x5f: {  	_ =	shalt  }
0x60: {  	_ =	shalt  }
0x61: {  	_ =	shalt  }
0x62: {  	_ =	shalt  }
0x63: {  	_ =	shalt  }
0x64: {  	_ =	shalt  }
0x65: {  	_ =	shalt  }
0x66: {  	_ =	shalt  }
0x67: {  	_ =	shalt  }
0x68: {  	_ =	shalt  }
0x69: {  	_ =	shalt  }
0x6a: {  	_ =	shalt  }
0x6b: {  	_ =	shalt  }
0x6c: {  	_ =	shalt  }
0x6d: {  	_ =	shalt  }
0x6e: {  	_ =	shalt  }
0x6f: {  	_ =	shalt  }
0x70: {  	_ =	shalt  }
0x71: {  	_ =	shalt  }
0x72: {  	_ =	shalt  }
0x73: {  	_ =	shalt  }
0x74: {  	_ =	shalt  }
0x75: {  	_ =	shalt  }
0x76: {  	_ =	shalt  }
0x77: {  	_ =	shalt  }
0x78: {  	_ =	shalt  }
0x79: {  	_ =	shalt  }
0x7a: {  	_ =	shalt  }
0x7b: {  	_ =	shalt  }
0x7c: {  	_ =	shalt  }
0x7d: {  	_ =	shalt  }
0x7e: {  	_ =	shalt  }
0x7f: {  	_ =	shalt  }
0x80: {  	_ =	shalt  }
0x81: {  	_ =	shalt  }
0x82: {  	_ =	shalt  }
0x83: {  	_ =	shalt  }
0x84: {  	_ =	shalt  }
0x85: {  	_ =	shalt  }
0x86: {  	_ =	shalt  }
0x87: {  	_ =	shalt  }
.Lfunc_end0:
.L_simem_size_0:
called_computation.2_lowered:
.L_overlay_start_0:
0x88: {  	s2 =	sld [smem:$0x3FD9]  }
0x89: {  	s3 =	sld [smem:$0x3FFE];
	_ =	sdelay $0x1  }
0x8a: {  	s1 =	srdreg.scid  }
0x8b: {  	s0 =	sand.u32 $0x1, s1  }
0x8c: {  	s16 =	sshll.u32 s0, $0xA;
	s2 =	sadd.s32 s3, s2  }
0x8d: {  	s2 =	sadd.s32 s2, s16  }
0x8e: {  	[smem:$0x3FB3] =	sst s2  }
0x8f: {  	_ = 	snop  }
0x90: {  	(tm) =	ssettm $0x1  }
0x91: {  	s17 =	sld [smem:$0x3FFB];
	_ =	sdelay $0x3  }
0x92: {  	_ =	strace s17  }
0x93: {  	s2 =	sld [smem:$0x3FFC];
	_ =	sdelay $0x3  }
0x94: {  	_ =	strace s2  }
0x95: {  	s2 =	sld [smem:$0x3FFD];
	_ =	sdelay $0x3  }
0x96: {  	_ =	strace s2  }
0x97: {  	_ =	strace $0x8FFFFFFF  }
0x98: {  	s18 =	sld [smem:$0x3FDB];
	_ =	sdelay $0x1  }
0x99: {  	s19 =	simm.s32 $_scs_section_size  }
0x9a: {  	s4 =	simm.s32 $_size__tile_overlayer_lowered;
	s5 =	simm.s32 $_tile_overlayer_lowered  }
0x9b: {  	s22 =	simm.s32 $0x1BFF;
	s21 =	sshll.u32 s5, $0x1;
	s2 =	sadd.s32 s19, s18  }
0x9c: {  	s6 =	simm.s32 $0x0;
	s20 =	sshll.u32 s4, $0x1;
	s4 =	sadd.s32 s21, s2  }
0x9d: {  	[timem:s6], [sflag:s22] =	dma.local [hbm:s4], s20  }
0x9e: {  	_ =	swait.ge [sflag:s22], s20  }
0x9f: {  	s3 =	ssub.s32 $0x0, s20;
	[sflag:s22] =	ssyncset.done $0x0  }
0xa0: {  	[sflag:s22] =	ssyncadd.s32 s3;
	_ =	sdelay $0x1  }
0xa1: {  	s23 =	simm.s32 $0x1B8B  }
0xa2: {  	_ =	swait.ge [sflag:s23], $0x1  }
0xa3: {  	[sflag:s23] =	ssyncset.done $0x0  }
0xa4: {  	s25 =	simm.s32 $0x1B8E;
	s24 =	sld [smem:$0x3FFE];
	[sflag:s23] =	ssyncadd.s32 $0xFFFFFFFF  }
0xa5: {  	s26 =	simm.s32 $execute0_lowered;
	[smem:$0x3FD2] =	sst s25  }
0xa6: {  	s4 =	sshll.u32 s26, $0x1;
	_ =	strace $0x8000004C;
	[dreg:$0x1] =	wrdreg $0xFFFFFFFF  }
0xa7: {  	s28 =	simm.s32 $_size_execute0_lowered;
	s2 =	sadd.s32 s2, s4;
	[dreg:$0x0] =	wrdreg $0x0  }
0xa8: {  	s4 =	sshll.u32 s28, $0x1;
	[dreg:$0x2] =	wrdreg s2  }
0xa9: {  	[dreg:$0x3] =	wrdreg s4  }
0xaa: {  	[dreg:$0x4] =	wrdreg $0xC0  }
0xab: {  	_ =	task [dreg:s6], $0x5FFFF  }
0xac: {  	[dreg:$0x1] =	wrdreg $0xFFFFFFFF  }
0xad: {  	[dreg:$0x0] =	wrdreg $0x60  }
0xae: {  	[dreg:$0x2] =	wrdreg s24  }
0xaf: {  	[dreg:$0x3] =	wrdreg $0x150000  }
0xb0: {  	[dreg:$0x4] =	wrdreg $0x9  }
0xb1: {  	_ =	task.clear_ibuf [dreg:s6], $0x5FFFF;
	_ =	strace $0x9000004C  }
0xb2: {  	s29 =	simm.s32 $0x9;
	_ =	strace $0x8000004E  }
0xb3: {  	_ =	swait.ge [sflag:s29], $0x1  }
0xb4: {  	[sflag:s29] =	ssyncadd.s32 $0xFFFFFFFF  }
0xb5: {  	_ =	strace $0x9000004E  }
0xb6: {  	_ =	sfence  }
0xb7: {  	s30 =	sld [smem:$0x0];
	_ =	sdelay $0x2  }
0xb8: {  	s31 =	sshll.u32 s1, $0xD;
	s1 =	sshrl.u32 s1, $0x2  }
0xb9: {  	s3 =	sand.u32 $0x4000, s31;
	s1 =	sadd.s32 s1, s30  }
0xba: {  	s0 =	sor.u32 s3, s0;
	s1 =	sshll.u32 s1, $0x11  }
0xbb: {  	s0 =	sor.u32 s1, s0  }
0xbc: {  	s0 =	sadd.s32 $0x8F2B, s0  }
0xbd: {  	[sflag:s0] =	ssyncadd.remote.s32 $0x1  }
0xbe: {  	_ =	sfence.sel $0xFFFF  }
0xbf: {  	[dreg:$0x0] =	wrdreg $0xFFFFFFFF;
	(pc) =	sbr.abs _section_cstart, $3  }
0xc0: {  	[dreg:$0x1] =	wrdreg $0xFFFFFFFF  }
0xc1: {  	_ =	task.clear_ibuf [dreg:s6], $0x2FFFF;
	_ =	strace $0x9FFFFFFF  }
0xc2: {  	(tm) =	ssettm $0x7FFFFFFF  }
0xc3: {  	_ =	shalt  }
tec
execute0_lowered:
.L_overlay_start_1:
0x0: {  	(tag) =	ssettag $0x1  }
0x1: {  	s0 =	rddreg [dreg:$0x0]  }
0x2: {  	s2 =	rddreg [dreg:$0x1];
	s3 =	simm.s32 $0x0  }
0x3: {  	s1 =	srdreg.scid;
	s9 =	stileid.u32;
	s28 =	simm.s32 $0x80  }
0x4: {  	s29 =	simm.s32 $0x5000;
	s30 =	simm.s32 $0x7000;
	s31 =	simm.s32 $0x9000  }
0x5: {  	[smem:$0x7FF] =	sst s3;
	s1 =	sand.u32 $0x1, s1;
	s5 =	smul.u32 $0xA000, s9  }
0x6: {  	s4 =	sadd.s32 $0x4B400, s0;
	s8 =	sadd.s32 $0x19400, s0;
	s7 =	sshll.u32 s1, $0x4  }
0x7: {  	s12 =	sadd.s32 $0x4C00, s0;
	s6 =	smul.u32 $0xA0000, s1;
	s7 =	sor.u32 s9, s7  }
0x8: {  	s10 =	sadd.s32 $0xEC00, s0;
	_ =	strace $0x8000004D;
	s7 =	smul.u32 $0x500, s7  }
0x9: {  	[dreg:$0x3] =	wrdreg s10;
	s1 =	ssub.s32 $0x2, s1;
	s6 =	sadd.s32 s5, s6  }
0xa: {  	s13 =	sshrl.u32 s1, $0x1;
	s6 =	sshrl.u32 s6, $0x3;
	s7 =	sshrl.u32 s7, $0x3  }
0xb: {  	s1 =	ssub.s32 s1, s13;
	s0 =	sadd.s32 s6, s0;
	s14 =	sadd.s32 s8, s7  }
0xc: {  	s15 =	sadd.s32 $0x1400, s7;
	s16 =	sadd.s32 s12, s7;
	s18 =	sadd.s32 $0x2800, s7  }
0xd: {  	s20 =	sadd.s32 $0x3C00, s7;
	s22 =	sadd.s32 $0x5000, s7;
	s24 =	sadd.s32 $0x6400, s7  }
0xe: {  	s25 =	sadd.s32 $0x7800, s7;
	s26 =	sadd.s32 $0x8C00, s7;
	[dreg:$0x4] =	wrdreg s14  }
0xf: {  	s7 =	simm.s32 $0x1;
	[dreg:$0x5] =	wrdreg s16;
	s17 =	sadd.s32 s8, s15  }
0x10: {  	s6 =	sadd.s32 s12, s15;
	s19 =	sadd.s32 s8, s18;
	[dreg:$0x6] =	wrdreg s17  }
0x11: {  	s10 =	sadd.s32 s12, s18;
	s21 =	sadd.s32 s8, s20;
	[dreg:$0x7] =	wrdreg s6  }
0x12: {  	s23 =	sadd.s32 s8, s22;
	s15 =	sadd.s32 s12, s22;
	[dreg:$0x8] =	wrdreg s19  }
0x13: {  	s16 =	sadd.s32 s8, s24;
	s18 =	sadd.s32 s8, s25;
	[dreg:$0x9] =	wrdreg s10  }
0x14: {  	s22 =	sadd.s32 s5, s2;
	s5 =	simm.s32 $0x11000;
	[dreg:$0xa] =	wrdreg s21  }
0x15: {  	s6 =	sadd.s32 s12, s20;
	[dreg:$0xc] =	wrdreg s23;
	s17 =	sadd.s32 s12, s24  }
0x16: {  	s19 =	sadd.s32 s12, s25;
	s20 =	sadd.s32 s8, s26;
	s21 =	sadd.s32 s12, s26  }
0x17: {  	s23 =	sadd.s32 $0x5F400, s0;
	s24 =	smax.u32 s1, $0x1;
	s25 =	simm.s32 $0x2  }
0x18: {  	s0 =	simm.s32 $0xB000;
	s1 =	simm.s32 $0xD000;
	s26 =	simm.s32 $0xF000  }
0x19: {  	s8 =	simm.s32 $0x0;
	[dreg:$0xb] =	wrdreg s6;
	s6 =	simm.s32 $0x13000  }
.LBB2_1:
0x1a: {  	s9 =	rddreg [dreg:$0x4]  }
0x1b: {  	[tilespmem:s3], [sflag:$0x2] =	stream.linear.gather [hbm4b:s9+s3], $0x500, $0x38;
	[tilespmem:$0x1F000] =	vst v63  }
0x1c: {  	_ =	swait.ge [sflag:s25], $0x500  }
0x1d: {  	[sflag:s25] =	ssyncset.done $0x0  }
0x1e: {  	s10 =	simm.s32 $0x2800;
	s12 =	rddreg [dreg:$0x5];
	[sflag:s25] =	ssyncadd.s32 $0xFFFFFB00  }
0x1f: {  	[tilespmem:s10], [sflag:$0x2] =	stream.linear.gather [hbm4b:s12+s3], $0x500, $0x38;
	[tilespmem:$0x1F000] =	vst v63  }
0x20: {  	_ =	swait.ge [sflag:s25], $0x500  }
0x21: {  	[sflag:s25] =	ssyncset.done $0x0  }
0x22: {  	s14 =	simm.s32 $0x500;
	s13 =	rddreg [dreg:$0x6];
	[sflag:s25] =	ssyncadd.s32 $0xFFFFFB00  }
0x23: {  	[tilespmem:s14], [sflag:$0x2] =	stream.linear.gather [hbm4b:s13+s3], $0x500, $0x38;
	[tilespmem:$0x1F000] =	vst v63  }
0x24: {  	_ =	swait.ge [sflag:s25], $0x500  }
0x25: {  	[sflag:s25] =	ssyncset.done $0x0  }
0x26: {  	s12 =	simm.s32 $0x2D00;
	s11 =	rddreg [dreg:$0x7];
	[sflag:s25] =	ssyncadd.s32 $0xFFFFFB00  }
0x27: {  	[tilespmem:s12], [sflag:$0x2] =	stream.linear.gather [hbm4b:s11+s3], $0x500, $0x38;
	[tilespmem:$0x1F000] =	vst v63  }
0x28: {  	_ =	swait.ge [sflag:s25], $0x500  }
0x29: {  	[sflag:s25] =	ssyncset.done $0x0  }
0x2a: {  	s14 =	simm.s32 $0xA00;
	s13 =	rddreg [dreg:$0x8];
	[sflag:s25] =	ssyncadd.s32 $0xFFFFFB00  }
0x2b: {  	[tilespmem:s14], [sflag:$0x2] =	stream.linear.gather [hbm4b:s13+s3], $0x500, $0x38;
	[tilespmem:$0x1F000] =	vst v63  }
0x2c: {  	_ =	swait.ge [sflag:s25], $0x500  }
0x2d: {  	[sflag:s25] =	ssyncset.done $0x0  }
0x2e: {  	s12 =	simm.s32 $0x3200;
	s11 =	rddreg [dreg:$0x9];
	[sflag:s25] =	ssyncadd.s32 $0xFFFFFB00  }
0x2f: {  	[tilespmem:s12], [sflag:$0x2] =	stream.linear.gather [hbm4b:s11+s3], $0x500, $0x38;
	[tilespmem:$0x1F000] =	vst v63  }
0x30: {  	_ =	swait.ge [sflag:s25], $0x500  }
0x31: {  	[sflag:s25] =	ssyncset.done $0x0  }
0x32: {  	s14 =	simm.s32 $0xF00;
	s13 =	rddreg [dreg:$0xa];
	[sflag:s25] =	ssyncadd.s32 $0xFFFFFB00  }
0x33: {  	[tilespmem:s14], [sflag:$0x2] =	stream.linear.gather [hbm4b:s13+s3], $0x500, $0x38;
	[tilespmem:$0x1F000] =	vst v63  }
0x34: {  	_ =	swait.ge [sflag:s25], $0x500  }
0x35: {  	[sflag:s25] =	ssyncset.done $0x0  }
0x36: {  	s12 =	simm.s32 $0x3700;
	s11 =	rddreg [dreg:$0xb];
	[sflag:s25] =	ssyncadd.s32 $0xFFFFFB00  }
0x37: {  	[tilespmem:s12], [sflag:$0x2] =	stream.linear.gather [hbm4b:s11+s3], $0x500, $0x38;
	[tilespmem:$0x1F000] =	vst v63  }
0x38: {  	_ =	swait.ge [sflag:s25], $0x500  }
0x39: {  	[sflag:s25] =	ssyncset.done $0x0  }
0x3a: {  	s14 =	simm.s32 $0x1400;
	s13 =	rddreg [dreg:$0xc];
	[sflag:s25] =	ssyncadd.s32 $0xFFFFFB00  }
0x3b: {  	[tilespmem:s14], [sflag:$0x2] =	stream.linear.gather [hbm4b:s13+s3], $0x500, $0x38;
	[tilespmem:$0x1F000] =	vst v63  }
0x3c: {  	_ =	swait.ge [sflag:s25], $0x500  }
0x3d: {  	[sflag:s25] =	ssyncset.done $0x0  }
0x3e: {  	s11 =	simm.s32 $0x3C00;
	[sflag:s25] =	ssyncadd.s32 $0xFFFFFB00  }
0x3f: {  	[tilespmem:s11], [sflag:$0x2] =	stream.linear.gather [hbm4b:s15+s3], $0x500, $0x38;
	[tilespmem:$0x1F000] =	vst v63  }
0x40: {  	_ =	swait.ge [sflag:s25], $0x500  }
0x41: {  	[sflag:s25] =	ssyncset.done $0x0  }
0x42: {  	s12 =	simm.s32 $0x1900;
	[sflag:s25] =	ssyncadd.s32 $0xFFFFFB00  }
0x43: {  	[tilespmem:s12], [sflag:$0x2] =	stream.linear.gather [hbm4b:s16+s3], $0x500, $0x38;
	[tilespmem:$0x1F000] =	vst v63  }
0x44: {  	_ =	swait.ge [sflag:s25], $0x500  }
0x45: {  	[sflag:s25] =	ssyncset.done $0x0  }
0x46: {  	s13 =	simm.s32 $0x4100;
	[sflag:s25] =	ssyncadd.s32 $0xFFFFFB00  }
0x47: {  	[tilespmem:s13], [sflag:$0x2] =	stream.linear.gather [hbm4b:s17+s3], $0x500, $0x38;
	[tilespmem:$0x1F000] =	vst v63  }
0x48: {  	_ =	swait.ge [sflag:s25], $0x500  }
0x49: {  	[sflag:s25] =	ssyncset.done $0x0  }
0x4a: {  	s14 =	simm.s32 $0x1E00;
	[sflag:s25] =	ssyncadd.s32 $0xFFFFFB00  }
0x4b: {  	[tilespmem:s14], [sflag:$0x2] =	stream.linear.gather [hbm4b:s18+s3], $0x500, $0x38;
	[tilespmem:$0x1F000] =	vst v63  }
0x4c: {  	_ =	swait.ge [sflag:s25], $0x500  }
0x4d: {  	[sflag:s25] =	ssyncset.done $0x0  }
0x4e: {  	s10 =	simm.s32 $0x4600;
	[sflag:s25] =	ssyncadd.s32 $0xFFFFFB00  }
0x4f: {  	[tilespmem:s10], [sflag:$0x2] =	stream.linear.gather [hbm4b:s19+s3], $0x500, $0x38;
	[tilespmem:$0x1F000] =	vst v63  }
0x50: {  	_ =	swait.ge [sflag:s25], $0x500  }
0x51: {  	[sflag:s25] =	ssyncset.done $0x0  }
0x52: {  	s11 =	simm.s32 $0x2300;
	[sflag:s25] =	ssyncadd.s32 $0xFFFFFB00  }
0x53: {  	[tilespmem:s11], [sflag:$0x2] =	stream.linear.gather [hbm4b:s20+s3], $0x500, $0x38;
	[tilespmem:$0x1F000] =	vst v63  }
0x54: {  	_ =	swait.ge [sflag:s25], $0x500  }
0x55: {  	[sflag:s25] =	ssyncset.done $0x0  }
0x56: {  	s12 =	simm.s32 $0x4B00;
	s13 =	stileid.u32;
	[sflag:s25] =	ssyncadd.s32 $0xFFFFFB00  }
0x57: {  	[tilespmem:s12], [sflag:$0x2] =	stream.linear.gather [hbm4b:s21+s3], $0x500, $0x38;
	[tilespmem:$0x1F000] =	vst v63  }
0x58: {  	s9 =	sshll.u32 s13, $0x6;
	_ =	swait.ge [sflag:s25], $0x500  }
0x59: {  	s9 =	sor.u32 $0x1C02, s9;
	[sflag:s25] =	ssyncset.done $0x0  }
0x5a: {  	s10 =	sshrl.u32 s22, $0x3;
	s11 =	rddreg [dreg:$0x3];
	[sflag:s25] =	ssyncadd.s32 $0xFFFFFB00  }
0x5b: {  	[spmem:s10], [sflag:s9] =	dma.local [hbm:s11], $0x1400  }
0x5c: {  	_ =	swait.ge [sflag:s25], $0x1400  }
0x5d: {  	[sflag:s25] =	ssyncset.done $0x0  }
0x5e: {  	[sflag:s25] =	ssyncadd.s32 $0xFFFFEC00  }
0x5f: {  	s14 =	simm.s32 $0x0;
	[bflag:$0x0] =	sbarrier.arrive $0xFFFF  }
0x60: {  	[tilespmem:s29], [sflag:$0x1] =	stream.indirect.gather [hbm4b:s4+s28], $0x40, s14, s28, $0xb8;
	[tilespmem:$0x1F000] =	vst v63  }
0x61: {  	s12 =	simm.s32 $0x500  }
0x62: {  	[tilespmem:s30], [sflag:$0x1] =	stream.indirect.gather [hbm4b:s4+s28], $0x40, s12, s28, $0xb8;
	[tilespmem:$0x1F000] =	vst v63  }
0x63: {  	s13 =	simm.s32 $0xA00  }
0x64: {  	[tilespmem:s31], [sflag:$0x1] =	stream.indirect.gather [hbm4b:s4+s28], $0x40, s13, s28, $0xb8;
	[tilespmem:$0x1F000] =	vst v63  }
0x65: {  	s14 =	simm.s32 $0xF00  }
0x66: {  	[tilespmem:s0], [sflag:$0x1] =	stream.indirect.gather [hbm4b:s4+s28], $0x40, s14, s28, $0xb8;
	[tilespmem:$0x1F000] =	vst v63  }
0x67: {  	s12 =	simm.s32 $0x1400  }
0x68: {  	[tilespmem:s1], [sflag:$0x1] =	stream.indirect.gather [hbm4b:s4+s28], $0x40, s12, s28, $0xb8;
	[tilespmem:$0x1F000] =	vst v63  }
0x69: {  	s13 =	simm.s32 $0x1900  }
0x6a: {  	[tilespmem:s26], [sflag:$0x1] =	stream.indirect.gather [hbm4b:s4+s28], $0x40, s13, s28, $0xb8;
	[tilespmem:$0x1F000] =	vst v63  }
0x6b: {  	s14 =	simm.s32 $0x1E00  }
0x6c: {  	[tilespmem:s5], [sflag:$0x1] =	stream.indirect.gather [hbm4b:s4+s28], $0x40, s14, s28, $0xb8;
	[tilespmem:$0x1F000] =	vst v63  }
0x6d: {  	s12 =	simm.s32 $0x2300  }
0x6e: {  	[tilespmem:s6], [sflag:$0x1] =	stream.indirect.gather [hbm4b:s4+s28], $0x40, s12, s28, $0xb8;
	[tilespmem:$0x1F000] =	vst v63  }
0x6f: {  	_ =	swait.ge [sflag:s7], $0x2000  }
0x70: {  	[sflag:s7] =	ssyncset.done $0x0  }
0x71: {  	[sflag:s7] =	ssyncadd.s32 $0xFFFFE000  }
0x72: {  	_ =	swait.ge [sflag:s7], $0x2000  }
0x73: {  	[sflag:s7] =	ssyncset.done $0x0  }
0x74: {  	[sflag:s7] =	ssyncadd.s32 $0xFFFFE000  }
0x75: {  	_ =	swait.ge [sflag:s7], $0x2000  }
0x76: {  	[sflag:s7] =	ssyncset.done $0x0  }
0x77: {  	[sflag:s7] =	ssyncadd.s32 $0xFFFFE000  }
0x78: {  	_ =	swait.ge [sflag:s7], $0x2000  }
0x79: {  	[sflag:s7] =	ssyncset.done $0x0  }
0x7a: {  	[sflag:s7] =	ssyncadd.s32 $0xFFFFE000  }
0x7b: {  	_ =	swait.ge [sflag:s7], $0x2000  }
0x7c: {  	[sflag:s7] =	ssyncset.done $0x0  }
0x7d: {  	[sflag:s7] =	ssyncadd.s32 $0xFFFFE000  }
0x7e: {  	_ =	swait.ge [sflag:s7], $0x2000  }
0x7f: {  	[sflag:s7] =	ssyncset.done $0x0  }
0x80: {  	[sflag:s7] =	ssyncadd.s32 $0xFFFFE000  }
0x81: {  	_ =	swait.ge [sflag:s7], $0x2000  }
0x82: {  	[sflag:s7] =	ssyncset.done $0x0  }
0x83: {  	[sflag:s7] =	ssyncadd.s32 $0xFFFFE000  }
0x84: {  	_ =	swait.ge [sflag:s7], $0x2000  }
0x85: {  	[sflag:s7] =	ssyncset.done $0x0  }
0x86: {  	s13 =	simm.s32 $0x2800;
	[sflag:s7] =	ssyncadd.s32 $0xFFFFE000  }
0x87: {  	[spmem:s2] =	stream.indirect.scatter.add.f32 [tilespmem:s29], [sflag:$0x2], $0x40, s13, s28, $0xb8;
	[tilespmem:$0x1F000] =	vst v63  }
0x88: {  	_ =	swait.ge [sflag:s25], $0x2000  }
0x89: {  	[sflag:s25] =	ssyncset.done $0x0  }
0x8a: {  	s14 =	simm.s32 $0x2D00;
	[sflag:s25] =	ssyncadd.s32 $0xFFFFE000  }
0x8b: {  	[spmem:s2] =	stream.indirect.scatter.add.f32 [tilespmem:s30], [sflag:$0x2], $0x40, s14, s28, $0xb8;
	[tilespmem:$0x1F000] =	vst v63  }
0x8c: {  	_ =	swait.ge [sflag:s25], $0x2000  }
0x8d: {  	[sflag:s25] =	ssyncset.done $0x0  }
0x8e: {  	s12 =	simm.s32 $0x3200;
	[sflag:s25] =	ssyncadd.s32 $0xFFFFE000  }
0x8f: {  	[spmem:s2] =	stream.indirect.scatter.add.f32 [tilespmem:s31], [sflag:$0x2], $0x40, s12, s28, $0xb8;
	[tilespmem:$0x1F000] =	vst v63  }
0x90: {  	_ =	swait.ge [sflag:s25], $0x2000  }
0x91: {  	[sflag:s25] =	ssyncset.done $0x0  }
0x92: {  	s13 =	simm.s32 $0x3700;
	[sflag:s25] =	ssyncadd.s32 $0xFFFFE000  }
0x93: {  	[spmem:s2] =	stream.indirect.scatter.add.f32 [tilespmem:s0], [sflag:$0x2], $0x40, s13, s28, $0xb8;
	[tilespmem:$0x1F000] =	vst v63  }
0x94: {  	_ =	swait.ge [sflag:s25], $0x2000  }
0x95: {  	[sflag:s25] =	ssyncset.done $0x0  }
0x96: {  	s14 =	simm.s32 $0x3C00;
	[sflag:s25] =	ssyncadd.s32 $0xFFFFE000  }
0x97: {  	[spmem:s2] =	stream.indirect.scatter.add.f32 [tilespmem:s1], [sflag:$0x2], $0x40, s14, s28, $0xb8;
	[tilespmem:$0x1F000] =	vst v63  }
0x98: {  	_ =	swait.ge [sflag:s25], $0x2000  }
0x99: {  	[sflag:s25] =	ssyncset.done $0x0  }
0x9a: {  	s12 =	simm.s32 $0x4100;
	[sflag:s25] =	ssyncadd.s32 $0xFFFFE000  }
0x9b: {  	[spmem:s2] =	stream.indirect.scatter.add.f32 [tilespmem:s26], [sflag:$0x2], $0x40, s12, s28, $0xb8;
	[tilespmem:$0x1F000] =	vst v63  }
0x9c: {  	_ =	swait.ge [sflag:s25], $0x2000  }
0x9d: {  	[sflag:s25] =	ssyncset.done $0x0  }
0x9e: {  	s13 =	simm.s32 $0x4600;
	[sflag:s25] =	ssyncadd.s32 $0xFFFFE000  }
0x9f: {  	[spmem:s2] =	stream.indirect.scatter.add.f32 [tilespmem:s5], [sflag:$0x2], $0x40, s13, s28, $0xb8;
	[tilespmem:$0x1F000] =	vst v63  }
0xa0: {  	_ =	swait.ge [sflag:s25], $0x2000  }
0xa1: {  	[sflag:s25] =	ssyncset.done $0x0  }
0xa2: {  	s14 =	simm.s32 $0x4B00;
	[sflag:s25] =	ssyncadd.s32 $0xFFFFE000  }
0xa3: {  	[spmem:s2] =	stream.indirect.scatter.add.f32 [tilespmem:s6], [sflag:$0x2], $0x40, s14, s28, $0xb8;
	[tilespmem:$0x1F000] =	vst v63  }
0xa4: {  	_ =	swait.ge [sflag:s25], $0x2000  }
0xa5: {  	s11 =	simm.s32 $0x200;
	s12 =	simm.s32 $0x400;
	[sflag:s25] =	ssyncset.done $0x0  }
.LBB2_2:
0xa6: {  	s13 =	sshra.s32 s11, $0x2  }
0xa7: {  	[sflag:s25] =	ssyncadd.s32 $0xFFFFE000;
	s11 =	smov.u32 s12;
	s14 =	sadd.s32 $0x200, s12  }
0xa8: {  	[tilespmem:s29], [sflag:$0x1] =	stream.indirect.gather [hbm4b:s4+s28], $0x40, s13, s28, $0xb8;
	[tilespmem:$0x1F000] =	vst v63  }
0xa9: {  	p0 =	sne.s32 s12, $0x1200;
	s12 =	sadd.s32 $0x500, s13  }
0xaa: {  	[tilespmem:s30], [sflag:$0x1] =	stream.indirect.gather [hbm4b:s4+s28], $0x40, s12, s28, $0xb8;
	[tilespmem:$0x1F000] =	vst v63  }
0xab: {  	s12 =	sadd.s32 $0xA00, s13  }
0xac: {  	[tilespmem:s31], [sflag:$0x1] =	stream.indirect.gather [hbm4b:s4+s28], $0x40, s12, s28, $0xb8;
	[tilespmem:$0x1F000] =	vst v63  }
0xad: {  	s12 =	sadd.s32 $0xF00, s13  }
0xae: {  	[tilespmem:s0], [sflag:$0x1] =	stream.indirect.gather [hbm4b:s4+s28], $0x40, s12, s28, $0xb8;
	[tilespmem:$0x1F000] =	vst v63  }
0xaf: {  	s12 =	sadd.s32 $0x1400, s13  }
0xb0: {  	[tilespmem:s1], [sflag:$0x1] =	stream.indirect.gather [hbm4b:s4+s28], $0x40, s12, s28, $0xb8;
	[tilespmem:$0x1F000] =	vst v63  }
0xb1: {  	s12 =	sadd.s32 $0x1900, s13  }
0xb2: {  	[tilespmem:s26], [sflag:$0x1] =	stream.indirect.gather [hbm4b:s4+s28], $0x40, s12, s28, $0xb8;
	[tilespmem:$0x1F000] =	vst v63  }
0xb3: {  	s12 =	sadd.s32 $0x1E00, s13  }
0xb4: {  	[tilespmem:s5], [sflag:$0x1] =	stream.indirect.gather [hbm4b:s4+s28], $0x40, s12, s28, $0xb8;
	[tilespmem:$0x1F000] =	vst v63  }
0xb5: {  	s12 =	sadd.s32 $0x2300, s13  }
0xb6: {  	[tilespmem:s6], [sflag:$0x1] =	stream.indirect.gather [hbm4b:s4+s28], $0x40, s12, s28, $0xb8;
	[tilespmem:$0x1F000] =	vst v63  }
0xb7: {  	_ =	swait.ge [sflag:s7], $0x2000  }
0xb8: {  	[sflag:s7] =	ssyncset.done $0x0  }
0xb9: {  	[sflag:s7] =	ssyncadd.s32 $0xFFFFE000  }
0xba: {  	_ =	swait.ge [sflag:s7], $0x2000  }
0xbb: {  	[sflag:s7] =	ssyncset.done $0x0  }
0xbc: {  	[sflag:s7] =	ssyncadd.s32 $0xFFFFE000  }
0xbd: {  	_ =	swait.ge [sflag:s7], $0x2000  }
0xbe: {  	[sflag:s7] =	ssyncset.done $0x0  }
0xbf: {  	[sflag:s7] =	ssyncadd.s32 $0xFFFFE000  }
0xc0: {  	_ =	swait.ge [sflag:s7], $0x2000  }
0xc1: {  	[sflag:s7] =	ssyncset.done $0x0  }
0xc2: {  	[sflag:s7] =	ssyncadd.s32 $0xFFFFE000  }
0xc3: {  	_ =	swait.ge [sflag:s7], $0x2000  }
0xc4: {  	[sflag:s7] =	ssyncset.done $0x0  }
0xc5: {  	[sflag:s7] =	ssyncadd.s32 $0xFFFFE000  }
0xc6: {  	_ =	swait.ge [sflag:s7], $0x2000  }
0xc7: {  	[sflag:s7] =	ssyncset.done $0x0  }
0xc8: {  	[sflag:s7] =	ssyncadd.s32 $0xFFFFE000  }
0xc9: {  	_ =	swait.ge [sflag:s7], $0x2000  }
0xca: {  	[sflag:s7] =	ssyncset.done $0x0  }
0xcb: {  	[sflag:s7] =	ssyncadd.s32 $0xFFFFE000  }
0xcc: {  	_ =	swait.ge [sflag:s7], $0x2000  }
0xcd: {  	[sflag:s7] =	ssyncset.done $0x0  }
0xce: {  	s12 =	sadd.s32 $0x2800, s13;
	[sflag:s7] =	ssyncadd.s32 $0xFFFFE000  }
0xcf: {  	[spmem:s2] =	stream.indirect.scatter.add.f32 [tilespmem:s29], [sflag:$0x2], $0x40, s12, s28, $0xb8;
	[tilespmem:$0x1F000] =	vst v63  }
0xd0: {  	_ =	swait.ge [sflag:s25], $0x2000  }
0xd1: {  	[sflag:s25] =	ssyncset.done $0x0  }
0xd2: {  	s12 =	sadd.s32 $0x2D00, s13;
	[sflag:s25] =	ssyncadd.s32 $0xFFFFE000  }
0xd3: {  	[spmem:s2] =	stream.indirect.scatter.add.f32 [tilespmem:s30], [sflag:$0x2], $0x40, s12, s28, $0xb8;
	[tilespmem:$0x1F000] =	vst v63  }
0xd4: {  	_ =	swait.ge [sflag:s25], $0x2000  }
0xd5: {  	[sflag:s25] =	ssyncset.done $0x0  }
0xd6: {  	s12 =	sadd.s32 $0x3200, s13;
	[sflag:s25] =	ssyncadd.s32 $0xFFFFE000  }
0xd7: {  	[spmem:s2] =	stream.indirect.scatter.add.f32 [tilespmem:s31], [sflag:$0x2], $0x40, s12, s28, $0xb8;
	[tilespmem:$0x1F000] =	vst v63  }
0xd8: {  	_ =	swait.ge [sflag:s25], $0x2000  }
0xd9: {  	[sflag:s25] =	ssyncset.done $0x0  }
0xda: {  	s12 =	sadd.s32 $0x3700, s13;
	[sflag:s25] =	ssyncadd.s32 $0xFFFFE000  }
0xdb: {  	[spmem:s2] =	stream.indirect.scatter.add.f32 [tilespmem:s0], [sflag:$0x2], $0x40, s12, s28, $0xb8;
	[tilespmem:$0x1F000] =	vst v63  }
0xdc: {  	_ =	swait.ge [sflag:s25], $0x2000  }
0xdd: {  	[sflag:s25] =	ssyncset.done $0x0  }
0xde: {  	s12 =	sadd.s32 $0x3C00, s13;
	[sflag:s25] =	ssyncadd.s32 $0xFFFFE000  }
0xdf: {  	[spmem:s2] =	stream.indirect.scatter.add.f32 [tilespmem:s1], [sflag:$0x2], $0x40, s12, s28, $0xb8;
	[tilespmem:$0x1F000] =	vst v63  }
0xe0: {  	_ =	swait.ge [sflag:s25], $0x2000  }
0xe1: {  	[sflag:s25] =	ssyncset.done $0x0  }
0xe2: {  	s12 =	sadd.s32 $0x4100, s13;
	[sflag:s25] =	ssyncadd.s32 $0xFFFFE000  }
0xe3: {  	[spmem:s2] =	stream.indirect.scatter.add.f32 [tilespmem:s26], [sflag:$0x2], $0x40, s12, s28, $0xb8;
	[tilespmem:$0x1F000] =	vst v63  }
0xe4: {  	_ =	swait.ge [sflag:s25], $0x2000  }
0xe5: {  	[sflag:s25] =	ssyncset.done $0x0  }
0xe6: {  	s12 =	sadd.s32 $0x4600, s13;
	[sflag:s25] =	ssyncadd.s32 $0xFFFFE000  }
0xe7: {  	[spmem:s2] =	stream.indirect.scatter.add.f32 [tilespmem:s5], [sflag:$0x2], $0x40, s12, s28, $0xb8;
	[tilespmem:$0x1F000] =	vst v63  }
0xe8: {  	_ =	swait.ge [sflag:s25], $0x2000  }
.Ltmp0:
0xe9: {  	[sflag:s25] =	ssyncset.done $0x0;
	(pc) =	sbr.rel @p0 .LBB2_2-.Ltmp0, $4  }
0xea: {  	s12 =	sadd.s32 $0x4B00, s13;
	[sflag:s25] =	ssyncadd.s32 $0xFFFFE000  }
0xeb: {  	[spmem:s2] =	stream.indirect.scatter.add.f32 [tilespmem:s6], [sflag:$0x2], $0x40, s12, s28, $0xb8;
	[tilespmem:$0x1F000] =	vst v63  }
0xec: {  	_ =	swait.ge [sflag:s25], $0x2000  }
0xed: {  	s12 =	smov.u32 s14;
	[sflag:s25] =	ssyncset.done $0x0  }
0xee: {  	s11 =	sshra.s32 s11, $0x2;
	[sflag:s25] =	ssyncadd.s32 $0xFFFFE000  }
0xef: {  	[tilespmem:s29], [sflag:$0x1] =	stream.indirect.gather [hbm4b:s4+s28], $0x40, s11, s28, $0xb8;
	[tilespmem:$0x1F000] =	vst v63  }
0xf0: {  	s12 =	sadd.s32 $0x500, s11  }
0xf1: {  	[tilespmem:s30], [sflag:$0x1] =	stream.indirect.gather [hbm4b:s4+s28], $0x40, s12, s28, $0xb8;
	[tilespmem:$0x1F000] =	vst v63  }
0xf2: {  	s14 =	sadd.s32 $0xA00, s11  }
0xf3: {  	[tilespmem:s31], [sflag:$0x1] =	stream.indirect.gather [hbm4b:s4+s28], $0x40, s14, s28, $0xb8;
	[tilespmem:$0x1F000] =	vst v63  }
0xf4: {  	s13 =	sadd.s32 $0xF00, s11  }
0xf5: {  	[tilespmem:s0], [sflag:$0x1] =	stream.indirect.gather [hbm4b:s4+s28], $0x40, s13, s28, $0xb8;
	[tilespmem:$0x1F000] =	vst v63  }
0xf6: {  	s14 =	sadd.s32 $0x1400, s11  }
0xf7: {  	[tilespmem:s1], [sflag:$0x1] =	stream.indirect.gather [hbm4b:s4+s28], $0x40, s14, s28, $0xb8;
	[tilespmem:$0x1F000] =	vst v63  }
0xf8: {  	s13 =	sadd.s32 $0x1900, s11  }
0xf9: {  	[tilespmem:s26], [sflag:$0x1] =	stream.indirect.gather [hbm4b:s4+s28], $0x40, s13, s28, $0xb8;
	[tilespmem:$0x1F000] =	vst v63  }
0xfa: {  	s14 =	sadd.s32 $0x1E00, s11  }
0xfb: {  	[tilespmem:s5], [sflag:$0x1] =	stream.indirect.gather [hbm4b:s4+s28], $0x40, s14, s28, $0xb8;
	[tilespmem:$0x1F000] =	vst v63  }
0xfc: {  	s13 =	sadd.s32 $0x2300, s11  }
0xfd: {  	[tilespmem:s6], [sflag:$0x1] =	stream.indirect.gather [hbm4b:s4+s28], $0x40, s13, s28, $0xb8;
	[tilespmem:$0x1F000] =	vst v63  }
0xfe: {  	_ =	swait.ge [sflag:s7], $0x2000  }
0xff: {  	[sflag:s7] =	ssyncset.done $0x0  }
0x100: {  	[sflag:s7] =	ssyncadd.s32 $0xFFFFE000  }
0x101: {  	_ =	swait.ge [sflag:s7], $0x2000  }
0x102: {  	[sflag:s7] =	ssyncset.done $0x0  }
0x103: {  	[sflag:s7] =	ssyncadd.s32 $0xFFFFE000  }
0x104: {  	_ =	swait.ge [sflag:s7], $0x2000  }
0x105: {  	[sflag:s7] =	ssyncset.done $0x0  }
0x106: {  	[sflag:s7] =	ssyncadd.s32 $0xFFFFE000  }
0x107: {  	_ =	swait.ge [sflag:s7], $0x2000  }
0x108: {  	[sflag:s7] =	ssyncset.done $0x0  }
0x109: {  	[sflag:s7] =	ssyncadd.s32 $0xFFFFE000  }
0x10a: {  	_ =	swait.ge [sflag:s7], $0x2000  }
0x10b: {  	[sflag:s7] =	ssyncset.done $0x0  }
0x10c: {  	[sflag:s7] =	ssyncadd.s32 $0xFFFFE000  }
0x10d: {  	_ =	swait.ge [sflag:s7], $0x2000  }
0x10e: {  	[sflag:s7] =	ssyncset.done $0x0  }
0x10f: {  	[sflag:s7] =	ssyncadd.s32 $0xFFFFE000  }
0x110: {  	_ =	swait.ge [sflag:s7], $0x2000  }
0x111: {  	[sflag:s7] =	ssyncset.done $0x0  }
0x112: {  	[sflag:s7] =	ssyncadd.s32 $0xFFFFE000  }
0x113: {  	_ =	swait.ge [sflag:s7], $0x2000  }
0x114: {  	[sflag:s7] =	ssyncset.done $0x0  }
0x115: {  	s14 =	sadd.s32 $0x2800, s11;
	[sflag:s7] =	ssyncadd.s32 $0xFFFFE000  }
0x116: {  	[spmem:s2] =	stream.indirect.scatter.add.f32 [tilespmem:s29], [sflag:$0x2], $0x40, s14, s28, $0xb8;
	[tilespmem:$0x1F000] =	vst v63  }
0x117: {  	_ =	swait.ge [sflag:s25], $0x2000  }
0x118: {  	[sflag:s25] =	ssyncset.done $0x0  }
0x119: {  	s13 =	sadd.s32 $0x2D00, s11;
	[sflag:s25] =	ssyncadd.s32 $0xFFFFE000  }
0x11a: {  	[spmem:s2] =	stream.indirect.scatter.add.f32 [tilespmem:s30], [sflag:$0x2], $0x40, s13, s28, $0xb8;
	[tilespmem:$0x1F000] =	vst v63  }
0x11b: {  	_ =	swait.ge [sflag:s25], $0x2000  }
0x11c: {  	[sflag:s25] =	ssyncset.done $0x0  }
0x11d: {  	s14 =	sadd.s32 $0x3200, s11;
	[sflag:s25] =	ssyncadd.s32 $0xFFFFE000  }
0x11e: {  	[spmem:s2] =	stream.indirect.scatter.add.f32 [tilespmem:s31], [sflag:$0x2], $0x40, s14, s28, $0xb8;
	[tilespmem:$0x1F000] =	vst v63  }
0x11f: {  	_ =	swait.ge [sflag:s25], $0x2000  }
0x120: {  	[sflag:s25] =	ssyncset.done $0x0  }
0x121: {  	s13 =	sadd.s32 $0x3700, s11;
	[sflag:s25] =	ssyncadd.s32 $0xFFFFE000  }
0x122: {  	[spmem:s2] =	stream.indirect.scatter.add.f32 [tilespmem:s0], [sflag:$0x2], $0x40, s13, s28, $0xb8;
	[tilespmem:$0x1F000] =	vst v63  }
0x123: {  	_ =	swait.ge [sflag:s25], $0x2000  }
0x124: {  	[sflag:s25] =	ssyncset.done $0x0  }
0x125: {  	s14 =	sadd.s32 $0x3C00, s11;
	[sflag:s25] =	ssyncadd.s32 $0xFFFFE000  }
0x126: {  	[spmem:s2] =	stream.indirect.scatter.add.f32 [tilespmem:s1], [sflag:$0x2], $0x40, s14, s28, $0xb8;
	[tilespmem:$0x1F000] =	vst v63  }
0x127: {  	_ =	swait.ge [sflag:s25], $0x2000  }
0x128: {  	[sflag:s25] =	ssyncset.done $0x0  }
0x129: {  	s13 =	sadd.s32 $0x4100, s11;
	[sflag:s25] =	ssyncadd.s32 $0xFFFFE000  }
0x12a: {  	[spmem:s2] =	stream.indirect.scatter.add.f32 [tilespmem:s26], [sflag:$0x2], $0x40, s13, s28, $0xb8;
	[tilespmem:$0x1F000] =	vst v63  }
0x12b: {  	_ =	swait.ge [sflag:s25], $0x2000  }
0x12c: {  	[sflag:s25] =	ssyncset.done $0x0  }
0x12d: {  	s14 =	sadd.s32 $0x4600, s11;
	[sflag:s25] =	ssyncadd.s32 $0xFFFFE000  }
0x12e: {  	[spmem:s2] =	stream.indirect.scatter.add.f32 [tilespmem:s5], [sflag:$0x2], $0x40, s14, s28, $0xb8;
	[tilespmem:$0x1F000] =	vst v63  }
0x12f: {  	_ =	swait.ge [sflag:s25], $0x2000  }
0x130: {  	[sflag:s25] =	ssyncset.done $0x0  }
0x131: {  	s11 =	sadd.s32 $0x4B00, s11;
	[sflag:s25] =	ssyncadd.s32 $0xFFFFE000  }
0x132: {  	[spmem:s2] =	stream.indirect.scatter.add.f32 [tilespmem:s6], [sflag:$0x2], $0x40, s11, s28, $0xb8;
	[tilespmem:$0x1F000] =	vst v63  }
0x133: {  	_ =	swait.ge [sflag:s25], $0x2000  }
0x134: {  	s8 =	sadd.s32 $0x1, s8;
	[sflag:s25] =	ssyncset.done $0x0  }
0x135: {  	p0 =	sne.s32 s8, s24;
	[sflag:s25] =	ssyncadd.s32 $0xFFFFE000  }
.Ltmp1:
0x136: {  	[bflag:$0x0] =	sbarrier.arrive $0xFFFF;
	(pc) =	sbr.rel @p0 .LBB2_1-.Ltmp1, $4  }
0x137: {  	[hbm:s23], [sflag:s9] =	dma.local [spmem:s10], $0x1400  }
0x138: {  	_ =	swait.ge [sflag:s25], $0x1400  }
0x139: {  	[sflag:s25] =	ssyncset.done $0x0  }
0x13a: {  	[sflag:s25] =	ssyncadd.s32 $0xFFFFEC00  }
0x13b: {  	_ =	sfence.sel $0x180000  }
0x13c: {  	[bflag:$0x0] =	sbarrier.arrive $0xFFFF  }
0x13d: {  	_ =	strace $0x9000004D  }
0x13e: {  	s0 =	stileid.u32;
	[bflag:$0x2] =	sbarrier.arrive $0xFFFF  }
0x13f: {  	p0 =	sne.s32 s0, $0x0;
	s0 =	rddreg [dreg:$0x2]  }
0x140: {  	s0 =	sadd.s32 @!p0 $0x100000, s0  }
0x141: {  	[sflag:s0] =	ssyncadd.tile.s32 @!p0 $0x1;
	_ =	shalt  }
.Lfunc_end2:
_tile_overlayer_lowered:
.L_overlay_start_2:
0x142: {  	(tag) =	ssettag $0x2  }
0x143: {  	s0 =	rddreg [dreg:$0x0];
	s2 =	stileid.u32  }
0x144: {  	s1 =	rddreg [dreg:$0x1];
	p0 =	sne.s32 s2, $0x0  }
0x145: {  	s3 =	rddreg [dreg:$0x2];
	[bflag:$0x3] =	sbarrier.arrive $0xFFFF;
	s2 =	simm.s32 @!p0 $0x1C02  }
0x146: {  	[timem:s3], [sflag:s2] =	dma.local @!p0 [hbm:s0], s1  }
0x147: {  	s0 =	simm.s32 @!p0 $0x2  }
0x148: {  	_ =	swait.ge @!p0 [sflag:s0], s1  }
0x149: {  	s1 =	ssub.s32 @!p0 $0x0, s1;
	[sflag:s0] =	ssyncset.done @!p0 $0x0  }
0x14a: {  	[sflag:s0] =	ssyncadd.s32 @!p0 s1  }
0x14b: {  	[bflag:$0x3] =	sbarrier.arrive $0xFFFF  }
0x14c: {  	_ =	shalt  }

// kernel: kernel.19.cloned.1.call-start
scs
__scs_entry_jumppad:
0x0: {  	(pc) =	sbr.rel $0x88, $3  }
0x1: {  	(tag) =	ssettag $0x0;
	lr =	simm.s32 $0x1  }
0x2: {  	[smem:$0x3F8C] =	sst lr;
	_ =	strace $0xD0000000  }
0x3: {  	_ = 	snop  }
0x4: {  	_ = 	snop  }
0x5: {  	_ = 	snop  }
0x6: {  	_ = 	snop  }
0x7: {  	_ = 	snop  }
__scs_overlays_trampoline_lowered:
0x8: {  	[smem:$0x3F9B] =	sst s0  }
0x9: {  	[smem:$0x3F9C] =	sst s1  }
0xa: {  	[smem:$0x3F9D] =	sst s2  }
0xb: {  	[smem:$0x3F9E] =	sst s3  }
0xc: {  	[smem:$0x3F9F] =	sst s4  }
0xd: {  	[smem:$0x3FA0] =	sst s5  }
0xe: {  	[smem:$0x3FA1] =	sst s6  }
0xf: {  	[smem:$0x3FA2] =	sst s7  }
0x10: {  	[smem:$0x3FA3] =	sst s8  }
0x11: {  	[smem:$0x3FA4] =	sst s9;
	s0 =	simm.s32 @!p0 $0x0  }
0x12: {  	s1 =	sld [smem:$0x3F8A];
	s0 =	simm.s32 @p0 $0x1  }
0x13: {  	[smem:$0x3FA5] =	sst s0;
	s0 =	simm.s32 @!p1 $0x0  }
0x14: {  	s2 =	sld [smem:$0x3F89];
	s0 =	simm.s32 @p1 $0x1  }
0x15: {  	[smem:$0x3FA6] =	sst s0;
	s0 =	simm.s32 @!p2 $0x0  }
0x16: {  	s3 =	sld [smem:$0x3FDB];
	s0 =	simm.s32 @p2 $0x1  }
0x17: {  	s4 =	simm.s32 $0x1BF5;
	[smem:$0x3FA8] =	sst s0  }
0x18: {  	s0 =	sld [smem:$0x3F8B];
	_ =	swait.ge [sflag:s4], $0x0  }
0x19: {  	s7 =	sld [smem:$0x3F8C]  }
0x1a: {  	s8 =	sadd.s32 $0xFFFFE003, lr  }
0x1b: {  	s9 =	sadd.s32 $0xFFFFFEF7, lr;
	s5 =	simm.s32 $0xFFFFFFFF;
	p2 =	slt.u32 s8, $0xFFFFF086  }
0x1c: {  	p1 =	slt.u32 s9, $0xF7A;
	s5 =	simm.s32 @!p2 $0x0  }
0x1d: {  	s5 =	simm.s32 @p1 $0x1;
	p0 =	seq.s32 s7, s2  }
0x1e: {  	s7 =	smul.u32 @!p0 $0xF7A, s2;
	p2 =	seq.s32 @!p0 s5, $0x0  }
0x1f: {  	s9 =	smul.u32 $0xF7A, s1;
	s8 =	simm.s32 @!p0 $0x1BF5;
	p2 =	por !p2, p0  }
0x20: {  	[sflag:s8] =	ssyncset.s32 @!p0 $0xFFFFF086;
	s6 =	sadd.s32 @!p0 s3, s7;
	s7 =	simm.s32 @!p0 $0x108  }
0x21: {  	s3 =	sadd.s32 s3, s9;
	s6 =	sadd.s32 @!p0 $0x88, s6;
	s7 =	simm.s32 @p2 $0x1082  }
0x22: {  	[simem:s7], [sflag:s8] =	dma.local @!p0 [hbm:s6], $0xF7A  }
0x23: {  	s9 =	sor.u32 $0xD0000000, s2;
	s6 =	simm.s32 $0x108;
	_ =	swait.ge @!p0 [sflag:s8], $0x0  }
0x24: {  	s3 =	sadd.s32 $0x88, s3;
	s6 =	simm.s32 @!p1 $0x1082;
	[sflag:s4] =	ssyncset.s32 $0xFFFFF086  }
0x25: {  	[simem:s6], [sflag:s4] =	dma.local [hbm:s3], $0xF7A  }
0x26: {  	[smem:$0x3F8C] =	sst s1;
	(tag) =	ssettag s2;
	_ =	strace s9  }
0x27: {  	s1 =	sld [smem:$0x3F9C]  }
0x28: {  	s2 =	sld [smem:$0x3F9D]  }
0x29: {  	s4 =	sld [smem:$0x3F9F]  }
0x2a: {  	p0 =	seq.s32 s5, $0x0;
	s5 =	sld [smem:$0x3FA0]  }
0x2b: {  	s6 =	sld [smem:$0x3FA1]  }
0x2c: {  	s7 =	sld [smem:$0x3FA2]  }
0x2d: {  	s3 =	simm.s32 $0x108;
	s8 =	sld [smem:$0x3FA3]  }
0x2e: {  	s3 =	simm.s32 @!p0 $0x1082;
	s9 =	sld [smem:$0x3FA4]  }
0x2f: {  	lr =	sadd.s32 s0, s3;
	s0 =	sld [smem:$0x3F9B]  }
0x30: {  	s3 =	sld [smem:$0x3F9E]  }
0x31: {  	[smem:$0x3FA7] =	sst s10  }
0x32: {  	s10 =	sld [smem:$0x3FA5];
	_ =	sdelay $0x3  }
0x33: {  	p0 =	seq.s32 s10, $0x1;
	s10 =	sld [smem:$0x3FA7];
	_ =	sdelay $0x3  }
0x34: {  	[smem:$0x3FA7] =	sst s10  }
0x35: {  	s10 =	sld [smem:$0x3FA6];
	_ =	sdelay $0x3  }
0x36: {  	p1 =	seq.s32 s10, $0x1;
	s10 =	sld [smem:$0x3FA7];
	_ =	sdelay $0x3  }
0x37: {  	[smem:$0x3FA7] =	sst s10  }
0x38: {  	s10 =	sld [smem:$0x3FA8]  }
0x39: {  	_ = 	snop;
	(pc) =	sbr.ind lr, $3  }
0x3a: {  	_ = 	snop  }
0x3b: {  	_ = 	snop  }
0x3c: {  	p2 =	seq.s32 s10, $0x1;
	s10 =	sld [smem:$0x3FA7]  }
0x3d: {  	_ =	shalt  }
0x3e: {  	_ =	shalt  }
0x3f: {  	_ =	shalt  }
0x40: {  	_ =	shalt  }
0x41: {  	_ =	shalt  }
0x42: {  	_ =	shalt  }
0x43: {  	_ =	shalt  }
0x44: {  	_ =	shalt  }
0x45: {  	_ =	shalt  }
0x46: {  	_ =	shalt  }
0x47: {  	_ =	shalt  }
0x48: {  	_ =	shalt  }
0x49: {  	_ =	shalt  }
0x4a: {  	_ =	shalt  }
0x4b: {  	_ =	shalt  }
0x4c: {  	_ =	shalt  }
0x4d: {  	_ =	shalt  }
0x4e: {  	_ =	shalt  }
0x4f: {  	_ =	shalt  }
0x50: {  	_ =	shalt  }
0x51: {  	_ =	shalt  }
0x52: {  	_ =	shalt  }
0x53: {  	_ =	shalt  }
0x54: {  	_ =	shalt  }
0x55: {  	_ =	shalt  }
0x56: {  	_ =	shalt  }
0x57: {  	_ =	shalt  }
0x58: {  	_ =	shalt  }
0x59: {  	_ =	shalt  }
0x5a: {  	_ =	shalt  }
0x5b: {  	_ =	shalt  }
0x5c: {  	_ =	shalt  }
0x5d: {  	_ =	shalt  }
0x5e: {  	_ =	shalt  }
0x5f: {  	_ =	shalt  }
0x60: {  	_ =	shalt  }
0x61: {  	_ =	shalt  }
0x62: {  	_ =	shalt  }
0x63: {  	_ =	shalt  }
0x64: {  	_ =	shalt  }
0x65: {  	_ =	shalt  }
0x66: {  	_ =	shalt  }
0x67: {  	_ =	shalt  }
0x68: {  	_ =	shalt  }
0x69: {  	_ =	shalt  }
0x6a: {  	_ =	shalt  }
0x6b: {  	_ =	shalt  }
0x6c: {  	_ =	shalt  }
0x6d: {  	_ =	shalt  }
0x6e: {  	_ =	shalt  }
0x6f: {  	_ =	shalt  }
0x70: {  	_ =	shalt  }
0x71: {  	_ =	shalt  }
0x72: {  	_ =	shalt  }
0x73: {  	_ =	shalt  }
0x74: {  	_ =	shalt  }
0x75: {  	_ =	shalt  }
0x76: {  	_ =	shalt  }
0x77: {  	_ =	shalt  }
0x78: {  	_ =	shalt  }
0x79: {  	_ =	shalt  }
0x7a: {  	_ =	shalt  }
0x7b: {  	_ =	shalt  }
0x7c: {  	_ =	shalt  }
0x7d: {  	_ =	shalt  }
0x7e: {  	_ =	shalt  }
0x7f: {  	_ =	shalt  }
0x80: {  	_ =	shalt  }
0x81: {  	_ =	shalt  }
0x82: {  	_ =	shalt  }
0x83: {  	_ =	shalt  }
0x84: {  	_ =	shalt  }
0x85: {  	_ =	shalt  }
0x86: {  	_ =	shalt  }
0x87: {  	_ =	shalt  }
.Lfunc_end0:
.L_simem_size_0:
called_computation.3_lowered:
.L_overlay_start_0:
0x88: {  	s2 =	sld [smem:$0x3FD9]  }
0x89: {  	s3 =	sld [smem:$0x3FFE];
	_ =	sdelay $0x1  }
0x8a: {  	s1 =	srdreg.scid  }
0x8b: {  	s0 =	sand.u32 $0x1, s1  }
0x8c: {  	s16 =	sshll.u32 s0, $0xA;
	s2 =	sadd.s32 s3, s2  }
0x8d: {  	s2 =	sadd.s32 s2, s16  }
0x8e: {  	[smem:$0x3FB3] =	sst s2  }
0x8f: {  	_ = 	snop  }
0x90: {  	(tm) =	ssettm $0x1  }
0x91: {  	s17 =	sld [smem:$0x3FFB];
	_ =	sdelay $0x3  }
0x92: {  	_ =	strace s17  }
0x93: {  	s2 =	sld [smem:$0x3FFC];
	_ =	sdelay $0x3  }
0x94: {  	_ =	strace s2  }
0x95: {  	s2 =	sld [smem:$0x3FFD];
	_ =	sdelay $0x3  }
0x96: {  	_ =	strace s2  }
0x97: {  	_ =	strace $0x8FFFFFFF  }
0x98: {  	s18 =	sld [smem:$0x3FDB];
	_ =	sdelay $0x1  }
0x99: {  	s19 =	simm.s32 $_scs_section_size  }
0x9a: {  	s4 =	simm.s32 $_size__tile_overlayer_lowered;
	s5 =	simm.s32 $_tile_overlayer_lowered  }
0x9b: {  	s22 =	simm.s32 $0x1BFF;
	s21 =	sshll.u32 s5, $0x1;
	s2 =	sadd.s32 s19, s18  }
0x9c: {  	s6 =	simm.s32 $0x0;
	s20 =	sshll.u32 s4, $0x1;
	s4 =	sadd.s32 s21, s2  }
0x9d: {  	[timem:s6], [sflag:s22] =	dma.local [hbm:s4], s20  }
0x9e: {  	_ =	swait.ge [sflag:s22], s20  }
0x9f: {  	s3 =	ssub.s32 $0x0, s20;
	[sflag:s22] =	ssyncset.done $0x0  }
0xa0: {  	[sflag:s22] =	ssyncadd.s32 s3;
	_ =	sdelay $0x1  }
0xa1: {  	s23 =	simm.s32 $0x1B8B  }
0xa2: {  	_ =	swait.ge [sflag:s23], $0x1  }
0xa3: {  	[sflag:s23] =	ssyncset.done $0x0  }
0xa4: {  	s25 =	simm.s32 $0x1B8E;
	s24 =	sld [smem:$0x3FFE];
	[sflag:s23] =	ssyncadd.s32 $0xFFFFFFFF  }
0xa5: {  	s26 =	simm.s32 $execute0_lowered;
	[smem:$0x3FD2] =	sst s25  }
0xa6: {  	s4 =	sshll.u32 s26, $0x1;
	_ =	strace $0x8000004F;
	[dreg:$0x1] =	wrdreg $0xFFFFFFFF  }
0xa7: {  	s28 =	simm.s32 $_size_execute0_lowered;
	s2 =	sadd.s32 s2, s4;
	[dreg:$0x0] =	wrdreg $0x0  }
0xa8: {  	s4 =	sshll.u32 s28, $0x1;
	[dreg:$0x2] =	wrdreg s2  }
0xa9: {  	[dreg:$0x3] =	wrdreg s4  }
0xaa: {  	[dreg:$0x4] =	wrdreg $0xC0  }
0xab: {  	_ =	task [dreg:s6], $0x5FFFF  }
0xac: {  	[dreg:$0x1] =	wrdreg $0xFFFFFFFF  }
0xad: {  	[dreg:$0x0] =	wrdreg $0x60  }
0xae: {  	[dreg:$0x2] =	wrdreg s24  }
0xaf: {  	[dreg:$0x3] =	wrdreg $0x150000  }
0xb0: {  	[dreg:$0x4] =	wrdreg $0x9  }
0xb1: {  	_ =	task.clear_ibuf [dreg:s6], $0x5FFFF;
	_ =	strace $0x9000004F  }
0xb2: {  	s29 =	simm.s32 $0x9;
	_ =	strace $0x80000051  }
0xb3: {  	_ =	swait.ge [sflag:s29], $0x1  }
0xb4: {  	[sflag:s29] =	ssyncadd.s32 $0xFFFFFFFF  }
0xb5: {  	_ =	strace $0x90000051  }
0xb6: {  	_ =	sfence  }
0xb7: {  	s30 =	sld [smem:$0x0];
	_ =	sdelay $0x2  }
0xb8: {  	s31 =	sshll.u32 s1, $0xD;
	s1 =	sshrl.u32 s1, $0x2  }
0xb9: {  	s3 =	sand.u32 $0x4000, s31;
	s1 =	sadd.s32 s1, s30  }
0xba: {  	s0 =	sor.u32 s3, s0;
	s1 =	sshll.u32 s1, $0x11  }
0xbb: {  	s0 =	sor.u32 s1, s0  }
0xbc: {  	s0 =	sadd.s32 $0x8F2B, s0  }
0xbd: {  	[sflag:s0] =	ssyncadd.remote.s32 $0x1  }
0xbe: {  	_ =	sfence.sel $0xFFFF  }
0xbf: {  	[dreg:$0x0] =	wrdreg $0xFFFFFFFF;
	(pc) =	sbr.abs _section_cstart, $3  }
0xc0: {  	[dreg:$0x1] =	wrdreg $0xFFFFFFFF  }
0xc1: {  	_ =	task.clear_ibuf [dreg:s6], $0x2FFFF;
	_ =	strace $0x9FFFFFFF  }
0xc2: {  	(tm) =	ssettm $0x7FFFFFFF  }
0xc3: {  	_ =	shalt  }
tec
execute0_lowered:
.L_overlay_start_1:
0x0: {  	(tag) =	ssettag $0x1  }
0x1: {  	s0 =	rddreg [dreg:$0x0]  }
0x2: {  	s2 =	rddreg [dreg:$0x1];
	s3 =	simm.s32 $0x0  }
0x3: {  	s1 =	srdreg.scid;
	s9 =	stileid.u32;
	s28 =	simm.s32 $0x80  }
0x4: {  	s29 =	simm.s32 $0x5000;
	s30 =	simm.s32 $0x7000;
	s31 =	simm.s32 $0x9000  }
0x5: {  	[smem:$0x7FF] =	sst s3;
	s1 =	sand.u32 $0x1, s1;
	s5 =	smul.u32 $0xA000, s9  }
0x6: {  	s4 =	sadd.s32 $0x4B400, s0;
	s8 =	sadd.s32 $0x19400, s0;
	s7 =	sshll.u32 s1, $0x4  }
0x7: {  	s12 =	sadd.s32 $0x4C00, s0;
	s6 =	smul.u32 $0xA0000, s1;
	s7 =	sor.u32 s9, s7  }
0x8: {  	s10 =	sadd.s32 $0xEC00, s0;
	_ =	strace $0x80000050;
	s7 =	smul.u32 $0x500, s7  }
0x9: {  	[dreg:$0x3] =	wrdreg s10;
	s1 =	ssub.s32 $0x2, s1;
	s6 =	sadd.s32 s5, s6  }
0xa: {  	s13 =	sshrl.u32 s1, $0x1;
	s6 =	sshrl.u32 s6, $0x3;
	s7 =	sshrl.u32 s7, $0x3  }
0xb: {  	s1 =	ssub.s32 s1, s13;
	s0 =	sadd.s32 s6, s0;
	s14 =	sadd.s32 s8, s7  }
0xc: {  	s15 =	sadd.s32 $0x1400, s7;
	s16 =	sadd.s32 s12, s7;
	s18 =	sadd.s32 $0x2800, s7  }
0xd: {  	s20 =	sadd.s32 $0x3C00, s7;
	s22 =	sadd.s32 $0x5000, s7;
	s24 =	sadd.s32 $0x6400, s7  }
0xe: {  	s25 =	sadd.s32 $0x7800, s7;
	s26 =	sadd.s32 $0x8C00, s7;
	[dreg:$0x4] =	wrdreg s14  }
0xf: {  	s7 =	simm.s32 $0x1;
	[dreg:$0x5] =	wrdreg s16;
	s17 =	sadd.s32 s8, s15  }
0x10: {  	s6 =	sadd.s32 s12, s15;
	s19 =	sadd.s32 s8, s18;
	[dreg:$0x6] =	wrdreg s17  }
0x11: {  	s10 =	sadd.s32 s12, s18;
	s21 =	sadd.s32 s8, s20;
	[dreg:$0x7] =	wrdreg s6  }
0x12: {  	s23 =	sadd.s32 s8, s22;
	s15 =	sadd.s32 s12, s22;
	[dreg:$0x8] =	wrdreg s19  }
0x13: {  	s16 =	sadd.s32 s8, s24;
	s18 =	sadd.s32 s8, s25;
	[dreg:$0x9] =	wrdreg s10  }
0x14: {  	s22 =	sadd.s32 s5, s2;
	s5 =	simm.s32 $0x11000;
	[dreg:$0xa] =	wrdreg s21  }
0x15: {  	s6 =	sadd.s32 s12, s20;
	[dreg:$0xc] =	wrdreg s23;
	s17 =	sadd.s32 s12, s24  }
0x16: {  	s19 =	sadd.s32 s12, s25;
	s20 =	sadd.s32 s8, s26;
	s21 =	sadd.s32 s12, s26  }
0x17: {  	s23 =	sadd.s32 $0x5F400, s0;
	s24 =	smax.u32 s1, $0x1;
	s25 =	simm.s32 $0x2  }
0x18: {  	s0 =	simm.s32 $0xB000;
	s1 =	simm.s32 $0xD000;
	s26 =	simm.s32 $0xF000  }
0x19: {  	s8 =	simm.s32 $0x0;
	[dreg:$0xb] =	wrdreg s6;
	s6 =	simm.s32 $0x13000  }
.LBB2_1:
0x1a: {  	s9 =	rddreg [dreg:$0x4]  }
0x1b: {  	[tilespmem:s3], [sflag:$0x2] =	stream.linear.gather [hbm4b:s9+s3], $0x500, $0x38;
	[tilespmem:$0x1F000] =	vst v63  }
0x1c: {  	_ =	swait.ge [sflag:s25], $0x500  }
0x1d: {  	[sflag:s25] =	ssyncset.done $0x0  }
0x1e: {  	s10 =	simm.s32 $0x2800;
	s12 =	rddreg [dreg:$0x5];
	[sflag:s25] =	ssyncadd.s32 $0xFFFFFB00  }
0x1f: {  	[tilespmem:s10], [sflag:$0x2] =	stream.linear.gather [hbm4b:s12+s3], $0x500, $0x38;
	[tilespmem:$0x1F000] =	vst v63  }
0x20: {  	_ =	swait.ge [sflag:s25], $0x500  }
0x21: {  	[sflag:s25] =	ssyncset.done $0x0  }
0x22: {  	s14 =	simm.s32 $0x500;
	s13 =	rddreg [dreg:$0x6];
	[sflag:s25] =	ssyncadd.s32 $0xFFFFFB00  }
0x23: {  	[tilespmem:s14], [sflag:$0x2] =	stream.linear.gather [hbm4b:s13+s3], $0x500, $0x38;
	[tilespmem:$0x1F000] =	vst v63  }
0x24: {  	_ =	swait.ge [sflag:s25], $0x500  }
0x25: {  	[sflag:s25] =	ssyncset.done $0x0  }
0x26: {  	s12 =	simm.s32 $0x2D00;
	s11 =	rddreg [dreg:$0x7];
	[sflag:s25] =	ssyncadd.s32 $0xFFFFFB00  }
0x27: {  	[tilespmem:s12], [sflag:$0x2] =	stream.linear.gather [hbm4b:s11+s3], $0x500, $0x38;
	[tilespmem:$0x1F000] =	vst v63  }
0x28: {  	_ =	swait.ge [sflag:s25], $0x500  }
0x29: {  	[sflag:s25] =	ssyncset.done $0x0  }
0x2a: {  	s14 =	simm.s32 $0xA00;
	s13 =	rddreg [dreg:$0x8];
	[sflag:s25] =	ssyncadd.s32 $0xFFFFFB00  }
0x2b: {  	[tilespmem:s14], [sflag:$0x2] =	stream.linear.gather [hbm4b:s13+s3], $0x500, $0x38;
	[tilespmem:$0x1F000] =	vst v63  }
0x2c: {  	_ =	swait.ge [sflag:s25], $0x500  }
0x2d: {  	[sflag:s25] =	ssyncset.done $0x0  }
0x2e: {  	s12 =	simm.s32 $0x3200;
	s11 =	rddreg [dreg:$0x9];
	[sflag:s25] =	ssyncadd.s32 $0xFFFFFB00  }
0x2f: {  	[tilespmem:s12], [sflag:$0x2] =	stream.linear.gather [hbm4b:s11+s3], $0x500, $0x38;
	[tilespmem:$0x1F000] =	vst v63  }
0x30: {  	_ =	swait.ge [sflag:s25], $0x500  }
0x31: {  	[sflag:s25] =	ssyncset.done $0x0  }
0x32: {  	s14 =	simm.s32 $0xF00;
	s13 =	rddreg [dreg:$0xa];
	[sflag:s25] =	ssyncadd.s32 $0xFFFFFB00  }
0x33: {  	[tilespmem:s14], [sflag:$0x2] =	stream.linear.gather [hbm4b:s13+s3], $0x500, $0x38;
	[tilespmem:$0x1F000] =	vst v63  }
0x34: {  	_ =	swait.ge [sflag:s25], $0x500  }
0x35: {  	[sflag:s25] =	ssyncset.done $0x0  }
0x36: {  	s12 =	simm.s32 $0x3700;
	s11 =	rddreg [dreg:$0xb];
	[sflag:s25] =	ssyncadd.s32 $0xFFFFFB00  }
0x37: {  	[tilespmem:s12], [sflag:$0x2] =	stream.linear.gather [hbm4b:s11+s3], $0x500, $0x38;
	[tilespmem:$0x1F000] =	vst v63  }
0x38: {  	_ =	swait.ge [sflag:s25], $0x500  }
0x39: {  	[sflag:s25] =	ssyncset.done $0x0  }
0x3a: {  	s14 =	simm.s32 $0x1400;
	s13 =	rddreg [dreg:$0xc];
	[sflag:s25] =	ssyncadd.s32 $0xFFFFFB00  }
0x3b: {  	[tilespmem:s14], [sflag:$0x2] =	stream.linear.gather [hbm4b:s13+s3], $0x500, $0x38;
	[tilespmem:$0x1F000] =	vst v63  }
0x3c: {  	_ =	swait.ge [sflag:s25], $0x500  }
0x3d: {  	[sflag:s25] =	ssyncset.done $0x0  }
0x3e: {  	s11 =	simm.s32 $0x3C00;
	[sflag:s25] =	ssyncadd.s32 $0xFFFFFB00  }
0x3f: {  	[tilespmem:s11], [sflag:$0x2] =	stream.linear.gather [hbm4b:s15+s3], $0x500, $0x38;
	[tilespmem:$0x1F000] =	vst v63  }
0x40: {  	_ =	swait.ge [sflag:s25], $0x500  }
0x41: {  	[sflag:s25] =	ssyncset.done $0x0  }
0x42: {  	s12 =	simm.s32 $0x1900;
	[sflag:s25] =	ssyncadd.s32 $0xFFFFFB00  }
0x43: {  	[tilespmem:s12], [sflag:$0x2] =	stream.linear.gather [hbm4b:s16+s3], $0x500, $0x38;
	[tilespmem:$0x1F000] =	vst v63  }
0x44: {  	_ =	swait.ge [sflag:s25], $0x500  }
0x45: {  	[sflag:s25] =	ssyncset.done $0x0  }
0x46: {  	s13 =	simm.s32 $0x4100;
	[sflag:s25] =	ssyncadd.s32 $0xFFFFFB00  }
0x47: {  	[tilespmem:s13], [sflag:$0x2] =	stream.linear.gather [hbm4b:s17+s3], $0x500, $0x38;
	[tilespmem:$0x1F000] =	vst v63  }
0x48: {  	_ =	swait.ge [sflag:s25], $0x500  }
0x49: {  	[sflag:s25] =	ssyncset.done $0x0  }
0x4a: {  	s14 =	simm.s32 $0x1E00;
	[sflag:s25] =	ssyncadd.s32 $0xFFFFFB00  }
0x4b: {  	[tilespmem:s14], [sflag:$0x2] =	stream.linear.gather [hbm4b:s18+s3], $0x500, $0x38;
	[tilespmem:$0x1F000] =	vst v63  }
0x4c: {  	_ =	swait.ge [sflag:s25], $0x500  }
0x4d: {  	[sflag:s25] =	ssyncset.done $0x0  }
0x4e: {  	s10 =	simm.s32 $0x4600;
	[sflag:s25] =	ssyncadd.s32 $0xFFFFFB00  }
0x4f: {  	[tilespmem:s10], [sflag:$0x2] =	stream.linear.gather [hbm4b:s19+s3], $0x500, $0x38;
	[tilespmem:$0x1F000] =	vst v63  }
0x50: {  	_ =	swait.ge [sflag:s25], $0x500  }
0x51: {  	[sflag:s25] =	ssyncset.done $0x0  }
0x52: {  	s11 =	simm.s32 $0x2300;
	[sflag:s25] =	ssyncadd.s32 $0xFFFFFB00  }
0x53: {  	[tilespmem:s11], [sflag:$0x2] =	stream.linear.gather [hbm4b:s20+s3], $0x500, $0x38;
	[tilespmem:$0x1F000] =	vst v63  }
0x54: {  	_ =	swait.ge [sflag:s25], $0x500  }
0x55: {  	[sflag:s25] =	ssyncset.done $0x0  }
0x56: {  	s12 =	simm.s32 $0x4B00;
	s13 =	stileid.u32;
	[sflag:s25] =	ssyncadd.s32 $0xFFFFFB00  }
0x57: {  	[tilespmem:s12], [sflag:$0x2] =	stream.linear.gather [hbm4b:s21+s3], $0x500, $0x38;
	[tilespmem:$0x1F000] =	vst v63  }
0x58: {  	s9 =	sshll.u32 s13, $0x6;
	_ =	swait.ge [sflag:s25], $0x500  }
0x59: {  	s9 =	sor.u32 $0x1C02, s9;
	[sflag:s25] =	ssyncset.done $0x0  }
0x5a: {  	s10 =	sshrl.u32 s22, $0x3;
	s11 =	rddreg [dreg:$0x3];
	[sflag:s25] =	ssyncadd.s32 $0xFFFFFB00  }
0x5b: {  	[spmem:s10], [sflag:s9] =	dma.local [hbm:s11], $0x1400  }
0x5c: {  	_ =	swait.ge [sflag:s25], $0x1400  }
0x5d: {  	[sflag:s25] =	ssyncset.done $0x0  }
0x5e: {  	[sflag:s25] =	ssyncadd.s32 $0xFFFFEC00  }
0x5f: {  	s14 =	simm.s32 $0x0;
	[bflag:$0x0] =	sbarrier.arrive $0xFFFF  }
0x60: {  	[tilespmem:s29], [sflag:$0x1] =	stream.indirect.gather [hbm4b:s4+s28], $0x40, s14, s28, $0xb8;
	[tilespmem:$0x1F000] =	vst v63  }
0x61: {  	s12 =	simm.s32 $0x500  }
0x62: {  	[tilespmem:s30], [sflag:$0x1] =	stream.indirect.gather [hbm4b:s4+s28], $0x40, s12, s28, $0xb8;
	[tilespmem:$0x1F000] =	vst v63  }
0x63: {  	s13 =	simm.s32 $0xA00  }
0x64: {  	[tilespmem:s31], [sflag:$0x1] =	stream.indirect.gather [hbm4b:s4+s28], $0x40, s13, s28, $0xb8;
	[tilespmem:$0x1F000] =	vst v63  }
0x65: {  	s14 =	simm.s32 $0xF00  }
0x66: {  	[tilespmem:s0], [sflag:$0x1] =	stream.indirect.gather [hbm4b:s4+s28], $0x40, s14, s28, $0xb8;
	[tilespmem:$0x1F000] =	vst v63  }
0x67: {  	s12 =	simm.s32 $0x1400  }
0x68: {  	[tilespmem:s1], [sflag:$0x1] =	stream.indirect.gather [hbm4b:s4+s28], $0x40, s12, s28, $0xb8;
	[tilespmem:$0x1F000] =	vst v63  }
0x69: {  	s13 =	simm.s32 $0x1900  }
0x6a: {  	[tilespmem:s26], [sflag:$0x1] =	stream.indirect.gather [hbm4b:s4+s28], $0x40, s13, s28, $0xb8;
	[tilespmem:$0x1F000] =	vst v63  }
0x6b: {  	s14 =	simm.s32 $0x1E00  }
0x6c: {  	[tilespmem:s5], [sflag:$0x1] =	stream.indirect.gather [hbm4b:s4+s28], $0x40, s14, s28, $0xb8;
	[tilespmem:$0x1F000] =	vst v63  }
0x6d: {  	s12 =	simm.s32 $0x2300  }
0x6e: {  	[tilespmem:s6], [sflag:$0x1] =	stream.indirect.gather [hbm4b:s4+s28], $0x40, s12, s28, $0xb8;
	[tilespmem:$0x1F000] =	vst v63  }
0x6f: {  	_ =	swait.ge [sflag:s7], $0x2000  }
0x70: {  	[sflag:s7] =	ssyncset.done $0x0  }
0x71: {  	[sflag:s7] =	ssyncadd.s32 $0xFFFFE000  }
0x72: {  	_ =	swait.ge [sflag:s7], $0x2000  }
0x73: {  	[sflag:s7] =	ssyncset.done $0x0  }
0x74: {  	[sflag:s7] =	ssyncadd.s32 $0xFFFFE000  }
0x75: {  	_ =	swait.ge [sflag:s7], $0x2000  }
0x76: {  	[sflag:s7] =	ssyncset.done $0x0  }
0x77: {  	[sflag:s7] =	ssyncadd.s32 $0xFFFFE000  }
0x78: {  	_ =	swait.ge [sflag:s7], $0x2000  }
0x79: {  	[sflag:s7] =	ssyncset.done $0x0  }
0x7a: {  	[sflag:s7] =	ssyncadd.s32 $0xFFFFE000  }
0x7b: {  	_ =	swait.ge [sflag:s7], $0x2000  }
0x7c: {  	[sflag:s7] =	ssyncset.done $0x0  }
0x7d: {  	[sflag:s7] =	ssyncadd.s32 $0xFFFFE000  }
0x7e: {  	_ =	swait.ge [sflag:s7], $0x2000  }
0x7f: {  	[sflag:s7] =	ssyncset.done $0x0  }
0x80: {  	[sflag:s7] =	ssyncadd.s32 $0xFFFFE000  }
0x81: {  	_ =	swait.ge [sflag:s7], $0x2000  }
0x82: {  	[sflag:s7] =	ssyncset.done $0x0  }
0x83: {  	[sflag:s7] =	ssyncadd.s32 $0xFFFFE000  }
0x84: {  	_ =	swait.ge [sflag:s7], $0x2000  }
0x85: {  	[sflag:s7] =	ssyncset.done $0x0  }
0x86: {  	s13 =	simm.s32 $0x2800;
	[sflag:s7] =	ssyncadd.s32 $0xFFFFE000  }
0x87: {  	[spmem:s2] =	stream.indirect.scatter.add.f32 [tilespmem:s29], [sflag:$0x2], $0x40, s13, s28, $0xb8;
	[tilespmem:$0x1F000] =	vst v63  }
0x88: {  	_ =	swait.ge [sflag:s25], $0x2000  }
0x89: {  	[sflag:s25] =	ssyncset.done $0x0  }
0x8a: {  	s14 =	simm.s32 $0x2D00;
	[sflag:s25] =	ssyncadd.s32 $0xFFFFE000  }
0x8b: {  	[spmem:s2] =	stream.indirect.scatter.add.f32 [tilespmem:s30], [sflag:$0x2], $0x40, s14, s28, $0xb8;
	[tilespmem:$0x1F000] =	vst v63  }
0x8c: {  	_ =	swait.ge [sflag:s25], $0x2000  }
0x8d: {  	[sflag:s25] =	ssyncset.done $0x0  }
0x8e: {  	s12 =	simm.s32 $0x3200;
	[sflag:s25] =	ssyncadd.s32 $0xFFFFE000  }
0x8f: {  	[spmem:s2] =	stream.indirect.scatter.add.f32 [tilespmem:s31], [sflag:$0x2], $0x40, s12, s28, $0xb8;
	[tilespmem:$0x1F000] =	vst v63  }
0x90: {  	_ =	swait.ge [sflag:s25], $0x2000  }
0x91: {  	[sflag:s25] =	ssyncset.done $0x0  }
0x92: {  	s13 =	simm.s32 $0x3700;
	[sflag:s25] =	ssyncadd.s32 $0xFFFFE000  }
0x93: {  	[spmem:s2] =	stream.indirect.scatter.add.f32 [tilespmem:s0], [sflag:$0x2], $0x40, s13, s28, $0xb8;
	[tilespmem:$0x1F000] =	vst v63  }
0x94: {  	_ =	swait.ge [sflag:s25], $0x2000  }
0x95: {  	[sflag:s25] =	ssyncset.done $0x0  }
0x96: {  	s14 =	simm.s32 $0x3C00;
	[sflag:s25] =	ssyncadd.s32 $0xFFFFE000  }
0x97: {  	[spmem:s2] =	stream.indirect.scatter.add.f32 [tilespmem:s1], [sflag:$0x2], $0x40, s14, s28, $0xb8;
	[tilespmem:$0x1F000] =	vst v63  }
0x98: {  	_ =	swait.ge [sflag:s25], $0x2000  }
0x99: {  	[sflag:s25] =	ssyncset.done $0x0  }
0x9a: {  	s12 =	simm.s32 $0x4100;
	[sflag:s25] =	ssyncadd.s32 $0xFFFFE000  }
0x9b: {  	[spmem:s2] =	stream.indirect.scatter.add.f32 [tilespmem:s26], [sflag:$0x2], $0x40, s12, s28, $0xb8;
	[tilespmem:$0x1F000] =	vst v63  }
0x9c: {  	_ =	swait.ge [sflag:s25], $0x2000  }
0x9d: {  	[sflag:s25] =	ssyncset.done $0x0  }
0x9e: {  	s13 =	simm.s32 $0x4600;
	[sflag:s25] =	ssyncadd.s32 $0xFFFFE000  }
0x9f: {  	[spmem:s2] =	stream.indirect.scatter.add.f32 [tilespmem:s5], [sflag:$0x2], $0x40, s13, s28, $0xb8;
	[tilespmem:$0x1F000] =	vst v63  }
0xa0: {  	_ =	swait.ge [sflag:s25], $0x2000  }
0xa1: {  	[sflag:s25] =	ssyncset.done $0x0  }
0xa2: {  	s14 =	simm.s32 $0x4B00;
	[sflag:s25] =	ssyncadd.s32 $0xFFFFE000  }
0xa3: {  	[spmem:s2] =	stream.indirect.scatter.add.f32 [tilespmem:s6], [sflag:$0x2], $0x40, s14, s28, $0xb8;
	[tilespmem:$0x1F000] =	vst v63  }
0xa4: {  	_ =	swait.ge [sflag:s25], $0x2000  }
0xa5: {  	s11 =	simm.s32 $0x200;
	s12 =	simm.s32 $0x400;
	[sflag:s25] =	ssyncset.done $0x0  }
.LBB2_2:
0xa6: {  	s13 =	sshra.s32 s11, $0x2  }
0xa7: {  	[sflag:s25] =	ssyncadd.s32 $0xFFFFE000;
	s11 =	smov.u32 s12;
	s14 =	sadd.s32 $0x200, s12  }
0xa8: {  	[tilespmem:s29], [sflag:$0x1] =	stream.indirect.gather [hbm4b:s4+s28], $0x40, s13, s28, $0xb8;
	[tilespmem:$0x1F000] =	vst v63  }
0xa9: {  	p0 =	sne.s32 s12, $0x1200;
	s12 =	sadd.s32 $0x500, s13  }
0xaa: {  	[tilespmem:s30], [sflag:$0x1] =	stream.indirect.gather [hbm4b:s4+s28], $0x40, s12, s28, $0xb8;
	[tilespmem:$0x1F000] =	vst v63  }
0xab: {  	s12 =	sadd.s32 $0xA00, s13  }
0xac: {  	[tilespmem:s31], [sflag:$0x1] =	stream.indirect.gather [hbm4b:s4+s28], $0x40, s12, s28, $0xb8;
	[tilespmem:$0x1F000] =	vst v63  }
0xad: {  	s12 =	sadd.s32 $0xF00, s13  }
0xae: {  	[tilespmem:s0], [sflag:$0x1] =	stream.indirect.gather [hbm4b:s4+s28], $0x40, s12, s28, $0xb8;
	[tilespmem:$0x1F000] =	vst v63  }
0xaf: {  	s12 =	sadd.s32 $0x1400, s13  }
0xb0: {  	[tilespmem:s1], [sflag:$0x1] =	stream.indirect.gather [hbm4b:s4+s28], $0x40, s12, s28, $0xb8;
	[tilespmem:$0x1F000] =	vst v63  }
0xb1: {  	s12 =	sadd.s32 $0x1900, s13  }
0xb2: {  	[tilespmem:s26], [sflag:$0x1] =	stream.indirect.gather [hbm4b:s4+s28], $0x40, s12, s28, $0xb8;
	[tilespmem:$0x1F000] =	vst v63  }
0xb3: {  	s12 =	sadd.s32 $0x1E00, s13  }
0xb4: {  	[tilespmem:s5], [sflag:$0x1] =	stream.indirect.gather [hbm4b:s4+s28], $0x40, s12, s28, $0xb8;
	[tilespmem:$0x1F000] =	vst v63  }
0xb5: {  	s12 =	sadd.s32 $0x2300, s13  }
0xb6: {  	[tilespmem:s6], [sflag:$0x1] =	stream.indirect.gather [hbm4b:s4+s28], $0x40, s12, s28, $0xb8;
	[tilespmem:$0x1F000] =	vst v63  }
0xb7: {  	_ =	swait.ge [sflag:s7], $0x2000  }
0xb8: {  	[sflag:s7] =	ssyncset.done $0x0  }
0xb9: {  	[sflag:s7] =	ssyncadd.s32 $0xFFFFE000  }
0xba: {  	_ =	swait.ge [sflag:s7], $0x2000  }
0xbb: {  	[sflag:s7] =	ssyncset.done $0x0  }
0xbc: {  	[sflag:s7] =	ssyncadd.s32 $0xFFFFE000  }
0xbd: {  	_ =	swait.ge [sflag:s7], $0x2000  }
0xbe: {  	[sflag:s7] =	ssyncset.done $0x0  }
0xbf: {  	[sflag:s7] =	ssyncadd.s32 $0xFFFFE000  }
0xc0: {  	_ =	swait.ge [sflag:s7], $0x2000  }
0xc1: {  	[sflag:s7] =	ssyncset.done $0x0  }
0xc2: {  	[sflag:s7] =	ssyncadd.s32 $0xFFFFE000  }
0xc3: {  	_ =	swait.ge [sflag:s7], $0x2000  }
0xc4: {  	[sflag:s7] =	ssyncset.done $0x0  }
0xc5: {  	[sflag:s7] =	ssyncadd.s32 $0xFFFFE000  }
0xc6: {  	_ =	swait.ge [sflag:s7], $0x2000  }
0xc7: {  	[sflag:s7] =	ssyncset.done $0x0  }
0xc8: {  	[sflag:s7] =	ssyncadd.s32 $0xFFFFE000  }
0xc9: {  	_ =	swait.ge [sflag:s7], $0x2000  }
0xca: {  	[sflag:s7] =	ssyncset.done $0x0  }
0xcb: {  	[sflag:s7] =	ssyncadd.s32 $0xFFFFE000  }
0xcc: {  	_ =	swait.ge [sflag:s7], $0x2000  }
0xcd: {  	[sflag:s7] =	ssyncset.done $0x0  }
0xce: {  	s12 =	sadd.s32 $0x2800, s13;
	[sflag:s7] =	ssyncadd.s32 $0xFFFFE000  }
0xcf: {  	[spmem:s2] =	stream.indirect.scatter.add.f32 [tilespmem:s29], [sflag:$0x2], $0x40, s12, s28, $0xb8;
	[tilespmem:$0x1F000] =	vst v63  }
0xd0: {  	_ =	swait.ge [sflag:s25], $0x2000  }
0xd1: {  	[sflag:s25] =	ssyncset.done $0x0  }
0xd2: {  	s12 =	sadd.s32 $0x2D00, s13;
	[sflag:s25] =	ssyncadd.s32 $0xFFFFE000  }
0xd3: {  	[spmem:s2] =	stream.indirect.scatter.add.f32 [tilespmem:s30], [sflag:$0x2], $0x40, s12, s28, $0xb8;
	[tilespmem:$0x1F000] =	vst v63  }
0xd4: {  	_ =	swait.ge [sflag:s25], $0x2000  }
0xd5: {  	[sflag:s25] =	ssyncset.done $0x0  }
0xd6: {  	s12 =	sadd.s32 $0x3200, s13;
	[sflag:s25] =	ssyncadd.s32 $0xFFFFE000  }
0xd7: {  	[spmem:s2] =	stream.indirect.scatter.add.f32 [tilespmem:s31], [sflag:$0x2], $0x40, s12, s28, $0xb8;
	[tilespmem:$0x1F000] =	vst v63  }
0xd8: {  	_ =	swait.ge [sflag:s25], $0x2000  }
0xd9: {  	[sflag:s25] =	ssyncset.done $0x0  }
0xda: {  	s12 =	sadd.s32 $0x3700, s13;
	[sflag:s25] =	ssyncadd.s32 $0xFFFFE000  }
0xdb: {  	[spmem:s2] =	stream.indirect.scatter.add.f32 [tilespmem:s0], [sflag:$0x2], $0x40, s12, s28, $0xb8;
	[tilespmem:$0x1F000] =	vst v63  }
0xdc: {  	_ =	swait.ge [sflag:s25], $0x2000  }
0xdd: {  	[sflag:s25] =	ssyncset.done $0x0  }
0xde: {  	s12 =	sadd.s32 $0x3C00, s13;
	[sflag:s25] =	ssyncadd.s32 $0xFFFFE000  }
0xdf: {  	[spmem:s2] =	stream.indirect.scatter.add.f32 [tilespmem:s1], [sflag:$0x2], $0x40, s12, s28, $0xb8;
	[tilespmem:$0x1F000] =	vst v63  }
0xe0: {  	_ =	swait.ge [sflag:s25], $0x2000  }
0xe1: {  	[sflag:s25] =	ssyncset.done $0x0  }
0xe2: {  	s12 =	sadd.s32 $0x4100, s13;
	[sflag:s25] =	ssyncadd.s32 $0xFFFFE000  }
0xe3: {  	[spmem:s2] =	stream.indirect.scatter.add.f32 [tilespmem:s26], [sflag:$0x2], $0x40, s12, s28, $0xb8;
	[tilespmem:$0x1F000] =	vst v63  }
0xe4: {  	_ =	swait.ge [sflag:s25], $0x2000  }
0xe5: {  	[sflag:s25] =	ssyncset.done $0x0  }
0xe6: {  	s12 =	sadd.s32 $0x4600, s13;
	[sflag:s25] =	ssyncadd.s32 $0xFFFFE000  }
0xe7: {  	[spmem:s2] =	stream.indirect.scatter.add.f32 [tilespmem:s5], [sflag:$0x2], $0x40, s12, s28, $0xb8;
	[tilespmem:$0x1F000] =	vst v63  }
0xe8: {  	_ =	swait.ge [sflag:s25], $0x2000  }
.Ltmp0:
0xe9: {  	[sflag:s25] =	ssyncset.done $0x0;
	(pc) =	sbr.rel @p0 .LBB2_2-.Ltmp0, $4  }
0xea: {  	s12 =	sadd.s32 $0x4B00, s13;
	[sflag:s25] =	ssyncadd.s32 $0xFFFFE000  }
0xeb: {  	[spmem:s2] =	stream.indirect.scatter.add.f32 [tilespmem:s6], [sflag:$0x2], $0x40, s12, s28, $0xb8;
	[tilespmem:$0x1F000] =	vst v63  }
0xec: {  	_ =	swait.ge [sflag:s25], $0x2000  }
0xed: {  	s12 =	smov.u32 s14;
	[sflag:s25] =	ssyncset.done $0x0  }
0xee: {  	s11 =	sshra.s32 s11, $0x2;
	[sflag:s25] =	ssyncadd.s32 $0xFFFFE000  }
0xef: {  	[tilespmem:s29], [sflag:$0x1] =	stream.indirect.gather [hbm4b:s4+s28], $0x40, s11, s28, $0xb8;
	[tilespmem:$0x1F000] =	vst v63  }
0xf0: {  	s12 =	sadd.s32 $0x500, s11  }
0xf1: {  	[tilespmem:s30], [sflag:$0x1] =	stream.indirect.gather [hbm4b:s4+s28], $0x40, s12, s28, $0xb8;
	[tilespmem:$0x1F000] =	vst v63  }
0xf2: {  	s14 =	sadd.s32 $0xA00, s11  }
0xf3: {  	[tilespmem:s31], [sflag:$0x1] =	stream.indirect.gather [hbm4b:s4+s28], $0x40, s14, s28, $0xb8;
	[tilespmem:$0x1F000] =	vst v63  }
0xf4: {  	s13 =	sadd.s32 $0xF00, s11  }
0xf5: {  	[tilespmem:s0], [sflag:$0x1] =	stream.indirect.gather [hbm4b:s4+s28], $0x40, s13, s28, $0xb8;
	[tilespmem:$0x1F000] =	vst v63  }
0xf6: {  	s14 =	sadd.s32 $0x1400, s11  }
0xf7: {  	[tilespmem:s1], [sflag:$0x1] =	stream.indirect.gather [hbm4b:s4+s28], $0x40, s14, s28, $0xb8;
	[tilespmem:$0x1F000] =	vst v63  }
0xf8: {  	s13 =	sadd.s32 $0x1900, s11  }
0xf9: {  	[tilespmem:s26], [sflag:$0x1] =	stream.indirect.gather [hbm4b:s4+s28], $0x40, s13, s28, $0xb8;
	[tilespmem:$0x1F000] =	vst v63  }
0xfa: {  	s14 =	sadd.s32 $0x1E00, s11  }
0xfb: {  	[tilespmem:s5], [sflag:$0x1] =	stream.indirect.gather [hbm4b:s4+s28], $0x40, s14, s28, $0xb8;
	[tilespmem:$0x1F000] =	vst v63  }
0xfc: {  	s13 =	sadd.s32 $0x2300, s11  }
0xfd: {  	[tilespmem:s6], [sflag:$0x1] =	stream.indirect.gather [hbm4b:s4+s28], $0x40, s13, s28, $0xb8;
	[tilespmem:$0x1F000] =	vst v63  }
0xfe: {  	_ =	swait.ge [sflag:s7], $0x2000  }
0xff: {  	[sflag:s7] =	ssyncset.done $0x0  }
0x100: {  	[sflag:s7] =	ssyncadd.s32 $0xFFFFE000  }
0x101: {  	_ =	swait.ge [sflag:s7], $0x2000  }
0x102: {  	[sflag:s7] =	ssyncset.done $0x0  }
0x103: {  	[sflag:s7] =	ssyncadd.s32 $0xFFFFE000  }
0x104: {  	_ =	swait.ge [sflag:s7], $0x2000  }
0x105: {  	[sflag:s7] =	ssyncset.done $0x0  }
0x106: {  	[sflag:s7] =	ssyncadd.s32 $0xFFFFE000  }
0x107: {  	_ =	swait.ge [sflag:s7], $0x2000  }
0x108: {  	[sflag:s7] =	ssyncset.done $0x0  }
0x109: {  	[sflag:s7] =	ssyncadd.s32 $0xFFFFE000  }
0x10a: {  	_ =	swait.ge [sflag:s7], $0x2000  }
0x10b: {  	[sflag:s7] =	ssyncset.done $0x0  }
0x10c: {  	[sflag:s7] =	ssyncadd.s32 $0xFFFFE000  }
0x10d: {  	_ =	swait.ge [sflag:s7], $0x2000  }
0x10e: {  	[sflag:s7] =	ssyncset.done $0x0  }
0x10f: {  	[sflag:s7] =	ssyncadd.s32 $0xFFFFE000  }
0x110: {  	_ =	swait.ge [sflag:s7], $0x2000  }
0x111: {  	[sflag:s7] =	ssyncset.done $0x0  }
0x112: {  	[sflag:s7] =	ssyncadd.s32 $0xFFFFE000  }
0x113: {  	_ =	swait.ge [sflag:s7], $0x2000  }
0x114: {  	[sflag:s7] =	ssyncset.done $0x0  }
0x115: {  	s14 =	sadd.s32 $0x2800, s11;
	[sflag:s7] =	ssyncadd.s32 $0xFFFFE000  }
0x116: {  	[spmem:s2] =	stream.indirect.scatter.add.f32 [tilespmem:s29], [sflag:$0x2], $0x40, s14, s28, $0xb8;
	[tilespmem:$0x1F000] =	vst v63  }
0x117: {  	_ =	swait.ge [sflag:s25], $0x2000  }
0x118: {  	[sflag:s25] =	ssyncset.done $0x0  }
0x119: {  	s13 =	sadd.s32 $0x2D00, s11;
	[sflag:s25] =	ssyncadd.s32 $0xFFFFE000  }
0x11a: {  	[spmem:s2] =	stream.indirect.scatter.add.f32 [tilespmem:s30], [sflag:$0x2], $0x40, s13, s28, $0xb8;
	[tilespmem:$0x1F000] =	vst v63  }
0x11b: {  	_ =	swait.ge [sflag:s25], $0x2000  }
0x11c: {  	[sflag:s25] =	ssyncset.done $0x0  }
0x11d: {  	s14 =	sadd.s32 $0x3200, s11;
	[sflag:s25] =	ssyncadd.s32 $0xFFFFE000  }
0x11e: {  	[spmem:s2] =	stream.indirect.scatter.add.f32 [tilespmem:s31], [sflag:$0x2], $0x40, s14, s28, $0xb8;
	[tilespmem:$0x1F000] =	vst v63  }
0x11f: {  	_ =	swait.ge [sflag:s25], $0x2000  }
0x120: {  	[sflag:s25] =	ssyncset.done $0x0  }
0x121: {  	s13 =	sadd.s32 $0x3700, s11;
	[sflag:s25] =	ssyncadd.s32 $0xFFFFE000  }
0x122: {  	[spmem:s2] =	stream.indirect.scatter.add.f32 [tilespmem:s0], [sflag:$0x2], $0x40, s13, s28, $0xb8;
	[tilespmem:$0x1F000] =	vst v63  }
0x123: {  	_ =	swait.ge [sflag:s25], $0x2000  }
0x124: {  	[sflag:s25] =	ssyncset.done $0x0  }
0x125: {  	s14 =	sadd.s32 $0x3C00, s11;
	[sflag:s25] =	ssyncadd.s32 $0xFFFFE000  }
0x126: {  	[spmem:s2] =	stream.indirect.scatter.add.f32 [tilespmem:s1], [sflag:$0x2], $0x40, s14, s28, $0xb8;
	[tilespmem:$0x1F000] =	vst v63  }
0x127: {  	_ =	swait.ge [sflag:s25], $0x2000  }
0x128: {  	[sflag:s25] =	ssyncset.done $0x0  }
0x129: {  	s13 =	sadd.s32 $0x4100, s11;
	[sflag:s25] =	ssyncadd.s32 $0xFFFFE000  }
0x12a: {  	[spmem:s2] =	stream.indirect.scatter.add.f32 [tilespmem:s26], [sflag:$0x2], $0x40, s13, s28, $0xb8;
	[tilespmem:$0x1F000] =	vst v63  }
0x12b: {  	_ =	swait.ge [sflag:s25], $0x2000  }
0x12c: {  	[sflag:s25] =	ssyncset.done $0x0  }
0x12d: {  	s14 =	sadd.s32 $0x4600, s11;
	[sflag:s25] =	ssyncadd.s32 $0xFFFFE000  }
0x12e: {  	[spmem:s2] =	stream.indirect.scatter.add.f32 [tilespmem:s5], [sflag:$0x2], $0x40, s14, s28, $0xb8;
	[tilespmem:$0x1F000] =	vst v63  }
0x12f: {  	_ =	swait.ge [sflag:s25], $0x2000  }
0x130: {  	[sflag:s25] =	ssyncset.done $0x0  }
0x131: {  	s11 =	sadd.s32 $0x4B00, s11;
	[sflag:s25] =	ssyncadd.s32 $0xFFFFE000  }
0x132: {  	[spmem:s2] =	stream.indirect.scatter.add.f32 [tilespmem:s6], [sflag:$0x2], $0x40, s11, s28, $0xb8;
	[tilespmem:$0x1F000] =	vst v63  }
0x133: {  	_ =	swait.ge [sflag:s25], $0x2000  }
0x134: {  	s8 =	sadd.s32 $0x1, s8;
	[sflag:s25] =	ssyncset.done $0x0  }
0x135: {  	p0 =	sne.s32 s8, s24;
	[sflag:s25] =	ssyncadd.s32 $0xFFFFE000  }
.Ltmp1:
0x136: {  	[bflag:$0x0] =	sbarrier.arrive $0xFFFF;
	(pc) =	sbr.rel @p0 .LBB2_1-.Ltmp1, $4  }
0x137: {  	[hbm:s23], [sflag:s9] =	dma.local [spmem:s10], $0x1400  }
0x138: {  	_ =	swait.ge [sflag:s25], $0x1400  }
0x139: {  	[sflag:s25] =	ssyncset.done $0x0  }
0x13a: {  	[sflag:s25] =	ssyncadd.s32 $0xFFFFEC00  }
0x13b: {  	_ =	sfence.sel $0x180000  }
0x13c: {  	[bflag:$0x0] =	sbarrier.arrive $0xFFFF  }
0x13d: {  	_ =	strace $0x90000050  }
0x13e: {  	s0 =	stileid.u32;
	[bflag:$0x2] =	sbarrier.arrive $0xFFFF  }
0x13f: {  	p0 =	sne.s32 s0, $0x0;
	s0 =	rddreg [dreg:$0x2]  }
0x140: {  	s0 =	sadd.s32 @!p0 $0x100000, s0  }
0x141: {  	[sflag:s0] =	ssyncadd.tile.s32 @!p0 $0x1;
	_ =	shalt  }
.Lfunc_end2:
_tile_overlayer_lowered:
.L_overlay_start_2:
0x142: {  	(tag) =	ssettag $0x2  }
0x143: {  	s0 =	rddreg [dreg:$0x0];
	s2 =	stileid.u32  }
0x144: {  	s1 =	rddreg [dreg:$0x1];
	p0 =	sne.s32 s2, $0x0  }
0x145: {  	s3 =	rddreg [dreg:$0x2];
	[bflag:$0x3] =	sbarrier.arrive $0xFFFF;
	s2 =	simm.s32 @!p0 $0x1C02  }
0x146: {  	[timem:s3], [sflag:s2] =	dma.local @!p0 [hbm:s0], s1  }
0x147: {  	s0 =	simm.s32 @!p0 $0x2  }
0x148: {  	_ =	swait.ge @!p0 [sflag:s0], s1  }
0x149: {  	s1 =	ssub.s32 @!p0 $0x0, s1;
	[sflag:s0] =	ssyncset.done @!p0 $0x0  }
0x14a: {  	[sflag:s0] =	ssyncadd.s32 @!p0 s1  }
0x14b: {  	[bflag:$0x3] =	sbarrier.arrive $0xFFFF  }
0x14c: {  	_ =	shalt  }

</sc_bundles>
